<compile_context>
chip_gen: v7x
topology: tpu7x:2x2x1
jax: 0.10.2.dev20260603
libtpu: 0.0.44.dev20260713+nightly
codegen_flags: <defaults>
</compile_context>

<pallas_src>
import functools

import jax
import jax.numpy as jnp
from jax import lax
from jax.experimental import pallas as pl
from jax.experimental.pallas import tpu as pltpu
from jax.experimental.pallas import tpu_sc as plsc

B, N, D = 128, 8192, 64
NC, NS = 2, 16
NW = NC * NS
BPW = B // NW

ZB = 2

_mesh = plsc.VectorSubcoreMesh(
    core_axis_name="c", subcore_axis_name="s", num_cores=NC, num_subcores=NS
)


@functools.partial(
    pl.kernel,
    out_type=jax.ShapeDtypeStruct((B, D, 128), jnp.float32),
    mesh=_mesh,
    scratch_types=[
        pltpu.VMEM((B,), jnp.int32),
        pltpu.VMEM((BPW, D, 128), jnp.float32),
        pltpu.SemaphoreType.DMA,
    ],
    compiler_params=pltpu.CompilerParams(needs_layout_passes=False),
)
def _gather_chunks(x_hbm, tgt_hbm, out_hbm, tgt_v, chunk_v, gsem):
    c = lax.axis_index("c")
    s = lax.axis_index("s")
    w = c * NS + s
    bstart = w * BPW

    pltpu.sync_copy(tgt_hbm, tgt_v)
    lanes = lax.iota(jnp.int32, 16)
    win = (w // 4) * 16
    off = (w % 4) * BPW
    t16 = tgt_v[pl.ds(win, 16)]
    c16 = (t16 >> 7) << 7
    copies = []
    for j in range(BPW):
        c_j = jnp.sum(jnp.where(lanes == off + j, c16, 0))
        c_j = pl.multiple_of(c_j, 128)
        copies.append(
            pltpu.async_copy(
                x_hbm.at[pl.ds((bstart + j) * D, D), pl.ds(c_j, 128)],
                chunk_v.at[j],
                gsem,
            )
        )
    for cpy in copies:
        cpy.wait()
    pltpu.sync_copy(chunk_v, out_hbm.at[pl.ds(bstart, BPW)])


def _blast_body(zrc_ref, out_hbm, zsem0, zsem1):
    zsems = [zsem0, zsem1]
    zcopies = []
    for i in range(B // ZB):
        zcopies.append(
            pltpu.async_copy(
                zrc_ref, out_hbm.at[pl.ds(i * ZB, ZB)], zsems[i % 2]
            )
        )
    for cpy in zcopies:
        cpy.wait()


_blast = pl.pallas_call(
    _blast_body,
    grid=(1,),
    in_specs=[pl.BlockSpec((ZB, D, N), lambda i: (0, 0, 0))],
    out_specs=pl.BlockSpec(memory_space=pltpu.MemorySpace.HBM),
    scratch_shapes=[pltpu.SemaphoreType.DMA, pltpu.SemaphoreType.DMA],
    out_shape=jax.ShapeDtypeStruct((B, D, N), jnp.float32),
)


def _patch_body(tgt_ref, zin_hbm, chunk_ref, tvec_ref, out_hbm,
                strips_v, psem):
    del zin_hbm
    tm = jnp.reshape(lax.rem(tvec_ref[...], 128), (B, 1, 1))
    lane = lax.broadcasted_iota(jnp.int32, (B, D, 128), 2)
    strips_v[...] = jnp.where(lane == tm, chunk_ref[...], 0.0)
    pcopies = []
    for b in range(B):
        c0 = pl.multiple_of((tgt_ref[b] >> 7) << 7, 128)
        pcopies.append(
            pltpu.async_copy(
                strips_v.at[b], out_hbm.at[b, :, pl.ds(c0, 128)], psem
            )
        )
    for cpy in pcopies:
        cpy.wait()


_patch = pl.pallas_call(
    _patch_body,
    grid_spec=pltpu.PrefetchScalarGridSpec(
        num_scalar_prefetch=1,
        grid=(1,),
        in_specs=[
            pl.BlockSpec(memory_space=pltpu.MemorySpace.HBM),
            pl.BlockSpec((B, D, 128), lambda i, tgt: (0, 0, 0)),
            pl.BlockSpec((B, 1), lambda i, tgt: (0, 0)),
        ],
        out_specs=pl.BlockSpec(memory_space=pltpu.MemorySpace.HBM),
        scratch_shapes=[
            pltpu.VMEM((B, D, 128), jnp.float32),
            pltpu.SemaphoreType.DMA,
        ],
    ),
    out_shape=jax.ShapeDtypeStruct((B, D, N), jnp.float32),
    input_output_aliases={1: 0},
)


def kernel(input, target):
    x2d = input.transpose(0, 2, 1).reshape(B * D, N)
    tgt = target.astype(jnp.int32)
    chunks = _gather_chunks(x2d, tgt)
    zrc = jnp.zeros((ZB, D, N), jnp.float32)
    zeros3 = _blast(zrc)
    out3 = _patch(tgt, zeros3, chunks, tgt[:, None])
    return out3.transpose(0, 2, 1)

# --- scband reference (transcript-rebuilt; emitter-appended) ---
"""Pipeline reference for scband-mask-layer-23708219474720 (READ-ONLY COPY).

The authoritative reference and input builder live on the scoring server;
editing this copy changes nothing except your own understanding.
"""

import jax, jax.numpy as jnp
import numpy as np

B, N, D = 128, 8192, 64

def setup_inputs(seed: int = 0) -> dict:
    key = jax.random.key(seed)
    k1, k2 = jax.random.split(key)
    inp = jax.random.normal(k1, (B, N, D), dtype=jnp.float32)
    # 'target' is a module buffer in the torch code (MaskLayer.target); materialize it here
    target = jax.random.randint(k2, (B,), 0, N, dtype=jnp.int64)
    return {"input": inp, "target": target}

def reference(input, target):
    b, n = input.shape[0], input.shape[1]
    # mask = zeros(B, N); mask.scatter_(1, target.unsqueeze(-1), 1.0)
    mask = jnp.zeros((b, n), dtype=input.dtype)
    mask = mask.at[jnp.arange(b), target].set(1.0)
    # input * mask.unsqueeze(-1)
    return input * mask[:, :, None]

if __name__ == "__main__":
    import jax
    _d = setup_inputs()
    print(jax.jit(kernel)(*tuple(_d.values())))

</pallas_src>

<mosaic_0001>
#map = affine_map<(d0, d1) -> (0, 0)>
#map1 = affine_map<(d0, d1) -> (0)>
#map2 = affine_map<(d0, d1) -> (0, 0, 0)>
module attributes {stable_mosaic.version = 14 : i64} {
  func.func @_gather_chunks(%arg0: i32, %arg1: i32, %arg2: memref<8192x8192xf32, #tpu.memory_space<hbm>>, %arg3: memref<128xi32, #tpu.memory_space<hbm>>, %arg4: memref<128x64x128xf32, #tpu.memory_space<hbm>>, %arg5: memref<128xi32, #tpu.memory_space<vmem>>, %arg6: memref<4x64x128xf32, #tpu.memory_space<vmem>>, %arg7: memref<!tpu.dma_semaphore, #tpu.memory_space<semaphore_mem>>) attributes {dimension_semantics = [#tpu.dimension_semantics<core_parallel>, #tpu.dimension_semantics<subcore_parallel>], iteration_bounds = array<i64: 2, 16>, scalar_prefetch = 0 : i64, scratch_operands = 3 : i64, tpu.core_type = #tpu.core_type<sc_vector_subcore>, window_params = [{transform_indices = #map}, {transform_indices = #map1}, {transform_indices = #map2}]} {
    %mul3A = arith.constant 16 : i32
    %mul3A_0 = arith.muli %arg0, %mul3A : i32
    %add3A = arith.addi %mul3A_0, %arg1 : i32
    %mul3A_1 = arith.constant 4 : i32
    %mul3A_2 = arith.muli %add3A, %mul3A_1 : i32
    "tpu.region"() ({
      %run_scoped3A = tpu.sem_alloc : memref<!tpu.dma_semaphore, #tpu.memory_space<semaphore_mem>>
      tpu.enqueue_dma source(%arg3 : memref<128xi32, #tpu.memory_space<hbm>>) target(%arg5 : memref<128xi32, #tpu.memory_space<vmem>>) target_semaphore(%run_scoped3A : memref<!tpu.dma_semaphore, #tpu.memory_space<semaphore_mem>>)
      tpu.wait_dma2 semaphore(%run_scoped3A : memref<!tpu.dma_semaphore, #tpu.memory_space<semaphore_mem>>) src(%arg3 : memref<128xi32, #tpu.memory_space<hbm>>) dst(%arg5 : memref<128xi32, #tpu.memory_space<vmem>>)
      tpu.yield
    }) : () -> ()
    %iota3A = tpu.iota {dimensions = array<i32: 0>} : vector<16xi32>
    %jit3A = arith.constant 4 : i32
    %div3A = arith.divsi %add3A, %jit3A : i32
    %sign3A = arith.constant 0 : i32
    %sign3A_3 = arith.cmpi sgt, %add3A, %sign3A : i32
    %sign3A_4 = arith.extui %sign3A_3 : i1 to i32
    %sign3A_5 = arith.constant 0 : i32
    %sign3A_6 = arith.cmpi slt, %add3A, %sign3A_5 : i32
    %sign3A_7 = arith.extui %sign3A_6 : i1 to i32
    %sign3A_8 = arith.subi %sign3A_4, %sign3A_7 : i32
    %sign3A_9 = arith.constant 0 : i32
    %sign3A_10 = arith.cmpi sgt, %jit3A, %sign3A_9 : i32
    %sign3A_11 = arith.extui %sign3A_10 : i1 to i32
    %sign3A_12 = arith.constant 0 : i32
    %sign3A_13 = arith.cmpi slt, %jit3A, %sign3A_12 : i32
    %sign3A_14 = arith.extui %sign3A_13 : i1 to i32
    %sign3A_15 = arith.subi %sign3A_11, %sign3A_14 : i32
    %ne3A = arith.cmpi ne, %sign3A_8, %sign3A_15 : i32
    %rem3A = arith.remsi %add3A, %jit3A : i32
    %ne3A_16 = arith.constant 0 : i32
    %ne3A_17 = arith.cmpi ne, %rem3A, %ne3A_16 : i32
    %and3A = arith.andi %ne3A, %ne3A_17 : i1
    %sub3A = arith.constant 1 : i32
    %sub3A_18 = arith.subi %div3A, %sub3A : i32
    %select_n3A = arith.select %and3A, %sub3A_18, %div3A : i32
    %mul3A_19 = arith.constant 16 : i32
    %mul3A_20 = arith.muli %select_n3A, %mul3A_19 : i32
    %jit3A_21 = arith.constant 4 : i32
    %eq3A = arith.constant 0 : i32
    %eq3A_22 = arith.cmpi eq, %jit3A_21, %eq3A : i32
    %jit3A_23 = arith.constant 1 : i32
    %select_n3A_24 = arith.select %eq3A_22, %jit3A_23, %jit3A_21 : i32
    %rem3A_25 = arith.remsi %add3A, %select_n3A_24 : i32
    %ne3A_26 = arith.constant 0 : i32
    %ne3A_27 = arith.cmpi ne, %rem3A_25, %ne3A_26 : i32
    %lt3A = arith.constant 0 : i32
    %lt3A_28 = arith.cmpi slt, %rem3A_25, %lt3A : i32
    %lt3A_29 = arith.constant 0 : i32
    %lt3A_30 = arith.cmpi slt, %select_n3A_24, %lt3A_29 : i32
    %ne3A_31 = arith.xori %lt3A_28, %lt3A_30 : i1
    %and3A_32 = arith.andi %ne3A_31, %ne3A_27 : i1
    %add3A_33 = arith.addi %rem3A_25, %select_n3A_24 : i32
    %select_n3A_34 = arith.select %and3A_32, %add3A_33, %rem3A_25 : i32
    %mul3A_35 = arith.constant 4 : i32
    %mul3A_36 = arith.muli %select_n3A_34, %mul3A_35 : i32
    %get3A = arith.index_cast %mul3A_20 : i32 to index
    %get3A_37 = tpu.vector_load %arg5[%get3A] {strides = array<i32>} : memref<128xi32, #tpu.memory_space<vmem>>, vector<16xi32>,
    %shift_right_arithmetic3A = arith.constant 7 : i32
    %shift_right_arithmetic3A_38 = vector.broadcast %shift_right_arithmetic3A : i32 to vector<16xi32>
    %shift_right_arithmetic3A_39 = arith.shrsi %get3A_37, %shift_right_arithmetic3A_38 : vector<16xi32>
    %shift_left3A = arith.constant 7 : i32
    %shift_left3A_40 = vector.broadcast %shift_left3A : i32 to vector<16xi32>
    %shift_left3A_41 = arith.shli %shift_right_arithmetic3A_39, %shift_left3A_40 : vector<16xi32>
    %add3A_42 = arith.constant 0 : i32
    %add3A_43 = arith.addi %mul3A_36, %add3A_42 : i32
    %eq3A_44 = vector.broadcast %add3A_43 : i32 to vector<16xi32>
    %eq3A_45 = arith.cmpi eq, %iota3A, %eq3A_44 : vector<16xi32>
    %jit3A_46 = arith.constant 0 : i32
    %broadcast_in_dim3A = vector.broadcast %jit3A_46 : i32 to vector<16xi32>
    %select_n3A_47 = arith.select %eq3A_45, %shift_left3A_41, %broadcast_in_dim3A : vector<16xi1>, vector<16xi32>
    %reduce_sum3A = arith.constant true
    %reduce_sum3A_48 = vector.broadcast %reduce_sum3A : i1 to vector<16xi1>
    %reduce_sum3A_49 = tpu.scan <sum>, %select_n3A_47 masked %reduce_sum3A_48 : vector<16xi32>, vector<16xi1> -> vector<16xi32>
    %reduce_sum3A_50 = vector.extract %reduce_sum3A_49[15] : i32 from vector<16xi32>
    %multiple_of3A = tpu.assume_multiple %reduce_sum3A_50, 128 : i32
    %add3A_51 = arith.constant 0 : i32
    %add3A_52 = arith.addi %mul3A_2, %add3A_51 : i32
    %mul3A_53 = arith.constant 64 : i32
    %mul3A_54 = arith.muli %add3A_52, %mul3A_53 : i32
    %dma_start3A = arith.constant 0 : i32
    %dma_start3A_55 = arith.constant 0 : i32
    %dma_start3A_56 = arith.constant 0 : i32
    %dma_start3A_57 = tpu.memref_slice %arg6[%dma_start3A, %dma_start3A_55, %dma_start3A_56] : memref<4x64x128xf32, #tpu.memory_space<vmem>> -> memref<1x64x128xf32, #tpu.memory_space<vmem>>
    %dma_start3A_58 = tpu.memref_squeeze %dma_start3A_57 : memref<1x64x128xf32, #tpu.memory_space<vmem>> -> memref<64x128xf32, #tpu.memory_space<vmem>>
    %dma_start3A_59 = tpu.memref_slice %arg2[%mul3A_54, %multiple_of3A] : memref<8192x8192xf32, #tpu.memory_space<hbm>> -> memref<64x128xf32, #tpu.memory_space<hbm>>
    %dma_start3A_60 = arith.constant 0 : i32
    %dma_start3A_61 = arith.constant 0 : i32
    %dma_start3A_62 = tpu.memref_slice %arg6[%dma_start3A, %dma_start3A_60, %dma_start3A_61] : memref<4x64x128xf32, #tpu.memory_space<vmem>> -> memref<1x64x128xf32, #tpu.memory_space<vmem>>
    %dma_start3A_63 = tpu.memref_squeeze %dma_start3A_62 : memref<1x64x128xf32, #tpu.memory_space<vmem>> -> memref<64x128xf32, #tpu.memory_space<vmem>>
    %dma_start3A_64 = tpu.memref_slice %arg2[%mul3A_54, %multiple_of3A] : memref<8192x8192xf32, #tpu.memory_space<hbm>> -> memref<64x128xf32, #tpu.memory_space<hbm>>
    tpu.enqueue_dma source(%dma_start3A_64 : memref<64x128xf32, #tpu.memory_space<hbm>>) target(%dma_start3A_63 : memref<64x128xf32, #tpu.memory_space<vmem>>) target_semaphore(%arg7 : memref<!tpu.dma_semaphore, #tpu.memory_space<semaphore_mem>>)
    %add3A_65 = arith.constant 1 : i32
    %add3A_66 = arith.addi %mul3A_36, %add3A_65 : i32
    %eq3A_67 = vector.broadcast %add3A_66 : i32 to vector<16xi32>
    %eq3A_68 = arith.cmpi eq, %iota3A, %eq3A_67 : vector<16xi32>
    %jit3A_69 = arith.constant 0 : i32
    %broadcast_in_dim3A_70 = vector.broadcast %jit3A_69 : i32 to vector<16xi32>
    %select_n3A_71 = arith.select %eq3A_68, %shift_left3A_41, %broadcast_in_dim3A_70 : vector<16xi1>, vector<16xi32>
    %reduce_sum3A_72 = arith.constant true
    %reduce_sum3A_73 = vector.broadcast %reduce_sum3A_72 : i1 to vector<16xi1>
    %reduce_sum3A_74 = tpu.scan <sum>, %select_n3A_71 masked %reduce_sum3A_73 : vector<16xi32>, vector<16xi1> -> vector<16xi32>
    %reduce_sum3A_75 = vector.extract %reduce_sum3A_74[15] : i32 from vector<16xi32>
    %multiple_of3A_76 = tpu.assume_multiple %reduce_sum3A_75, 128 : i32
    %add3A_77 = arith.constant 1 : i32
    %add3A_78 = arith.addi %mul3A_2, %add3A_77 : i32
    %mul3A_79 = arith.constant 64 : i32
    %mul3A_80 = arith.muli %add3A_78, %mul3A_79 : i32
    %dma_start3A_81 = arith.constant 1 : i32
    %dma_start3A_82 = arith.constant 0 : i32
    %dma_start3A_83 = arith.constant 0 : i32
    %dma_start3A_84 = tpu.memref_slice %arg6[%dma_start3A_81, %dma_start3A_82, %dma_start3A_83] : memref<4x64x128xf32, #tpu.memory_space<vmem>> -> memref<1x64x128xf32, #tpu.memory_space<vmem>>
    %dma_start3A_85 = tpu.memref_squeeze %dma_start3A_84 : memref<1x64x128xf32, #tpu.memory_space<vmem>> -> memref<64x128xf32, #tpu.memory_space<vmem>>
    %dma_start3A_86 = tpu.memref_slice %arg2[%mul3A_80, %multiple_of3A_76] : memref<8192x8192xf32, #tpu.memory_space<hbm>> -> memref<64x128xf32, #tpu.memory_space<hbm>>
    %dma_start3A_87 = arith.constant 0 : i32
    %dma_start3A_88 = arith.constant 0 : i32
    %dma_start3A_89 = tpu.memref_slice %arg6[%dma_start3A_81, %dma_start3A_87, %dma_start3A_88] : memref<4x64x128xf32, #tpu.memory_space<vmem>> -> memref<1x64x128xf32, #tpu.memory_space<vmem>>
    %dma_start3A_90 = tpu.memref_squeeze %dma_start3A_89 : memref<1x64x128xf32, #tpu.memory_space<vmem>> -> memref<64x128xf32, #tpu.memory_space<vmem>>
    %dma_start3A_91 = tpu.memref_slice %arg2[%mul3A_80, %multiple_of3A_76] : memref<8192x8192xf32, #tpu.memory_space<hbm>> -> memref<64x128xf32, #tpu.memory_space<hbm>>
    tpu.enqueue_dma source(%dma_start3A_91 : memref<64x128xf32, #tpu.memory_space<hbm>>) target(%dma_start3A_90 : memref<64x128xf32, #tpu.memory_space<vmem>>) target_semaphore(%arg7 : memref<!tpu.dma_semaphore, #tpu.memory_space<semaphore_mem>>)
    %add3A_92 = arith.constant 2 : i32
    %add3A_93 = arith.addi %mul3A_36, %add3A_92 : i32
    %eq3A_94 = vector.broadcast %add3A_93 : i32 to vector<16xi32>
    %eq3A_95 = arith.cmpi eq, %iota3A, %eq3A_94 : vector<16xi32>
    %jit3A_96 = arith.constant 0 : i32
    %broadcast_in_dim3A_97 = vector.broadcast %jit3A_96 : i32 to vector<16xi32>
    %select_n3A_98 = arith.select %eq3A_95, %shift_left3A_41, %broadcast_in_dim3A_97 : vector<16xi1>, vector<16xi32>
    %reduce_sum3A_99 = arith.constant true
    %reduce_sum3A_100 = vector.broadcast %reduce_sum3A_99 : i1 to vector<16xi1>
    %reduce_sum3A_101 = tpu.scan <sum>, %select_n3A_98 masked %reduce_sum3A_100 : vector<16xi32>, vector<16xi1> -> vector<16xi32>
    %reduce_sum3A_102 = vector.extract %reduce_sum3A_101[15] : i32 from vector<16xi32>
    %multiple_of3A_103 = tpu.assume_multiple %reduce_sum3A_102, 128 : i32
    %add3A_104 = arith.constant 2 : i32
    %add3A_105 = arith.addi %mul3A_2, %add3A_104 : i32
    %mul3A_106 = arith.constant 64 : i32
    %mul3A_107 = arith.muli %add3A_105, %mul3A_106 : i32
    %dma_start3A_108 = arith.constant 2 : i32
    %dma_start3A_109 = arith.constant 0 : i32
    %dma_start3A_110 = arith.constant 0 : i32
    %dma_start3A_111 = tpu.memref_slice %arg6[%dma_start3A_108, %dma_start3A_109, %dma_start3A_110] : memref<4x64x128xf32, #tpu.memory_space<vmem>> -> memref<1x64x128xf32, #tpu.memory_space<vmem>>
    %dma_start3A_112 = tpu.memref_squeeze %dma_start3A_111 : memref<1x64x128xf32, #tpu.memory_space<vmem>> -> memref<64x128xf32, #tpu.memory_space<vmem>>
    %dma_start3A_113 = tpu.memref_slice %arg2[%mul3A_107, %multiple_of3A_103] : memref<8192x8192xf32, #tpu.memory_space<hbm>> -> memref<64x128xf32, #tpu.memory_space<hbm>>
    %dma_start3A_114 = arith.constant 0 : i32
    %dma_start3A_115 = arith.constant 0 : i32
    %dma_start3A_116 = tpu.memref_slice %arg6[%dma_start3A_108, %dma_start3A_114, %dma_start3A_115] : memref<4x64x128xf32, #tpu.memory_space<vmem>> -> memref<1x64x128xf32, #tpu.memory_space<vmem>>
    %dma_start3A_117 = tpu.memref_squeeze %dma_start3A_116 : memref<1x64x128xf32, #tpu.memory_space<vmem>> -> memref<64x128xf32, #tpu.memory_space<vmem>>
    %dma_start3A_118 = tpu.memref_slice %arg2[%mul3A_107, %multiple_of3A_103] : memref<8192x8192xf32, #tpu.memory_space<hbm>> -> memref<64x128xf32, #tpu.memory_space<hbm>>
    tpu.enqueue_dma source(%dma_start3A_118 : memref<64x128xf32, #tpu.memory_space<hbm>>) target(%dma_start3A_117 : memref<64x128xf32, #tpu.memory_space<vmem>>) target_semaphore(%arg7 : memref<!tpu.dma_semaphore, #tpu.memory_space<semaphore_mem>>)
    %add3A_119 = arith.constant 3 : i32
    %add3A_120 = arith.addi %mul3A_36, %add3A_119 : i32
    %eq3A_121 = vector.broadcast %add3A_120 : i32 to vector<16xi32>
    %eq3A_122 = arith.cmpi eq, %iota3A, %eq3A_121 : vector<16xi32>
    %jit3A_123 = arith.constant 0 : i32
    %broadcast_in_dim3A_124 = vector.broadcast %jit3A_123 : i32 to vector<16xi32>
    %select_n3A_125 = arith.select %eq3A_122, %shift_left3A_41, %broadcast_in_dim3A_124 : vector<16xi1>, vector<16xi32>
    %reduce_sum3A_126 = arith.constant true
    %reduce_sum3A_127 = vector.broadcast %reduce_sum3A_126 : i1 to vector<16xi1>
    %reduce_sum3A_128 = tpu.scan <sum>, %select_n3A_125 masked %reduce_sum3A_127 : vector<16xi32>, vector<16xi1> -> vector<16xi32>
    %reduce_sum3A_129 = vector.extract %reduce_sum3A_128[15] : i32 from vector<16xi32>
    %multiple_of3A_130 = tpu.assume_multiple %reduce_sum3A_129, 128 : i32
    %add3A_131 = arith.constant 3 : i32
    %add3A_132 = arith.addi %mul3A_2, %add3A_131 : i32
    %mul3A_133 = arith.constant 64 : i32
    %mul3A_134 = arith.muli %add3A_132, %mul3A_133 : i32
    %dma_start3A_135 = arith.constant 3 : i32
    %dma_start3A_136 = arith.constant 0 : i32
    %dma_start3A_137 = arith.constant 0 : i32
    %dma_start3A_138 = tpu.memref_slice %arg6[%dma_start3A_135, %dma_start3A_136, %dma_start3A_137] : memref<4x64x128xf32, #tpu.memory_space<vmem>> -> memref<1x64x128xf32, #tpu.memory_space<vmem>>
    %dma_start3A_139 = tpu.memref_squeeze %dma_start3A_138 : memref<1x64x128xf32, #tpu.memory_space<vmem>> -> memref<64x128xf32, #tpu.memory_space<vmem>>
    %dma_start3A_140 = tpu.memref_slice %arg2[%mul3A_134, %multiple_of3A_130] : memref<8192x8192xf32, #tpu.memory_space<hbm>> -> memref<64x128xf32, #tpu.memory_space<hbm>>
    %dma_start3A_141 = arith.constant 0 : i32
    %dma_start3A_142 = arith.constant 0 : i32
    %dma_start3A_143 = tpu.memref_slice %arg6[%dma_start3A_135, %dma_start3A_141, %dma_start3A_142] : memref<4x64x128xf32, #tpu.memory_space<vmem>> -> memref<1x64x128xf32, #tpu.memory_space<vmem>>
    %dma_start3A_144 = tpu.memref_squeeze %dma_start3A_143 : memref<1x64x128xf32, #tpu.memory_space<vmem>> -> memref<64x128xf32, #tpu.memory_space<vmem>>
    %dma_start3A_145 = tpu.memref_slice %arg2[%mul3A_134, %multiple_of3A_130] : memref<8192x8192xf32, #tpu.memory_space<hbm>> -> memref<64x128xf32, #tpu.memory_space<hbm>>
    tpu.enqueue_dma source(%dma_start3A_145 : memref<64x128xf32, #tpu.memory_space<hbm>>) target(%dma_start3A_144 : memref<64x128xf32, #tpu.memory_space<vmem>>) target_semaphore(%arg7 : memref<!tpu.dma_semaphore, #tpu.memory_space<semaphore_mem>>)
    %dma_wait3A = arith.constant 0 : i32
    %dma_wait3A_146 = arith.constant 0 : i32
    %dma_wait3A_147 = arith.constant 0 : i32
    %dma_wait3A_148 = tpu.memref_slice %arg6[%dma_wait3A, %dma_wait3A_146, %dma_wait3A_147] : memref<4x64x128xf32, #tpu.memory_space<vmem>> -> memref<1x64x128xf32, #tpu.memory_space<vmem>>
    %dma_wait3A_149 = tpu.memref_squeeze %dma_wait3A_148 : memref<1x64x128xf32, #tpu.memory_space<vmem>> -> memref<64x128xf32, #tpu.memory_space<vmem>>
    %dma_wait3A_150 = tpu.memref_slice %arg2[%mul3A_54, %multiple_of3A] : memref<8192x8192xf32, #tpu.memory_space<hbm>> -> memref<64x128xf32, #tpu.memory_space<hbm>>
    %dma_wait3A_151 = arith.constant 0 : i32
    %dma_wait3A_152 = arith.constant 0 : i32
    %dma_wait3A_153 = tpu.memref_slice %arg6[%dma_wait3A, %dma_wait3A_151, %dma_wait3A_152] : memref<4x64x128xf32, #tpu.memory_space<vmem>> -> memref<1x64x128xf32, #tpu.memory_space<vmem>>
    %dma_wait3A_154 = tpu.memref_squeeze %dma_wait3A_153 : memref<1x64x128xf32, #tpu.memory_space<vmem>> -> memref<64x128xf32, #tpu.memory_space<vmem>>
    %dma_wait3A_155 = tpu.memref_slice %arg2[%mul3A_54, %multiple_of3A] : memref<8192x8192xf32, #tpu.memory_space<hbm>> -> memref<64x128xf32, #tpu.memory_space<hbm>>
    tpu.wait_dma2 semaphore(%arg7 : memref<!tpu.dma_semaphore, #tpu.memory_space<semaphore_mem>>) src(%dma_wait3A_155 : memref<64x128xf32, #tpu.memory_space<hbm>>) dst(%dma_wait3A_154 : memref<64x128xf32, #tpu.memory_space<vmem>>)
    %dma_wait3A_156 = arith.constant 1 : i32
    %dma_wait3A_157 = arith.constant 0 : i32
    %dma_wait3A_158 = arith.constant 0 : i32
    %dma_wait3A_159 = tpu.memref_slice %arg6[%dma_wait3A_156, %dma_wait3A_157, %dma_wait3A_158] : memref<4x64x128xf32, #tpu.memory_space<vmem>> -> memref<1x64x128xf32, #tpu.memory_space<vmem>>
    %dma_wait3A_160 = tpu.memref_squeeze %dma_wait3A_159 : memref<1x64x128xf32, #tpu.memory_space<vmem>> -> memref<64x128xf32, #tpu.memory_space<vmem>>
    %dma_wait3A_161 = tpu.memref_slice %arg2[%mul3A_80, %multiple_of3A_76] : memref<8192x8192xf32, #tpu.memory_space<hbm>> -> memref<64x128xf32, #tpu.memory_space<hbm>>
    %dma_wait3A_162 = arith.constant 0 : i32
    %dma_wait3A_163 = arith.constant 0 : i32
    %dma_wait3A_164 = tpu.memref_slice %arg6[%dma_wait3A_156, %dma_wait3A_162, %dma_wait3A_163] : memref<4x64x128xf32, #tpu.memory_space<vmem>> -> memref<1x64x128xf32, #tpu.memory_space<vmem>>
    %dma_wait3A_165 = tpu.memref_squeeze %dma_wait3A_164 : memref<1x64x128xf32, #tpu.memory_space<vmem>> -> memref<64x128xf32, #tpu.memory_space<vmem>>
    %dma_wait3A_166 = tpu.memref_slice %arg2[%mul3A_80, %multiple_of3A_76] : memref<8192x8192xf32, #tpu.memory_space<hbm>> -> memref<64x128xf32, #tpu.memory_space<hbm>>
    tpu.wait_dma2 semaphore(%arg7 : memref<!tpu.dma_semaphore, #tpu.memory_space<semaphore_mem>>) src(%dma_wait3A_166 : memref<64x128xf32, #tpu.memory_space<hbm>>) dst(%dma_wait3A_165 : memref<64x128xf32, #tpu.memory_space<vmem>>)
    %dma_wait3A_167 = arith.constant 2 : i32
    %dma_wait3A_168 = arith.constant 0 : i32
    %dma_wait3A_169 = arith.constant 0 : i32
    %dma_wait3A_170 = tpu.memref_slice %arg6[%dma_wait3A_167, %dma_wait3A_168, %dma_wait3A_169] : memref<4x64x128xf32, #tpu.memory_space<vmem>> -> memref<1x64x128xf32, #tpu.memory_space<vmem>>
    %dma_wait3A_171 = tpu.memref_squeeze %dma_wait3A_170 : memref<1x64x128xf32, #tpu.memory_space<vmem>> -> memref<64x128xf32, #tpu.memory_space<vmem>>
    %dma_wait3A_172 = tpu.memref_slice %arg2[%mul3A_107, %multiple_of3A_103] : memref<8192x8192xf32, #tpu.memory_space<hbm>> -> memref<64x128xf32, #tpu.memory_space<hbm>>
    %dma_wait3A_173 = arith.constant 0 : i32
    %dma_wait3A_174 = arith.constant 0 : i32
    %dma_wait3A_175 = tpu.memref_slice %arg6[%dma_wait3A_167, %dma_wait3A_173, %dma_wait3A_174] : memref<4x64x128xf32, #tpu.memory_space<vmem>> -> memref<1x64x128xf32, #tpu.memory_space<vmem>>
    %dma_wait3A_176 = tpu.memref_squeeze %dma_wait3A_175 : memref<1x64x128xf32, #tpu.memory_space<vmem>> -> memref<64x128xf32, #tpu.memory_space<vmem>>
    %dma_wait3A_177 = tpu.memref_slice %arg2[%mul3A_107, %multiple_of3A_103] : memref<8192x8192xf32, #tpu.memory_space<hbm>> -> memref<64x128xf32, #tpu.memory_space<hbm>>
    tpu.wait_dma2 semaphore(%arg7 : memref<!tpu.dma_semaphore, #tpu.memory_space<semaphore_mem>>) src(%dma_wait3A_177 : memref<64x128xf32, #tpu.memory_space<hbm>>) dst(%dma_wait3A_176 : memref<64x128xf32, #tpu.memory_space<vmem>>)
    %dma_wait3A_178 = arith.constant 3 : i32
    %dma_wait3A_179 = arith.constant 0 : i32
    %dma_wait3A_180 = arith.constant 0 : i32
    %dma_wait3A_181 = tpu.memref_slice %arg6[%dma_wait3A_178, %dma_wait3A_179, %dma_wait3A_180] : memref<4x64x128xf32, #tpu.memory_space<vmem>> -> memref<1x64x128xf32, #tpu.memory_space<vmem>>
    %dma_wait3A_182 = tpu.memref_squeeze %dma_wait3A_181 : memref<1x64x128xf32, #tpu.memory_space<vmem>> -> memref<64x128xf32, #tpu.memory_space<vmem>>
    %dma_wait3A_183 = tpu.memref_slice %arg2[%mul3A_134, %multiple_of3A_130] : memref<8192x8192xf32, #tpu.memory_space<hbm>> -> memref<64x128xf32, #tpu.memory_space<hbm>>
    %dma_wait3A_184 = arith.constant 0 : i32
    %dma_wait3A_185 = arith.constant 0 : i32
    %dma_wait3A_186 = tpu.memref_slice %arg6[%dma_wait3A_178, %dma_wait3A_184, %dma_wait3A_185] : memref<4x64x128xf32, #tpu.memory_space<vmem>> -> memref<1x64x128xf32, #tpu.memory_space<vmem>>
    %dma_wait3A_187 = tpu.memref_squeeze %dma_wait3A_186 : memref<1x64x128xf32, #tpu.memory_space<vmem>> -> memref<64x128xf32, #tpu.memory_space<vmem>>
    %dma_wait3A_188 = tpu.memref_slice %arg2[%mul3A_134, %multiple_of3A_130] : memref<8192x8192xf32, #tpu.memory_space<hbm>> -> memref<64x128xf32, #tpu.memory_space<hbm>>
    tpu.wait_dma2 semaphore(%arg7 : memref<!tpu.dma_semaphore, #tpu.memory_space<semaphore_mem>>) src(%dma_wait3A_188 : memref<64x128xf32, #tpu.memory_space<hbm>>) dst(%dma_wait3A_187 : memref<64x128xf32, #tpu.memory_space<vmem>>)
    "tpu.region"() ({
      %run_scoped3A = tpu.sem_alloc : memref<!tpu.dma_semaphore, #tpu.memory_space<semaphore_mem>>
      %dma_start3A_189 = arith.constant 0 : i32
      %dma_start3A_190 = arith.constant 0 : i32
      %dma_start3A_191 = tpu.memref_slice %arg4[%mul3A_2, %dma_start3A_189, %dma_start3A_190] : memref<128x64x128xf32, #tpu.memory_space<hbm>> -> memref<4x64x128xf32, #tpu.memory_space<hbm>>
      %dma_start3A_192 = arith.constant 0 : i32
      %dma_start3A_193 = arith.constant 0 : i32
      %dma_start3A_194 = tpu.memref_slice %arg4[%mul3A_2, %dma_start3A_192, %dma_start3A_193] : memref<128x64x128xf32, #tpu.memory_space<hbm>> -> memref<4x64x128xf32, #tpu.memory_space<hbm>>
      tpu.enqueue_dma source(%arg6 : memref<4x64x128xf32, #tpu.memory_space<vmem>>) target(%dma_start3A_194 : memref<4x64x128xf32, #tpu.memory_space<hbm>>) target_semaphore(%run_scoped3A : memref<!tpu.dma_semaphore, #tpu.memory_space<semaphore_mem>>)
      %dma_wait3A_195 = arith.constant 0 : i32
      %dma_wait3A_196 = arith.constant 0 : i32
      %dma_wait3A_197 = tpu.memref_slice %arg4[%mul3A_2, %dma_wait3A_195, %dma_wait3A_196] : memref<128x64x128xf32, #tpu.memory_space<hbm>> -> memref<4x64x128xf32, #tpu.memory_space<hbm>>
      %dma_wait3A_198 = arith.constant 0 : i32
      %dma_wait3A_199 = arith.constant 0 : i32
      %dma_wait3A_200 = tpu.memref_slice %arg4[%mul3A_2, %dma_wait3A_198, %dma_wait3A_199] : memref<128x64x128xf32, #tpu.memory_space<hbm>> -> memref<4x64x128xf32, #tpu.memory_space<hbm>>
      tpu.wait_dma2 semaphore(%run_scoped3A : memref<!tpu.dma_semaphore, #tpu.memory_space<semaphore_mem>>) src(%arg6 : memref<4x64x128xf32, #tpu.memory_space<vmem>>) dst(%dma_wait3A_200 : memref<4x64x128xf32, #tpu.memory_space<hbm>>)
      tpu.yield
    }) : () -> ()
    return
  }
}

module attributes {stable_mosaic.version = 14 : i64} {
  func.func @_blast_body(%arg0: i32, %arg1: memref<2x64x8192xf32, #tpu.memory_space<vmem>>, %arg2: memref<128x64x8192xf32, #tpu.memory_space<hbm>>, %arg3: memref<!tpu.dma_semaphore, #tpu.memory_space<semaphore_mem>>, %arg4: memref<!tpu.dma_semaphore, #tpu.memory_space<semaphore_mem>>) attributes {dimension_semantics = [#tpu.dimension_semantics<arbitrary>], iteration_bounds = array<i64: 1>, scalar_prefetch = 0 : i64, scratch_operands = 2 : i64, tpu.core_type = #tpu.core_type<tc>, window_params = [{pipeline_mode = #tpu.pipeline_mode<synchronous>, transform_indices = @transform_0, window_bounds = array<i64: 2, 64, 8192>}, {}]} {
    %dma_start3A = arith.constant 0 : i32
    %dma_start3A_0 = arith.constant 0 : i32
    %dma_start3A_1 = arith.constant 0 : i32
    %dma_start3A_2 = tpu.memref_slice %arg2[%dma_start3A, %dma_start3A_0, %dma_start3A_1] : memref<128x64x8192xf32, #tpu.memory_space<hbm>> -> memref<2x64x8192xf32, #tpu.memory_space<hbm>>
    tpu.enqueue_dma source(%arg1 : memref<2x64x8192xf32, #tpu.memory_space<vmem>>) target(%dma_start3A_2 : memref<2x64x8192xf32, #tpu.memory_space<hbm>>) target_semaphore(%arg3 : memref<!tpu.dma_semaphore, #tpu.memory_space<semaphore_mem>>)
    %dma_start3A_3 = arith.constant 2 : i32
    %dma_start3A_4 = arith.constant 0 : i32
    %dma_start3A_5 = arith.constant 0 : i32
    %dma_start3A_6 = tpu.memref_slice %arg2[%dma_start3A_3, %dma_start3A_4, %dma_start3A_5] : memref<128x64x8192xf32, #tpu.memory_space<hbm>> -> memref<2x64x8192xf32, #tpu.memory_space<hbm>>
    tpu.enqueue_dma source(%arg1 : memref<2x64x8192xf32, #tpu.memory_space<vmem>>) target(%dma_start3A_6 : memref<2x64x8192xf32, #tpu.memory_space<hbm>>) target_semaphore(%arg4 : memref<!tpu.dma_semaphore, #tpu.memory_space<semaphore_mem>>)
    %dma_start3A_7 = arith.constant 4 : i32
    %dma_start3A_8 = arith.constant 0 : i32
    %dma_start3A_9 = arith.constant 0 : i32
    %dma_start3A_10 = tpu.memref_slice %arg2[%dma_start3A_7, %dma_start3A_8, %dma_start3A_9] : memref<128x64x8192xf32, #tpu.memory_space<hbm>> -> memref<2x64x8192xf32, #tpu.memory_space<hbm>>
    tpu.enqueue_dma source(%arg1 : memref<2x64x8192xf32, #tpu.memory_space<vmem>>) target(%dma_start3A_10 : memref<2x64x8192xf32, #tpu.memory_space<hbm>>) target_semaphore(%arg3 : memref<!tpu.dma_semaphore, #tpu.memory_space<semaphore_mem>>)
    %dma_start3A_11 = arith.constant 6 : i32
    %dma_start3A_12 = arith.constant 0 : i32
    %dma_start3A_13 = arith.constant 0 : i32
    %dma_start3A_14 = tpu.memref_slice %arg2[%dma_start3A_11, %dma_start3A_12, %dma_start3A_13] : memref<128x64x8192xf32, #tpu.memory_space<hbm>> -> memref<2x64x8192xf32, #tpu.memory_space<hbm>>
    tpu.enqueue_dma source(%arg1 : memref<2x64x8192xf32, #tpu.memory_space<vmem>>) target(%dma_start3A_14 : memref<2x64x8192xf32, #tpu.memory_space<hbm>>) target_semaphore(%arg4 : memref<!tpu.dma_semaphore, #tpu.memory_space<semaphore_mem>>)
    %dma_start3A_15 = arith.constant 8 : i32
    %dma_start3A_16 = arith.constant 0 : i32
    %dma_start3A_17 = arith.constant 0 : i32
    %dma_start3A_18 = tpu.memref_slice %arg2[%dma_start3A_15, %dma_start3A_16, %dma_start3A_17] : memref<128x64x8192xf32, #tpu.memory_space<hbm>> -> memref<2x64x8192xf32, #tpu.memory_space<hbm>>
    tpu.enqueue_dma source(%arg1 : memref<2x64x8192xf32, #tpu.memory_space<vmem>>) target(%dma_start3A_18 : memref<2x64x8192xf32, #tpu.memory_space<hbm>>) target_semaphore(%arg3 : memref<!tpu.dma_semaphore, #tpu.memory_space<semaphore_mem>>)
    %dma_start3A_19 = arith.constant 10 : i32
    %dma_start3A_20 = arith.constant 0 : i32
    %dma_start3A_21 = arith.constant 0 : i32
    %dma_start3A_22 = tpu.memref_slice %arg2[%dma_start3A_19, %dma_start3A_20, %dma_start3A_21] : memref<128x64x8192xf32, #tpu.memory_space<hbm>> -> memref<2x64x8192xf32, #tpu.memory_space<hbm>>
    tpu.enqueue_dma source(%arg1 : memref<2x64x8192xf32, #tpu.memory_space<vmem>>) target(%dma_start3A_22 : memref<2x64x8192xf32, #tpu.memory_space<hbm>>) target_semaphore(%arg4 : memref<!tpu.dma_semaphore, #tpu.memory_space<semaphore_mem>>)
    %dma_start3A_23 = arith.constant 12 : i32
    %dma_start3A_24 = arith.constant 0 : i32
    %dma_start3A_25 = arith.constant 0 : i32
    %dma_start3A_26 = tpu.memref_slice %arg2[%dma_start3A_23, %dma_start3A_24, %dma_start3A_25] : memref<128x64x8192xf32, #tpu.memory_space<hbm>> -> memref<2x64x8192xf32, #tpu.memory_space<hbm>>
    tpu.enqueue_dma source(%arg1 : memref<2x64x8192xf32, #tpu.memory_space<vmem>>) target(%dma_start3A_26 : memref<2x64x8192xf32, #tpu.memory_space<hbm>>) target_semaphore(%arg3 : memref<!tpu.dma_semaphore, #tpu.memory_space<semaphore_mem>>)
    %dma_start3A_27 = arith.constant 14 : i32
    %dma_start3A_28 = arith.constant 0 : i32
    %dma_start3A_29 = arith.constant 0 : i32
    %dma_start3A_30 = tpu.memref_slice %arg2[%dma_start3A_27, %dma_start3A_28, %dma_start3A_29] : memref<128x64x8192xf32, #tpu.memory_space<hbm>> -> memref<2x64x8192xf32, #tpu.memory_space<hbm>>
    tpu.enqueue_dma source(%arg1 : memref<2x64x8192xf32, #tpu.memory_space<vmem>>) target(%dma_start3A_30 : memref<2x64x8192xf32, #tpu.memory_space<hbm>>) target_semaphore(%arg4 : memref<!tpu.dma_semaphore, #tpu.memory_space<semaphore_mem>>)
    %dma_start3A_31 = arith.constant 16 : i32
    %dma_start3A_32 = arith.constant 0 : i32
    %dma_start3A_33 = arith.constant 0 : i32
    %dma_start3A_34 = tpu.memref_slice %arg2[%dma_start3A_31, %dma_start3A_32, %dma_start3A_33] : memref<128x64x8192xf32, #tpu.memory_space<hbm>> -> memref<2x64x8192xf32, #tpu.memory_space<hbm>>
    tpu.enqueue_dma source(%arg1 : memref<2x64x8192xf32, #tpu.memory_space<vmem>>) target(%dma_start3A_34 : memref<2x64x8192xf32, #tpu.memory_space<hbm>>) target_semaphore(%arg3 : memref<!tpu.dma_semaphore, #tpu.memory_space<semaphore_mem>>)
    %dma_start3A_35 = arith.constant 18 : i32
    %dma_start3A_36 = arith.constant 0 : i32
    %dma_start3A_37 = arith.constant 0 : i32
    %dma_start3A_38 = tpu.memref_slice %arg2[%dma_start3A_35, %dma_start3A_36, %dma_start3A_37] : memref<128x64x8192xf32, #tpu.memory_space<hbm>> -> memref<2x64x8192xf32, #tpu.memory_space<hbm>>
    tpu.enqueue_dma source(%arg1 : memref<2x64x8192xf32, #tpu.memory_space<vmem>>) target(%dma_start3A_38 : memref<2x64x8192xf32, #tpu.memory_space<hbm>>) target_semaphore(%arg4 : memref<!tpu.dma_semaphore, #tpu.memory_space<semaphore_mem>>)
    %dma_start3A_39 = arith.constant 20 : i32
    %dma_start3A_40 = arith.constant 0 : i32
    %dma_start3A_41 = arith.constant 0 : i32
    %dma_start3A_42 = tpu.memref_slice %arg2[%dma_start3A_39, %dma_start3A_40, %dma_start3A_41] : memref<128x64x8192xf32, #tpu.memory_space<hbm>> -> memref<2x64x8192xf32, #tpu.memory_space<hbm>>
    tpu.enqueue_dma source(%arg1 : memref<2x64x8192xf32, #tpu.memory_space<vmem>>) target(%dma_start3A_42 : memref<2x64x8192xf32, #tpu.memory_space<hbm>>) target_semaphore(%arg3 : memref<!tpu.dma_semaphore, #tpu.memory_space<semaphore_mem>>)
    %dma_start3A_43 = arith.constant 22 : i32
    %dma_start3A_44 = arith.constant 0 : i32
    %dma_start3A_45 = arith.constant 0 : i32
    %dma_start3A_46 = tpu.memref_slice %arg2[%dma_start3A_43, %dma_start3A_44, %dma_start3A_45] : memref<128x64x8192xf32, #tpu.memory_space<hbm>> -> memref<2x64x8192xf32, #tpu.memory_space<hbm>>
    tpu.enqueue_dma source(%arg1 : memref<2x64x8192xf32, #tpu.memory_space<vmem>>) target(%dma_start3A_46 : memref<2x64x8192xf32, #tpu.memory_space<hbm>>) target_semaphore(%arg4 : memref<!tpu.dma_semaphore, #tpu.memory_space<semaphore_mem>>)
    %dma_start3A_47 = arith.constant 24 : i32
    %dma_start3A_48 = arith.constant 0 : i32
    %dma_start3A_49 = arith.constant 0 : i32
    %dma_start3A_50 = tpu.memref_slice %arg2[%dma_start3A_47, %dma_start3A_48, %dma_start3A_49] : memref<128x64x8192xf32, #tpu.memory_space<hbm>> -> memref<2x64x8192xf32, #tpu.memory_space<hbm>>
    tpu.enqueue_dma source(%arg1 : memref<2x64x8192xf32, #tpu.memory_space<vmem>>) target(%dma_start3A_50 : memref<2x64x8192xf32, #tpu.memory_space<hbm>>) target_semaphore(%arg3 : memref<!tpu.dma_semaphore, #tpu.memory_space<semaphore_mem>>)
    %dma_start3A_51 = arith.constant 26 : i32
    %dma_start3A_52 = arith.constant 0 : i32
    %dma_start3A_53 = arith.constant 0 : i32
    %dma_start3A_54 = tpu.memref_slice %arg2[%dma_start3A_51, %dma_start3A_52, %dma_start3A_53] : memref<128x64x8192xf32, #tpu.memory_space<hbm>> -> memref<2x64x8192xf32, #tpu.memory_space<hbm>>
    tpu.enqueue_dma source(%arg1 : memref<2x64x8192xf32, #tpu.memory_space<vmem>>) target(%dma_start3A_54 : memref<2x64x8192xf32, #tpu.memory_space<hbm>>) target_semaphore(%arg4 : memref<!tpu.dma_semaphore, #tpu.memory_space<semaphore_mem>>)
    %dma_start3A_55 = arith.constant 28 : i32
    %dma_start3A_56 = arith.constant 0 : i32
    %dma_start3A_57 = arith.constant 0 : i32
    %dma_start3A_58 = tpu.memref_slice %arg2[%dma_start3A_55, %dma_start3A_56, %dma_start3A_57] : memref<128x64x8192xf32, #tpu.memory_space<hbm>> -> memref<2x64x8192xf32, #tpu.memory_space<hbm>>
    tpu.enqueue_dma source(%arg1 : memref<2x64x8192xf32, #tpu.memory_space<vmem>>) target(%dma_start3A_58 : memref<2x64x8192xf32, #tpu.memory_space<hbm>>) target_semaphore(%arg3 : memref<!tpu.dma_semaphore, #tpu.memory_space<semaphore_mem>>)
    %dma_start3A_59 = arith.constant 30 : i32
    %dma_start3A_60 = arith.constant 0 : i32
    %dma_start3A_61 = arith.constant 0 : i32
    %dma_start3A_62 = tpu.memref_slice %arg2[%dma_start3A_59, %dma_start3A_60, %dma_start3A_61] : memref<128x64x8192xf32, #tpu.memory_space<hbm>> -> memref<2x64x8192xf32, #tpu.memory_space<hbm>>
    tpu.enqueue_dma source(%arg1 : memref<2x64x8192xf32, #tpu.memory_space<vmem>>) target(%dma_start3A_62 : memref<2x64x8192xf32, #tpu.memory_space<hbm>>) target_semaphore(%arg4 : memref<!tpu.dma_semaphore, #tpu.memory_space<semaphore_mem>>)
    %dma_start3A_63 = arith.constant 32 : i32
    %dma_start3A_64 = arith.constant 0 : i32
    %dma_start3A_65 = arith.constant 0 : i32
    %dma_start3A_66 = tpu.memref_slice %arg2[%dma_start3A_63, %dma_start3A_64, %dma_start3A_65] : memref<128x64x8192xf32, #tpu.memory_space<hbm>> -> memref<2x64x8192xf32, #tpu.memory_space<hbm>>
    tpu.enqueue_dma source(%arg1 : memref<2x64x8192xf32, #tpu.memory_space<vmem>>) target(%dma_start3A_66 : memref<2x64x8192xf32, #tpu.memory_space<hbm>>) target_semaphore(%arg3 : memref<!tpu.dma_semaphore, #tpu.memory_space<semaphore_mem>>)
    %dma_start3A_67 = arith.constant 34 : i32
    %dma_start3A_68 = arith.constant 0 : i32
    %dma_start3A_69 = arith.constant 0 : i32
    %dma_start3A_70 = tpu.memref_slice %arg2[%dma_start3A_67, %dma_start3A_68, %dma_start3A_69] : memref<128x64x8192xf32, #tpu.memory_space<hbm>> -> memref<2x64x8192xf32, #tpu.memory_space<hbm>>
    tpu.enqueue_dma source(%arg1 : memref<2x64x8192xf32, #tpu.memory_space<vmem>>) target(%dma_start3A_70 : memref<2x64x8192xf32, #tpu.memory_space<hbm>>) target_semaphore(%arg4 : memref<!tpu.dma_semaphore, #tpu.memory_space<semaphore_mem>>)
    %dma_start3A_71 = arith.constant 36 : i32
    %dma_start3A_72 = arith.constant 0 : i32
    %dma_start3A_73 = arith.constant 0 : i32
    %dma_start3A_74 = tpu.memref_slice %arg2[%dma_start3A_71, %dma_start3A_72, %dma_start3A_73] : memref<128x64x8192xf32, #tpu.memory_space<hbm>> -> memref<2x64x8192xf32, #tpu.memory_space<hbm>>
    tpu.enqueue_dma source(%arg1 : memref<2x64x8192xf32, #tpu.memory_space<vmem>>) target(%dma_start3A_74 : memref<2x64x8192xf32, #tpu.memory_space<hbm>>) target_semaphore(%arg3 : memref<!tpu.dma_semaphore, #tpu.memory_space<semaphore_mem>>)
    %dma_start3A_75 = arith.constant 38 : i32
    %dma_start3A_76 = arith.constant 0 : i32
    %dma_start3A_77 = arith.constant 0 : i32
    %dma_start3A_78 = tpu.memref_slice %arg2[%dma_start3A_75, %dma_start3A_76, %dma_start3A_77] : memref<128x64x8192xf32, #tpu.memory_space<hbm>> -> memref<2x64x8192xf32, #tpu.memory_space<hbm>>
    tpu.enqueue_dma source(%arg1 : memref<2x64x8192xf32, #tpu.memory_space<vmem>>) target(%dma_start3A_78 : memref<2x64x8192xf32, #tpu.memory_space<hbm>>) target_semaphore(%arg4 : memref<!tpu.dma_semaphore, #tpu.memory_space<semaphore_mem>>)
    %dma_start3A_79 = arith.constant 40 : i32
    %dma_start3A_80 = arith.constant 0 : i32
    %dma_start3A_81 = arith.constant 0 : i32
    %dma_start3A_82 = tpu.memref_slice %arg2[%dma_start3A_79, %dma_start3A_80, %dma_start3A_81] : memref<128x64x8192xf32, #tpu.memory_space<hbm>> -> memref<2x64x8192xf32, #tpu.memory_space<hbm>>
    tpu.enqueue_dma source(%arg1 : memref<2x64x8192xf32, #tpu.memory_space<vmem>>) target(%dma_start3A_82 : memref<2x64x8192xf32, #tpu.memory_space<hbm>>) target_semaphore(%arg3 : memref<!tpu.dma_semaphore, #tpu.memory_space<semaphore_mem>>)
    %dma_start3A_83 = arith.constant 42 : i32
    %dma_start3A_84 = arith.constant 0 : i32
    %dma_start3A_85 = arith.constant 0 : i32
    %dma_start3A_86 = tpu.memref_slice %arg2[%dma_start3A_83, %dma_start3A_84, %dma_start3A_85] : memref<128x64x8192xf32, #tpu.memory_space<hbm>> -> memref<2x64x8192xf32, #tpu.memory_space<hbm>>
    tpu.enqueue_dma source(%arg1 : memref<2x64x8192xf32, #tpu.memory_space<vmem>>) target(%dma_start3A_86 : memref<2x64x8192xf32, #tpu.memory_space<hbm>>) target_semaphore(%arg4 : memref<!tpu.dma_semaphore, #tpu.memory_space<semaphore_mem>>)
    %dma_start3A_87 = arith.constant 44 : i32
    %dma_start3A_88 = arith.constant 0 : i32
    %dma_start3A_89 = arith.constant 0 : i32
    %dma_start3A_90 = tpu.memref_slice %arg2[%dma_start3A_87, %dma_start3A_88, %dma_start3A_89] : memref<128x64x8192xf32, #tpu.memory_space<hbm>> -> memref<2x64x8192xf32, #tpu.memory_space<hbm>>
    tpu.enqueue_dma source(%arg1 : memref<2x64x8192xf32, #tpu.memory_space<vmem>>) target(%dma_start3A_90 : memref<2x64x8192xf32, #tpu.memory_space<hbm>>) target_semaphore(%arg3 : memref<!tpu.dma_semaphore, #tpu.memory_space<semaphore_mem>>)
    %dma_start3A_91 = arith.constant 46 : i32
    %dma_start3A_92 = arith.constant 0 : i32
    %dma_start3A_93 = arith.constant 0 : i32
    %dma_start3A_94 = tpu.memref_slice %arg2[%dma_start3A_91, %dma_start3A_92, %dma_start3A_93] : memref<128x64x8192xf32, #tpu.memory_space<hbm>> -> memref<2x64x8192xf32, #tpu.memory_space<hbm>>
    tpu.enqueue_dma source(%arg1 : memref<2x64x8192xf32, #tpu.memory_space<vmem>>) target(%dma_start3A_94 : memref<2x64x8192xf32, #tpu.memory_space<hbm>>) target_semaphore(%arg4 : memref<!tpu.dma_semaphore, #tpu.memory_space<semaphore_mem>>)
    %dma_start3A_95 = arith.constant 48 : i32
    %dma_start3A_96 = arith.constant 0 : i32
    %dma_start3A_97 = arith.constant 0 : i32
    %dma_start3A_98 = tpu.memref_slice %arg2[%dma_start3A_95, %dma_start3A_96, %dma_start3A_97] : memref<128x64x8192xf32, #tpu.memory_space<hbm>> -> memref<2x64x8192xf32, #tpu.memory_space<hbm>>
    tpu.enqueue_dma source(%arg1 : memref<2x64x8192xf32, #tpu.memory_space<vmem>>) target(%dma_start3A_98 : memref<2x64x8192xf32, #tpu.memory_space<hbm>>) target_semaphore(%arg3 : memref<!tpu.dma_semaphore, #tpu.memory_space<semaphore_mem>>)
    %dma_start3A_99 = arith.constant 50 : i32
    %dma_start3A_100 = arith.constant 0 : i32
    %dma_start3A_101 = arith.constant 0 : i32
    %dma_start3A_102 = tpu.memref_slice %arg2[%dma_start3A_99, %dma_start3A_100, %dma_start3A_101] : memref<128x64x8192xf32, #tpu.memory_space<hbm>> -> memref<2x64x8192xf32, #tpu.memory_space<hbm>>
    tpu.enqueue_dma source(%arg1 : memref<2x64x8192xf32, #tpu.memory_space<vmem>>) target(%dma_start3A_102 : memref<2x64x8192xf32, #tpu.memory_space<hbm>>) target_semaphore(%arg4 : memref<!tpu.dma_semaphore, #tpu.memory_space<semaphore_mem>>)
    %dma_start3A_103 = arith.constant 52 : i32
    %dma_start3A_104 = arith.constant 0 : i32
    %dma_start3A_105 = arith.constant 0 : i32
    %dma_start3A_106 = tpu.memref_slice %arg2[%dma_start3A_103, %dma_start3A_104, %dma_start3A_105] : memref<128x64x8192xf32, #tpu.memory_space<hbm>> -> memref<2x64x8192xf32, #tpu.memory_space<hbm>>
    tpu.enqueue_dma source(%arg1 : memref<2x64x8192xf32, #tpu.memory_space<vmem>>) target(%dma_start3A_106 : memref<2x64x8192xf32, #tpu.memory_space<hbm>>) target_semaphore(%arg3 : memref<!tpu.dma_semaphore, #tpu.memory_space<semaphore_mem>>)
    %dma_start3A_107 = arith.constant 54 : i32
    %dma_start3A_108 = arith.constant 0 : i32
    %dma_start3A_109 = arith.constant 0 : i32
    %dma_start3A_110 = tpu.memref_slice %arg2[%dma_start3A_107, %dma_start3A_108, %dma_start3A_109] : memref<128x64x8192xf32, #tpu.memory_space<hbm>> -> memref<2x64x8192xf32, #tpu.memory_space<hbm>>
    tpu.enqueue_dma source(%arg1 : memref<2x64x8192xf32, #tpu.memory_space<vmem>>) target(%dma_start3A_110 : memref<2x64x8192xf32, #tpu.memory_space<hbm>>) target_semaphore(%arg4 : memref<!tpu.dma_semaphore, #tpu.memory_space<semaphore_mem>>)
    %dma_start3A_111 = arith.constant 56 : i32
    %dma_start3A_112 = arith.constant 0 : i32
    %dma_start3A_113 = arith.constant 0 : i32
    %dma_start3A_114 = tpu.memref_slice %arg2[%dma_start3A_111, %dma_start3A_112, %dma_start3A_113] : memref<128x64x8192xf32, #tpu.memory_space<hbm>> -> memref<2x64x8192xf32, #tpu.memory_space<hbm>>
    tpu.enqueue_dma source(%arg1 : memref<2x64x8192xf32, #tpu.memory_space<vmem>>) target(%dma_start3A_114 : memref<2x64x8192xf32, #tpu.memory_space<hbm>>) target_semaphore(%arg3 : memref<!tpu.dma_semaphore, #tpu.memory_space<semaphore_mem>>)
    %dma_start3A_115 = arith.constant 58 : i32
    %dma_start3A_116 = arith.constant 0 : i32
    %dma_start3A_117 = arith.constant 0 : i32
    %dma_start3A_118 = tpu.memref_slice %arg2[%dma_start3A_115, %dma_start3A_116, %dma_start3A_117] : memref<128x64x8192xf32, #tpu.memory_space<hbm>> -> memref<2x64x8192xf32, #tpu.memory_space<hbm>>
    tpu.enqueue_dma source(%arg1 : memref<2x64x8192xf32, #tpu.memory_space<vmem>>) target(%dma_start3A_118 : memref<2x64x8192xf32, #tpu.memory_space<hbm>>) target_semaphore(%arg4 : memref<!tpu.dma_semaphore, #tpu.memory_space<semaphore_mem>>)
    %dma_start3A_119 = arith.constant 60 : i32
    %dma_start3A_120 = arith.constant 0 : i32
    %dma_start3A_121 = arith.constant 0 : i32
    %dma_start3A_122 = tpu.memref_slice %arg2[%dma_start3A_119, %dma_start3A_120, %dma_start3A_121] : memref<128x64x8192xf32, #tpu.memory_space<hbm>> -> memref<2x64x8192xf32, #tpu.memory_space<hbm>>
    tpu.enqueue_dma source(%arg1 : memref<2x64x8192xf32, #tpu.memory_space<vmem>>) target(%dma_start3A_122 : memref<2x64x8192xf32, #tpu.memory_space<hbm>>) target_semaphore(%arg3 : memref<!tpu.dma_semaphore, #tpu.memory_space<semaphore_mem>>)
    %dma_start3A_123 = arith.constant 62 : i32
    %dma_start3A_124 = arith.constant 0 : i32
    %dma_start3A_125 = arith.constant 0 : i32
    %dma_start3A_126 = tpu.memref_slice %arg2[%dma_start3A_123, %dma_start3A_124, %dma_start3A_125] : memref<128x64x8192xf32, #tpu.memory_space<hbm>> -> memref<2x64x8192xf32, #tpu.memory_space<hbm>>
    tpu.enqueue_dma source(%arg1 : memref<2x64x8192xf32, #tpu.memory_space<vmem>>) target(%dma_start3A_126 : memref<2x64x8192xf32, #tpu.memory_space<hbm>>) target_semaphore(%arg4 : memref<!tpu.dma_semaphore, #tpu.memory_space<semaphore_mem>>)
    %dma_start3A_127 = arith.constant 64 : i32
    %dma_start3A_128 = arith.constant 0 : i32
    %dma_start3A_129 = arith.constant 0 : i32
    %dma_start3A_130 = tpu.memref_slice %arg2[%dma_start3A_127, %dma_start3A_128, %dma_start3A_129] : memref<128x64x8192xf32, #tpu.memory_space<hbm>> -> memref<2x64x8192xf32, #tpu.memory_space<hbm>>
    tpu.enqueue_dma source(%arg1 : memref<2x64x8192xf32, #tpu.memory_space<vmem>>) target(%dma_start3A_130 : memref<2x64x8192xf32, #tpu.memory_space<hbm>>) target_semaphore(%arg3 : memref<!tpu.dma_semaphore, #tpu.memory_space<semaphore_mem>>)
    %dma_start3A_131 = arith.constant 66 : i32
    %dma_start3A_132 = arith.constant 0 : i32
    %dma_start3A_133 = arith.constant 0 : i32
    %dma_start3A_134 = tpu.memref_slice %arg2[%dma_start3A_131, %dma_start3A_132, %dma_start3A_133] : memref<128x64x8192xf32, #tpu.memory_space<hbm>> -> memref<2x64x8192xf32, #tpu.memory_space<hbm>>
    tpu.enqueue_dma source(%arg1 : memref<2x64x8192xf32, #tpu.memory_space<vmem>>) target(%dma_start3A_134 : memref<2x64x8192xf32, #tpu.memory_space<hbm>>) target_semaphore(%arg4 : memref<!tpu.dma_semaphore, #tpu.memory_space<semaphore_mem>>)
    %dma_start3A_135 = arith.constant 68 : i32
    %dma_start3A_136 = arith.constant 0 : i32
    %dma_start3A_137 = arith.constant 0 : i32
    %dma_start3A_138 = tpu.memref_slice %arg2[%dma_start3A_135, %dma_start3A_136, %dma_start3A_137] : memref<128x64x8192xf32, #tpu.memory_space<hbm>> -> memref<2x64x8192xf32, #tpu.memory_space<hbm>>
    tpu.enqueue_dma source(%arg1 : memref<2x64x8192xf32, #tpu.memory_space<vmem>>) target(%dma_start3A_138 : memref<2x64x8192xf32, #tpu.memory_space<hbm>>) target_semaphore(%arg3 : memref<!tpu.dma_semaphore, #tpu.memory_space<semaphore_mem>>)
    %dma_start3A_139 = arith.constant 70 : i32
    %dma_start3A_140 = arith.constant 0 : i32
    %dma_start3A_141 = arith.constant 0 : i32
    %dma_start3A_142 = tpu.memref_slice %arg2[%dma_start3A_139, %dma_start3A_140, %dma_start3A_141] : memref<128x64x8192xf32, #tpu.memory_space<hbm>> -> memref<2x64x8192xf32, #tpu.memory_space<hbm>>
    tpu.enqueue_dma source(%arg1 : memref<2x64x8192xf32, #tpu.memory_space<vmem>>) target(%dma_start3A_142 : memref<2x64x8192xf32, #tpu.memory_space<hbm>>) target_semaphore(%arg4 : memref<!tpu.dma_semaphore, #tpu.memory_space<semaphore_mem>>)
    %dma_start3A_143 = arith.constant 72 : i32
    %dma_start3A_144 = arith.constant 0 : i32
    %dma_start3A_145 = arith.constant 0 : i32
    %dma_start3A_146 = tpu.memref_slice %arg2[%dma_start3A_143, %dma_start3A_144, %dma_start3A_145] : memref<128x64x8192xf32, #tpu.memory_space<hbm>> -> memref<2x64x8192xf32, #tpu.memory_space<hbm>>
    tpu.enqueue_dma source(%arg1 : memref<2x64x8192xf32, #tpu.memory_space<vmem>>) target(%dma_start3A_146 : memref<2x64x8192xf32, #tpu.memory_space<hbm>>) target_semaphore(%arg3 : memref<!tpu.dma_semaphore, #tpu.memory_space<semaphore_mem>>)
    %dma_start3A_147 = arith.constant 74 : i32
    %dma_start3A_148 = arith.constant 0 : i32
    %dma_start3A_149 = arith.constant 0 : i32
    %dma_start3A_150 = tpu.memref_slice %arg2[%dma_start3A_147, %dma_start3A_148, %dma_start3A_149] : memref<128x64x8192xf32, #tpu.memory_space<hbm>> -> memref<2x64x8192xf32, #tpu.memory_space<hbm>>
    tpu.enqueue_dma source(%arg1 : memref<2x64x8192xf32, #tpu.memory_space<vmem>>) target(%dma_start3A_150 : memref<2x64x8192xf32, #tpu.memory_space<hbm>>) target_semaphore(%arg4 : memref<!tpu.dma_semaphore, #tpu.memory_space<semaphore_mem>>)
    %dma_start3A_151 = arith.constant 76 : i32
    %dma_start3A_152 = arith.constant 0 : i32
    %dma_start3A_153 = arith.constant 0 : i32
    %dma_start3A_154 = tpu.memref_slice %arg2[%dma_start3A_151, %dma_start3A_152, %dma_start3A_153] : memref<128x64x8192xf32, #tpu.memory_space<hbm>> -> memref<2x64x8192xf32, #tpu.memory_space<hbm>>
    tpu.enqueue_dma source(%arg1 : memref<2x64x8192xf32, #tpu.memory_space<vmem>>) target(%dma_start3A_154 : memref<2x64x8192xf32, #tpu.memory_space<hbm>>) target_semaphore(%arg3 : memref<!tpu.dma_semaphore, #tpu.memory_space<semaphore_mem>>)
    %dma_start3A_155 = arith.constant 78 : i32
    %dma_start3A_156 = arith.constant 0 : i32
    %dma_start3A_157 = arith.constant 0 : i32
    %dma_start3A_158 = tpu.memref_slice %arg2[%dma_start3A_155, %dma_start3A_156, %dma_start3A_157] : memref<128x64x8192xf32, #tpu.memory_space<hbm>> -> memref<2x64x8192xf32, #tpu.memory_space<hbm>>
    tpu.enqueue_dma source(%arg1 : memref<2x64x8192xf32, #tpu.memory_space<vmem>>) target(%dma_start3A_158 : memref<2x64x8192xf32, #tpu.memory_space<hbm>>) target_semaphore(%arg4 : memref<!tpu.dma_semaphore, #tpu.memory_space<semaphore_mem>>)
    %dma_start3A_159 = arith.constant 80 : i32
    %dma_start3A_160 = arith.constant 0 : i32
    %dma_start3A_161 = arith.constant 0 : i32
    %dma_start3A_162 = tpu.memref_slice %arg2[%dma_start3A_159, %dma_start3A_160, %dma_start3A_161] : memref<128x64x8192xf32, #tpu.memory_space<hbm>> -> memref<2x64x8192xf32, #tpu.memory_space<hbm>>
    tpu.enqueue_dma source(%arg1 : memref<2x64x8192xf32, #tpu.memory_space<vmem>>) target(%dma_start3A_162 : memref<2x64x8192xf32, #tpu.memory_space<hbm>>) target_semaphore(%arg3 : memref<!tpu.dma_semaphore, #tpu.memory_space<semaphore_mem>>)
    %dma_start3A_163 = arith.constant 82 : i32
    %dma_start3A_164 = arith.constant 0 : i32
    %dma_start3A_165 = arith.constant 0 : i32
    %dma_start3A_166 = tpu.memref_slice %arg2[%dma_start3A_163, %dma_start3A_164, %dma_start3A_165] : memref<128x64x8192xf32, #tpu.memory_space<hbm>> -> memref<2x64x8192xf32, #tpu.memory_space<hbm>>
    tpu.enqueue_dma source(%arg1 : memref<2x64x8192xf32, #tpu.memory_space<vmem>>) target(%dma_start3A_166 : memref<2x64x8192xf32, #tpu.memory_space<hbm>>) target_semaphore(%arg4 : memref<!tpu.dma_semaphore, #tpu.memory_space<semaphore_mem>>)
    %dma_start3A_167 = arith.constant 84 : i32
    %dma_start3A_168 = arith.constant 0 : i32
    %dma_start3A_169 = arith.constant 0 : i32
    %dma_start3A_170 = tpu.memref_slice %arg2[%dma_start3A_167, %dma_start3A_168, %dma_start3A_169] : memref<128x64x8192xf32, #tpu.memory_space<hbm>> -> memref<2x64x8192xf32, #tpu.memory_space<hbm>>
    tpu.enqueue_dma source(%arg1 : memref<2x64x8192xf32, #tpu.memory_space<vmem>>) target(%dma_start3A_170 : memref<2x64x8192xf32, #tpu.memory_space<hbm>>) target_semaphore(%arg3 : memref<!tpu.dma_semaphore, #tpu.memory_space<semaphore_mem>>)
    %dma_start3A_171 = arith.constant 86 : i32
    %dma_start3A_172 = arith.constant 0 : i32
    %dma_start3A_173 = arith.constant 0 : i32
    %dma_start3A_174 = tpu.memref_slice %arg2[%dma_start3A_171, %dma_start3A_172, %dma_start3A_173] : memref<128x64x8192xf32, #tpu.memory_space<hbm>> -> memref<2x64x8192xf32, #tpu.memory_space<hbm>>
    tpu.enqueue_dma source(%arg1 : memref<2x64x8192xf32, #tpu.memory_space<vmem>>) target(%dma_start3A_174 : memref<2x64x8192xf32, #tpu.memory_space<hbm>>) target_semaphore(%arg4 : memref<!tpu.dma_semaphore, #tpu.memory_space<semaphore_mem>>)
    %dma_start3A_175 = arith.constant 88 : i32
    %dma_start3A_176 = arith.constant 0 : i32
    %dma_start3A_177 = arith.constant 0 : i32
    %dma_start3A_178 = tpu.memref_slice %arg2[%dma_start3A_175, %dma_start3A_176, %dma_start3A_177] : memref<128x64x8192xf32, #tpu.memory_space<hbm>> -> memref<2x64x8192xf32, #tpu.memory_space<hbm>>
    tpu.enqueue_dma source(%arg1 : memref<2x64x8192xf32, #tpu.memory_space<vmem>>) target(%dma_start3A_178 : memref<2x64x8192xf32, #tpu.memory_space<hbm>>) target_semaphore(%arg3 : memref<!tpu.dma_semaphore, #tpu.memory_space<semaphore_mem>>)
    %dma_start3A_179 = arith.constant 90 : i32
    %dma_start3A_180 = arith.constant 0 : i32
    %dma_start3A_181 = arith.constant 0 : i32
    %dma_start3A_182 = tpu.memref_slice %arg2[%dma_start3A_179, %dma_start3A_180, %dma_start3A_181] : memref<128x64x8192xf32, #tpu.memory_space<hbm>> -> memref<2x64x8192xf32, #tpu.memory_space<hbm>>
    tpu.enqueue_dma source(%arg1 : memref<2x64x8192xf32, #tpu.memory_space<vmem>>) target(%dma_start3A_182 : memref<2x64x8192xf32, #tpu.memory_space<hbm>>) target_semaphore(%arg4 : memref<!tpu.dma_semaphore, #tpu.memory_space<semaphore_mem>>)
    %dma_start3A_183 = arith.constant 92 : i32
    %dma_start3A_184 = arith.constant 0 : i32
    %dma_start3A_185 = arith.constant 0 : i32
    %dma_start3A_186 = tpu.memref_slice %arg2[%dma_start3A_183, %dma_start3A_184, %dma_start3A_185] : memref<128x64x8192xf32, #tpu.memory_space<hbm>> -> memref<2x64x8192xf32, #tpu.memory_space<hbm>>
    tpu.enqueue_dma source(%arg1 : memref<2x64x8192xf32, #tpu.memory_space<vmem>>) target(%dma_start3A_186 : memref<2x64x8192xf32, #tpu.memory_space<hbm>>) target_semaphore(%arg3 : memref<!tpu.dma_semaphore, #tpu.memory_space<semaphore_mem>>)
    %dma_start3A_187 = arith.constant 94 : i32
    %dma_start3A_188 = arith.constant 0 : i32
    %dma_start3A_189 = arith.constant 0 : i32
    %dma_start3A_190 = tpu.memref_slice %arg2[%dma_start3A_187, %dma_start3A_188, %dma_start3A_189] : memref<128x64x8192xf32, #tpu.memory_space<hbm>> -> memref<2x64x8192xf32, #tpu.memory_space<hbm>>
    tpu.enqueue_dma source(%arg1 : memref<2x64x8192xf32, #tpu.memory_space<vmem>>) target(%dma_start3A_190 : memref<2x64x8192xf32, #tpu.memory_space<hbm>>) target_semaphore(%arg4 : memref<!tpu.dma_semaphore, #tpu.memory_space<semaphore_mem>>)
    %dma_start3A_191 = arith.constant 96 : i32
    %dma_start3A_192 = arith.constant 0 : i32
    %dma_start3A_193 = arith.constant 0 : i32
    %dma_start3A_194 = tpu.memref_slice %arg2[%dma_start3A_191, %dma_start3A_192, %dma_start3A_193] : memref<128x64x8192xf32, #tpu.memory_space<hbm>> -> memref<2x64x8192xf32, #tpu.memory_space<hbm>>
    tpu.enqueue_dma source(%arg1 : memref<2x64x8192xf32, #tpu.memory_space<vmem>>) target(%dma_start3A_194 : memref<2x64x8192xf32, #tpu.memory_space<hbm>>) target_semaphore(%arg3 : memref<!tpu.dma_semaphore, #tpu.memory_space<semaphore_mem>>)
    %dma_start3A_195 = arith.constant 98 : i32
    %dma_start3A_196 = arith.constant 0 : i32
    %dma_start3A_197 = arith.constant 0 : i32
    %dma_start3A_198 = tpu.memref_slice %arg2[%dma_start3A_195, %dma_start3A_196, %dma_start3A_197] : memref<128x64x8192xf32, #tpu.memory_space<hbm>> -> memref<2x64x8192xf32, #tpu.memory_space<hbm>>
    tpu.enqueue_dma source(%arg1 : memref<2x64x8192xf32, #tpu.memory_space<vmem>>) target(%dma_start3A_198 : memref<2x64x8192xf32, #tpu.memory_space<hbm>>) target_semaphore(%arg4 : memref<!tpu.dma_semaphore, #tpu.memory_space<semaphore_mem>>)
    %dma_start3A_199 = arith.constant 100 : i32
    %dma_start3A_200 = arith.constant 0 : i32
    %dma_start3A_201 = arith.constant 0 : i32
    %dma_start3A_202 = tpu.memref_slice %arg2[%dma_start3A_199, %dma_start3A_200, %dma_start3A_201] : memref<128x64x8192xf32, #tpu.memory_space<hbm>> -> memref<2x64x8192xf32, #tpu.memory_space<hbm>>
    tpu.enqueue_dma source(%arg1 : memref<2x64x8192xf32, #tpu.memory_space<vmem>>) target(%dma_start3A_202 : memref<2x64x8192xf32, #tpu.memory_space<hbm>>) target_semaphore(%arg3 : memref<!tpu.dma_semaphore, #tpu.memory_space<semaphore_mem>>)
    %dma_start3A_203 = arith.constant 102 : i32
    %dma_start3A_204 = arith.constant 0 : i32
    %dma_start3A_205 = arith.constant 0 : i32
    %dma_start3A_206 = tpu.memref_slice %arg2[%dma_start3A_203, %dma_start3A_204, %dma_start3A_205] : memref<128x64x8192xf32, #tpu.memory_space<hbm>> -> memref<2x64x8192xf32, #tpu.memory_space<hbm>>
    tpu.enqueue_dma source(%arg1 : memref<2x64x8192xf32, #tpu.memory_space<vmem>>) target(%dma_start3A_206 : memref<2x64x8192xf32, #tpu.memory_space<hbm>>) target_semaphore(%arg4 : memref<!tpu.dma_semaphore, #tpu.memory_space<semaphore_mem>>)
    %dma_start3A_207 = arith.constant 104 : i32
    %dma_start3A_208 = arith.constant 0 : i32
    %dma_start3A_209 = arith.constant 0 : i32
    %dma_start3A_210 = tpu.memref_slice %arg2[%dma_start3A_207, %dma_start3A_208, %dma_start3A_209] : memref<128x64x8192xf32, #tpu.memory_space<hbm>> -> memref<2x64x8192xf32, #tpu.memory_space<hbm>>
    tpu.enqueue_dma source(%arg1 : memref<2x64x8192xf32, #tpu.memory_space<vmem>>) target(%dma_start3A_210 : memref<2x64x8192xf32, #tpu.memory_space<hbm>>) target_semaphore(%arg3 : memref<!tpu.dma_semaphore, #tpu.memory_space<semaphore_mem>>)
    %dma_start3A_211 = arith.constant 106 : i32
    %dma_start3A_212 = arith.constant 0 : i32
    %dma_start3A_213 = arith.constant 0 : i32
    %dma_start3A_214 = tpu.memref_slice %arg2[%dma_start3A_211, %dma_start3A_212, %dma_start3A_213] : memref<128x64x8192xf32, #tpu.memory_space<hbm>> -> memref<2x64x8192xf32, #tpu.memory_space<hbm>>
    tpu.enqueue_dma source(%arg1 : memref<2x64x8192xf32, #tpu.memory_space<vmem>>) target(%dma_start3A_214 : memref<2x64x8192xf32, #tpu.memory_space<hbm>>) target_semaphore(%arg4 : memref<!tpu.dma_semaphore, #tpu.memory_space<semaphore_mem>>)
    %dma_start3A_215 = arith.constant 108 : i32
    %dma_start3A_216 = arith.constant 0 : i32
    %dma_start3A_217 = arith.constant 0 : i32
    %dma_start3A_218 = tpu.memref_slice %arg2[%dma_start3A_215, %dma_start3A_216, %dma_start3A_217] : memref<128x64x8192xf32, #tpu.memory_space<hbm>> -> memref<2x64x8192xf32, #tpu.memory_space<hbm>>
    tpu.enqueue_dma source(%arg1 : memref<2x64x8192xf32, #tpu.memory_space<vmem>>) target(%dma_start3A_218 : memref<2x64x8192xf32, #tpu.memory_space<hbm>>) target_semaphore(%arg3 : memref<!tpu.dma_semaphore, #tpu.memory_space<semaphore_mem>>)
    %dma_start3A_219 = arith.constant 110 : i32
    %dma_start3A_220 = arith.constant 0 : i32
    %dma_start3A_221 = arith.constant 0 : i32
    %dma_start3A_222 = tpu.memref_slice %arg2[%dma_start3A_219, %dma_start3A_220, %dma_start3A_221] : memref<128x64x8192xf32, #tpu.memory_space<hbm>> -> memref<2x64x8192xf32, #tpu.memory_space<hbm>>
    tpu.enqueue_dma source(%arg1 : memref<2x64x8192xf32, #tpu.memory_space<vmem>>) target(%dma_start3A_222 : memref<2x64x8192xf32, #tpu.memory_space<hbm>>) target_semaphore(%arg4 : memref<!tpu.dma_semaphore, #tpu.memory_space<semaphore_mem>>)
    %dma_start3A_223 = arith.constant 112 : i32
    %dma_start3A_224 = arith.constant 0 : i32
    %dma_start3A_225 = arith.constant 0 : i32
    %dma_start3A_226 = tpu.memref_slice %arg2[%dma_start3A_223, %dma_start3A_224, %dma_start3A_225] : memref<128x64x8192xf32, #tpu.memory_space<hbm>> -> memref<2x64x8192xf32, #tpu.memory_space<hbm>>
    tpu.enqueue_dma source(%arg1 : memref<2x64x8192xf32, #tpu.memory_space<vmem>>) target(%dma_start3A_226 : memref<2x64x8192xf32, #tpu.memory_space<hbm>>) target_semaphore(%arg3 : memref<!tpu.dma_semaphore, #tpu.memory_space<semaphore_mem>>)
    %dma_start3A_227 = arith.constant 114 : i32
    %dma_start3A_228 = arith.constant 0 : i32
    %dma_start3A_229 = arith.constant 0 : i32
    %dma_start3A_230 = tpu.memref_slice %arg2[%dma_start3A_227, %dma_start3A_228, %dma_start3A_229] : memref<128x64x8192xf32, #tpu.memory_space<hbm>> -> memref<2x64x8192xf32, #tpu.memory_space<hbm>>
    tpu.enqueue_dma source(%arg1 : memref<2x64x8192xf32, #tpu.memory_space<vmem>>) target(%dma_start3A_230 : memref<2x64x8192xf32, #tpu.memory_space<hbm>>) target_semaphore(%arg4 : memref<!tpu.dma_semaphore, #tpu.memory_space<semaphore_mem>>)
    %dma_start3A_231 = arith.constant 116 : i32
    %dma_start3A_232 = arith.constant 0 : i32
    %dma_start3A_233 = arith.constant 0 : i32
    %dma_start3A_234 = tpu.memref_slice %arg2[%dma_start3A_231, %dma_start3A_232, %dma_start3A_233] : memref<128x64x8192xf32, #tpu.memory_space<hbm>> -> memref<2x64x8192xf32, #tpu.memory_space<hbm>>
    tpu.enqueue_dma source(%arg1 : memref<2x64x8192xf32, #tpu.memory_space<vmem>>) target(%dma_start3A_234 : memref<2x64x8192xf32, #tpu.memory_space<hbm>>) target_semaphore(%arg3 : memref<!tpu.dma_semaphore, #tpu.memory_space<semaphore_mem>>)
    %dma_start3A_235 = arith.constant 118 : i32
    %dma_start3A_236 = arith.constant 0 : i32
    %dma_start3A_237 = arith.constant 0 : i32
    %dma_start3A_238 = tpu.memref_slice %arg2[%dma_start3A_235, %dma_start3A_236, %dma_start3A_237] : memref<128x64x8192xf32, #tpu.memory_space<hbm>> -> memref<2x64x8192xf32, #tpu.memory_space<hbm>>
    tpu.enqueue_dma source(%arg1 : memref<2x64x8192xf32, #tpu.memory_space<vmem>>) target(%dma_start3A_238 : memref<2x64x8192xf32, #tpu.memory_space<hbm>>) target_semaphore(%arg4 : memref<!tpu.dma_semaphore, #tpu.memory_space<semaphore_mem>>)
    %dma_start3A_239 = arith.constant 120 : i32
    %dma_start3A_240 = arith.constant 0 : i32
    %dma_start3A_241 = arith.constant 0 : i32
    %dma_start3A_242 = tpu.memref_slice %arg2[%dma_start3A_239, %dma_start3A_240, %dma_start3A_241] : memref<128x64x8192xf32, #tpu.memory_space<hbm>> -> memref<2x64x8192xf32, #tpu.memory_space<hbm>>
    tpu.enqueue_dma source(%arg1 : memref<2x64x8192xf32, #tpu.memory_space<vmem>>) target(%dma_start3A_242 : memref<2x64x8192xf32, #tpu.memory_space<hbm>>) target_semaphore(%arg3 : memref<!tpu.dma_semaphore, #tpu.memory_space<semaphore_mem>>)
    %dma_start3A_243 = arith.constant 122 : i32
    %dma_start3A_244 = arith.constant 0 : i32
    %dma_start3A_245 = arith.constant 0 : i32
    %dma_start3A_246 = tpu.memref_slice %arg2[%dma_start3A_243, %dma_start3A_244, %dma_start3A_245] : memref<128x64x8192xf32, #tpu.memory_space<hbm>> -> memref<2x64x8192xf32, #tpu.memory_space<hbm>>
    tpu.enqueue_dma source(%arg1 : memref<2x64x8192xf32, #tpu.memory_space<vmem>>) target(%dma_start3A_246 : memref<2x64x8192xf32, #tpu.memory_space<hbm>>) target_semaphore(%arg4 : memref<!tpu.dma_semaphore, #tpu.memory_space<semaphore_mem>>)
    %dma_start3A_247 = arith.constant 124 : i32
    %dma_start3A_248 = arith.constant 0 : i32
    %dma_start3A_249 = arith.constant 0 : i32
    %dma_start3A_250 = tpu.memref_slice %arg2[%dma_start3A_247, %dma_start3A_248, %dma_start3A_249] : memref<128x64x8192xf32, #tpu.memory_space<hbm>> -> memref<2x64x8192xf32, #tpu.memory_space<hbm>>
    tpu.enqueue_dma source(%arg1 : memref<2x64x8192xf32, #tpu.memory_space<vmem>>) target(%dma_start3A_250 : memref<2x64x8192xf32, #tpu.memory_space<hbm>>) target_semaphore(%arg3 : memref<!tpu.dma_semaphore, #tpu.memory_space<semaphore_mem>>)
    %dma_start3A_251 = arith.constant 126 : i32
    %dma_start3A_252 = arith.constant 0 : i32
    %dma_start3A_253 = arith.constant 0 : i32
    %dma_start3A_254 = tpu.memref_slice %arg2[%dma_start3A_251, %dma_start3A_252, %dma_start3A_253] : memref<128x64x8192xf32, #tpu.memory_space<hbm>> -> memref<2x64x8192xf32, #tpu.memory_space<hbm>>
    tpu.enqueue_dma source(%arg1 : memref<2x64x8192xf32, #tpu.memory_space<vmem>>) target(%dma_start3A_254 : memref<2x64x8192xf32, #tpu.memory_space<hbm>>) target_semaphore(%arg4 : memref<!tpu.dma_semaphore, #tpu.memory_space<semaphore_mem>>)
    %dma_wait3A = arith.constant 0 : i32
    %dma_wait3A_255 = arith.constant 0 : i32
    %dma_wait3A_256 = arith.constant 0 : i32
    %dma_wait3A_257 = tpu.memref_slice %arg2[%dma_wait3A, %dma_wait3A_255, %dma_wait3A_256] : memref<128x64x8192xf32, #tpu.memory_space<hbm>> -> memref<2x64x8192xf32, #tpu.memory_space<hbm>>
    tpu.wait_dma2 semaphore(%arg3 : memref<!tpu.dma_semaphore, #tpu.memory_space<semaphore_mem>>) src(%arg1 : memref<2x64x8192xf32, #tpu.memory_space<vmem>>) dst(%dma_wait3A_257 : memref<2x64x8192xf32, #tpu.memory_space<hbm>>)
    %dma_wait3A_258 = arith.constant 2 : i32
    %dma_wait3A_259 = arith.constant 0 : i32
    %dma_wait3A_260 = arith.constant 0 : i32
    %dma_wait3A_261 = tpu.memref_slice %arg2[%dma_wait3A_258, %dma_wait3A_259, %dma_wait3A_260] : memref<128x64x8192xf32, #tpu.memory_space<hbm>> -> memref<2x64x8192xf32, #tpu.memory_space<hbm>>
    tpu.wait_dma2 semaphore(%arg4 : memref<!tpu.dma_semaphore, #tpu.memory_space<semaphore_mem>>) src(%arg1 : memref<2x64x8192xf32, #tpu.memory_space<vmem>>) dst(%dma_wait3A_261 : memref<2x64x8192xf32, #tpu.memory_space<hbm>>)
    %dma_wait3A_262 = arith.constant 4 : i32
    %dma_wait3A_263 = arith.constant 0 : i32
    %dma_wait3A_264 = arith.constant 0 : i32
    %dma_wait3A_265 = tpu.memref_slice %arg2[%dma_wait3A_262, %dma_wait3A_263, %dma_wait3A_264] : memref<128x64x8192xf32, #tpu.memory_space<hbm>> -> memref<2x64x8192xf32, #tpu.memory_space<hbm>>
    tpu.wait_dma2 semaphore(%arg3 : memref<!tpu.dma_semaphore, #tpu.memory_space<semaphore_mem>>) src(%arg1 : memref<2x64x8192xf32, #tpu.memory_space<vmem>>) dst(%dma_wait3A_265 : memref<2x64x8192xf32, #tpu.memory_space<hbm>>)
    %dma_wait3A_266 = arith.constant 6 : i32
    %dma_wait3A_267 = arith.constant 0 : i32
    %dma_wait3A_268 = arith.constant 0 : i32
    %dma_wait3A_269 = tpu.memref_slice %arg2[%dma_wait3A_266, %dma_wait3A_267, %dma_wait3A_268] : memref<128x64x8192xf32, #tpu.memory_space<hbm>> -> memref<2x64x8192xf32, #tpu.memory_space<hbm>>
    tpu.wait_dma2 semaphore(%arg4 : memref<!tpu.dma_semaphore, #tpu.memory_space<semaphore_mem>>) src(%arg1 : memref<2x64x8192xf32, #tpu.memory_space<vmem>>) dst(%dma_wait3A_269 : memref<2x64x8192xf32, #tpu.memory_space<hbm>>)
    %dma_wait3A_270 = arith.constant 8 : i32
    %dma_wait3A_271 = arith.constant 0 : i32
    %dma_wait3A_272 = arith.constant 0 : i32
    %dma_wait3A_273 = tpu.memref_slice %arg2[%dma_wait3A_270, %dma_wait3A_271, %dma_wait3A_272] : memref<128x64x8192xf32, #tpu.memory_space<hbm>> -> memref<2x64x8192xf32, #tpu.memory_space<hbm>>
    tpu.wait_dma2 semaphore(%arg3 : memref<!tpu.dma_semaphore, #tpu.memory_space<semaphore_mem>>) src(%arg1 : memref<2x64x8192xf32, #tpu.memory_space<vmem>>) dst(%dma_wait3A_273 : memref<2x64x8192xf32, #tpu.memory_space<hbm>>)
    %dma_wait3A_274 = arith.constant 10 : i32
    %dma_wait3A_275 = arith.constant 0 : i32
    %dma_wait3A_276 = arith.constant 0 : i32
    %dma_wait3A_277 = tpu.memref_slice %arg2[%dma_wait3A_274, %dma_wait3A_275, %dma_wait3A_276] : memref<128x64x8192xf32, #tpu.memory_space<hbm>> -> memref<2x64x8192xf32, #tpu.memory_space<hbm>>
    tpu.wait_dma2 semaphore(%arg4 : memref<!tpu.dma_semaphore, #tpu.memory_space<semaphore_mem>>) src(%arg1 : memref<2x64x8192xf32, #tpu.memory_space<vmem>>) dst(%dma_wait3A_277 : memref<2x64x8192xf32, #tpu.memory_space<hbm>>)
    %dma_wait3A_278 = arith.constant 12 : i32
    %dma_wait3A_279 = arith.constant 0 : i32
    %dma_wait3A_280 = arith.constant 0 : i32
    %dma_wait3A_281 = tpu.memref_slice %arg2[%dma_wait3A_278, %dma_wait3A_279, %dma_wait3A_280] : memref<128x64x8192xf32, #tpu.memory_space<hbm>> -> memref<2x64x8192xf32, #tpu.memory_space<hbm>>
    tpu.wait_dma2 semaphore(%arg3 : memref<!tpu.dma_semaphore, #tpu.memory_space<semaphore_mem>>) src(%arg1 : memref<2x64x8192xf32, #tpu.memory_space<vmem>>) dst(%dma_wait3A_281 : memref<2x64x8192xf32, #tpu.memory_space<hbm>>)
    %dma_wait3A_282 = arith.constant 14 : i32
    %dma_wait3A_283 = arith.constant 0 : i32
    %dma_wait3A_284 = arith.constant 0 : i32
    %dma_wait3A_285 = tpu.memref_slice %arg2[%dma_wait3A_282, %dma_wait3A_283, %dma_wait3A_284] : memref<128x64x8192xf32, #tpu.memory_space<hbm>> -> memref<2x64x8192xf32, #tpu.memory_space<hbm>>
    tpu.wait_dma2 semaphore(%arg4 : memref<!tpu.dma_semaphore, #tpu.memory_space<semaphore_mem>>) src(%arg1 : memref<2x64x8192xf32, #tpu.memory_space<vmem>>) dst(%dma_wait3A_285 : memref<2x64x8192xf32, #tpu.memory_space<hbm>>)
    %dma_wait3A_286 = arith.constant 16 : i32
    %dma_wait3A_287 = arith.constant 0 : i32
    %dma_wait3A_288 = arith.constant 0 : i32
    %dma_wait3A_289 = tpu.memref_slice %arg2[%dma_wait3A_286, %dma_wait3A_287, %dma_wait3A_288] : memref<128x64x8192xf32, #tpu.memory_space<hbm>> -> memref<2x64x8192xf32, #tpu.memory_space<hbm>>
    tpu.wait_dma2 semaphore(%arg3 : memref<!tpu.dma_semaphore, #tpu.memory_space<semaphore_mem>>) src(%arg1 : memref<2x64x8192xf32, #tpu.memory_space<vmem>>) dst(%dma_wait3A_289 : memref<2x64x8192xf32, #tpu.memory_space<hbm>>)
    %dma_wait3A_290 = arith.constant 18 : i32
    %dma_wait3A_291 = arith.constant 0 : i32
    %dma_wait3A_292 = arith.constant 0 : i32
    %dma_wait3A_293 = tpu.memref_slice %arg2[%dma_wait3A_290, %dma_wait3A_291, %dma_wait3A_292] : memref<128x64x8192xf32, #tpu.memory_space<hbm>> -> memref<2x64x8192xf32, #tpu.memory_space<hbm>>
    tpu.wait_dma2 semaphore(%arg4 : memref<!tpu.dma_semaphore, #tpu.memory_space<semaphore_mem>>) src(%arg1 : memref<2x64x8192xf32, #tpu.memory_space<vmem>>) dst(%dma_wait3A_293 : memref<2x64x8192xf32, #tpu.memory_space<hbm>>)
    %dma_wait3A_294 = arith.constant 20 : i32
    %dma_wait3A_295 = arith.constant 0 : i32
    %dma_wait3A_296 = arith.constant 0 : i32
    %dma_wait3A_297 = tpu.memref_slice %arg2[%dma_wait3A_294, %dma_wait3A_295, %dma_wait3A_296] : memref<128x64x8192xf32, #tpu.memory_space<hbm>> -> memref<2x64x8192xf32, #tpu.memory_space<hbm>>
    tpu.wait_dma2 semaphore(%arg3 : memref<!tpu.dma_semaphore, #tpu.memory_space<semaphore_mem>>) src(%arg1 : memref<2x64x8192xf32, #tpu.memory_space<vmem>>) dst(%dma_wait3A_297 : memref<2x64x8192xf32, #tpu.memory_space<hbm>>)
    %dma_wait3A_298 = arith.constant 22 : i32
    %dma_wait3A_299 = arith.constant 0 : i32
    %dma_wait3A_300 = arith.constant 0 : i32
    %dma_wait3A_301 = tpu.memref_slice %arg2[%dma_wait3A_298, %dma_wait3A_299, %dma_wait3A_300] : memref<128x64x8192xf32, #tpu.memory_space<hbm>> -> memref<2x64x8192xf32, #tpu.memory_space<hbm>>
    tpu.wait_dma2 semaphore(%arg4 : memref<!tpu.dma_semaphore, #tpu.memory_space<semaphore_mem>>) src(%arg1 : memref<2x64x8192xf32, #tpu.memory_space<vmem>>) dst(%dma_wait3A_301 : memref<2x64x8192xf32, #tpu.memory_space<hbm>>)
    %dma_wait3A_302 = arith.constant 24 : i32
    %dma_wait3A_303 = arith.constant 0 : i32
    %dma_wait3A_304 = arith.constant 0 : i32
    %dma_wait3A_305 = tpu.memref_slice %arg2[%dma_wait3A_302, %dma_wait3A_303, %dma_wait3A_304] : memref<128x64x8192xf32, #tpu.memory_space<hbm>> -> memref<2x64x8192xf32, #tpu.memory_space<hbm>>
    tpu.wait_dma2 semaphore(%arg3 : memref<!tpu.dma_semaphore, #tpu.memory_space<semaphore_mem>>) src(%arg1 : memref<2x64x8192xf32, #tpu.memory_space<vmem>>) dst(%dma_wait3A_305 : memref<2x64x8192xf32, #tpu.memory_space<hbm>>)
    %dma_wait3A_306 = arith.constant 26 : i32
    %dma_wait3A_307 = arith.constant 0 : i32
    %dma_wait3A_308 = arith.constant 0 : i32
    %dma_wait3A_309 = tpu.memref_slice %arg2[%dma_wait3A_306, %dma_wait3A_307, %dma_wait3A_308] : memref<128x64x8192xf32, #tpu.memory_space<hbm>> -> memref<2x64x8192xf32, #tpu.memory_space<hbm>>
    tpu.wait_dma2 semaphore(%arg4 : memref<!tpu.dma_semaphore, #tpu.memory_space<semaphore_mem>>) src(%arg1 : memref<2x64x8192xf32, #tpu.memory_space<vmem>>) dst(%dma_wait3A_309 : memref<2x64x8192xf32, #tpu.memory_space<hbm>>)
    %dma_wait3A_310 = arith.constant 28 : i32
    %dma_wait3A_311 = arith.constant 0 : i32
    %dma_wait3A_312 = arith.constant 0 : i32
    %dma_wait3A_313 = tpu.memref_slice %arg2[%dma_wait3A_310, %dma_wait3A_311, %dma_wait3A_312] : memref<128x64x8192xf32, #tpu.memory_space<hbm>> -> memref<2x64x8192xf32, #tpu.memory_space<hbm>>
    tpu.wait_dma2 semaphore(%arg3 : memref<!tpu.dma_semaphore, #tpu.memory_space<semaphore_mem>>) src(%arg1 : memref<2x64x8192xf32, #tpu.memory_space<vmem>>) dst(%dma_wait3A_313 : memref<2x64x8192xf32, #tpu.memory_space<hbm>>)
    %dma_wait3A_314 = arith.constant 30 : i32
    %dma_wait3A_315 = arith.constant 0 : i32
    %dma_wait3A_316 = arith.constant 0 : i32
    %dma_wait3A_317 = tpu.memref_slice %arg2[%dma_wait3A_314, %dma_wait3A_315, %dma_wait3A_316] : memref<128x64x8192xf32, #tpu.memory_space<hbm>> -> memref<2x64x8192xf32, #tpu.memory_space<hbm>>
    tpu.wait_dma2 semaphore(%arg4 : memref<!tpu.dma_semaphore, #tpu.memory_space<semaphore_mem>>) src(%arg1 : memref<2x64x8192xf32, #tpu.memory_space<vmem>>) dst(%dma_wait3A_317 : memref<2x64x8192xf32, #tpu.memory_space<hbm>>)
    %dma_wait3A_318 = arith.constant 32 : i32
    %dma_wait3A_319 = arith.constant 0 : i32
    %dma_wait3A_320 = arith.constant 0 : i32
    %dma_wait3A_321 = tpu.memref_slice %arg2[%dma_wait3A_318, %dma_wait3A_319, %dma_wait3A_320] : memref<128x64x8192xf32, #tpu.memory_space<hbm>> -> memref<2x64x8192xf32, #tpu.memory_space<hbm>>
    tpu.wait_dma2 semaphore(%arg3 : memref<!tpu.dma_semaphore, #tpu.memory_space<semaphore_mem>>) src(%arg1 : memref<2x64x8192xf32, #tpu.memory_space<vmem>>) dst(%dma_wait3A_321 : memref<2x64x8192xf32, #tpu.memory_space<hbm>>)
    %dma_wait3A_322 = arith.constant 34 : i32
    %dma_wait3A_323 = arith.constant 0 : i32
    %dma_wait3A_324 = arith.constant 0 : i32
    %dma_wait3A_325 = tpu.memref_slice %arg2[%dma_wait3A_322, %dma_wait3A_323, %dma_wait3A_324] : memref<128x64x8192xf32, #tpu.memory_space<hbm>> -> memref<2x64x8192xf32, #tpu.memory_space<hbm>>
    tpu.wait_dma2 semaphore(%arg4 : memref<!tpu.dma_semaphore, #tpu.memory_space<semaphore_mem>>) src(%arg1 : memref<2x64x8192xf32, #tpu.memory_space<vmem>>) dst(%dma_wait3A_325 : memref<2x64x8192xf32, #tpu.memory_space<hbm>>)
    %dma_wait3A_326 = arith.constant 36 : i32
    %dma_wait3A_327 = arith.constant 0 : i32
    %dma_wait3A_328 = arith.constant 0 : i32
    %dma_wait3A_329 = tpu.memref_slice %arg2[%dma_wait3A_326, %dma_wait3A_327, %dma_wait3A_328] : memref<128x64x8192xf32, #tpu.memory_space<hbm>> -> memref<2x64x8192xf32, #tpu.memory_space<hbm>>
    tpu.wait_dma2 semaphore(%arg3 : memref<!tpu.dma_semaphore, #tpu.memory_space<semaphore_mem>>) src(%arg1 : memref<2x64x8192xf32, #tpu.memory_space<vmem>>) dst(%dma_wait3A_329 : memref<2x64x8192xf32, #tpu.memory_space<hbm>>)
    %dma_wait3A_330 = arith.constant 38 : i32
    %dma_wait3A_331 = arith.constant 0 : i32
    %dma_wait3A_332 = arith.constant 0 : i32
    %dma_wait3A_333 = tpu.memref_slice %arg2[%dma_wait3A_330, %dma_wait3A_331, %dma_wait3A_332] : memref<128x64x8192xf32, #tpu.memory_space<hbm>> -> memref<2x64x8192xf32, #tpu.memory_space<hbm>>
    tpu.wait_dma2 semaphore(%arg4 : memref<!tpu.dma_semaphore, #tpu.memory_space<semaphore_mem>>) src(%arg1 : memref<2x64x8192xf32, #tpu.memory_space<vmem>>) dst(%dma_wait3A_333 : memref<2x64x8192xf32, #tpu.memory_space<hbm>>)
    %dma_wait3A_334 = arith.constant 40 : i32
    %dma_wait3A_335 = arith.constant 0 : i32
    %dma_wait3A_336 = arith.constant 0 : i32
    %dma_wait3A_337 = tpu.memref_slice %arg2[%dma_wait3A_334, %dma_wait3A_335, %dma_wait3A_336] : memref<128x64x8192xf32, #tpu.memory_space<hbm>> -> memref<2x64x8192xf32, #tpu.memory_space<hbm>>
    tpu.wait_dma2 semaphore(%arg3 : memref<!tpu.dma_semaphore, #tpu.memory_space<semaphore_mem>>) src(%arg1 : memref<2x64x8192xf32, #tpu.memory_space<vmem>>) dst(%dma_wait3A_337 : memref<2x64x8192xf32, #tpu.memory_space<hbm>>)
    %dma_wait3A_338 = arith.constant 42 : i32
    %dma_wait3A_339 = arith.constant 0 : i32
    %dma_wait3A_340 = arith.constant 0 : i32
    %dma_wait3A_341 = tpu.memref_slice %arg2[%dma_wait3A_338, %dma_wait3A_339, %dma_wait3A_340] : memref<128x64x8192xf32, #tpu.memory_space<hbm>> -> memref<2x64x8192xf32, #tpu.memory_space<hbm>>
    tpu.wait_dma2 semaphore(%arg4 : memref<!tpu.dma_semaphore, #tpu.memory_space<semaphore_mem>>) src(%arg1 : memref<2x64x8192xf32, #tpu.memory_space<vmem>>) dst(%dma_wait3A_341 : memref<2x64x8192xf32, #tpu.memory_space<hbm>>)
    %dma_wait3A_342 = arith.constant 44 : i32
    %dma_wait3A_343 = arith.constant 0 : i32
    %dma_wait3A_344 = arith.constant 0 : i32
    %dma_wait3A_345 = tpu.memref_slice %arg2[%dma_wait3A_342, %dma_wait3A_343, %dma_wait3A_344] : memref<128x64x8192xf32, #tpu.memory_space<hbm>> -> memref<2x64x8192xf32, #tpu.memory_space<hbm>>
    tpu.wait_dma2 semaphore(%arg3 : memref<!tpu.dma_semaphore, #tpu.memory_space<semaphore_mem>>) src(%arg1 : memref<2x64x8192xf32, #tpu.memory_space<vmem>>) dst(%dma_wait3A_345 : memref<2x64x8192xf32, #tpu.memory_space<hbm>>)
    %dma_wait3A_346 = arith.constant 46 : i32
    %dma_wait3A_347 = arith.constant 0 : i32
    %dma_wait3A_348 = arith.constant 0 : i32
    %dma_wait3A_349 = tpu.memref_slice %arg2[%dma_wait3A_346, %dma_wait3A_347, %dma_wait3A_348] : memref<128x64x8192xf32, #tpu.memory_space<hbm>> -> memref<2x64x8192xf32, #tpu.memory_space<hbm>>
    tpu.wait_dma2 semaphore(%arg4 : memref<!tpu.dma_semaphore, #tpu.memory_space<semaphore_mem>>) src(%arg1 : memref<2x64x8192xf32, #tpu.memory_space<vmem>>) dst(%dma_wait3A_349 : memref<2x64x8192xf32, #tpu.memory_space<hbm>>)
    %dma_wait3A_350 = arith.constant 48 : i32
    %dma_wait3A_351 = arith.constant 0 : i32
    %dma_wait3A_352 = arith.constant 0 : i32
    %dma_wait3A_353 = tpu.memref_slice %arg2[%dma_wait3A_350, %dma_wait3A_351, %dma_wait3A_352] : memref<128x64x8192xf32, #tpu.memory_space<hbm>> -> memref<2x64x8192xf32, #tpu.memory_space<hbm>>
    tpu.wait_dma2 semaphore(%arg3 : memref<!tpu.dma_semaphore, #tpu.memory_space<semaphore_mem>>) src(%arg1 : memref<2x64x8192xf32, #tpu.memory_space<vmem>>) dst(%dma_wait3A_353 : memref<2x64x8192xf32, #tpu.memory_space<hbm>>)
    %dma_wait3A_354 = arith.constant 50 : i32
    %dma_wait3A_355 = arith.constant 0 : i32
    %dma_wait3A_356 = arith.constant 0 : i32
    %dma_wait3A_357 = tpu.memref_slice %arg2[%dma_wait3A_354, %dma_wait3A_355, %dma_wait3A_356] : memref<128x64x8192xf32, #tpu.memory_space<hbm>> -> memref<2x64x8192xf32, #tpu.memory_space<hbm>>
    tpu.wait_dma2 semaphore(%arg4 : memref<!tpu.dma_semaphore, #tpu.memory_space<semaphore_mem>>) src(%arg1 : memref<2x64x8192xf32, #tpu.memory_space<vmem>>) dst(%dma_wait3A_357 : memref<2x64x8192xf32, #tpu.memory_space<hbm>>)
    %dma_wait3A_358 = arith.constant 52 : i32
    %dma_wait3A_359 = arith.constant 0 : i32
    %dma_wait3A_360 = arith.constant 0 : i32
    %dma_wait3A_361 = tpu.memref_slice %arg2[%dma_wait3A_358, %dma_wait3A_359, %dma_wait3A_360] : memref<128x64x8192xf32, #tpu.memory_space<hbm>> -> memref<2x64x8192xf32, #tpu.memory_space<hbm>>
    tpu.wait_dma2 semaphore(%arg3 : memref<!tpu.dma_semaphore, #tpu.memory_space<semaphore_mem>>) src(%arg1 : memref<2x64x8192xf32, #tpu.memory_space<vmem>>) dst(%dma_wait3A_361 : memref<2x64x8192xf32, #tpu.memory_space<hbm>>)
    %dma_wait3A_362 = arith.constant 54 : i32
    %dma_wait3A_363 = arith.constant 0 : i32
    %dma_wait3A_364 = arith.constant 0 : i32
    %dma_wait3A_365 = tpu.memref_slice %arg2[%dma_wait3A_362, %dma_wait3A_363, %dma_wait3A_364] : memref<128x64x8192xf32, #tpu.memory_space<hbm>> -> memref<2x64x8192xf32, #tpu.memory_space<hbm>>
    tpu.wait_dma2 semaphore(%arg4 : memref<!tpu.dma_semaphore, #tpu.memory_space<semaphore_mem>>) src(%arg1 : memref<2x64x8192xf32, #tpu.memory_space<vmem>>) dst(%dma_wait3A_365 : memref<2x64x8192xf32, #tpu.memory_space<hbm>>)
    %dma_wait3A_366 = arith.constant 56 : i32
    %dma_wait3A_367 = arith.constant 0 : i32
    %dma_wait3A_368 = arith.constant 0 : i32
    %dma_wait3A_369 = tpu.memref_slice %arg2[%dma_wait3A_366, %dma_wait3A_367, %dma_wait3A_368] : memref<128x64x8192xf32, #tpu.memory_space<hbm>> -> memref<2x64x8192xf32, #tpu.memory_space<hbm>>
    tpu.wait_dma2 semaphore(%arg3 : memref<!tpu.dma_semaphore, #tpu.memory_space<semaphore_mem>>) src(%arg1 : memref<2x64x8192xf32, #tpu.memory_space<vmem>>) dst(%dma_wait3A_369 : memref<2x64x8192xf32, #tpu.memory_space<hbm>>)
    %dma_wait3A_370 = arith.constant 58 : i32
    %dma_wait3A_371 = arith.constant 0 : i32
    %dma_wait3A_372 = arith.constant 0 : i32
    %dma_wait3A_373 = tpu.memref_slice %arg2[%dma_wait3A_370, %dma_wait3A_371, %dma_wait3A_372] : memref<128x64x8192xf32, #tpu.memory_space<hbm>> -> memref<2x64x8192xf32, #tpu.memory_space<hbm>>
    tpu.wait_dma2 semaphore(%arg4 : memref<!tpu.dma_semaphore, #tpu.memory_space<semaphore_mem>>) src(%arg1 : memref<2x64x8192xf32, #tpu.memory_space<vmem>>) dst(%dma_wait3A_373 : memref<2x64x8192xf32, #tpu.memory_space<hbm>>)
    %dma_wait3A_374 = arith.constant 60 : i32
    %dma_wait3A_375 = arith.constant 0 : i32
    %dma_wait3A_376 = arith.constant 0 : i32
    %dma_wait3A_377 = tpu.memref_slice %arg2[%dma_wait3A_374, %dma_wait3A_375, %dma_wait3A_376] : memref<128x64x8192xf32, #tpu.memory_space<hbm>> -> memref<2x64x8192xf32, #tpu.memory_space<hbm>>
    tpu.wait_dma2 semaphore(%arg3 : memref<!tpu.dma_semaphore, #tpu.memory_space<semaphore_mem>>) src(%arg1 : memref<2x64x8192xf32, #tpu.memory_space<vmem>>) dst(%dma_wait3A_377 : memref<2x64x8192xf32, #tpu.memory_space<hbm>>)
    %dma_wait3A_378 = arith.constant 62 : i32
    %dma_wait3A_379 = arith.constant 0 : i32
    %dma_wait3A_380 = arith.constant 0 : i32
    %dma_wait3A_381 = tpu.memref_slice %arg2[%dma_wait3A_378, %dma_wait3A_379, %dma_wait3A_380] : memref<128x64x8192xf32, #tpu.memory_space<hbm>> -> memref<2x64x8192xf32, #tpu.memory_space<hbm>>
    tpu.wait_dma2 semaphore(%arg4 : memref<!tpu.dma_semaphore, #tpu.memory_space<semaphore_mem>>) src(%arg1 : memref<2x64x8192xf32, #tpu.memory_space<vmem>>) dst(%dma_wait3A_381 : memref<2x64x8192xf32, #tpu.memory_space<hbm>>)
    %dma_wait3A_382 = arith.constant 64 : i32
    %dma_wait3A_383 = arith.constant 0 : i32
    %dma_wait3A_384 = arith.constant 0 : i32
    %dma_wait3A_385 = tpu.memref_slice %arg2[%dma_wait3A_382, %dma_wait3A_383, %dma_wait3A_384] : memref<128x64x8192xf32, #tpu.memory_space<hbm>> -> memref<2x64x8192xf32, #tpu.memory_space<hbm>>
    tpu.wait_dma2 semaphore(%arg3 : memref<!tpu.dma_semaphore, #tpu.memory_space<semaphore_mem>>) src(%arg1 : memref<2x64x8192xf32, #tpu.memory_space<vmem>>) dst(%dma_wait3A_385 : memref<2x64x8192xf32, #tpu.memory_space<hbm>>)
    %dma_wait3A_386 = arith.constant 66 : i32
    %dma_wait3A_387 = arith.constant 0 : i32
    %dma_wait3A_388 = arith.constant 0 : i32
    %dma_wait3A_389 = tpu.memref_slice %arg2[%dma_wait3A_386, %dma_wait3A_387, %dma_wait3A_388] : memref<128x64x8192xf32, #tpu.memory_space<hbm>> -> memref<2x64x8192xf32, #tpu.memory_space<hbm>>
    tpu.wait_dma2 semaphore(%arg4 : memref<!tpu.dma_semaphore, #tpu.memory_space<semaphore_mem>>) src(%arg1 : memref<2x64x8192xf32, #tpu.memory_space<vmem>>) dst(%dma_wait3A_389 : memref<2x64x8192xf32, #tpu.memory_space<hbm>>)
    %dma_wait3A_390 = arith.constant 68 : i32
    %dma_wait3A_391 = arith.constant 0 : i32
    %dma_wait3A_392 = arith.constant 0 : i32
    %dma_wait3A_393 = tpu.memref_slice %arg2[%dma_wait3A_390, %dma_wait3A_391, %dma_wait3A_392] : memref<128x64x8192xf32, #tpu.memory_space<hbm>> -> memref<2x64x8192xf32, #tpu.memory_space<hbm>>
    tpu.wait_dma2 semaphore(%arg3 : memref<!tpu.dma_semaphore, #tpu.memory_space<semaphore_mem>>) src(%arg1 : memref<2x64x8192xf32, #tpu.memory_space<vmem>>) dst(%dma_wait3A_393 : memref<2x64x8192xf32, #tpu.memory_space<hbm>>)
    %dma_wait3A_394 = arith.constant 70 : i32
    %dma_wait3A_395 = arith.constant 0 : i32
    %dma_wait3A_396 = arith.constant 0 : i32
    %dma_wait3A_397 = tpu.memref_slice %arg2[%dma_wait3A_394, %dma_wait3A_395, %dma_wait3A_396] : memref<128x64x8192xf32, #tpu.memory_space<hbm>> -> memref<2x64x8192xf32, #tpu.memory_space<hbm>>
    tpu.wait_dma2 semaphore(%arg4 : memref<!tpu.dma_semaphore, #tpu.memory_space<semaphore_mem>>) src(%arg1 : memref<2x64x8192xf32, #tpu.memory_space<vmem>>) dst(%dma_wait3A_397 : memref<2x64x8192xf32, #tpu.memory_space<hbm>>)
    %dma_wait3A_398 = arith.constant 72 : i32
    %dma_wait3A_399 = arith.constant 0 : i32
    %dma_wait3A_400 = arith.constant 0 : i32
    %dma_wait3A_401 = tpu.memref_slice %arg2[%dma_wait3A_398, %dma_wait3A_399, %dma_wait3A_400] : memref<128x64x8192xf32, #tpu.memory_space<hbm>> -> memref<2x64x8192xf32, #tpu.memory_space<hbm>>
    tpu.wait_dma2 semaphore(%arg3 : memref<!tpu.dma_semaphore, #tpu.memory_space<semaphore_mem>>) src(%arg1 : memref<2x64x8192xf32, #tpu.memory_space<vmem>>) dst(%dma_wait3A_401 : memref<2x64x8192xf32, #tpu.memory_space<hbm>>)
    %dma_wait3A_402 = arith.constant 74 : i32
    %dma_wait3A_403 = arith.constant 0 : i32
    %dma_wait3A_404 = arith.constant 0 : i32
    %dma_wait3A_405 = tpu.memref_slice %arg2[%dma_wait3A_402, %dma_wait3A_403, %dma_wait3A_404] : memref<128x64x8192xf32, #tpu.memory_space<hbm>> -> memref<2x64x8192xf32, #tpu.memory_space<hbm>>
    tpu.wait_dma2 semaphore(%arg4 : memref<!tpu.dma_semaphore, #tpu.memory_space<semaphore_mem>>) src(%arg1 : memref<2x64x8192xf32, #tpu.memory_space<vmem>>) dst(%dma_wait3A_405 : memref<2x64x8192xf32, #tpu.memory_space<hbm>>)
    %dma_wait3A_406 = arith.constant 76 : i32
    %dma_wait3A_407 = arith.constant 0 : i32
    %dma_wait3A_408 = arith.constant 0 : i32
    %dma_wait3A_409 = tpu.memref_slice %arg2[%dma_wait3A_406, %dma_wait3A_407, %dma_wait3A_408] : memref<128x64x8192xf32, #tpu.memory_space<hbm>> -> memref<2x64x8192xf32, #tpu.memory_space<hbm>>
    tpu.wait_dma2 semaphore(%arg3 : memref<!tpu.dma_semaphore, #tpu.memory_space<semaphore_mem>>) src(%arg1 : memref<2x64x8192xf32, #tpu.memory_space<vmem>>) dst(%dma_wait3A_409 : memref<2x64x8192xf32, #tpu.memory_space<hbm>>)
    %dma_wait3A_410 = arith.constant 78 : i32
    %dma_wait3A_411 = arith.constant 0 : i32
    %dma_wait3A_412 = arith.constant 0 : i32
    %dma_wait3A_413 = tpu.memref_slice %arg2[%dma_wait3A_410, %dma_wait3A_411, %dma_wait3A_412] : memref<128x64x8192xf32, #tpu.memory_space<hbm>> -> memref<2x64x8192xf32, #tpu.memory_space<hbm>>
    tpu.wait_dma2 semaphore(%arg4 : memref<!tpu.dma_semaphore, #tpu.memory_space<semaphore_mem>>) src(%arg1 : memref<2x64x8192xf32, #tpu.memory_space<vmem>>) dst(%dma_wait3A_413 : memref<2x64x8192xf32, #tpu.memory_space<hbm>>)
    %dma_wait3A_414 = arith.constant 80 : i32
    %dma_wait3A_415 = arith.constant 0 : i32
    %dma_wait3A_416 = arith.constant 0 : i32
    %dma_wait3A_417 = tpu.memref_slice %arg2[%dma_wait3A_414, %dma_wait3A_415, %dma_wait3A_416] : memref<128x64x8192xf32, #tpu.memory_space<hbm>> -> memref<2x64x8192xf32, #tpu.memory_space<hbm>>
    tpu.wait_dma2 semaphore(%arg3 : memref<!tpu.dma_semaphore, #tpu.memory_space<semaphore_mem>>) src(%arg1 : memref<2x64x8192xf32, #tpu.memory_space<vmem>>) dst(%dma_wait3A_417 : memref<2x64x8192xf32, #tpu.memory_space<hbm>>)
    %dma_wait3A_418 = arith.constant 82 : i32
    %dma_wait3A_419 = arith.constant 0 : i32
    %dma_wait3A_420 = arith.constant 0 : i32
    %dma_wait3A_421 = tpu.memref_slice %arg2[%dma_wait3A_418, %dma_wait3A_419, %dma_wait3A_420] : memref<128x64x8192xf32, #tpu.memory_space<hbm>> -> memref<2x64x8192xf32, #tpu.memory_space<hbm>>
    tpu.wait_dma2 semaphore(%arg4 : memref<!tpu.dma_semaphore, #tpu.memory_space<semaphore_mem>>) src(%arg1 : memref<2x64x8192xf32, #tpu.memory_space<vmem>>) dst(%dma_wait3A_421 : memref<2x64x8192xf32, #tpu.memory_space<hbm>>)
    %dma_wait3A_422 = arith.constant 84 : i32
    %dma_wait3A_423 = arith.constant 0 : i32
    %dma_wait3A_424 = arith.constant 0 : i32
    %dma_wait3A_425 = tpu.memref_slice %arg2[%dma_wait3A_422, %dma_wait3A_423, %dma_wait3A_424] : memref<128x64x8192xf32, #tpu.memory_space<hbm>> -> memref<2x64x8192xf32, #tpu.memory_space<hbm>>
    tpu.wait_dma2 semaphore(%arg3 : memref<!tpu.dma_semaphore, #tpu.memory_space<semaphore_mem>>) src(%arg1 : memref<2x64x8192xf32, #tpu.memory_space<vmem>>) dst(%dma_wait3A_425 : memref<2x64x8192xf32, #tpu.memory_space<hbm>>)
    %dma_wait3A_426 = arith.constant 86 : i32
    %dma_wait3A_427 = arith.constant 0 : i32
    %dma_wait3A_428 = arith.constant 0 : i32
    %dma_wait3A_429 = tpu.memref_slice %arg2[%dma_wait3A_426, %dma_wait3A_427, %dma_wait3A_428] : memref<128x64x8192xf32, #tpu.memory_space<hbm>> -> memref<2x64x8192xf32, #tpu.memory_space<hbm>>
    tpu.wait_dma2 semaphore(%arg4 : memref<!tpu.dma_semaphore, #tpu.memory_space<semaphore_mem>>) src(%arg1 : memref<2x64x8192xf32, #tpu.memory_space<vmem>>) dst(%dma_wait3A_429 : memref<2x64x8192xf32, #tpu.memory_space<hbm>>)
    %dma_wait3A_430 = arith.constant 88 : i32
    %dma_wait3A_431 = arith.constant 0 : i32
    %dma_wait3A_432 = arith.constant 0 : i32
    %dma_wait3A_433 = tpu.memref_slice %arg2[%dma_wait3A_430, %dma_wait3A_431, %dma_wait3A_432] : memref<128x64x8192xf32, #tpu.memory_space<hbm>> -> memref<2x64x8192xf32, #tpu.memory_space<hbm>>
    tpu.wait_dma2 semaphore(%arg3 : memref<!tpu.dma_semaphore, #tpu.memory_space<semaphore_mem>>) src(%arg1 : memref<2x64x8192xf32, #tpu.memory_space<vmem>>) dst(%dma_wait3A_433 : memref<2x64x8192xf32, #tpu.memory_space<hbm>>)
    %dma_wait3A_434 = arith.constant 90 : i32
    %dma_wait3A_435 = arith.constant 0 : i32
    %dma_wait3A_436 = arith.constant 0 : i32
    %dma_wait3A_437 = tpu.memref_slice %arg2[%dma_wait3A_434, %dma_wait3A_435, %dma_wait3A_436] : memref<128x64x8192xf32, #tpu.memory_space<hbm>> -> memref<2x64x8192xf32, #tpu.memory_space<hbm>>
    tpu.wait_dma2 semaphore(%arg4 : memref<!tpu.dma_semaphore, #tpu.memory_space<semaphore_mem>>) src(%arg1 : memref<2x64x8192xf32, #tpu.memory_space<vmem>>) dst(%dma_wait3A_437 : memref<2x64x8192xf32, #tpu.memory_space<hbm>>)
    %dma_wait3A_438 = arith.constant 92 : i32
    %dma_wait3A_439 = arith.constant 0 : i32
    %dma_wait3A_440 = arith.constant 0 : i32
    %dma_wait3A_441 = tpu.memref_slice %arg2[%dma_wait3A_438, %dma_wait3A_439, %dma_wait3A_440] : memref<128x64x8192xf32, #tpu.memory_space<hbm>> -> memref<2x64x8192xf32, #tpu.memory_space<hbm>>
    tpu.wait_dma2 semaphore(%arg3 : memref<!tpu.dma_semaphore, #tpu.memory_space<semaphore_mem>>) src(%arg1 : memref<2x64x8192xf32, #tpu.memory_space<vmem>>) dst(%dma_wait3A_441 : memref<2x64x8192xf32, #tpu.memory_space<hbm>>)
    %dma_wait3A_442 = arith.constant 94 : i32
    %dma_wait3A_443 = arith.constant 0 : i32
    %dma_wait3A_444 = arith.constant 0 : i32
    %dma_wait3A_445 = tpu.memref_slice %arg2[%dma_wait3A_442, %dma_wait3A_443, %dma_wait3A_444] : memref<128x64x8192xf32, #tpu.memory_space<hbm>> -> memref<2x64x8192xf32, #tpu.memory_space<hbm>>
    tpu.wait_dma2 semaphore(%arg4 : memref<!tpu.dma_semaphore, #tpu.memory_space<semaphore_mem>>) src(%arg1 : memref<2x64x8192xf32, #tpu.memory_space<vmem>>) dst(%dma_wait3A_445 : memref<2x64x8192xf32, #tpu.memory_space<hbm>>)
    %dma_wait3A_446 = arith.constant 96 : i32
    %dma_wait3A_447 = arith.constant 0 : i32
    %dma_wait3A_448 = arith.constant 0 : i32
    %dma_wait3A_449 = tpu.memref_slice %arg2[%dma_wait3A_446, %dma_wait3A_447, %dma_wait3A_448] : memref<128x64x8192xf32, #tpu.memory_space<hbm>> -> memref<2x64x8192xf32, #tpu.memory_space<hbm>>
    tpu.wait_dma2 semaphore(%arg3 : memref<!tpu.dma_semaphore, #tpu.memory_space<semaphore_mem>>) src(%arg1 : memref<2x64x8192xf32, #tpu.memory_space<vmem>>) dst(%dma_wait3A_449 : memref<2x64x8192xf32, #tpu.memory_space<hbm>>)
    %dma_wait3A_450 = arith.constant 98 : i32
    %dma_wait3A_451 = arith.constant 0 : i32
    %dma_wait3A_452 = arith.constant 0 : i32
    %dma_wait3A_453 = tpu.memref_slice %arg2[%dma_wait3A_450, %dma_wait3A_451, %dma_wait3A_452] : memref<128x64x8192xf32, #tpu.memory_space<hbm>> -> memref<2x64x8192xf32, #tpu.memory_space<hbm>>
    tpu.wait_dma2 semaphore(%arg4 : memref<!tpu.dma_semaphore, #tpu.memory_space<semaphore_mem>>) src(%arg1 : memref<2x64x8192xf32, #tpu.memory_space<vmem>>) dst(%dma_wait3A_453 : memref<2x64x8192xf32, #tpu.memory_space<hbm>>)
    %dma_wait3A_454 = arith.constant 100 : i32
    %dma_wait3A_455 = arith.constant 0 : i32
    %dma_wait3A_456 = arith.constant 0 : i32
    %dma_wait3A_457 = tpu.memref_slice %arg2[%dma_wait3A_454, %dma_wait3A_455, %dma_wait3A_456] : memref<128x64x8192xf32, #tpu.memory_space<hbm>> -> memref<2x64x8192xf32, #tpu.memory_space<hbm>>
    tpu.wait_dma2 semaphore(%arg3 : memref<!tpu.dma_semaphore, #tpu.memory_space<semaphore_mem>>) src(%arg1 : memref<2x64x8192xf32, #tpu.memory_space<vmem>>) dst(%dma_wait3A_457 : memref<2x64x8192xf32, #tpu.memory_space<hbm>>)
    %dma_wait3A_458 = arith.constant 102 : i32
    %dma_wait3A_459 = arith.constant 0 : i32
    %dma_wait3A_460 = arith.constant 0 : i32
    %dma_wait3A_461 = tpu.memref_slice %arg2[%dma_wait3A_458, %dma_wait3A_459, %dma_wait3A_460] : memref<128x64x8192xf32, #tpu.memory_space<hbm>> -> memref<2x64x8192xf32, #tpu.memory_space<hbm>>
    tpu.wait_dma2 semaphore(%arg4 : memref<!tpu.dma_semaphore, #tpu.memory_space<semaphore_mem>>) src(%arg1 : memref<2x64x8192xf32, #tpu.memory_space<vmem>>) dst(%dma_wait3A_461 : memref<2x64x8192xf32, #tpu.memory_space<hbm>>)
    %dma_wait3A_462 = arith.constant 104 : i32
    %dma_wait3A_463 = arith.constant 0 : i32
    %dma_wait3A_464 = arith.constant 0 : i32
    %dma_wait3A_465 = tpu.memref_slice %arg2[%dma_wait3A_462, %dma_wait3A_463, %dma_wait3A_464] : memref<128x64x8192xf32, #tpu.memory_space<hbm>> -> memref<2x64x8192xf32, #tpu.memory_space<hbm>>
    tpu.wait_dma2 semaphore(%arg3 : memref<!tpu.dma_semaphore, #tpu.memory_space<semaphore_mem>>) src(%arg1 : memref<2x64x8192xf32, #tpu.memory_space<vmem>>) dst(%dma_wait3A_465 : memref<2x64x8192xf32, #tpu.memory_space<hbm>>)
    %dma_wait3A_466 = arith.constant 106 : i32
    %dma_wait3A_467 = arith.constant 0 : i32
    %dma_wait3A_468 = arith.constant 0 : i32
    %dma_wait3A_469 = tpu.memref_slice %arg2[%dma_wait3A_466, %dma_wait3A_467, %dma_wait3A_468] : memref<128x64x8192xf32, #tpu.memory_space<hbm>> -> memref<2x64x8192xf32, #tpu.memory_space<hbm>>
    tpu.wait_dma2 semaphore(%arg4 : memref<!tpu.dma_semaphore, #tpu.memory_space<semaphore_mem>>) src(%arg1 : memref<2x64x8192xf32, #tpu.memory_space<vmem>>) dst(%dma_wait3A_469 : memref<2x64x8192xf32, #tpu.memory_space<hbm>>)
    %dma_wait3A_470 = arith.constant 108 : i32
    %dma_wait3A_471 = arith.constant 0 : i32
    %dma_wait3A_472 = arith.constant 0 : i32
    %dma_wait3A_473 = tpu.memref_slice %arg2[%dma_wait3A_470, %dma_wait3A_471, %dma_wait3A_472] : memref<128x64x8192xf32, #tpu.memory_space<hbm>> -> memref<2x64x8192xf32, #tpu.memory_space<hbm>>
    tpu.wait_dma2 semaphore(%arg3 : memref<!tpu.dma_semaphore, #tpu.memory_space<semaphore_mem>>) src(%arg1 : memref<2x64x8192xf32, #tpu.memory_space<vmem>>) dst(%dma_wait3A_473 : memref<2x64x8192xf32, #tpu.memory_space<hbm>>)
    %dma_wait3A_474 = arith.constant 110 : i32
    %dma_wait3A_475 = arith.constant 0 : i32
    %dma_wait3A_476 = arith.constant 0 : i32
    %dma_wait3A_477 = tpu.memref_slice %arg2[%dma_wait3A_474, %dma_wait3A_475, %dma_wait3A_476] : memref<128x64x8192xf32, #tpu.memory_space<hbm>> -> memref<2x64x8192xf32, #tpu.memory_space<hbm>>
    tpu.wait_dma2 semaphore(%arg4 : memref<!tpu.dma_semaphore, #tpu.memory_space<semaphore_mem>>) src(%arg1 : memref<2x64x8192xf32, #tpu.memory_space<vmem>>) dst(%dma_wait3A_477 : memref<2x64x8192xf32, #tpu.memory_space<hbm>>)
    %dma_wait3A_478 = arith.constant 112 : i32
    %dma_wait3A_479 = arith.constant 0 : i32
    %dma_wait3A_480 = arith.constant 0 : i32
    %dma_wait3A_481 = tpu.memref_slice %arg2[%dma_wait3A_478, %dma_wait3A_479, %dma_wait3A_480] : memref<128x64x8192xf32, #tpu.memory_space<hbm>> -> memref<2x64x8192xf32, #tpu.memory_space<hbm>>
    tpu.wait_dma2 semaphore(%arg3 : memref<!tpu.dma_semaphore, #tpu.memory_space<semaphore_mem>>) src(%arg1 : memref<2x64x8192xf32, #tpu.memory_space<vmem>>) dst(%dma_wait3A_481 : memref<2x64x8192xf32, #tpu.memory_space<hbm>>)
    %dma_wait3A_482 = arith.constant 114 : i32
    %dma_wait3A_483 = arith.constant 0 : i32
    %dma_wait3A_484 = arith.constant 0 : i32
    %dma_wait3A_485 = tpu.memref_slice %arg2[%dma_wait3A_482, %dma_wait3A_483, %dma_wait3A_484] : memref<128x64x8192xf32, #tpu.memory_space<hbm>> -> memref<2x64x8192xf32, #tpu.memory_space<hbm>>
    tpu.wait_dma2 semaphore(%arg4 : memref<!tpu.dma_semaphore, #tpu.memory_space<semaphore_mem>>) src(%arg1 : memref<2x64x8192xf32, #tpu.memory_space<vmem>>) dst(%dma_wait3A_485 : memref<2x64x8192xf32, #tpu.memory_space<hbm>>)
    %dma_wait3A_486 = arith.constant 116 : i32
    %dma_wait3A_487 = arith.constant 0 : i32
    %dma_wait3A_488 = arith.constant 0 : i32
    %dma_wait3A_489 = tpu.memref_slice %arg2[%dma_wait3A_486, %dma_wait3A_487, %dma_wait3A_488] : memref<128x64x8192xf32, #tpu.memory_space<hbm>> -> memref<2x64x8192xf32, #tpu.memory_space<hbm>>
    tpu.wait_dma2 semaphore(%arg3 : memref<!tpu.dma_semaphore, #tpu.memory_space<semaphore_mem>>) src(%arg1 : memref<2x64x8192xf32, #tpu.memory_space<vmem>>) dst(%dma_wait3A_489 : memref<2x64x8192xf32, #tpu.memory_space<hbm>>)
    %dma_wait3A_490 = arith.constant 118 : i32
    %dma_wait3A_491 = arith.constant 0 : i32
    %dma_wait3A_492 = arith.constant 0 : i32
    %dma_wait3A_493 = tpu.memref_slice %arg2[%dma_wait3A_490, %dma_wait3A_491, %dma_wait3A_492] : memref<128x64x8192xf32, #tpu.memory_space<hbm>> -> memref<2x64x8192xf32, #tpu.memory_space<hbm>>
    tpu.wait_dma2 semaphore(%arg4 : memref<!tpu.dma_semaphore, #tpu.memory_space<semaphore_mem>>) src(%arg1 : memref<2x64x8192xf32, #tpu.memory_space<vmem>>) dst(%dma_wait3A_493 : memref<2x64x8192xf32, #tpu.memory_space<hbm>>)
    %dma_wait3A_494 = arith.constant 120 : i32
    %dma_wait3A_495 = arith.constant 0 : i32
    %dma_wait3A_496 = arith.constant 0 : i32
    %dma_wait3A_497 = tpu.memref_slice %arg2[%dma_wait3A_494, %dma_wait3A_495, %dma_wait3A_496] : memref<128x64x8192xf32, #tpu.memory_space<hbm>> -> memref<2x64x8192xf32, #tpu.memory_space<hbm>>
    tpu.wait_dma2 semaphore(%arg3 : memref<!tpu.dma_semaphore, #tpu.memory_space<semaphore_mem>>) src(%arg1 : memref<2x64x8192xf32, #tpu.memory_space<vmem>>) dst(%dma_wait3A_497 : memref<2x64x8192xf32, #tpu.memory_space<hbm>>)
    %dma_wait3A_498 = arith.constant 122 : i32
    %dma_wait3A_499 = arith.constant 0 : i32
    %dma_wait3A_500 = arith.constant 0 : i32
    %dma_wait3A_501 = tpu.memref_slice %arg2[%dma_wait3A_498, %dma_wait3A_499, %dma_wait3A_500] : memref<128x64x8192xf32, #tpu.memory_space<hbm>> -> memref<2x64x8192xf32, #tpu.memory_space<hbm>>
    tpu.wait_dma2 semaphore(%arg4 : memref<!tpu.dma_semaphore, #tpu.memory_space<semaphore_mem>>) src(%arg1 : memref<2x64x8192xf32, #tpu.memory_space<vmem>>) dst(%dma_wait3A_501 : memref<2x64x8192xf32, #tpu.memory_space<hbm>>)
    %dma_wait3A_502 = arith.constant 124 : i32
    %dma_wait3A_503 = arith.constant 0 : i32
    %dma_wait3A_504 = arith.constant 0 : i32
    %dma_wait3A_505 = tpu.memref_slice %arg2[%dma_wait3A_502, %dma_wait3A_503, %dma_wait3A_504] : memref<128x64x8192xf32, #tpu.memory_space<hbm>> -> memref<2x64x8192xf32, #tpu.memory_space<hbm>>
    tpu.wait_dma2 semaphore(%arg3 : memref<!tpu.dma_semaphore, #tpu.memory_space<semaphore_mem>>) src(%arg1 : memref<2x64x8192xf32, #tpu.memory_space<vmem>>) dst(%dma_wait3A_505 : memref<2x64x8192xf32, #tpu.memory_space<hbm>>)
    %dma_wait3A_506 = arith.constant 126 : i32
    %dma_wait3A_507 = arith.constant 0 : i32
    %dma_wait3A_508 = arith.constant 0 : i32
    %dma_wait3A_509 = tpu.memref_slice %arg2[%dma_wait3A_506, %dma_wait3A_507, %dma_wait3A_508] : memref<128x64x8192xf32, #tpu.memory_space<hbm>> -> memref<2x64x8192xf32, #tpu.memory_space<hbm>>
    tpu.wait_dma2 semaphore(%arg4 : memref<!tpu.dma_semaphore, #tpu.memory_space<semaphore_mem>>) src(%arg1 : memref<2x64x8192xf32, #tpu.memory_space<vmem>>) dst(%dma_wait3A_509 : memref<2x64x8192xf32, #tpu.memory_space<hbm>>)
    return
  }
  func.func @transform_0(%arg0: i32) -> (i32, i32, i32) {
    %c0_i32 = arith.constant 0 : i32
    %c0_i32_0 = arith.constant 0 : i32
    %c0_i32_1 = arith.constant 0 : i32
    %c0_i32_2 = arith.constant 0 : i32
    return %c0_i32, %c0_i32_0, %c0_i32_1 : i32, i32, i32
  }
}

module attributes {stable_mosaic.version = 14 : i64} {
  func.func @_patch_body(%arg0: i32, %arg1: memref<128xi32, #tpu.memory_space<smem>>, %arg2: memref<128x64x8192xf32, #tpu.memory_space<hbm>>, %arg3: memref<128x64x128xf32, #tpu.memory_space<vmem>>, %arg4: memref<128x1xi32, #tpu.memory_space<vmem>>, %arg5: memref<128x64x8192xf32, #tpu.memory_space<hbm>>, %arg6: memref<128x64x128xf32, #tpu.memory_space<vmem>>, %arg7: memref<!tpu.dma_semaphore, #tpu.memory_space<semaphore_mem>>) attributes {dimension_semantics = [#tpu.dimension_semantics<arbitrary>], iteration_bounds = array<i64: 1>, scalar_prefetch = 1 : i64, scratch_operands = 2 : i64, tpu.core_type = #tpu.core_type<tc>, window_params = [{}, {pipeline_mode = #tpu.pipeline_mode<synchronous>, transform_indices = @transform_1, window_bounds = array<i64: 128, 64, 128>}, {pipeline_mode = #tpu.pipeline_mode<synchronous>, transform_indices = @transform_2, window_bounds = array<i64: 128, 1>}, {}]} {
    %get3A = arith.constant 0 : index
    %get3A_0 = arith.constant 0 : index
    %get3A_1 = vector.load %arg4[%get3A, %get3A_0] : memref<128x1xi32, #tpu.memory_space<vmem>>, vector<128x1xi32>
    %rem3A = arith.constant 128 : i32
    %rem3A_2 = vector.broadcast %rem3A : i32 to vector<128x1xi32>
    %rem3A_3 = arith.remsi %get3A_1, %rem3A_2 : vector<128x1xi32>
    %reshape3A = vector.shape_cast %rem3A_3 : vector<128x1xi32> to vector<128x1x1xi32>
    %iota3A = tpu.iota {dimensions = array<i32: 2>} : vector<128x64x128xi32>
    %eq3A = vector.broadcast %reshape3A : vector<128x1x1xi32> to vector<128x64x128xi32>
    %eq3A_4 = arith.cmpi eq, %iota3A, %eq3A : vector<128x64x128xi32>
    %get3A_5 = arith.constant 0 : index
    %get3A_6 = arith.constant 0 : index
    %get3A_7 = arith.constant 0 : index
    %get3A_8 = vector.load %arg3[%get3A_5, %get3A_6, %get3A_7] : memref<128x64x128xf32, #tpu.memory_space<vmem>>, vector<128x64x128xf32>
    %jit3A = arith.constant 0.000000e+00 : f32
    %broadcast_in_dim3A = vector.broadcast %jit3A : f32 to vector<128x64x128xf32>
    %select_n3A = arith.select %eq3A_4, %get3A_8, %broadcast_in_dim3A : vector<128x64x128xi1>, vector<128x64x128xf32>
    %swap3A = arith.constant 0 : index
    %swap3A_9 = arith.constant 0 : index
    %swap3A_10 = arith.constant 0 : index
    %swap3A_11 = vector.load %arg6[%swap3A, %swap3A_9, %swap3A_10] : memref<128x64x128xf32, #tpu.memory_space<vmem>>, vector<128x64x128xf32>
    tpu.vector_store %arg6[%swap3A, %swap3A_9, %swap3A_10], %select_n3A {strides = array<i32>} : memref<128x64x128xf32, #tpu.memory_space<vmem>>, vector<128x64x128xf32>,
    %get3A_12 = arith.constant 0 : index
    %get3A_13 = memref.load %arg1[%get3A_12] : memref<128xi32, #tpu.memory_space<smem>>
    %shift_right_arithmetic3A = arith.constant 7 : i32
    %shift_right_arithmetic3A_14 = arith.shrsi %get3A_13, %shift_right_arithmetic3A : i32
    %shift_left3A = arith.constant 7 : i32
    %shift_left3A_15 = arith.shli %shift_right_arithmetic3A_14, %shift_left3A : i32
    %multiple_of3A = tpu.assume_multiple %shift_left3A_15, 128 : i32
    %dma_start3A = arith.constant 0 : i32
    %dma_start3A_16 = arith.constant 0 : i32
    %dma_start3A_17 = arith.constant 0 : i32
    %dma_start3A_18 = tpu.memref_slice %arg5[%dma_start3A_16, %dma_start3A_17, %multiple_of3A] : memref<128x64x8192xf32, #tpu.memory_space<hbm>> -> memref<1x64x128xf32, #tpu.memory_space<hbm>>
    %dma_start3A_19 = tpu.memref_squeeze %dma_start3A_18 : memref<1x64x128xf32, #tpu.memory_space<hbm>> -> memref<64x128xf32, #tpu.memory_space<hbm>>
    %dma_start3A_20 = arith.constant 0 : i32
    %dma_start3A_21 = arith.constant 0 : i32
    %dma_start3A_22 = tpu.memref_slice %arg6[%dma_start3A, %dma_start3A_20, %dma_start3A_21] : memref<128x64x128xf32, #tpu.memory_space<vmem>> -> memref<1x64x128xf32, #tpu.memory_space<vmem>>
    %dma_start3A_23 = tpu.memref_squeeze %dma_start3A_22 : memref<1x64x128xf32, #tpu.memory_space<vmem>> -> memref<64x128xf32, #tpu.memory_space<vmem>>
    tpu.enqueue_dma source(%dma_start3A_23 : memref<64x128xf32, #tpu.memory_space<vmem>>) target(%dma_start3A_19 : memref<64x128xf32, #tpu.memory_space<hbm>>) target_semaphore(%arg7 : memref<!tpu.dma_semaphore, #tpu.memory_space<semaphore_mem>>)
    %get3A_24 = arith.constant 1 : index
    %get3A_25 = memref.load %arg1[%get3A_24] : memref<128xi32, #tpu.memory_space<smem>>
    %shift_right_arithmetic3A_26 = arith.constant 7 : i32
    %shift_right_arithmetic3A_27 = arith.shrsi %get3A_25, %shift_right_arithmetic3A_26 : i32
    %shift_left3A_28 = arith.constant 7 : i32
    %shift_left3A_29 = arith.shli %shift_right_arithmetic3A_27, %shift_left3A_28 : i32
    %multiple_of3A_30 = tpu.assume_multiple %shift_left3A_29, 128 : i32
    %dma_start3A_31 = arith.constant 1 : i32
    %dma_start3A_32 = arith.constant 1 : i32
    %dma_start3A_33 = arith.constant 0 : i32
    %dma_start3A_34 = tpu.memref_slice %arg5[%dma_start3A_32, %dma_start3A_33, %multiple_of3A_30] : memref<128x64x8192xf32, #tpu.memory_space<hbm>> -> memref<1x64x128xf32, #tpu.memory_space<hbm>>
    %dma_start3A_35 = tpu.memref_squeeze %dma_start3A_34 : memref<1x64x128xf32, #tpu.memory_space<hbm>> -> memref<64x128xf32, #tpu.memory_space<hbm>>
    %dma_start3A_36 = arith.constant 0 : i32
    %dma_start3A_37 = arith.constant 0 : i32
    %dma_start3A_38 = tpu.memref_slice %arg6[%dma_start3A_31, %dma_start3A_36, %dma_start3A_37] : memref<128x64x128xf32, #tpu.memory_space<vmem>> -> memref<1x64x128xf32, #tpu.memory_space<vmem>>
    %dma_start3A_39 = tpu.memref_squeeze %dma_start3A_38 : memref<1x64x128xf32, #tpu.memory_space<vmem>> -> memref<64x128xf32, #tpu.memory_space<vmem>>
    tpu.enqueue_dma source(%dma_start3A_39 : memref<64x128xf32, #tpu.memory_space<vmem>>) target(%dma_start3A_35 : memref<64x128xf32, #tpu.memory_space<hbm>>) target_semaphore(%arg7 : memref<!tpu.dma_semaphore, #tpu.memory_space<semaphore_mem>>)
    %get3A_40 = arith.constant 2 : index
    %get3A_41 = memref.load %arg1[%get3A_40] : memref<128xi32, #tpu.memory_space<smem>>
    %shift_right_arithmetic3A_42 = arith.constant 7 : i32
    %shift_right_arithmetic3A_43 = arith.shrsi %get3A_41, %shift_right_arithmetic3A_42 : i32
    %shift_left3A_44 = arith.constant 7 : i32
    %shift_left3A_45 = arith.shli %shift_right_arithmetic3A_43, %shift_left3A_44 : i32
    %multiple_of3A_46 = tpu.assume_multiple %shift_left3A_45, 128 : i32
    %dma_start3A_47 = arith.constant 2 : i32
    %dma_start3A_48 = arith.constant 2 : i32
    %dma_start3A_49 = arith.constant 0 : i32
    %dma_start3A_50 = tpu.memref_slice %arg5[%dma_start3A_48, %dma_start3A_49, %multiple_of3A_46] : memref<128x64x8192xf32, #tpu.memory_space<hbm>> -> memref<1x64x128xf32, #tpu.memory_space<hbm>>
    %dma_start3A_51 = tpu.memref_squeeze %dma_start3A_50 : memref<1x64x128xf32, #tpu.memory_space<hbm>> -> memref<64x128xf32, #tpu.memory_space<hbm>>
    %dma_start3A_52 = arith.constant 0 : i32
    %dma_start3A_53 = arith.constant 0 : i32
    %dma_start3A_54 = tpu.memref_slice %arg6[%dma_start3A_47, %dma_start3A_52, %dma_start3A_53] : memref<128x64x128xf32, #tpu.memory_space<vmem>> -> memref<1x64x128xf32, #tpu.memory_space<vmem>>
    %dma_start3A_55 = tpu.memref_squeeze %dma_start3A_54 : memref<1x64x128xf32, #tpu.memory_space<vmem>> -> memref<64x128xf32, #tpu.memory_space<vmem>>
    tpu.enqueue_dma source(%dma_start3A_55 : memref<64x128xf32, #tpu.memory_space<vmem>>) target(%dma_start3A_51 : memref<64x128xf32, #tpu.memory_space<hbm>>) target_semaphore(%arg7 : memref<!tpu.dma_semaphore, #tpu.memory_space<semaphore_mem>>)
    %get3A_56 = arith.constant 3 : index
    %get3A_57 = memref.load %arg1[%get3A_56] : memref<128xi32, #tpu.memory_space<smem>>
    %shift_right_arithmetic3A_58 = arith.constant 7 : i32
    %shift_right_arithmetic3A_59 = arith.shrsi %get3A_57, %shift_right_arithmetic3A_58 : i32
    %shift_left3A_60 = arith.constant 7 : i32
    %shift_left3A_61 = arith.shli %shift_right_arithmetic3A_59, %shift_left3A_60 : i32
    %multiple_of3A_62 = tpu.assume_multiple %shift_left3A_61, 128 : i32
    %dma_start3A_63 = arith.constant 3 : i32
    %dma_start3A_64 = arith.constant 3 : i32
    %dma_start3A_65 = arith.constant 0 : i32
    %dma_start3A_66 = tpu.memref_slice %arg5[%dma_start3A_64, %dma_start3A_65, %multiple_of3A_62] : memref<128x64x8192xf32, #tpu.memory_space<hbm>> -> memref<1x64x128xf32, #tpu.memory_space<hbm>>
    %dma_start3A_67 = tpu.memref_squeeze %dma_start3A_66 : memref<1x64x128xf32, #tpu.memory_space<hbm>> -> memref<64x128xf32, #tpu.memory_space<hbm>>
    %dma_start3A_68 = arith.constant 0 : i32
    %dma_start3A_69 = arith.constant 0 : i32
    %dma_start3A_70 = tpu.memref_slice %arg6[%dma_start3A_63, %dma_start3A_68, %dma_start3A_69] : memref<128x64x128xf32, #tpu.memory_space<vmem>> -> memref<1x64x128xf32, #tpu.memory_space<vmem>>
    %dma_start3A_71 = tpu.memref_squeeze %dma_start3A_70 : memref<1x64x128xf32, #tpu.memory_space<vmem>> -> memref<64x128xf32, #tpu.memory_space<vmem>>
    tpu.enqueue_dma source(%dma_start3A_71 : memref<64x128xf32, #tpu.memory_space<vmem>>) target(%dma_start3A_67 : memref<64x128xf32, #tpu.memory_space<hbm>>) target_semaphore(%arg7 : memref<!tpu.dma_semaphore, #tpu.memory_space<semaphore_mem>>)
    %get3A_72 = arith.constant 4 : index
    %get3A_73 = memref.load %arg1[%get3A_72] : memref<128xi32, #tpu.memory_space<smem>>
    %shift_right_arithmetic3A_74 = arith.constant 7 : i32
    %shift_right_arithmetic3A_75 = arith.shrsi %get3A_73, %shift_right_arithmetic3A_74 : i32
    %shift_left3A_76 = arith.constant 7 : i32
    %shift_left3A_77 = arith.shli %shift_right_arithmetic3A_75, %shift_left3A_76 : i32
    %multiple_of3A_78 = tpu.assume_multiple %shift_left3A_77, 128 : i32
    %dma_start3A_79 = arith.constant 4 : i32
    %dma_start3A_80 = arith.constant 4 : i32
    %dma_start3A_81 = arith.constant 0 : i32
    %dma_start3A_82 = tpu.memref_slice %arg5[%dma_start3A_80, %dma_start3A_81, %multiple_of3A_78] : memref<128x64x8192xf32, #tpu.memory_space<hbm>> -> memref<1x64x128xf32, #tpu.memory_space<hbm>>
    %dma_start3A_83 = tpu.memref_squeeze %dma_start3A_82 : memref<1x64x128xf32, #tpu.memory_space<hbm>> -> memref<64x128xf32, #tpu.memory_space<hbm>>
    %dma_start3A_84 = arith.constant 0 : i32
    %dma_start3A_85 = arith.constant 0 : i32
    %dma_start3A_86 = tpu.memref_slice %arg6[%dma_start3A_79, %dma_start3A_84, %dma_start3A_85] : memref<128x64x128xf32, #tpu.memory_space<vmem>> -> memref<1x64x128xf32, #tpu.memory_space<vmem>>
    %dma_start3A_87 = tpu.memref_squeeze %dma_start3A_86 : memref<1x64x128xf32, #tpu.memory_space<vmem>> -> memref<64x128xf32, #tpu.memory_space<vmem>>
    tpu.enqueue_dma source(%dma_start3A_87 : memref<64x128xf32, #tpu.memory_space<vmem>>) target(%dma_start3A_83 : memref<64x128xf32, #tpu.memory_space<hbm>>) target_semaphore(%arg7 : memref<!tpu.dma_semaphore, #tpu.memory_space<semaphore_mem>>)
    %get3A_88 = arith.constant 5 : index
    %get3A_89 = memref.load %arg1[%get3A_88] : memref<128xi32, #tpu.memory_space<smem>>
    %shift_right_arithmetic3A_90 = arith.constant 7 : i32
    %shift_right_arithmetic3A_91 = arith.shrsi %get3A_89, %shift_right_arithmetic3A_90 : i32
    %shift_left3A_92 = arith.constant 7 : i32
    %shift_left3A_93 = arith.shli %shift_right_arithmetic3A_91, %shift_left3A_92 : i32
    %multiple_of3A_94 = tpu.assume_multiple %shift_left3A_93, 128 : i32
    %dma_start3A_95 = arith.constant 5 : i32
    %dma_start3A_96 = arith.constant 5 : i32
    %dma_start3A_97 = arith.constant 0 : i32
    %dma_start3A_98 = tpu.memref_slice %arg5[%dma_start3A_96, %dma_start3A_97, %multiple_of3A_94] : memref<128x64x8192xf32, #tpu.memory_space<hbm>> -> memref<1x64x128xf32, #tpu.memory_space<hbm>>
    %dma_start3A_99 = tpu.memref_squeeze %dma_start3A_98 : memref<1x64x128xf32, #tpu.memory_space<hbm>> -> memref<64x128xf32, #tpu.memory_space<hbm>>
    %dma_start3A_100 = arith.constant 0 : i32
    %dma_start3A_101 = arith.constant 0 : i32
    %dma_start3A_102 = tpu.memref_slice %arg6[%dma_start3A_95, %dma_start3A_100, %dma_start3A_101] : memref<128x64x128xf32, #tpu.memory_space<vmem>> -> memref<1x64x128xf32, #tpu.memory_space<vmem>>
    %dma_start3A_103 = tpu.memref_squeeze %dma_start3A_102 : memref<1x64x128xf32, #tpu.memory_space<vmem>> -> memref<64x128xf32, #tpu.memory_space<vmem>>
    tpu.enqueue_dma source(%dma_start3A_103 : memref<64x128xf32, #tpu.memory_space<vmem>>) target(%dma_start3A_99 : memref<64x128xf32, #tpu.memory_space<hbm>>) target_semaphore(%arg7 : memref<!tpu.dma_semaphore, #tpu.memory_space<semaphore_mem>>)
    %get3A_104 = arith.constant 6 : index
    %get3A_105 = memref.load %arg1[%get3A_104] : memref<128xi32, #tpu.memory_space<smem>>
    %shift_right_arithmetic3A_106 = arith.constant 7 : i32
    %shift_right_arithmetic3A_107 = arith.shrsi %get3A_105, %shift_right_arithmetic3A_106 : i32
    %shift_left3A_108 = arith.constant 7 : i32
    %shift_left3A_109 = arith.shli %shift_right_arithmetic3A_107, %shift_left3A_108 : i32
    %multiple_of3A_110 = tpu.assume_multiple %shift_left3A_109, 128 : i32
    %dma_start3A_111 = arith.constant 6 : i32
    %dma_start3A_112 = arith.constant 6 : i32
    %dma_start3A_113 = arith.constant 0 : i32
    %dma_start3A_114 = tpu.memref_slice %arg5[%dma_start3A_112, %dma_start3A_113, %multiple_of3A_110] : memref<128x64x8192xf32, #tpu.memory_space<hbm>> -> memref<1x64x128xf32, #tpu.memory_space<hbm>>
    %dma_start3A_115 = tpu.memref_squeeze %dma_start3A_114 : memref<1x64x128xf32, #tpu.memory_space<hbm>> -> memref<64x128xf32, #tpu.memory_space<hbm>>
    %dma_start3A_116 = arith.constant 0 : i32
    %dma_start3A_117 = arith.constant 0 : i32
    %dma_start3A_118 = tpu.memref_slice %arg6[%dma_start3A_111, %dma_start3A_116, %dma_start3A_117] : memref<128x64x128xf32, #tpu.memory_space<vmem>> -> memref<1x64x128xf32, #tpu.memory_space<vmem>>
    %dma_start3A_119 = tpu.memref_squeeze %dma_start3A_118 : memref<1x64x128xf32, #tpu.memory_space<vmem>> -> memref<64x128xf32, #tpu.memory_space<vmem>>
    tpu.enqueue_dma source(%dma_start3A_119 : memref<64x128xf32, #tpu.memory_space<vmem>>) target(%dma_start3A_115 : memref<64x128xf32, #tpu.memory_space<hbm>>) target_semaphore(%arg7 : memref<!tpu.dma_semaphore, #tpu.memory_space<semaphore_mem>>)
    %get3A_120 = arith.constant 7 : index
    %get3A_121 = memref.load %arg1[%get3A_120] : memref<128xi32, #tpu.memory_space<smem>>
    %shift_right_arithmetic3A_122 = arith.constant 7 : i32
    %shift_right_arithmetic3A_123 = arith.shrsi %get3A_121, %shift_right_arithmetic3A_122 : i32
    %shift_left3A_124 = arith.constant 7 : i32
    %shift_left3A_125 = arith.shli %shift_right_arithmetic3A_123, %shift_left3A_124 : i32
    %multiple_of3A_126 = tpu.assume_multiple %shift_left3A_125, 128 : i32
    %dma_start3A_127 = arith.constant 7 : i32
    %dma_start3A_128 = arith.constant 7 : i32
    %dma_start3A_129 = arith.constant 0 : i32
    %dma_start3A_130 = tpu.memref_slice %arg5[%dma_start3A_128, %dma_start3A_129, %multiple_of3A_126] : memref<128x64x8192xf32, #tpu.memory_space<hbm>> -> memref<1x64x128xf32, #tpu.memory_space<hbm>>
    %dma_start3A_131 = tpu.memref_squeeze %dma_start3A_130 : memref<1x64x128xf32, #tpu.memory_space<hbm>> -> memref<64x128xf32, #tpu.memory_space<hbm>>
    %dma_start3A_132 = arith.constant 0 : i32
    %dma_start3A_133 = arith.constant 0 : i32
    %dma_start3A_134 = tpu.memref_slice %arg6[%dma_start3A_127, %dma_start3A_132, %dma_start3A_133] : memref<128x64x128xf32, #tpu.memory_space<vmem>> -> memref<1x64x128xf32, #tpu.memory_space<vmem>>
    %dma_start3A_135 = tpu.memref_squeeze %dma_start3A_134 : memref<1x64x128xf32, #tpu.memory_space<vmem>> -> memref<64x128xf32, #tpu.memory_space<vmem>>
    tpu.enqueue_dma source(%dma_start3A_135 : memref<64x128xf32, #tpu.memory_space<vmem>>) target(%dma_start3A_131 : memref<64x128xf32, #tpu.memory_space<hbm>>) target_semaphore(%arg7 : memref<!tpu.dma_semaphore, #tpu.memory_space<semaphore_mem>>)
    %get3A_136 = arith.constant 8 : index
    %get3A_137 = memref.load %arg1[%get3A_136] : memref<128xi32, #tpu.memory_space<smem>>
    %shift_right_arithmetic3A_138 = arith.constant 7 : i32
    %shift_right_arithmetic3A_139 = arith.shrsi %get3A_137, %shift_right_arithmetic3A_138 : i32
    %shift_left3A_140 = arith.constant 7 : i32
    %shift_left3A_141 = arith.shli %shift_right_arithmetic3A_139, %shift_left3A_140 : i32
    %multiple_of3A_142 = tpu.assume_multiple %shift_left3A_141, 128 : i32
    %dma_start3A_143 = arith.constant 8 : i32
    %dma_start3A_144 = arith.constant 8 : i32
    %dma_start3A_145 = arith.constant 0 : i32
    %dma_start3A_146 = tpu.memref_slice %arg5[%dma_start3A_144, %dma_start3A_145, %multiple_of3A_142] : memref<128x64x8192xf32, #tpu.memory_space<hbm>> -> memref<1x64x128xf32, #tpu.memory_space<hbm>>
    %dma_start3A_147 = tpu.memref_squeeze %dma_start3A_146 : memref<1x64x128xf32, #tpu.memory_space<hbm>> -> memref<64x128xf32, #tpu.memory_space<hbm>>
    %dma_start3A_148 = arith.constant 0 : i32
    %dma_start3A_149 = arith.constant 0 : i32
    %dma_start3A_150 = tpu.memref_slice %arg6[%dma_start3A_143, %dma_start3A_148, %dma_start3A_149] : memref<128x64x128xf32, #tpu.memory_space<vmem>> -> memref<1x64x128xf32, #tpu.memory_space<vmem>>
    %dma_start3A_151 = tpu.memref_squeeze %dma_start3A_150 : memref<1x64x128xf32, #tpu.memory_space<vmem>> -> memref<64x128xf32, #tpu.memory_space<vmem>>
    tpu.enqueue_dma source(%dma_start3A_151 : memref<64x128xf32, #tpu.memory_space<vmem>>) target(%dma_start3A_147 : memref<64x128xf32, #tpu.memory_space<hbm>>) target_semaphore(%arg7 : memref<!tpu.dma_semaphore, #tpu.memory_space<semaphore_mem>>)
    %get3A_152 = arith.constant 9 : index
    %get3A_153 = memref.load %arg1[%get3A_152] : memref<128xi32, #tpu.memory_space<smem>>
    %shift_right_arithmetic3A_154 = arith.constant 7 : i32
    %shift_right_arithmetic3A_155 = arith.shrsi %get3A_153, %shift_right_arithmetic3A_154 : i32
    %shift_left3A_156 = arith.constant 7 : i32
    %shift_left3A_157 = arith.shli %shift_right_arithmetic3A_155, %shift_left3A_156 : i32
    %multiple_of3A_158 = tpu.assume_multiple %shift_left3A_157, 128 : i32
    %dma_start3A_159 = arith.constant 9 : i32
    %dma_start3A_160 = arith.constant 9 : i32
    %dma_start3A_161 = arith.constant 0 : i32
    %dma_start3A_162 = tpu.memref_slice %arg5[%dma_start3A_160, %dma_start3A_161, %multiple_of3A_158] : memref<128x64x8192xf32, #tpu.memory_space<hbm>> -> memref<1x64x128xf32, #tpu.memory_space<hbm>>
    %dma_start3A_163 = tpu.memref_squeeze %dma_start3A_162 : memref<1x64x128xf32, #tpu.memory_space<hbm>> -> memref<64x128xf32, #tpu.memory_space<hbm>>
    %dma_start3A_164 = arith.constant 0 : i32
    %dma_start3A_165 = arith.constant 0 : i32
    %dma_start3A_166 = tpu.memref_slice %arg6[%dma_start3A_159, %dma_start3A_164, %dma_start3A_165] : memref<128x64x128xf32, #tpu.memory_space<vmem>> -> memref<1x64x128xf32, #tpu.memory_space<vmem>>
    %dma_start3A_167 = tpu.memref_squeeze %dma_start3A_166 : memref<1x64x128xf32, #tpu.memory_space<vmem>> -> memref<64x128xf32, #tpu.memory_space<vmem>>
    tpu.enqueue_dma source(%dma_start3A_167 : memref<64x128xf32, #tpu.memory_space<vmem>>) target(%dma_start3A_163 : memref<64x128xf32, #tpu.memory_space<hbm>>) target_semaphore(%arg7 : memref<!tpu.dma_semaphore, #tpu.memory_space<semaphore_mem>>)
    %get3A_168 = arith.constant 10 : index
    %get3A_169 = memref.load %arg1[%get3A_168] : memref<128xi32, #tpu.memory_space<smem>>
    %shift_right_arithmetic3A_170 = arith.constant 7 : i32
    %shift_right_arithmetic3A_171 = arith.shrsi %get3A_169, %shift_right_arithmetic3A_170 : i32
    %shift_left3A_172 = arith.constant 7 : i32
    %shift_left3A_173 = arith.shli %shift_right_arithmetic3A_171, %shift_left3A_172 : i32
    %multiple_of3A_174 = tpu.assume_multiple %shift_left3A_173, 128 : i32
    %dma_start3A_175 = arith.constant 10 : i32
    %dma_start3A_176 = arith.constant 10 : i32
    %dma_start3A_177 = arith.constant 0 : i32
    %dma_start3A_178 = tpu.memref_slice %arg5[%dma_start3A_176, %dma_start3A_177, %multiple_of3A_174] : memref<128x64x8192xf32, #tpu.memory_space<hbm>> -> memref<1x64x128xf32, #tpu.memory_space<hbm>>
    %dma_start3A_179 = tpu.memref_squeeze %dma_start3A_178 : memref<1x64x128xf32, #tpu.memory_space<hbm>> -> memref<64x128xf32, #tpu.memory_space<hbm>>
    %dma_start3A_180 = arith.constant 0 : i32
    %dma_start3A_181 = arith.constant 0 : i32
    %dma_start3A_182 = tpu.memref_slice %arg6[%dma_start3A_175, %dma_start3A_180, %dma_start3A_181] : memref<128x64x128xf32, #tpu.memory_space<vmem>> -> memref<1x64x128xf32, #tpu.memory_space<vmem>>
    %dma_start3A_183 = tpu.memref_squeeze %dma_start3A_182 : memref<1x64x128xf32, #tpu.memory_space<vmem>> -> memref<64x128xf32, #tpu.memory_space<vmem>>
    tpu.enqueue_dma source(%dma_start3A_183 : memref<64x128xf32, #tpu.memory_space<vmem>>) target(%dma_start3A_179 : memref<64x128xf32, #tpu.memory_space<hbm>>) target_semaphore(%arg7 : memref<!tpu.dma_semaphore, #tpu.memory_space<semaphore_mem>>)
    %get3A_184 = arith.constant 11 : index
    %get3A_185 = memref.load %arg1[%get3A_184] : memref<128xi32, #tpu.memory_space<smem>>
    %shift_right_arithmetic3A_186 = arith.constant 7 : i32
    %shift_right_arithmetic3A_187 = arith.shrsi %get3A_185, %shift_right_arithmetic3A_186 : i32
    %shift_left3A_188 = arith.constant 7 : i32
    %shift_left3A_189 = arith.shli %shift_right_arithmetic3A_187, %shift_left3A_188 : i32
    %multiple_of3A_190 = tpu.assume_multiple %shift_left3A_189, 128 : i32
    %dma_start3A_191 = arith.constant 11 : i32
    %dma_start3A_192 = arith.constant 11 : i32
    %dma_start3A_193 = arith.constant 0 : i32
    %dma_start3A_194 = tpu.memref_slice %arg5[%dma_start3A_192, %dma_start3A_193, %multiple_of3A_190] : memref<128x64x8192xf32, #tpu.memory_space<hbm>> -> memref<1x64x128xf32, #tpu.memory_space<hbm>>
    %dma_start3A_195 = tpu.memref_squeeze %dma_start3A_194 : memref<1x64x128xf32, #tpu.memory_space<hbm>> -> memref<64x128xf32, #tpu.memory_space<hbm>>
    %dma_start3A_196 = arith.constant 0 : i32
    %dma_start3A_197 = arith.constant 0 : i32
    %dma_start3A_198 = tpu.memref_slice %arg6[%dma_start3A_191, %dma_start3A_196, %dma_start3A_197] : memref<128x64x128xf32, #tpu.memory_space<vmem>> -> memref<1x64x128xf32, #tpu.memory_space<vmem>>
    %dma_start3A_199 = tpu.memref_squeeze %dma_start3A_198 : memref<1x64x128xf32, #tpu.memory_space<vmem>> -> memref<64x128xf32, #tpu.memory_space<vmem>>
    tpu.enqueue_dma source(%dma_start3A_199 : memref<64x128xf32, #tpu.memory_space<vmem>>) target(%dma_start3A_195 : memref<64x128xf32, #tpu.memory_space<hbm>>) target_semaphore(%arg7 : memref<!tpu.dma_semaphore, #tpu.memory_space<semaphore_mem>>)
    %get3A_200 = arith.constant 12 : index
    %get3A_201 = memref.load %arg1[%get3A_200] : memref<128xi32, #tpu.memory_space<smem>>
    %shift_right_arithmetic3A_202 = arith.constant 7 : i32
    %shift_right_arithmetic3A_203 = arith.shrsi %get3A_201, %shift_right_arithmetic3A_202 : i32
    %shift_left3A_204 = arith.constant 7 : i32
    %shift_left3A_205 = arith.shli %shift_right_arithmetic3A_203, %shift_left3A_204 : i32
    %multiple_of3A_206 = tpu.assume_multiple %shift_left3A_205, 128 : i32
    %dma_start3A_207 = arith.constant 12 : i32
    %dma_start3A_208 = arith.constant 12 : i32
    %dma_start3A_209 = arith.constant 0 : i32
    %dma_start3A_210 = tpu.memref_slice %arg5[%dma_start3A_208, %dma_start3A_209, %multiple_of3A_206] : memref<128x64x8192xf32, #tpu.memory_space<hbm>> -> memref<1x64x128xf32, #tpu.memory_space<hbm>>
    %dma_start3A_211 = tpu.memref_squeeze %dma_start3A_210 : memref<1x64x128xf32, #tpu.memory_space<hbm>> -> memref<64x128xf32, #tpu.memory_space<hbm>>
    %dma_start3A_212 = arith.constant 0 : i32
    %dma_start3A_213 = arith.constant 0 : i32
    %dma_start3A_214 = tpu.memref_slice %arg6[%dma_start3A_207, %dma_start3A_212, %dma_start3A_213] : memref<128x64x128xf32, #tpu.memory_space<vmem>> -> memref<1x64x128xf32, #tpu.memory_space<vmem>>
    %dma_start3A_215 = tpu.memref_squeeze %dma_start3A_214 : memref<1x64x128xf32, #tpu.memory_space<vmem>> -> memref<64x128xf32, #tpu.memory_space<vmem>>
    tpu.enqueue_dma source(%dma_start3A_215 : memref<64x128xf32, #tpu.memory_space<vmem>>) target(%dma_start3A_211 : memref<64x128xf32, #tpu.memory_space<hbm>>) target_semaphore(%arg7 : memref<!tpu.dma_semaphore, #tpu.memory_space<semaphore_mem>>)
    %get3A_216 = arith.constant 13 : index
    %get3A_217 = memref.load %arg1[%get3A_216] : memref<128xi32, #tpu.memory_space<smem>>
    %shift_right_arithmetic3A_218 = arith.constant 7 : i32
    %shift_right_arithmetic3A_219 = arith.shrsi %get3A_217, %shift_right_arithmetic3A_218 : i32
    %shift_left3A_220 = arith.constant 7 : i32
    %shift_left3A_221 = arith.shli %shift_right_arithmetic3A_219, %shift_left3A_220 : i32
    %multiple_of3A_222 = tpu.assume_multiple %shift_left3A_221, 128 : i32
    %dma_start3A_223 = arith.constant 13 : i32
    %dma_start3A_224 = arith.constant 13 : i32
    %dma_start3A_225 = arith.constant 0 : i32
    %dma_start3A_226 = tpu.memref_slice %arg5[%dma_start3A_224, %dma_start3A_225, %multiple_of3A_222] : memref<128x64x8192xf32, #tpu.memory_space<hbm>> -> memref<1x64x128xf32, #tpu.memory_space<hbm>>
    %dma_start3A_227 = tpu.memref_squeeze %dma_start3A_226 : memref<1x64x128xf32, #tpu.memory_space<hbm>> -> memref<64x128xf32, #tpu.memory_space<hbm>>
    %dma_start3A_228 = arith.constant 0 : i32
    %dma_start3A_229 = arith.constant 0 : i32
    %dma_start3A_230 = tpu.memref_slice %arg6[%dma_start3A_223, %dma_start3A_228, %dma_start3A_229] : memref<128x64x128xf32, #tpu.memory_space<vmem>> -> memref<1x64x128xf32, #tpu.memory_space<vmem>>
    %dma_start3A_231 = tpu.memref_squeeze %dma_start3A_230 : memref<1x64x128xf32, #tpu.memory_space<vmem>> -> memref<64x128xf32, #tpu.memory_space<vmem>>
    tpu.enqueue_dma source(%dma_start3A_231 : memref<64x128xf32, #tpu.memory_space<vmem>>) target(%dma_start3A_227 : memref<64x128xf32, #tpu.memory_space<hbm>>) target_semaphore(%arg7 : memref<!tpu.dma_semaphore, #tpu.memory_space<semaphore_mem>>)
    %get3A_232 = arith.constant 14 : index
    %get3A_233 = memref.load %arg1[%get3A_232] : memref<128xi32, #tpu.memory_space<smem>>
    %shift_right_arithmetic3A_234 = arith.constant 7 : i32
    %shift_right_arithmetic3A_235 = arith.shrsi %get3A_233, %shift_right_arithmetic3A_234 : i32
    %shift_left3A_236 = arith.constant 7 : i32
    %shift_left3A_237 = arith.shli %shift_right_arithmetic3A_235, %shift_left3A_236 : i32
    %multiple_of3A_238 = tpu.assume_multiple %shift_left3A_237, 128 : i32
    %dma_start3A_239 = arith.constant 14 : i32
    %dma_start3A_240 = arith.constant 14 : i32
    %dma_start3A_241 = arith.constant 0 : i32
    %dma_start3A_242 = tpu.memref_slice %arg5[%dma_start3A_240, %dma_start3A_241, %multiple_of3A_238] : memref<128x64x8192xf32, #tpu.memory_space<hbm>> -> memref<1x64x128xf32, #tpu.memory_space<hbm>>
    %dma_start3A_243 = tpu.memref_squeeze %dma_start3A_242 : memref<1x64x128xf32, #tpu.memory_space<hbm>> -> memref<64x128xf32, #tpu.memory_space<hbm>>
    %dma_start3A_244 = arith.constant 0 : i32
    %dma_start3A_245 = arith.constant 0 : i32
    %dma_start3A_246 = tpu.memref_slice %arg6[%dma_start3A_239, %dma_start3A_244, %dma_start3A_245] : memref<128x64x128xf32, #tpu.memory_space<vmem>> -> memref<1x64x128xf32, #tpu.memory_space<vmem>>
    %dma_start3A_247 = tpu.memref_squeeze %dma_start3A_246 : memref<1x64x128xf32, #tpu.memory_space<vmem>> -> memref<64x128xf32, #tpu.memory_space<vmem>>
    tpu.enqueue_dma source(%dma_start3A_247 : memref<64x128xf32, #tpu.memory_space<vmem>>) target(%dma_start3A_243 : memref<64x128xf32, #tpu.memory_space<hbm>>) target_semaphore(%arg7 : memref<!tpu.dma_semaphore, #tpu.memory_space<semaphore_mem>>)
    %get3A_248 = arith.constant 15 : index
    %get3A_249 = memref.load %arg1[%get3A_248] : memref<128xi32, #tpu.memory_space<smem>>
    %shift_right_arithmetic3A_250 = arith.constant 7 : i32
    %shift_right_arithmetic3A_251 = arith.shrsi %get3A_249, %shift_right_arithmetic3A_250 : i32
    %shift_left3A_252 = arith.constant 7 : i32
    %shift_left3A_253 = arith.shli %shift_right_arithmetic3A_251, %shift_left3A_252 : i32
    %multiple_of3A_254 = tpu.assume_multiple %shift_left3A_253, 128 : i32
    %dma_start3A_255 = arith.constant 15 : i32
    %dma_start3A_256 = arith.constant 15 : i32
    %dma_start3A_257 = arith.constant 0 : i32
    %dma_start3A_258 = tpu.memref_slice %arg5[%dma_start3A_256, %dma_start3A_257, %multiple_of3A_254] : memref<128x64x8192xf32, #tpu.memory_space<hbm>> -> memref<1x64x128xf32, #tpu.memory_space<hbm>>
    %dma_start3A_259 = tpu.memref_squeeze %dma_start3A_258 : memref<1x64x128xf32, #tpu.memory_space<hbm>> -> memref<64x128xf32, #tpu.memory_space<hbm>>
    %dma_start3A_260 = arith.constant 0 : i32
    %dma_start3A_261 = arith.constant 0 : i32
    %dma_start3A_262 = tpu.memref_slice %arg6[%dma_start3A_255, %dma_start3A_260, %dma_start3A_261] : memref<128x64x128xf32, #tpu.memory_space<vmem>> -> memref<1x64x128xf32, #tpu.memory_space<vmem>>
    %dma_start3A_263 = tpu.memref_squeeze %dma_start3A_262 : memref<1x64x128xf32, #tpu.memory_space<vmem>> -> memref<64x128xf32, #tpu.memory_space<vmem>>
    tpu.enqueue_dma source(%dma_start3A_263 : memref<64x128xf32, #tpu.memory_space<vmem>>) target(%dma_start3A_259 : memref<64x128xf32, #tpu.memory_space<hbm>>) target_semaphore(%arg7 : memref<!tpu.dma_semaphore, #tpu.memory_space<semaphore_mem>>)
    %get3A_264 = arith.constant 16 : index
    %get3A_265 = memref.load %arg1[%get3A_264] : memref<128xi32, #tpu.memory_space<smem>>
    %shift_right_arithmetic3A_266 = arith.constant 7 : i32
    %shift_right_arithmetic3A_267 = arith.shrsi %get3A_265, %shift_right_arithmetic3A_266 : i32
    %shift_left3A_268 = arith.constant 7 : i32
    %shift_left3A_269 = arith.shli %shift_right_arithmetic3A_267, %shift_left3A_268 : i32
    %multiple_of3A_270 = tpu.assume_multiple %shift_left3A_269, 128 : i32
    %dma_start3A_271 = arith.constant 16 : i32
    %dma_start3A_272 = arith.constant 16 : i32
    %dma_start3A_273 = arith.constant 0 : i32
    %dma_start3A_274 = tpu.memref_slice %arg5[%dma_start3A_272, %dma_start3A_273, %multiple_of3A_270] : memref<128x64x8192xf32, #tpu.memory_space<hbm>> -> memref<1x64x128xf32, #tpu.memory_space<hbm>>
    %dma_start3A_275 = tpu.memref_squeeze %dma_start3A_274 : memref<1x64x128xf32, #tpu.memory_space<hbm>> -> memref<64x128xf32, #tpu.memory_space<hbm>>
    %dma_start3A_276 = arith.constant 0 : i32
    %dma_start3A_277 = arith.constant 0 : i32
    %dma_start3A_278 = tpu.memref_slice %arg6[%dma_start3A_271, %dma_start3A_276, %dma_start3A_277] : memref<128x64x128xf32, #tpu.memory_space<vmem>> -> memref<1x64x128xf32, #tpu.memory_space<vmem>>
    %dma_start3A_279 = tpu.memref_squeeze %dma_start3A_278 : memref<1x64x128xf32, #tpu.memory_space<vmem>> -> memref<64x128xf32, #tpu.memory_space<vmem>>
    tpu.enqueue_dma source(%dma_start3A_279 : memref<64x128xf32, #tpu.memory_space<vmem>>) target(%dma_start3A_275 : memref<64x128xf32, #tpu.memory_space<hbm>>) target_semaphore(%arg7 : memref<!tpu.dma_semaphore, #tpu.memory_space<semaphore_mem>>)
    %get3A_280 = arith.constant 17 : index
    %get3A_281 = memref.load %arg1[%get3A_280] : memref<128xi32, #tpu.memory_space<smem>>
    %shift_right_arithmetic3A_282 = arith.constant 7 : i32
    %shift_right_arithmetic3A_283 = arith.shrsi %get3A_281, %shift_right_arithmetic3A_282 : i32
    %shift_left3A_284 = arith.constant 7 : i32
    %shift_left3A_285 = arith.shli %shift_right_arithmetic3A_283, %shift_left3A_284 : i32
    %multiple_of3A_286 = tpu.assume_multiple %shift_left3A_285, 128 : i32
    %dma_start3A_287 = arith.constant 17 : i32
    %dma_start3A_288 = arith.constant 17 : i32
    %dma_start3A_289 = arith.constant 0 : i32
    %dma_start3A_290 = tpu.memref_slice %arg5[%dma_start3A_288, %dma_start3A_289, %multiple_of3A_286] : memref<128x64x8192xf32, #tpu.memory_space<hbm>> -> memref<1x64x128xf32, #tpu.memory_space<hbm>>
    %dma_start3A_291 = tpu.memref_squeeze %dma_start3A_290 : memref<1x64x128xf32, #tpu.memory_space<hbm>> -> memref<64x128xf32, #tpu.memory_space<hbm>>
    %dma_start3A_292 = arith.constant 0 : i32
    %dma_start3A_293 = arith.constant 0 : i32
    %dma_start3A_294 = tpu.memref_slice %arg6[%dma_start3A_287, %dma_start3A_292, %dma_start3A_293] : memref<128x64x128xf32, #tpu.memory_space<vmem>> -> memref<1x64x128xf32, #tpu.memory_space<vmem>>
    %dma_start3A_295 = tpu.memref_squeeze %dma_start3A_294 : memref<1x64x128xf32, #tpu.memory_space<vmem>> -> memref<64x128xf32, #tpu.memory_space<vmem>>
    tpu.enqueue_dma source(%dma_start3A_295 : memref<64x128xf32, #tpu.memory_space<vmem>>) target(%dma_start3A_291 : memref<64x128xf32, #tpu.memory_space<hbm>>) target_semaphore(%arg7 : memref<!tpu.dma_semaphore, #tpu.memory_space<semaphore_mem>>)
    %get3A_296 = arith.constant 18 : index
    %get3A_297 = memref.load %arg1[%get3A_296] : memref<128xi32, #tpu.memory_space<smem>>
    %shift_right_arithmetic3A_298 = arith.constant 7 : i32
    %shift_right_arithmetic3A_299 = arith.shrsi %get3A_297, %shift_right_arithmetic3A_298 : i32
    %shift_left3A_300 = arith.constant 7 : i32
    %shift_left3A_301 = arith.shli %shift_right_arithmetic3A_299, %shift_left3A_300 : i32
    %multiple_of3A_302 = tpu.assume_multiple %shift_left3A_301, 128 : i32
    %dma_start3A_303 = arith.constant 18 : i32
    %dma_start3A_304 = arith.constant 18 : i32
    %dma_start3A_305 = arith.constant 0 : i32
    %dma_start3A_306 = tpu.memref_slice %arg5[%dma_start3A_304, %dma_start3A_305, %multiple_of3A_302] : memref<128x64x8192xf32, #tpu.memory_space<hbm>> -> memref<1x64x128xf32, #tpu.memory_space<hbm>>
    %dma_start3A_307 = tpu.memref_squeeze %dma_start3A_306 : memref<1x64x128xf32, #tpu.memory_space<hbm>> -> memref<64x128xf32, #tpu.memory_space<hbm>>
    %dma_start3A_308 = arith.constant 0 : i32
    %dma_start3A_309 = arith.constant 0 : i32
    %dma_start3A_310 = tpu.memref_slice %arg6[%dma_start3A_303, %dma_start3A_308, %dma_start3A_309] : memref<128x64x128xf32, #tpu.memory_space<vmem>> -> memref<1x64x128xf32, #tpu.memory_space<vmem>>
    %dma_start3A_311 = tpu.memref_squeeze %dma_start3A_310 : memref<1x64x128xf32, #tpu.memory_space<vmem>> -> memref<64x128xf32, #tpu.memory_space<vmem>>
    tpu.enqueue_dma source(%dma_start3A_311 : memref<64x128xf32, #tpu.memory_space<vmem>>) target(%dma_start3A_307 : memref<64x128xf32, #tpu.memory_space<hbm>>) target_semaphore(%arg7 : memref<!tpu.dma_semaphore, #tpu.memory_space<semaphore_mem>>)
    %get3A_312 = arith.constant 19 : index
    %get3A_313 = memref.load %arg1[%get3A_312] : memref<128xi32, #tpu.memory_space<smem>>
    %shift_right_arithmetic3A_314 = arith.constant 7 : i32
    %shift_right_arithmetic3A_315 = arith.shrsi %get3A_313, %shift_right_arithmetic3A_314 : i32
    %shift_left3A_316 = arith.constant 7 : i32
    %shift_left3A_317 = arith.shli %shift_right_arithmetic3A_315, %shift_left3A_316 : i32
    %multiple_of3A_318 = tpu.assume_multiple %shift_left3A_317, 128 : i32
    %dma_start3A_319 = arith.constant 19 : i32
    %dma_start3A_320 = arith.constant 19 : i32
    %dma_start3A_321 = arith.constant 0 : i32
    %dma_start3A_322 = tpu.memref_slice %arg5[%dma_start3A_320, %dma_start3A_321, %multiple_of3A_318] : memref<128x64x8192xf32, #tpu.memory_space<hbm>> -> memref<1x64x128xf32, #tpu.memory_space<hbm>>
    %dma_start3A_323 = tpu.memref_squeeze %dma_start3A_322 : memref<1x64x128xf32, #tpu.memory_space<hbm>> -> memref<64x128xf32, #tpu.memory_space<hbm>>
    %dma_start3A_324 = arith.constant 0 : i32
    %dma_start3A_325 = arith.constant 0 : i32
    %dma_start3A_326 = tpu.memref_slice %arg6[%dma_start3A_319, %dma_start3A_324, %dma_start3A_325] : memref<128x64x128xf32, #tpu.memory_space<vmem>> -> memref<1x64x128xf32, #tpu.memory_space<vmem>>
    %dma_start3A_327 = tpu.memref_squeeze %dma_start3A_326 : memref<1x64x128xf32, #tpu.memory_space<vmem>> -> memref<64x128xf32, #tpu.memory_space<vmem>>
    tpu.enqueue_dma source(%dma_start3A_327 : memref<64x128xf32, #tpu.memory_space<vmem>>) target(%dma_start3A_323 : memref<64x128xf32, #tpu.memory_space<hbm>>) target_semaphore(%arg7 : memref<!tpu.dma_semaphore, #tpu.memory_space<semaphore_mem>>)
    %get3A_328 = arith.constant 20 : index
    %get3A_329 = memref.load %arg1[%get3A_328] : memref<128xi32, #tpu.memory_space<smem>>
    %shift_right_arithmetic3A_330 = arith.constant 7 : i32
    %shift_right_arithmetic3A_331 = arith.shrsi %get3A_329, %shift_right_arithmetic3A_330 : i32
    %shift_left3A_332 = arith.constant 7 : i32
    %shift_left3A_333 = arith.shli %shift_right_arithmetic3A_331, %shift_left3A_332 : i32
    %multiple_of3A_334 = tpu.assume_multiple %shift_left3A_333, 128 : i32
    %dma_start3A_335 = arith.constant 20 : i32
    %dma_start3A_336 = arith.constant 20 : i32
    %dma_start3A_337 = arith.constant 0 : i32
    %dma_start3A_338 = tpu.memref_slice %arg5[%dma_start3A_336, %dma_start3A_337, %multiple_of3A_334] : memref<128x64x8192xf32, #tpu.memory_space<hbm>> -> memref<1x64x128xf32, #tpu.memory_space<hbm>>
    %dma_start3A_339 = tpu.memref_squeeze %dma_start3A_338 : memref<1x64x128xf32, #tpu.memory_space<hbm>> -> memref<64x128xf32, #tpu.memory_space<hbm>>
    %dma_start3A_340 = arith.constant 0 : i32
    %dma_start3A_341 = arith.constant 0 : i32
    %dma_start3A_342 = tpu.memref_slice %arg6[%dma_start3A_335, %dma_start3A_340, %dma_start3A_341] : memref<128x64x128xf32, #tpu.memory_space<vmem>> -> memref<1x64x128xf32, #tpu.memory_space<vmem>>
    %dma_start3A_343 = tpu.memref_squeeze %dma_start3A_342 : memref<1x64x128xf32, #tpu.memory_space<vmem>> -> memref<64x128xf32, #tpu.memory_space<vmem>>
    tpu.enqueue_dma source(%dma_start3A_343 : memref<64x128xf32, #tpu.memory_space<vmem>>) target(%dma_start3A_339 : memref<64x128xf32, #tpu.memory_space<hbm>>) target_semaphore(%arg7 : memref<!tpu.dma_semaphore, #tpu.memory_space<semaphore_mem>>)
    %get3A_344 = arith.constant 21 : index
    %get3A_345 = memref.load %arg1[%get3A_344] : memref<128xi32, #tpu.memory_space<smem>>
    %shift_right_arithmetic3A_346 = arith.constant 7 : i32
    %shift_right_arithmetic3A_347 = arith.shrsi %get3A_345, %shift_right_arithmetic3A_346 : i32
    %shift_left3A_348 = arith.constant 7 : i32
    %shift_left3A_349 = arith.shli %shift_right_arithmetic3A_347, %shift_left3A_348 : i32
    %multiple_of3A_350 = tpu.assume_multiple %shift_left3A_349, 128 : i32
    %dma_start3A_351 = arith.constant 21 : i32
    %dma_start3A_352 = arith.constant 21 : i32
    %dma_start3A_353 = arith.constant 0 : i32
    %dma_start3A_354 = tpu.memref_slice %arg5[%dma_start3A_352, %dma_start3A_353, %multiple_of3A_350] : memref<128x64x8192xf32, #tpu.memory_space<hbm>> -> memref<1x64x128xf32, #tpu.memory_space<hbm>>
    %dma_start3A_355 = tpu.memref_squeeze %dma_start3A_354 : memref<1x64x128xf32, #tpu.memory_space<hbm>> -> memref<64x128xf32, #tpu.memory_space<hbm>>
    %dma_start3A_356 = arith.constant 0 : i32
    %dma_start3A_357 = arith.constant 0 : i32
    %dma_start3A_358 = tpu.memref_slice %arg6[%dma_start3A_351, %dma_start3A_356, %dma_start3A_357] : memref<128x64x128xf32, #tpu.memory_space<vmem>> -> memref<1x64x128xf32, #tpu.memory_space<vmem>>
    %dma_start3A_359 = tpu.memref_squeeze %dma_start3A_358 : memref<1x64x128xf32, #tpu.memory_space<vmem>> -> memref<64x128xf32, #tpu.memory_space<vmem>>
    tpu.enqueue_dma source(%dma_start3A_359 : memref<64x128xf32, #tpu.memory_space<vmem>>) target(%dma_start3A_355 : memref<64x128xf32, #tpu.memory_space<hbm>>) target_semaphore(%arg7 : memref<!tpu.dma_semaphore, #tpu.memory_space<semaphore_mem>>)
    %get3A_360 = arith.constant 22 : index
    %get3A_361 = memref.load %arg1[%get3A_360] : memref<128xi32, #tpu.memory_space<smem>>
    %shift_right_arithmetic3A_362 = arith.constant 7 : i32
    %shift_right_arithmetic3A_363 = arith.shrsi %get3A_361, %shift_right_arithmetic3A_362 : i32
    %shift_left3A_364 = arith.constant 7 : i32
    %shift_left3A_365 = arith.shli %shift_right_arithmetic3A_363, %shift_left3A_364 : i32
    %multiple_of3A_366 = tpu.assume_multiple %shift_left3A_365, 128 : i32
    %dma_start3A_367 = arith.constant 22 : i32
    %dma_start3A_368 = arith.constant 22 : i32
    %dma_start3A_369 = arith.constant 0 : i32
    %dma_start3A_370 = tpu.memref_slice %arg5[%dma_start3A_368, %dma_start3A_369, %multiple_of3A_366] : memref<128x64x8192xf32, #tpu.memory_space<hbm>> -> memref<1x64x128xf32, #tpu.memory_space<hbm>>
    %dma_start3A_371 = tpu.memref_squeeze %dma_start3A_370 : memref<1x64x128xf32, #tpu.memory_space<hbm>> -> memref<64x128xf32, #tpu.memory_space<hbm>>
    %dma_start3A_372 = arith.constant 0 : i32
    %dma_start3A_373 = arith.constant 0 : i32
    %dma_start3A_374 = tpu.memref_slice %arg6[%dma_start3A_367, %dma_start3A_372, %dma_start3A_373] : memref<128x64x128xf32, #tpu.memory_space<vmem>> -> memref<1x64x128xf32, #tpu.memory_space<vmem>>
    %dma_start3A_375 = tpu.memref_squeeze %dma_start3A_374 : memref<1x64x128xf32, #tpu.memory_space<vmem>> -> memref<64x128xf32, #tpu.memory_space<vmem>>
    tpu.enqueue_dma source(%dma_start3A_375 : memref<64x128xf32, #tpu.memory_space<vmem>>) target(%dma_start3A_371 : memref<64x128xf32, #tpu.memory_space<hbm>>) target_semaphore(%arg7 : memref<!tpu.dma_semaphore, #tpu.memory_space<semaphore_mem>>)
    %get3A_376 = arith.constant 23 : index
    %get3A_377 = memref.load %arg1[%get3A_376] : memref<128xi32, #tpu.memory_space<smem>>
    %shift_right_arithmetic3A_378 = arith.constant 7 : i32
    %shift_right_arithmetic3A_379 = arith.shrsi %get3A_377, %shift_right_arithmetic3A_378 : i32
    %shift_left3A_380 = arith.constant 7 : i32
    %shift_left3A_381 = arith.shli %shift_right_arithmetic3A_379, %shift_left3A_380 : i32
    %multiple_of3A_382 = tpu.assume_multiple %shift_left3A_381, 128 : i32
    %dma_start3A_383 = arith.constant 23 : i32
    %dma_start3A_384 = arith.constant 23 : i32
    %dma_start3A_385 = arith.constant 0 : i32
    %dma_start3A_386 = tpu.memref_slice %arg5[%dma_start3A_384, %dma_start3A_385, %multiple_of3A_382] : memref<128x64x8192xf32, #tpu.memory_space<hbm>> -> memref<1x64x128xf32, #tpu.memory_space<hbm>>
    %dma_start3A_387 = tpu.memref_squeeze %dma_start3A_386 : memref<1x64x128xf32, #tpu.memory_space<hbm>> -> memref<64x128xf32, #tpu.memory_space<hbm>>
    %dma_start3A_388 = arith.constant 0 : i32
    %dma_start3A_389 = arith.constant 0 : i32
    %dma_start3A_390 = tpu.memref_slice %arg6[%dma_start3A_383, %dma_start3A_388, %dma_start3A_389] : memref<128x64x128xf32, #tpu.memory_space<vmem>> -> memref<1x64x128xf32, #tpu.memory_space<vmem>>
    %dma_start3A_391 = tpu.memref_squeeze %dma_start3A_390 : memref<1x64x128xf32, #tpu.memory_space<vmem>> -> memref<64x128xf32, #tpu.memory_space<vmem>>
    tpu.enqueue_dma source(%dma_start3A_391 : memref<64x128xf32, #tpu.memory_space<vmem>>) target(%dma_start3A_387 : memref<64x128xf32, #tpu.memory_space<hbm>>) target_semaphore(%arg7 : memref<!tpu.dma_semaphore, #tpu.memory_space<semaphore_mem>>)
    %get3A_392 = arith.constant 24 : index
    %get3A_393 = memref.load %arg1[%get3A_392] : memref<128xi32, #tpu.memory_space<smem>>
    %shift_right_arithmetic3A_394 = arith.constant 7 : i32
    %shift_right_arithmetic3A_395 = arith.shrsi %get3A_393, %shift_right_arithmetic3A_394 : i32
    %shift_left3A_396 = arith.constant 7 : i32
    %shift_left3A_397 = arith.shli %shift_right_arithmetic3A_395, %shift_left3A_396 : i32
    %multiple_of3A_398 = tpu.assume_multiple %shift_left3A_397, 128 : i32
    %dma_start3A_399 = arith.constant 24 : i32
    %dma_start3A_400 = arith.constant 24 : i32
    %dma_start3A_401 = arith.constant 0 : i32
    %dma_start3A_402 = tpu.memref_slice %arg5[%dma_start3A_400, %dma_start3A_401, %multiple_of3A_398] : memref<128x64x8192xf32, #tpu.memory_space<hbm>> -> memref<1x64x128xf32, #tpu.memory_space<hbm>>
    %dma_start3A_403 = tpu.memref_squeeze %dma_start3A_402 : memref<1x64x128xf32, #tpu.memory_space<hbm>> -> memref<64x128xf32, #tpu.memory_space<hbm>>
    %dma_start3A_404 = arith.constant 0 : i32
    %dma_start3A_405 = arith.constant 0 : i32
    %dma_start3A_406 = tpu.memref_slice %arg6[%dma_start3A_399, %dma_start3A_404, %dma_start3A_405] : memref<128x64x128xf32, #tpu.memory_space<vmem>> -> memref<1x64x128xf32, #tpu.memory_space<vmem>>
    %dma_start3A_407 = tpu.memref_squeeze %dma_start3A_406 : memref<1x64x128xf32, #tpu.memory_space<vmem>> -> memref<64x128xf32, #tpu.memory_space<vmem>>
    tpu.enqueue_dma source(%dma_start3A_407 : memref<64x128xf32, #tpu.memory_space<vmem>>) target(%dma_start3A_403 : memref<64x128xf32, #tpu.memory_space<hbm>>) target_semaphore(%arg7 : memref<!tpu.dma_semaphore, #tpu.memory_space<semaphore_mem>>)
    %get3A_408 = arith.constant 25 : index
    %get3A_409 = memref.load %arg1[%get3A_408] : memref<128xi32, #tpu.memory_space<smem>>
    %shift_right_arithmetic3A_410 = arith.constant 7 : i32
    %shift_right_arithmetic3A_411 = arith.shrsi %get3A_409, %shift_right_arithmetic3A_410 : i32
    %shift_left3A_412 = arith.constant 7 : i32
    %shift_left3A_413 = arith.shli %shift_right_arithmetic3A_411, %shift_left3A_412 : i32
    %multiple_of3A_414 = tpu.assume_multiple %shift_left3A_413, 128 : i32
    %dma_start3A_415 = arith.constant 25 : i32
    %dma_start3A_416 = arith.constant 25 : i32
    %dma_start3A_417 = arith.constant 0 : i32
    %dma_start3A_418 = tpu.memref_slice %arg5[%dma_start3A_416, %dma_start3A_417, %multiple_of3A_414] : memref<128x64x8192xf32, #tpu.memory_space<hbm>> -> memref<1x64x128xf32, #tpu.memory_space<hbm>>
    %dma_start3A_419 = tpu.memref_squeeze %dma_start3A_418 : memref<1x64x128xf32, #tpu.memory_space<hbm>> -> memref<64x128xf32, #tpu.memory_space<hbm>>
    %dma_start3A_420 = arith.constant 0 : i32
    %dma_start3A_421 = arith.constant 0 : i32
    %dma_start3A_422 = tpu.memref_slice %arg6[%dma_start3A_415, %dma_start3A_420, %dma_start3A_421] : memref<128x64x128xf32, #tpu.memory_space<vmem>> -> memref<1x64x128xf32, #tpu.memory_space<vmem>>
    %dma_start3A_423 = tpu.memref_squeeze %dma_start3A_422 : memref<1x64x128xf32, #tpu.memory_space<vmem>> -> memref<64x128xf32, #tpu.memory_space<vmem>>
    tpu.enqueue_dma source(%dma_start3A_423 : memref<64x128xf32, #tpu.memory_space<vmem>>) target(%dma_start3A_419 : memref<64x128xf32, #tpu.memory_space<hbm>>) target_semaphore(%arg7 : memref<!tpu.dma_semaphore, #tpu.memory_space<semaphore_mem>>)
    %get3A_424 = arith.constant 26 : index
    %get3A_425 = memref.load %arg1[%get3A_424] : memref<128xi32, #tpu.memory_space<smem>>
    %shift_right_arithmetic3A_426 = arith.constant 7 : i32
    %shift_right_arithmetic3A_427 = arith.shrsi %get3A_425, %shift_right_arithmetic3A_426 : i32
    %shift_left3A_428 = arith.constant 7 : i32
    %shift_left3A_429 = arith.shli %shift_right_arithmetic3A_427, %shift_left3A_428 : i32
    %multiple_of3A_430 = tpu.assume_multiple %shift_left3A_429, 128 : i32
    %dma_start3A_431 = arith.constant 26 : i32
    %dma_start3A_432 = arith.constant 26 : i32
    %dma_start3A_433 = arith.constant 0 : i32
    %dma_start3A_434 = tpu.memref_slice %arg5[%dma_start3A_432, %dma_start3A_433, %multiple_of3A_430] : memref<128x64x8192xf32, #tpu.memory_space<hbm>> -> memref<1x64x128xf32, #tpu.memory_space<hbm>>
    %dma_start3A_435 = tpu.memref_squeeze %dma_start3A_434 : memref<1x64x128xf32, #tpu.memory_space<hbm>> -> memref<64x128xf32, #tpu.memory_space<hbm>>
    %dma_start3A_436 = arith.constant 0 : i32
    %dma_start3A_437 = arith.constant 0 : i32
    %dma_start3A_438 = tpu.memref_slice %arg6[%dma_start3A_431, %dma_start3A_436, %dma_start3A_437] : memref<128x64x128xf32, #tpu.memory_space<vmem>> -> memref<1x64x128xf32, #tpu.memory_space<vmem>>
    %dma_start3A_439 = tpu.memref_squeeze %dma_start3A_438 : memref<1x64x128xf32, #tpu.memory_space<vmem>> -> memref<64x128xf32, #tpu.memory_space<vmem>>
    tpu.enqueue_dma source(%dma_start3A_439 : memref<64x128xf32, #tpu.memory_space<vmem>>) target(%dma_start3A_435 : memref<64x128xf32, #tpu.memory_space<hbm>>) target_semaphore(%arg7 : memref<!tpu.dma_semaphore, #tpu.memory_space<semaphore_mem>>)
    %get3A_440 = arith.constant 27 : index
    %get3A_441 = memref.load %arg1[%get3A_440] : memref<128xi32, #tpu.memory_space<smem>>
    %shift_right_arithmetic3A_442 = arith.constant 7 : i32
    %shift_right_arithmetic3A_443 = arith.shrsi %get3A_441, %shift_right_arithmetic3A_442 : i32
    %shift_left3A_444 = arith.constant 7 : i32
    %shift_left3A_445 = arith.shli %shift_right_arithmetic3A_443, %shift_left3A_444 : i32
    %multiple_of3A_446 = tpu.assume_multiple %shift_left3A_445, 128 : i32
    %dma_start3A_447 = arith.constant 27 : i32
    %dma_start3A_448 = arith.constant 27 : i32
    %dma_start3A_449 = arith.constant 0 : i32
    %dma_start3A_450 = tpu.memref_slice %arg5[%dma_start3A_448, %dma_start3A_449, %multiple_of3A_446] : memref<128x64x8192xf32, #tpu.memory_space<hbm>> -> memref<1x64x128xf32, #tpu.memory_space<hbm>>
    %dma_start3A_451 = tpu.memref_squeeze %dma_start3A_450 : memref<1x64x128xf32, #tpu.memory_space<hbm>> -> memref<64x128xf32, #tpu.memory_space<hbm>>
    %dma_start3A_452 = arith.constant 0 : i32
    %dma_start3A_453 = arith.constant 0 : i32
    %dma_start3A_454 = tpu.memref_slice %arg6[%dma_start3A_447, %dma_start3A_452, %dma_start3A_453] : memref<128x64x128xf32, #tpu.memory_space<vmem>> -> memref<1x64x128xf32, #tpu.memory_space<vmem>>
    %dma_start3A_455 = tpu.memref_squeeze %dma_start3A_454 : memref<1x64x128xf32, #tpu.memory_space<vmem>> -> memref<64x128xf32, #tpu.memory_space<vmem>>
    tpu.enqueue_dma source(%dma_start3A_455 : memref<64x128xf32, #tpu.memory_space<vmem>>) target(%dma_start3A_451 : memref<64x128xf32, #tpu.memory_space<hbm>>) target_semaphore(%arg7 : memref<!tpu.dma_semaphore, #tpu.memory_space<semaphore_mem>>)
    %get3A_456 = arith.constant 28 : index
    %get3A_457 = memref.load %arg1[%get3A_456] : memref<128xi32, #tpu.memory_space<smem>>
    %shift_right_arithmetic3A_458 = arith.constant 7 : i32
    %shift_right_arithmetic3A_459 = arith.shrsi %get3A_457, %shift_right_arithmetic3A_458 : i32
    %shift_left3A_460 = arith.constant 7 : i32
    %shift_left3A_461 = arith.shli %shift_right_arithmetic3A_459, %shift_left3A_460 : i32
    %multiple_of3A_462 = tpu.assume_multiple %shift_left3A_461, 128 : i32
    %dma_start3A_463 = arith.constant 28 : i32
    %dma_start3A_464 = arith.constant 28 : i32
    %dma_start3A_465 = arith.constant 0 : i32
    %dma_start3A_466 = tpu.memref_slice %arg5[%dma_start3A_464, %dma_start3A_465, %multiple_of3A_462] : memref<128x64x8192xf32, #tpu.memory_space<hbm>> -> memref<1x64x128xf32, #tpu.memory_space<hbm>>
    %dma_start3A_467 = tpu.memref_squeeze %dma_start3A_466 : memref<1x64x128xf32, #tpu.memory_space<hbm>> -> memref<64x128xf32, #tpu.memory_space<hbm>>
    %dma_start3A_468 = arith.constant 0 : i32
    %dma_start3A_469 = arith.constant 0 : i32
    %dma_start3A_470 = tpu.memref_slice %arg6[%dma_start3A_463, %dma_start3A_468, %dma_start3A_469] : memref<128x64x128xf32, #tpu.memory_space<vmem>> -> memref<1x64x128xf32, #tpu.memory_space<vmem>>
    %dma_start3A_471 = tpu.memref_squeeze %dma_start3A_470 : memref<1x64x128xf32, #tpu.memory_space<vmem>> -> memref<64x128xf32, #tpu.memory_space<vmem>>
    tpu.enqueue_dma source(%dma_start3A_471 : memref<64x128xf32, #tpu.memory_space<vmem>>) target(%dma_start3A_467 : memref<64x128xf32, #tpu.memory_space<hbm>>) target_semaphore(%arg7 : memref<!tpu.dma_semaphore, #tpu.memory_space<semaphore_mem>>)
    %get3A_472 = arith.constant 29 : index
    %get3A_473 = memref.load %arg1[%get3A_472] : memref<128xi32, #tpu.memory_space<smem>>
    %shift_right_arithmetic3A_474 = arith.constant 7 : i32
    %shift_right_arithmetic3A_475 = arith.shrsi %get3A_473, %shift_right_arithmetic3A_474 : i32
    %shift_left3A_476 = arith.constant 7 : i32
    %shift_left3A_477 = arith.shli %shift_right_arithmetic3A_475, %shift_left3A_476 : i32
    %multiple_of3A_478 = tpu.assume_multiple %shift_left3A_477, 128 : i32
    %dma_start3A_479 = arith.constant 29 : i32
    %dma_start3A_480 = arith.constant 29 : i32
    %dma_start3A_481 = arith.constant 0 : i32
    %dma_start3A_482 = tpu.memref_slice %arg5[%dma_start3A_480, %dma_start3A_481, %multiple_of3A_478] : memref<128x64x8192xf32, #tpu.memory_space<hbm>> -> memref<1x64x128xf32, #tpu.memory_space<hbm>>
    %dma_start3A_483 = tpu.memref_squeeze %dma_start3A_482 : memref<1x64x128xf32, #tpu.memory_space<hbm>> -> memref<64x128xf32, #tpu.memory_space<hbm>>
    %dma_start3A_484 = arith.constant 0 : i32
    %dma_start3A_485 = arith.constant 0 : i32
    %dma_start3A_486 = tpu.memref_slice %arg6[%dma_start3A_479, %dma_start3A_484, %dma_start3A_485] : memref<128x64x128xf32, #tpu.memory_space<vmem>> -> memref<1x64x128xf32, #tpu.memory_space<vmem>>
    %dma_start3A_487 = tpu.memref_squeeze %dma_start3A_486 : memref<1x64x128xf32, #tpu.memory_space<vmem>> -> memref<64x128xf32, #tpu.memory_space<vmem>>
    tpu.enqueue_dma source(%dma_start3A_487 : memref<64x128xf32, #tpu.memory_space<vmem>>) target(%dma_start3A_483 : memref<64x128xf32, #tpu.memory_space<hbm>>) target_semaphore(%arg7 : memref<!tpu.dma_semaphore, #tpu.memory_space<semaphore_mem>>)
    %get3A_488 = arith.constant 30 : index
    %get3A_489 = memref.load %arg1[%get3A_488] : memref<128xi32, #tpu.memory_space<smem>>
    %shift_right_arithmetic3A_490 = arith.constant 7 : i32
    %shift_right_arithmetic3A_491 = arith.shrsi %get3A_489, %shift_right_arithmetic3A_490 : i32
    %shift_left3A_492 = arith.constant 7 : i32
    %shift_left3A_493 = arith.shli %shift_right_arithmetic3A_491, %shift_left3A_492 : i32
    %multiple_of3A_494 = tpu.assume_multiple %shift_left3A_493, 128 : i32
    %dma_start3A_495 = arith.constant 30 : i32
    %dma_start3A_496 = arith.constant 30 : i32
    %dma_start3A_497 = arith.constant 0 : i32
    %dma_start3A_498 = tpu.memref_slice %arg5[%dma_start3A_496, %dma_start3A_497, %multiple_of3A_494] : memref<128x64x8192xf32, #tpu.memory_space<hbm>> -> memref<1x64x128xf32, #tpu.memory_space<hbm>>
    %dma_start3A_499 = tpu.memref_squeeze %dma_start3A_498 : memref<1x64x128xf32, #tpu.memory_space<hbm>> -> memref<64x128xf32, #tpu.memory_space<hbm>>
    %dma_start3A_500 = arith.constant 0 : i32
    %dma_start3A_501 = arith.constant 0 : i32
    %dma_start3A_502 = tpu.memref_slice %arg6[%dma_start3A_495, %dma_start3A_500, %dma_start3A_501] : memref<128x64x128xf32, #tpu.memory_space<vmem>> -> memref<1x64x128xf32, #tpu.memory_space<vmem>>
    %dma_start3A_503 = tpu.memref_squeeze %dma_start3A_502 : memref<1x64x128xf32, #tpu.memory_space<vmem>> -> memref<64x128xf32, #tpu.memory_space<vmem>>
    tpu.enqueue_dma source(%dma_start3A_503 : memref<64x128xf32, #tpu.memory_space<vmem>>) target(%dma_start3A_499 : memref<64x128xf32, #tpu.memory_space<hbm>>) target_semaphore(%arg7 : memref<!tpu.dma_semaphore, #tpu.memory_space<semaphore_mem>>)
    %get3A_504 = arith.constant 31 : index
    %get3A_505 = memref.load %arg1[%get3A_504] : memref<128xi32, #tpu.memory_space<smem>>
    %shift_right_arithmetic3A_506 = arith.constant 7 : i32
    %shift_right_arithmetic3A_507 = arith.shrsi %get3A_505, %shift_right_arithmetic3A_506 : i32
    %shift_left3A_508 = arith.constant 7 : i32
    %shift_left3A_509 = arith.shli %shift_right_arithmetic3A_507, %shift_left3A_508 : i32
    %multiple_of3A_510 = tpu.assume_multiple %shift_left3A_509, 128 : i32
    %dma_start3A_511 = arith.constant 31 : i32
    %dma_start3A_512 = arith.constant 31 : i32
    %dma_start3A_513 = arith.constant 0 : i32
    %dma_start3A_514 = tpu.memref_slice %arg5[%dma_start3A_512, %dma_start3A_513, %multiple_of3A_510] : memref<128x64x8192xf32, #tpu.memory_space<hbm>> -> memref<1x64x128xf32, #tpu.memory_space<hbm>>
    %dma_start3A_515 = tpu.memref_squeeze %dma_start3A_514 : memref<1x64x128xf32, #tpu.memory_space<hbm>> -> memref<64x128xf32, #tpu.memory_space<hbm>>
    %dma_start3A_516 = arith.constant 0 : i32
    %dma_start3A_517 = arith.constant 0 : i32
    %dma_start3A_518 = tpu.memref_slice %arg6[%dma_start3A_511, %dma_start3A_516, %dma_start3A_517] : memref<128x64x128xf32, #tpu.memory_space<vmem>> -> memref<1x64x128xf32, #tpu.memory_space<vmem>>
    %dma_start3A_519 = tpu.memref_squeeze %dma_start3A_518 : memref<1x64x128xf32, #tpu.memory_space<vmem>> -> memref<64x128xf32, #tpu.memory_space<vmem>>
    tpu.enqueue_dma source(%dma_start3A_519 : memref<64x128xf32, #tpu.memory_space<vmem>>) target(%dma_start3A_515 : memref<64x128xf32, #tpu.memory_space<hbm>>) target_semaphore(%arg7 : memref<!tpu.dma_semaphore, #tpu.memory_space<semaphore_mem>>)
    %get3A_520 = arith.constant 32 : index
    %get3A_521 = memref.load %arg1[%get3A_520] : memref<128xi32, #tpu.memory_space<smem>>
    %shift_right_arithmetic3A_522 = arith.constant 7 : i32
    %shift_right_arithmetic3A_523 = arith.shrsi %get3A_521, %shift_right_arithmetic3A_522 : i32
    %shift_left3A_524 = arith.constant 7 : i32
    %shift_left3A_525 = arith.shli %shift_right_arithmetic3A_523, %shift_left3A_524 : i32
    %multiple_of3A_526 = tpu.assume_multiple %shift_left3A_525, 128 : i32
    %dma_start3A_527 = arith.constant 32 : i32
    %dma_start3A_528 = arith.constant 32 : i32
    %dma_start3A_529 = arith.constant 0 : i32
    %dma_start3A_530 = tpu.memref_slice %arg5[%dma_start3A_528, %dma_start3A_529, %multiple_of3A_526] : memref<128x64x8192xf32, #tpu.memory_space<hbm>> -> memref<1x64x128xf32, #tpu.memory_space<hbm>>
    %dma_start3A_531 = tpu.memref_squeeze %dma_start3A_530 : memref<1x64x128xf32, #tpu.memory_space<hbm>> -> memref<64x128xf32, #tpu.memory_space<hbm>>
    %dma_start3A_532 = arith.constant 0 : i32
    %dma_start3A_533 = arith.constant 0 : i32
    %dma_start3A_534 = tpu.memref_slice %arg6[%dma_start3A_527, %dma_start3A_532, %dma_start3A_533] : memref<128x64x128xf32, #tpu.memory_space<vmem>> -> memref<1x64x128xf32, #tpu.memory_space<vmem>>
    %dma_start3A_535 = tpu.memref_squeeze %dma_start3A_534 : memref<1x64x128xf32, #tpu.memory_space<vmem>> -> memref<64x128xf32, #tpu.memory_space<vmem>>
    tpu.enqueue_dma source(%dma_start3A_535 : memref<64x128xf32, #tpu.memory_space<vmem>>) target(%dma_start3A_531 : memref<64x128xf32, #tpu.memory_space<hbm>>) target_semaphore(%arg7 : memref<!tpu.dma_semaphore, #tpu.memory_space<semaphore_mem>>)
    %get3A_536 = arith.constant 33 : index
    %get3A_537 = memref.load %arg1[%get3A_536] : memref<128xi32, #tpu.memory_space<smem>>
    %shift_right_arithmetic3A_538 = arith.constant 7 : i32
    %shift_right_arithmetic3A_539 = arith.shrsi %get3A_537, %shift_right_arithmetic3A_538 : i32
    %shift_left3A_540 = arith.constant 7 : i32
    %shift_left3A_541 = arith.shli %shift_right_arithmetic3A_539, %shift_left3A_540 : i32
    %multiple_of3A_542 = tpu.assume_multiple %shift_left3A_541, 128 : i32
    %dma_start3A_543 = arith.constant 33 : i32
    %dma_start3A_544 = arith.constant 33 : i32
    %dma_start3A_545 = arith.constant 0 : i32
    %dma_start3A_546 = tpu.memref_slice %arg5[%dma_start3A_544, %dma_start3A_545, %multiple_of3A_542] : memref<128x64x8192xf32, #tpu.memory_space<hbm>> -> memref<1x64x128xf32, #tpu.memory_space<hbm>>
    %dma_start3A_547 = tpu.memref_squeeze %dma_start3A_546 : memref<1x64x128xf32, #tpu.memory_space<hbm>> -> memref<64x128xf32, #tpu.memory_space<hbm>>
    %dma_start3A_548 = arith.constant 0 : i32
    %dma_start3A_549 = arith.constant 0 : i32
    %dma_start3A_550 = tpu.memref_slice %arg6[%dma_start3A_543, %dma_start3A_548, %dma_start3A_549] : memref<128x64x128xf32, #tpu.memory_space<vmem>> -> memref<1x64x128xf32, #tpu.memory_space<vmem>>
    %dma_start3A_551 = tpu.memref_squeeze %dma_start3A_550 : memref<1x64x128xf32, #tpu.memory_space<vmem>> -> memref<64x128xf32, #tpu.memory_space<vmem>>
    tpu.enqueue_dma source(%dma_start3A_551 : memref<64x128xf32, #tpu.memory_space<vmem>>) target(%dma_start3A_547 : memref<64x128xf32, #tpu.memory_space<hbm>>) target_semaphore(%arg7 : memref<!tpu.dma_semaphore, #tpu.memory_space<semaphore_mem>>)
    %get3A_552 = arith.constant 34 : index
    %get3A_553 = memref.load %arg1[%get3A_552] : memref<128xi32, #tpu.memory_space<smem>>
    %shift_right_arithmetic3A_554 = arith.constant 7 : i32
    %shift_right_arithmetic3A_555 = arith.shrsi %get3A_553, %shift_right_arithmetic3A_554 : i32
    %shift_left3A_556 = arith.constant 7 : i32
    %shift_left3A_557 = arith.shli %shift_right_arithmetic3A_555, %shift_left3A_556 : i32
    %multiple_of3A_558 = tpu.assume_multiple %shift_left3A_557, 128 : i32
    %dma_start3A_559 = arith.constant 34 : i32
    %dma_start3A_560 = arith.constant 34 : i32
    %dma_start3A_561 = arith.constant 0 : i32
    %dma_start3A_562 = tpu.memref_slice %arg5[%dma_start3A_560, %dma_start3A_561, %multiple_of3A_558] : memref<128x64x8192xf32, #tpu.memory_space<hbm>> -> memref<1x64x128xf32, #tpu.memory_space<hbm>>
    %dma_start3A_563 = tpu.memref_squeeze %dma_start3A_562 : memref<1x64x128xf32, #tpu.memory_space<hbm>> -> memref<64x128xf32, #tpu.memory_space<hbm>>
    %dma_start3A_564 = arith.constant 0 : i32
    %dma_start3A_565 = arith.constant 0 : i32
    %dma_start3A_566 = tpu.memref_slice %arg6[%dma_start3A_559, %dma_start3A_564, %dma_start3A_565] : memref<128x64x128xf32, #tpu.memory_space<vmem>> -> memref<1x64x128xf32, #tpu.memory_space<vmem>>
    %dma_start3A_567 = tpu.memref_squeeze %dma_start3A_566 : memref<1x64x128xf32, #tpu.memory_space<vmem>> -> memref<64x128xf32, #tpu.memory_space<vmem>>
    tpu.enqueue_dma source(%dma_start3A_567 : memref<64x128xf32, #tpu.memory_space<vmem>>) target(%dma_start3A_563 : memref<64x128xf32, #tpu.memory_space<hbm>>) target_semaphore(%arg7 : memref<!tpu.dma_semaphore, #tpu.memory_space<semaphore_mem>>)
    %get3A_568 = arith.constant 35 : index
    %get3A_569 = memref.load %arg1[%get3A_568] : memref<128xi32, #tpu.memory_space<smem>>
    %shift_right_arithmetic3A_570 = arith.constant 7 : i32
    %shift_right_arithmetic3A_571 = arith.shrsi %get3A_569, %shift_right_arithmetic3A_570 : i32
    %shift_left3A_572 = arith.constant 7 : i32
    %shift_left3A_573 = arith.shli %shift_right_arithmetic3A_571, %shift_left3A_572 : i32
    %multiple_of3A_574 = tpu.assume_multiple %shift_left3A_573, 128 : i32
    %dma_start3A_575 = arith.constant 35 : i32
    %dma_start3A_576 = arith.constant 35 : i32
    %dma_start3A_577 = arith.constant 0 : i32
    %dma_start3A_578 = tpu.memref_slice %arg5[%dma_start3A_576, %dma_start3A_577, %multiple_of3A_574] : memref<128x64x8192xf32, #tpu.memory_space<hbm>> -> memref<1x64x128xf32, #tpu.memory_space<hbm>>
    %dma_start3A_579 = tpu.memref_squeeze %dma_start3A_578 : memref<1x64x128xf32, #tpu.memory_space<hbm>> -> memref<64x128xf32, #tpu.memory_space<hbm>>
    %dma_start3A_580 = arith.constant 0 : i32
    %dma_start3A_581 = arith.constant 0 : i32
    %dma_start3A_582 = tpu.memref_slice %arg6[%dma_start3A_575, %dma_start3A_580, %dma_start3A_581] : memref<128x64x128xf32, #tpu.memory_space<vmem>> -> memref<1x64x128xf32, #tpu.memory_space<vmem>>
    %dma_start3A_583 = tpu.memref_squeeze %dma_start3A_582 : memref<1x64x128xf32, #tpu.memory_space<vmem>> -> memref<64x128xf32, #tpu.memory_space<vmem>>
    tpu.enqueue_dma source(%dma_start3A_583 : memref<64x128xf32, #tpu.memory_space<vmem>>) target(%dma_start3A_579 : memref<64x128xf32, #tpu.memory_space<hbm>>) target_semaphore(%arg7 : memref<!tpu.dma_semaphore, #tpu.memory_space<semaphore_mem>>)
    %get3A_584 = arith.constant 36 : index
    %get3A_585 = memref.load %arg1[%get3A_584] : memref<128xi32, #tpu.memory_space<smem>>
    %shift_right_arithmetic3A_586 = arith.constant 7 : i32
    %shift_right_arithmetic3A_587 = arith.shrsi %get3A_585, %shift_right_arithmetic3A_586 : i32
    %shift_left3A_588 = arith.constant 7 : i32
    %shift_left3A_589 = arith.shli %shift_right_arithmetic3A_587, %shift_left3A_588 : i32
    %multiple_of3A_590 = tpu.assume_multiple %shift_left3A_589, 128 : i32
    %dma_start3A_591 = arith.constant 36 : i32
    %dma_start3A_592 = arith.constant 36 : i32
    %dma_start3A_593 = arith.constant 0 : i32
    %dma_start3A_594 = tpu.memref_slice %arg5[%dma_start3A_592, %dma_start3A_593, %multiple_of3A_590] : memref<128x64x8192xf32, #tpu.memory_space<hbm>> -> memref<1x64x128xf32, #tpu.memory_space<hbm>>
    %dma_start3A_595 = tpu.memref_squeeze %dma_start3A_594 : memref<1x64x128xf32, #tpu.memory_space<hbm>> -> memref<64x128xf32, #tpu.memory_space<hbm>>
    %dma_start3A_596 = arith.constant 0 : i32
    %dma_start3A_597 = arith.constant 0 : i32
    %dma_start3A_598 = tpu.memref_slice %arg6[%dma_start3A_591, %dma_start3A_596, %dma_start3A_597] : memref<128x64x128xf32, #tpu.memory_space<vmem>> -> memref<1x64x128xf32, #tpu.memory_space<vmem>>
    %dma_start3A_599 = tpu.memref_squeeze %dma_start3A_598 : memref<1x64x128xf32, #tpu.memory_space<vmem>> -> memref<64x128xf32, #tpu.memory_space<vmem>>
    tpu.enqueue_dma source(%dma_start3A_599 : memref<64x128xf32, #tpu.memory_space<vmem>>) target(%dma_start3A_595 : memref<64x128xf32, #tpu.memory_space<hbm>>) target_semaphore(%arg7 : memref<!tpu.dma_semaphore, #tpu.memory_space<semaphore_mem>>)
    %get3A_600 = arith.constant 37 : index
    %get3A_601 = memref.load %arg1[%get3A_600] : memref<128xi32, #tpu.memory_space<smem>>
    %shift_right_arithmetic3A_602 = arith.constant 7 : i32
    %shift_right_arithmetic3A_603 = arith.shrsi %get3A_601, %shift_right_arithmetic3A_602 : i32
    %shift_left3A_604 = arith.constant 7 : i32
    %shift_left3A_605 = arith.shli %shift_right_arithmetic3A_603, %shift_left3A_604 : i32
    %multiple_of3A_606 = tpu.assume_multiple %shift_left3A_605, 128 : i32
    %dma_start3A_607 = arith.constant 37 : i32
    %dma_start3A_608 = arith.constant 37 : i32
    %dma_start3A_609 = arith.constant 0 : i32
    %dma_start3A_610 = tpu.memref_slice %arg5[%dma_start3A_608, %dma_start3A_609, %multiple_of3A_606] : memref<128x64x8192xf32, #tpu.memory_space<hbm>> -> memref<1x64x128xf32, #tpu.memory_space<hbm>>
    %dma_start3A_611 = tpu.memref_squeeze %dma_start3A_610 : memref<1x64x128xf32, #tpu.memory_space<hbm>> -> memref<64x128xf32, #tpu.memory_space<hbm>>
    %dma_start3A_612 = arith.constant 0 : i32
    %dma_start3A_613 = arith.constant 0 : i32
    %dma_start3A_614 = tpu.memref_slice %arg6[%dma_start3A_607, %dma_start3A_612, %dma_start3A_613] : memref<128x64x128xf32, #tpu.memory_space<vmem>> -> memref<1x64x128xf32, #tpu.memory_space<vmem>>
    %dma_start3A_615 = tpu.memref_squeeze %dma_start3A_614 : memref<1x64x128xf32, #tpu.memory_space<vmem>> -> memref<64x128xf32, #tpu.memory_space<vmem>>
    tpu.enqueue_dma source(%dma_start3A_615 : memref<64x128xf32, #tpu.memory_space<vmem>>) target(%dma_start3A_611 : memref<64x128xf32, #tpu.memory_space<hbm>>) target_semaphore(%arg7 : memref<!tpu.dma_semaphore, #tpu.memory_space<semaphore_mem>>)
    %get3A_616 = arith.constant 38 : index
    %get3A_617 = memref.load %arg1[%get3A_616] : memref<128xi32, #tpu.memory_space<smem>>
    %shift_right_arithmetic3A_618 = arith.constant 7 : i32
    %shift_right_arithmetic3A_619 = arith.shrsi %get3A_617, %shift_right_arithmetic3A_618 : i32
    %shift_left3A_620 = arith.constant 7 : i32
    %shift_left3A_621 = arith.shli %shift_right_arithmetic3A_619, %shift_left3A_620 : i32
    %multiple_of3A_622 = tpu.assume_multiple %shift_left3A_621, 128 : i32
    %dma_start3A_623 = arith.constant 38 : i32
    %dma_start3A_624 = arith.constant 38 : i32
    %dma_start3A_625 = arith.constant 0 : i32
    %dma_start3A_626 = tpu.memref_slice %arg5[%dma_start3A_624, %dma_start3A_625, %multiple_of3A_622] : memref<128x64x8192xf32, #tpu.memory_space<hbm>> -> memref<1x64x128xf32, #tpu.memory_space<hbm>>
    %dma_start3A_627 = tpu.memref_squeeze %dma_start3A_626 : memref<1x64x128xf32, #tpu.memory_space<hbm>> -> memref<64x128xf32, #tpu.memory_space<hbm>>
    %dma_start3A_628 = arith.constant 0 : i32
    %dma_start3A_629 = arith.constant 0 : i32
    %dma_start3A_630 = tpu.memref_slice %arg6[%dma_start3A_623, %dma_start3A_628, %dma_start3A_629] : memref<128x64x128xf32, #tpu.memory_space<vmem>> -> memref<1x64x128xf32, #tpu.memory_space<vmem>>
    %dma_start3A_631 = tpu.memref_squeeze %dma_start3A_630 : memref<1x64x128xf32, #tpu.memory_space<vmem>> -> memref<64x128xf32, #tpu.memory_space<vmem>>
    tpu.enqueue_dma source(%dma_start3A_631 : memref<64x128xf32, #tpu.memory_space<vmem>>) target(%dma_start3A_627 : memref<64x128xf32, #tpu.memory_space<hbm>>) target_semaphore(%arg7 : memref<!tpu.dma_semaphore, #tpu.memory_space<semaphore_mem>>)
    %get3A_632 = arith.constant 39 : index
    %get3A_633 = memref.load %arg1[%get3A_632] : memref<128xi32, #tpu.memory_space<smem>>
    %shift_right_arithmetic3A_634 = arith.constant 7 : i32
    %shift_right_arithmetic3A_635 = arith.shrsi %get3A_633, %shift_right_arithmetic3A_634 : i32
    %shift_left3A_636 = arith.constant 7 : i32
    %shift_left3A_637 = arith.shli %shift_right_arithmetic3A_635, %shift_left3A_636 : i32
    %multiple_of3A_638 = tpu.assume_multiple %shift_left3A_637, 128 : i32
    %dma_start3A_639 = arith.constant 39 : i32
    %dma_start3A_640 = arith.constant 39 : i32
    %dma_start3A_641 = arith.constant 0 : i32
    %dma_start3A_642 = tpu.memref_slice %arg5[%dma_start3A_640, %dma_start3A_641, %multiple_of3A_638] : memref<128x64x8192xf32, #tpu.memory_space<hbm>> -> memref<1x64x128xf32, #tpu.memory_space<hbm>>
    %dma_start3A_643 = tpu.memref_squeeze %dma_start3A_642 : memref<1x64x128xf32, #tpu.memory_space<hbm>> -> memref<64x128xf32, #tpu.memory_space<hbm>>
    %dma_start3A_644 = arith.constant 0 : i32
    %dma_start3A_645 = arith.constant 0 : i32
    %dma_start3A_646 = tpu.memref_slice %arg6[%dma_start3A_639, %dma_start3A_644, %dma_start3A_645] : memref<128x64x128xf32, #tpu.memory_space<vmem>> -> memref<1x64x128xf32, #tpu.memory_space<vmem>>
    %dma_start3A_647 = tpu.memref_squeeze %dma_start3A_646 : memref<1x64x128xf32, #tpu.memory_space<vmem>> -> memref<64x128xf32, #tpu.memory_space<vmem>>
    tpu.enqueue_dma source(%dma_start3A_647 : memref<64x128xf32, #tpu.memory_space<vmem>>) target(%dma_start3A_643 : memref<64x128xf32, #tpu.memory_space<hbm>>) target_semaphore(%arg7 : memref<!tpu.dma_semaphore, #tpu.memory_space<semaphore_mem>>)
    %get3A_648 = arith.constant 40 : index
    %get3A_649 = memref.load %arg1[%get3A_648] : memref<128xi32, #tpu.memory_space<smem>>
    %shift_right_arithmetic3A_650 = arith.constant 7 : i32
    %shift_right_arithmetic3A_651 = arith.shrsi %get3A_649, %shift_right_arithmetic3A_650 : i32
    %shift_left3A_652 = arith.constant 7 : i32
    %shift_left3A_653 = arith.shli %shift_right_arithmetic3A_651, %shift_left3A_652 : i32
    %multiple_of3A_654 = tpu.assume_multiple %shift_left3A_653, 128 : i32
    %dma_start3A_655 = arith.constant 40 : i32
    %dma_start3A_656 = arith.constant 40 : i32
    %dma_start3A_657 = arith.constant 0 : i32
    %dma_start3A_658 = tpu.memref_slice %arg5[%dma_start3A_656, %dma_start3A_657, %multiple_of3A_654] : memref<128x64x8192xf32, #tpu.memory_space<hbm>> -> memref<1x64x128xf32, #tpu.memory_space<hbm>>
    %dma_start3A_659 = tpu.memref_squeeze %dma_start3A_658 : memref<1x64x128xf32, #tpu.memory_space<hbm>> -> memref<64x128xf32, #tpu.memory_space<hbm>>
    %dma_start3A_660 = arith.constant 0 : i32
    %dma_start3A_661 = arith.constant 0 : i32
    %dma_start3A_662 = tpu.memref_slice %arg6[%dma_start3A_655, %dma_start3A_660, %dma_start3A_661] : memref<128x64x128xf32, #tpu.memory_space<vmem>> -> memref<1x64x128xf32, #tpu.memory_space<vmem>>
    %dma_start3A_663 = tpu.memref_squeeze %dma_start3A_662 : memref<1x64x128xf32, #tpu.memory_space<vmem>> -> memref<64x128xf32, #tpu.memory_space<vmem>>
    tpu.enqueue_dma source(%dma_start3A_663 : memref<64x128xf32, #tpu.memory_space<vmem>>) target(%dma_start3A_659 : memref<64x128xf32, #tpu.memory_space<hbm>>) target_semaphore(%arg7 : memref<!tpu.dma_semaphore, #tpu.memory_space<semaphore_mem>>)
    %get3A_664 = arith.constant 41 : index
    %get3A_665 = memref.load %arg1[%get3A_664] : memref<128xi32, #tpu.memory_space<smem>>
    %shift_right_arithmetic3A_666 = arith.constant 7 : i32
    %shift_right_arithmetic3A_667 = arith.shrsi %get3A_665, %shift_right_arithmetic3A_666 : i32
    %shift_left3A_668 = arith.constant 7 : i32
    %shift_left3A_669 = arith.shli %shift_right_arithmetic3A_667, %shift_left3A_668 : i32
    %multiple_of3A_670 = tpu.assume_multiple %shift_left3A_669, 128 : i32
    %dma_start3A_671 = arith.constant 41 : i32
    %dma_start3A_672 = arith.constant 41 : i32
    %dma_start3A_673 = arith.constant 0 : i32
    %dma_start3A_674 = tpu.memref_slice %arg5[%dma_start3A_672, %dma_start3A_673, %multiple_of3A_670] : memref<128x64x8192xf32, #tpu.memory_space<hbm>> -> memref<1x64x128xf32, #tpu.memory_space<hbm>>
    %dma_start3A_675 = tpu.memref_squeeze %dma_start3A_674 : memref<1x64x128xf32, #tpu.memory_space<hbm>> -> memref<64x128xf32, #tpu.memory_space<hbm>>
    %dma_start3A_676 = arith.constant 0 : i32
    %dma_start3A_677 = arith.constant 0 : i32
    %dma_start3A_678 = tpu.memref_slice %arg6[%dma_start3A_671, %dma_start3A_676, %dma_start3A_677] : memref<128x64x128xf32, #tpu.memory_space<vmem>> -> memref<1x64x128xf32, #tpu.memory_space<vmem>>
    %dma_start3A_679 = tpu.memref_squeeze %dma_start3A_678 : memref<1x64x128xf32, #tpu.memory_space<vmem>> -> memref<64x128xf32, #tpu.memory_space<vmem>>
    tpu.enqueue_dma source(%dma_start3A_679 : memref<64x128xf32, #tpu.memory_space<vmem>>) target(%dma_start3A_675 : memref<64x128xf32, #tpu.memory_space<hbm>>) target_semaphore(%arg7 : memref<!tpu.dma_semaphore, #tpu.memory_space<semaphore_mem>>)
    %get3A_680 = arith.constant 42 : index
    %get3A_681 = memref.load %arg1[%get3A_680] : memref<128xi32, #tpu.memory_space<smem>>
    %shift_right_arithmetic3A_682 = arith.constant 7 : i32
    %shift_right_arithmetic3A_683 = arith.shrsi %get3A_681, %shift_right_arithmetic3A_682 : i32
    %shift_left3A_684 = arith.constant 7 : i32
    %shift_left3A_685 = arith.shli %shift_right_arithmetic3A_683, %shift_left3A_684 : i32
    %multiple_of3A_686 = tpu.assume_multiple %shift_left3A_685, 128 : i32
    %dma_start3A_687 = arith.constant 42 : i32
    %dma_start3A_688 = arith.constant 42 : i32
    %dma_start3A_689 = arith.constant 0 : i32
    %dma_start3A_690 = tpu.memref_slice %arg5[%dma_start3A_688, %dma_start3A_689, %multiple_of3A_686] : memref<128x64x8192xf32, #tpu.memory_space<hbm>> -> memref<1x64x128xf32, #tpu.memory_space<hbm>>
    %dma_start3A_691 = tpu.memref_squeeze %dma_start3A_690 : memref<1x64x128xf32, #tpu.memory_space<hbm>> -> memref<64x128xf32, #tpu.memory_space<hbm>>
    %dma_start3A_692 = arith.constant 0 : i32
    %dma_start3A_693 = arith.constant 0 : i32
    %dma_start3A_694 = tpu.memref_slice %arg6[%dma_start3A_687, %dma_start3A_692, %dma_start3A_693] : memref<128x64x128xf32, #tpu.memory_space<vmem>> -> memref<1x64x128xf32, #tpu.memory_space<vmem>>
    %dma_start3A_695 = tpu.memref_squeeze %dma_start3A_694 : memref<1x64x128xf32, #tpu.memory_space<vmem>> -> memref<64x128xf32, #tpu.memory_space<vmem>>
    tpu.enqueue_dma source(%dma_start3A_695 : memref<64x128xf32, #tpu.memory_space<vmem>>) target(%dma_start3A_691 : memref<64x128xf32, #tpu.memory_space<hbm>>) target_semaphore(%arg7 : memref<!tpu.dma_semaphore, #tpu.memory_space<semaphore_mem>>)
    %get3A_696 = arith.constant 43 : index
    %get3A_697 = memref.load %arg1[%get3A_696] : memref<128xi32, #tpu.memory_space<smem>>
    %shift_right_arithmetic3A_698 = arith.constant 7 : i32
    %shift_right_arithmetic3A_699 = arith.shrsi %get3A_697, %shift_right_arithmetic3A_698 : i32
    %shift_left3A_700 = arith.constant 7 : i32
    %shift_left3A_701 = arith.shli %shift_right_arithmetic3A_699, %shift_left3A_700 : i32
    %multiple_of3A_702 = tpu.assume_multiple %shift_left3A_701, 128 : i32
    %dma_start3A_703 = arith.constant 43 : i32
    %dma_start3A_704 = arith.constant 43 : i32
    %dma_start3A_705 = arith.constant 0 : i32
    %dma_start3A_706 = tpu.memref_slice %arg5[%dma_start3A_704, %dma_start3A_705, %multiple_of3A_702] : memref<128x64x8192xf32, #tpu.memory_space<hbm>> -> memref<1x64x128xf32, #tpu.memory_space<hbm>>
    %dma_start3A_707 = tpu.memref_squeeze %dma_start3A_706 : memref<1x64x128xf32, #tpu.memory_space<hbm>> -> memref<64x128xf32, #tpu.memory_space<hbm>>
    %dma_start3A_708 = arith.constant 0 : i32
    %dma_start3A_709 = arith.constant 0 : i32
    %dma_start3A_710 = tpu.memref_slice %arg6[%dma_start3A_703, %dma_start3A_708, %dma_start3A_709] : memref<128x64x128xf32, #tpu.memory_space<vmem>> -> memref<1x64x128xf32, #tpu.memory_space<vmem>>
    %dma_start3A_711 = tpu.memref_squeeze %dma_start3A_710 : memref<1x64x128xf32, #tpu.memory_space<vmem>> -> memref<64x128xf32, #tpu.memory_space<vmem>>
    tpu.enqueue_dma source(%dma_start3A_711 : memref<64x128xf32, #tpu.memory_space<vmem>>) target(%dma_start3A_707 : memref<64x128xf32, #tpu.memory_space<hbm>>) target_semaphore(%arg7 : memref<!tpu.dma_semaphore, #tpu.memory_space<semaphore_mem>>)
    %get3A_712 = arith.constant 44 : index
    %get3A_713 = memref.load %arg1[%get3A_712] : memref<128xi32, #tpu.memory_space<smem>>
    %shift_right_arithmetic3A_714 = arith.constant 7 : i32
    %shift_right_arithmetic3A_715 = arith.shrsi %get3A_713, %shift_right_arithmetic3A_714 : i32
    %shift_left3A_716 = arith.constant 7 : i32
    %shift_left3A_717 = arith.shli %shift_right_arithmetic3A_715, %shift_left3A_716 : i32
    %multiple_of3A_718 = tpu.assume_multiple %shift_left3A_717, 128 : i32
    %dma_start3A_719 = arith.constant 44 : i32
    %dma_start3A_720 = arith.constant 44 : i32
    %dma_start3A_721 = arith.constant 0 : i32
    %dma_start3A_722 = tpu.memref_slice %arg5[%dma_start3A_720, %dma_start3A_721, %multiple_of3A_718] : memref<128x64x8192xf32, #tpu.memory_space<hbm>> -> memref<1x64x128xf32, #tpu.memory_space<hbm>>
    %dma_start3A_723 = tpu.memref_squeeze %dma_start3A_722 : memref<1x64x128xf32, #tpu.memory_space<hbm>> -> memref<64x128xf32, #tpu.memory_space<hbm>>
    %dma_start3A_724 = arith.constant 0 : i32
    %dma_start3A_725 = arith.constant 0 : i32
    %dma_start3A_726 = tpu.memref_slice %arg6[%dma_start3A_719, %dma_start3A_724, %dma_start3A_725] : memref<128x64x128xf32, #tpu.memory_space<vmem>> -> memref<1x64x128xf32, #tpu.memory_space<vmem>>
    %dma_start3A_727 = tpu.memref_squeeze %dma_start3A_726 : memref<1x64x128xf32, #tpu.memory_space<vmem>> -> memref<64x128xf32, #tpu.memory_space<vmem>>
    tpu.enqueue_dma source(%dma_start3A_727 : memref<64x128xf32, #tpu.memory_space<vmem>>) target(%dma_start3A_723 : memref<64x128xf32, #tpu.memory_space<hbm>>) target_semaphore(%arg7 : memref<!tpu.dma_semaphore, #tpu.memory_space<semaphore_mem>>)
    %get3A_728 = arith.constant 45 : index
    %get3A_729 = memref.load %arg1[%get3A_728] : memref<128xi32, #tpu.memory_space<smem>>
    %shift_right_arithmetic3A_730 = arith.constant 7 : i32
    %shift_right_arithmetic3A_731 = arith.shrsi %get3A_729, %shift_right_arithmetic3A_730 : i32
    %shift_left3A_732 = arith.constant 7 : i32
    %shift_left3A_733 = arith.shli %shift_right_arithmetic3A_731, %shift_left3A_732 : i32
    %multiple_of3A_734 = tpu.assume_multiple %shift_left3A_733, 128 : i32
    %dma_start3A_735 = arith.constant 45 : i32
    %dma_start3A_736 = arith.constant 45 : i32
    %dma_start3A_737 = arith.constant 0 : i32
    %dma_start3A_738 = tpu.memref_slice %arg5[%dma_start3A_736, %dma_start3A_737, %multiple_of3A_734] : memref<128x64x8192xf32, #tpu.memory_space<hbm>> -> memref<1x64x128xf32, #tpu.memory_space<hbm>>
    %dma_start3A_739 = tpu.memref_squeeze %dma_start3A_738 : memref<1x64x128xf32, #tpu.memory_space<hbm>> -> memref<64x128xf32, #tpu.memory_space<hbm>>
    %dma_start3A_740 = arith.constant 0 : i32
    %dma_start3A_741 = arith.constant 0 : i32
    %dma_start3A_742 = tpu.memref_slice %arg6[%dma_start3A_735, %dma_start3A_740, %dma_start3A_741] : memref<128x64x128xf32, #tpu.memory_space<vmem>> -> memref<1x64x128xf32, #tpu.memory_space<vmem>>
    %dma_start3A_743 = tpu.memref_squeeze %dma_start3A_742 : memref<1x64x128xf32, #tpu.memory_space<vmem>> -> memref<64x128xf32, #tpu.memory_space<vmem>>
    tpu.enqueue_dma source(%dma_start3A_743 : memref<64x128xf32, #tpu.memory_space<vmem>>) target(%dma_start3A_739 : memref<64x128xf32, #tpu.memory_space<hbm>>) target_semaphore(%arg7 : memref<!tpu.dma_semaphore, #tpu.memory_space<semaphore_mem>>)
    %get3A_744 = arith.constant 46 : index
    %get3A_745 = memref.load %arg1[%get3A_744] : memref<128xi32, #tpu.memory_space<smem>>
    %shift_right_arithmetic3A_746 = arith.constant 7 : i32
    %shift_right_arithmetic3A_747 = arith.shrsi %get3A_745, %shift_right_arithmetic3A_746 : i32
    %shift_left3A_748 = arith.constant 7 : i32
    %shift_left3A_749 = arith.shli %shift_right_arithmetic3A_747, %shift_left3A_748 : i32
    %multiple_of3A_750 = tpu.assume_multiple %shift_left3A_749, 128 : i32
    %dma_start3A_751 = arith.constant 46 : i32
    %dma_start3A_752 = arith.constant 46 : i32
    %dma_start3A_753 = arith.constant 0 : i32
    %dma_start3A_754 = tpu.memref_slice %arg5[%dma_start3A_752, %dma_start3A_753, %multiple_of3A_750] : memref<128x64x8192xf32, #tpu.memory_space<hbm>> -> memref<1x64x128xf32, #tpu.memory_space<hbm>>
    %dma_start3A_755 = tpu.memref_squeeze %dma_start3A_754 : memref<1x64x128xf32, #tpu.memory_space<hbm>> -> memref<64x128xf32, #tpu.memory_space<hbm>>
    %dma_start3A_756 = arith.constant 0 : i32
    %dma_start3A_757 = arith.constant 0 : i32
    %dma_start3A_758 = tpu.memref_slice %arg6[%dma_start3A_751, %dma_start3A_756, %dma_start3A_757] : memref<128x64x128xf32, #tpu.memory_space<vmem>> -> memref<1x64x128xf32, #tpu.memory_space<vmem>>
    %dma_start3A_759 = tpu.memref_squeeze %dma_start3A_758 : memref<1x64x128xf32, #tpu.memory_space<vmem>> -> memref<64x128xf32, #tpu.memory_space<vmem>>
    tpu.enqueue_dma source(%dma_start3A_759 : memref<64x128xf32, #tpu.memory_space<vmem>>) target(%dma_start3A_755 : memref<64x128xf32, #tpu.memory_space<hbm>>) target_semaphore(%arg7 : memref<!tpu.dma_semaphore, #tpu.memory_space<semaphore_mem>>)
    %get3A_760 = arith.constant 47 : index
    %get3A_761 = memref.load %arg1[%get3A_760] : memref<128xi32, #tpu.memory_space<smem>>
    %shift_right_arithmetic3A_762 = arith.constant 7 : i32
    %shift_right_arithmetic3A_763 = arith.shrsi %get3A_761, %shift_right_arithmetic3A_762 : i32
    %shift_left3A_764 = arith.constant 7 : i32
    %shift_left3A_765 = arith.shli %shift_right_arithmetic3A_763, %shift_left3A_764 : i32
    %multiple_of3A_766 = tpu.assume_multiple %shift_left3A_765, 128 : i32
    %dma_start3A_767 = arith.constant 47 : i32
    %dma_start3A_768 = arith.constant 47 : i32
    %dma_start3A_769 = arith.constant 0 : i32
    %dma_start3A_770 = tpu.memref_slice %arg5[%dma_start3A_768, %dma_start3A_769, %multiple_of3A_766] : memref<128x64x8192xf32, #tpu.memory_space<hbm>> -> memref<1x64x128xf32, #tpu.memory_space<hbm>>
    %dma_start3A_771 = tpu.memref_squeeze %dma_start3A_770 : memref<1x64x128xf32, #tpu.memory_space<hbm>> -> memref<64x128xf32, #tpu.memory_space<hbm>>
    %dma_start3A_772 = arith.constant 0 : i32
    %dma_start3A_773 = arith.constant 0 : i32
    %dma_start3A_774 = tpu.memref_slice %arg6[%dma_start3A_767, %dma_start3A_772, %dma_start3A_773] : memref<128x64x128xf32, #tpu.memory_space<vmem>> -> memref<1x64x128xf32, #tpu.memory_space<vmem>>
    %dma_start3A_775 = tpu.memref_squeeze %dma_start3A_774 : memref<1x64x128xf32, #tpu.memory_space<vmem>> -> memref<64x128xf32, #tpu.memory_space<vmem>>
    tpu.enqueue_dma source(%dma_start3A_775 : memref<64x128xf32, #tpu.memory_space<vmem>>) target(%dma_start3A_771 : memref<64x128xf32, #tpu.memory_space<hbm>>) target_semaphore(%arg7 : memref<!tpu.dma_semaphore, #tpu.memory_space<semaphore_mem>>)
    %get3A_776 = arith.constant 48 : index
    %get3A_777 = memref.load %arg1[%get3A_776] : memref<128xi32, #tpu.memory_space<smem>>
    %shift_right_arithmetic3A_778 = arith.constant 7 : i32
    %shift_right_arithmetic3A_779 = arith.shrsi %get3A_777, %shift_right_arithmetic3A_778 : i32
    %shift_left3A_780 = arith.constant 7 : i32
    %shift_left3A_781 = arith.shli %shift_right_arithmetic3A_779, %shift_left3A_780 : i32
    %multiple_of3A_782 = tpu.assume_multiple %shift_left3A_781, 128 : i32
    %dma_start3A_783 = arith.constant 48 : i32
    %dma_start3A_784 = arith.constant 48 : i32
    %dma_start3A_785 = arith.constant 0 : i32
    %dma_start3A_786 = tpu.memref_slice %arg5[%dma_start3A_784, %dma_start3A_785, %multiple_of3A_782] : memref<128x64x8192xf32, #tpu.memory_space<hbm>> -> memref<1x64x128xf32, #tpu.memory_space<hbm>>
    %dma_start3A_787 = tpu.memref_squeeze %dma_start3A_786 : memref<1x64x128xf32, #tpu.memory_space<hbm>> -> memref<64x128xf32, #tpu.memory_space<hbm>>
    %dma_start3A_788 = arith.constant 0 : i32
    %dma_start3A_789 = arith.constant 0 : i32
    %dma_start3A_790 = tpu.memref_slice %arg6[%dma_start3A_783, %dma_start3A_788, %dma_start3A_789] : memref<128x64x128xf32, #tpu.memory_space<vmem>> -> memref<1x64x128xf32, #tpu.memory_space<vmem>>
    %dma_start3A_791 = tpu.memref_squeeze %dma_start3A_790 : memref<1x64x128xf32, #tpu.memory_space<vmem>> -> memref<64x128xf32, #tpu.memory_space<vmem>>
    tpu.enqueue_dma source(%dma_start3A_791 : memref<64x128xf32, #tpu.memory_space<vmem>>) target(%dma_start3A_787 : memref<64x128xf32, #tpu.memory_space<hbm>>) target_semaphore(%arg7 : memref<!tpu.dma_semaphore, #tpu.memory_space<semaphore_mem>>)
    %get3A_792 = arith.constant 49 : index
    %get3A_793 = memref.load %arg1[%get3A_792] : memref<128xi32, #tpu.memory_space<smem>>
    %shift_right_arithmetic3A_794 = arith.constant 7 : i32
    %shift_right_arithmetic3A_795 = arith.shrsi %get3A_793, %shift_right_arithmetic3A_794 : i32
    %shift_left3A_796 = arith.constant 7 : i32
    %shift_left3A_797 = arith.shli %shift_right_arithmetic3A_795, %shift_left3A_796 : i32
    %multiple_of3A_798 = tpu.assume_multiple %shift_left3A_797, 128 : i32
    %dma_start3A_799 = arith.constant 49 : i32
    %dma_start3A_800 = arith.constant 49 : i32
    %dma_start3A_801 = arith.constant 0 : i32
    %dma_start3A_802 = tpu.memref_slice %arg5[%dma_start3A_800, %dma_start3A_801, %multiple_of3A_798] : memref<128x64x8192xf32, #tpu.memory_space<hbm>> -> memref<1x64x128xf32, #tpu.memory_space<hbm>>
    %dma_start3A_803 = tpu.memref_squeeze %dma_start3A_802 : memref<1x64x128xf32, #tpu.memory_space<hbm>> -> memref<64x128xf32, #tpu.memory_space<hbm>>
    %dma_start3A_804 = arith.constant 0 : i32
    %dma_start3A_805 = arith.constant 0 : i32
    %dma_start3A_806 = tpu.memref_slice %arg6[%dma_start3A_799, %dma_start3A_804, %dma_start3A_805] : memref<128x64x128xf32, #tpu.memory_space<vmem>> -> memref<1x64x128xf32, #tpu.memory_space<vmem>>
    %dma_start3A_807 = tpu.memref_squeeze %dma_start3A_806 : memref<1x64x128xf32, #tpu.memory_space<vmem>> -> memref<64x128xf32, #tpu.memory_space<vmem>>
    tpu.enqueue_dma source(%dma_start3A_807 : memref<64x128xf32, #tpu.memory_space<vmem>>) target(%dma_start3A_803 : memref<64x128xf32, #tpu.memory_space<hbm>>) target_semaphore(%arg7 : memref<!tpu.dma_semaphore, #tpu.memory_space<semaphore_mem>>)
    %get3A_808 = arith.constant 50 : index
    %get3A_809 = memref.load %arg1[%get3A_808] : memref<128xi32, #tpu.memory_space<smem>>
    %shift_right_arithmetic3A_810 = arith.constant 7 : i32
    %shift_right_arithmetic3A_811 = arith.shrsi %get3A_809, %shift_right_arithmetic3A_810 : i32
    %shift_left3A_812 = arith.constant 7 : i32
    %shift_left3A_813 = arith.shli %shift_right_arithmetic3A_811, %shift_left3A_812 : i32
    %multiple_of3A_814 = tpu.assume_multiple %shift_left3A_813, 128 : i32
    %dma_start3A_815 = arith.constant 50 : i32
    %dma_start3A_816 = arith.constant 50 : i32
    %dma_start3A_817 = arith.constant 0 : i32
    %dma_start3A_818 = tpu.memref_slice %arg5[%dma_start3A_816, %dma_start3A_817, %multiple_of3A_814] : memref<128x64x8192xf32, #tpu.memory_space<hbm>> -> memref<1x64x128xf32, #tpu.memory_space<hbm>>
    %dma_start3A_819 = tpu.memref_squeeze %dma_start3A_818 : memref<1x64x128xf32, #tpu.memory_space<hbm>> -> memref<64x128xf32, #tpu.memory_space<hbm>>
    %dma_start3A_820 = arith.constant 0 : i32
    %dma_start3A_821 = arith.constant 0 : i32
    %dma_start3A_822 = tpu.memref_slice %arg6[%dma_start3A_815, %dma_start3A_820, %dma_start3A_821] : memref<128x64x128xf32, #tpu.memory_space<vmem>> -> memref<1x64x128xf32, #tpu.memory_space<vmem>>
    %dma_start3A_823 = tpu.memref_squeeze %dma_start3A_822 : memref<1x64x128xf32, #tpu.memory_space<vmem>> -> memref<64x128xf32, #tpu.memory_space<vmem>>
    tpu.enqueue_dma source(%dma_start3A_823 : memref<64x128xf32, #tpu.memory_space<vmem>>) target(%dma_start3A_819 : memref<64x128xf32, #tpu.memory_space<hbm>>) target_semaphore(%arg7 : memref<!tpu.dma_semaphore, #tpu.memory_space<semaphore_mem>>)
    %get3A_824 = arith.constant 51 : index
    %get3A_825 = memref.load %arg1[%get3A_824] : memref<128xi32, #tpu.memory_space<smem>>
    %shift_right_arithmetic3A_826 = arith.constant 7 : i32
    %shift_right_arithmetic3A_827 = arith.shrsi %get3A_825, %shift_right_arithmetic3A_826 : i32
    %shift_left3A_828 = arith.constant 7 : i32
    %shift_left3A_829 = arith.shli %shift_right_arithmetic3A_827, %shift_left3A_828 : i32
    %multiple_of3A_830 = tpu.assume_multiple %shift_left3A_829, 128 : i32
    %dma_start3A_831 = arith.constant 51 : i32
    %dma_start3A_832 = arith.constant 51 : i32
    %dma_start3A_833 = arith.constant 0 : i32
    %dma_start3A_834 = tpu.memref_slice %arg5[%dma_start3A_832, %dma_start3A_833, %multiple_of3A_830] : memref<128x64x8192xf32, #tpu.memory_space<hbm>> -> memref<1x64x128xf32, #tpu.memory_space<hbm>>
    %dma_start3A_835 = tpu.memref_squeeze %dma_start3A_834 : memref<1x64x128xf32, #tpu.memory_space<hbm>> -> memref<64x128xf32, #tpu.memory_space<hbm>>
    %dma_start3A_836 = arith.constant 0 : i32
    %dma_start3A_837 = arith.constant 0 : i32
    %dma_start3A_838 = tpu.memref_slice %arg6[%dma_start3A_831, %dma_start3A_836, %dma_start3A_837] : memref<128x64x128xf32, #tpu.memory_space<vmem>> -> memref<1x64x128xf32, #tpu.memory_space<vmem>>
    %dma_start3A_839 = tpu.memref_squeeze %dma_start3A_838 : memref<1x64x128xf32, #tpu.memory_space<vmem>> -> memref<64x128xf32, #tpu.memory_space<vmem>>
    tpu.enqueue_dma source(%dma_start3A_839 : memref<64x128xf32, #tpu.memory_space<vmem>>) target(%dma_start3A_835 : memref<64x128xf32, #tpu.memory_space<hbm>>) target_semaphore(%arg7 : memref<!tpu.dma_semaphore, #tpu.memory_space<semaphore_mem>>)
    %get3A_840 = arith.constant 52 : index
    %get3A_841 = memref.load %arg1[%get3A_840] : memref<128xi32, #tpu.memory_space<smem>>
    %shift_right_arithmetic3A_842 = arith.constant 7 : i32
    %shift_right_arithmetic3A_843 = arith.shrsi %get3A_841, %shift_right_arithmetic3A_842 : i32
    %shift_left3A_844 = arith.constant 7 : i32
    %shift_left3A_845 = arith.shli %shift_right_arithmetic3A_843, %shift_left3A_844 : i32
    %multiple_of3A_846 = tpu.assume_multiple %shift_left3A_845, 128 : i32
    %dma_start3A_847 = arith.constant 52 : i32
    %dma_start3A_848 = arith.constant 52 : i32
    %dma_start3A_849 = arith.constant 0 : i32
    %dma_start3A_850 = tpu.memref_slice %arg5[%dma_start3A_848, %dma_start3A_849, %multiple_of3A_846] : memref<128x64x8192xf32, #tpu.memory_space<hbm>> -> memref<1x64x128xf32, #tpu.memory_space<hbm>>
    %dma_start3A_851 = tpu.memref_squeeze %dma_start3A_850 : memref<1x64x128xf32, #tpu.memory_space<hbm>> -> memref<64x128xf32, #tpu.memory_space<hbm>>
    %dma_start3A_852 = arith.constant 0 : i32
    %dma_start3A_853 = arith.constant 0 : i32
    %dma_start3A_854 = tpu.memref_slice %arg6[%dma_start3A_847, %dma_start3A_852, %dma_start3A_853] : memref<128x64x128xf32, #tpu.memory_space<vmem>> -> memref<1x64x128xf32, #tpu.memory_space<vmem>>
    %dma_start3A_855 = tpu.memref_squeeze %dma_start3A_854 : memref<1x64x128xf32, #tpu.memory_space<vmem>> -> memref<64x128xf32, #tpu.memory_space<vmem>>
    tpu.enqueue_dma source(%dma_start3A_855 : memref<64x128xf32, #tpu.memory_space<vmem>>) target(%dma_start3A_851 : memref<64x128xf32, #tpu.memory_space<hbm>>) target_semaphore(%arg7 : memref<!tpu.dma_semaphore, #tpu.memory_space<semaphore_mem>>)
    %get3A_856 = arith.constant 53 : index
    %get3A_857 = memref.load %arg1[%get3A_856] : memref<128xi32, #tpu.memory_space<smem>>
    %shift_right_arithmetic3A_858 = arith.constant 7 : i32
    %shift_right_arithmetic3A_859 = arith.shrsi %get3A_857, %shift_right_arithmetic3A_858 : i32
    %shift_left3A_860 = arith.constant 7 : i32
    %shift_left3A_861 = arith.shli %shift_right_arithmetic3A_859, %shift_left3A_860 : i32
    %multiple_of3A_862 = tpu.assume_multiple %shift_left3A_861, 128 : i32
    %dma_start3A_863 = arith.constant 53 : i32
    %dma_start3A_864 = arith.constant 53 : i32
    %dma_start3A_865 = arith.constant 0 : i32
    %dma_start3A_866 = tpu.memref_slice %arg5[%dma_start3A_864, %dma_start3A_865, %multiple_of3A_862] : memref<128x64x8192xf32, #tpu.memory_space<hbm>> -> memref<1x64x128xf32, #tpu.memory_space<hbm>>
    %dma_start3A_867 = tpu.memref_squeeze %dma_start3A_866 : memref<1x64x128xf32, #tpu.memory_space<hbm>> -> memref<64x128xf32, #tpu.memory_space<hbm>>
    %dma_start3A_868 = arith.constant 0 : i32
    %dma_start3A_869 = arith.constant 0 : i32
    %dma_start3A_870 = tpu.memref_slice %arg6[%dma_start3A_863, %dma_start3A_868, %dma_start3A_869] : memref<128x64x128xf32, #tpu.memory_space<vmem>> -> memref<1x64x128xf32, #tpu.memory_space<vmem>>
    %dma_start3A_871 = tpu.memref_squeeze %dma_start3A_870 : memref<1x64x128xf32, #tpu.memory_space<vmem>> -> memref<64x128xf32, #tpu.memory_space<vmem>>
    tpu.enqueue_dma source(%dma_start3A_871 : memref<64x128xf32, #tpu.memory_space<vmem>>) target(%dma_start3A_867 : memref<64x128xf32, #tpu.memory_space<hbm>>) target_semaphore(%arg7 : memref<!tpu.dma_semaphore, #tpu.memory_space<semaphore_mem>>)
    %get3A_872 = arith.constant 54 : index
    %get3A_873 = memref.load %arg1[%get3A_872] : memref<128xi32, #tpu.memory_space<smem>>
    %shift_right_arithmetic3A_874 = arith.constant 7 : i32
    %shift_right_arithmetic3A_875 = arith.shrsi %get3A_873, %shift_right_arithmetic3A_874 : i32
    %shift_left3A_876 = arith.constant 7 : i32
    %shift_left3A_877 = arith.shli %shift_right_arithmetic3A_875, %shift_left3A_876 : i32
    %multiple_of3A_878 = tpu.assume_multiple %shift_left3A_877, 128 : i32
    %dma_start3A_879 = arith.constant 54 : i32
    %dma_start3A_880 = arith.constant 54 : i32
    %dma_start3A_881 = arith.constant 0 : i32
    %dma_start3A_882 = tpu.memref_slice %arg5[%dma_start3A_880, %dma_start3A_881, %multiple_of3A_878] : memref<128x64x8192xf32, #tpu.memory_space<hbm>> -> memref<1x64x128xf32, #tpu.memory_space<hbm>>
    %dma_start3A_883 = tpu.memref_squeeze %dma_start3A_882 : memref<1x64x128xf32, #tpu.memory_space<hbm>> -> memref<64x128xf32, #tpu.memory_space<hbm>>
    %dma_start3A_884 = arith.constant 0 : i32
    %dma_start3A_885 = arith.constant 0 : i32
    %dma_start3A_886 = tpu.memref_slice %arg6[%dma_start3A_879, %dma_start3A_884, %dma_start3A_885] : memref<128x64x128xf32, #tpu.memory_space<vmem>> -> memref<1x64x128xf32, #tpu.memory_space<vmem>>
    %dma_start3A_887 = tpu.memref_squeeze %dma_start3A_886 : memref<1x64x128xf32, #tpu.memory_space<vmem>> -> memref<64x128xf32, #tpu.memory_space<vmem>>
    tpu.enqueue_dma source(%dma_start3A_887 : memref<64x128xf32, #tpu.memory_space<vmem>>) target(%dma_start3A_883 : memref<64x128xf32, #tpu.memory_space<hbm>>) target_semaphore(%arg7 : memref<!tpu.dma_semaphore, #tpu.memory_space<semaphore_mem>>)
    %get3A_888 = arith.constant 55 : index
    %get3A_889 = memref.load %arg1[%get3A_888] : memref<128xi32, #tpu.memory_space<smem>>
    %shift_right_arithmetic3A_890 = arith.constant 7 : i32
    %shift_right_arithmetic3A_891 = arith.shrsi %get3A_889, %shift_right_arithmetic3A_890 : i32
    %shift_left3A_892 = arith.constant 7 : i32
    %shift_left3A_893 = arith.shli %shift_right_arithmetic3A_891, %shift_left3A_892 : i32
    %multiple_of3A_894 = tpu.assume_multiple %shift_left3A_893, 128 : i32
    %dma_start3A_895 = arith.constant 55 : i32
    %dma_start3A_896 = arith.constant 55 : i32
    %dma_start3A_897 = arith.constant 0 : i32
    %dma_start3A_898 = tpu.memref_slice %arg5[%dma_start3A_896, %dma_start3A_897, %multiple_of3A_894] : memref<128x64x8192xf32, #tpu.memory_space<hbm>> -> memref<1x64x128xf32, #tpu.memory_space<hbm>>
    %dma_start3A_899 = tpu.memref_squeeze %dma_start3A_898 : memref<1x64x128xf32, #tpu.memory_space<hbm>> -> memref<64x128xf32, #tpu.memory_space<hbm>>
    %dma_start3A_900 = arith.constant 0 : i32
    %dma_start3A_901 = arith.constant 0 : i32
    %dma_start3A_902 = tpu.memref_slice %arg6[%dma_start3A_895, %dma_start3A_900, %dma_start3A_901] : memref<128x64x128xf32, #tpu.memory_space<vmem>> -> memref<1x64x128xf32, #tpu.memory_space<vmem>>
    %dma_start3A_903 = tpu.memref_squeeze %dma_start3A_902 : memref<1x64x128xf32, #tpu.memory_space<vmem>> -> memref<64x128xf32, #tpu.memory_space<vmem>>
    tpu.enqueue_dma source(%dma_start3A_903 : memref<64x128xf32, #tpu.memory_space<vmem>>) target(%dma_start3A_899 : memref<64x128xf32, #tpu.memory_space<hbm>>) target_semaphore(%arg7 : memref<!tpu.dma_semaphore, #tpu.memory_space<semaphore_mem>>)
    %get3A_904 = arith.constant 56 : index
    %get3A_905 = memref.load %arg1[%get3A_904] : memref<128xi32, #tpu.memory_space<smem>>
    %shift_right_arithmetic3A_906 = arith.constant 7 : i32
    %shift_right_arithmetic3A_907 = arith.shrsi %get3A_905, %shift_right_arithmetic3A_906 : i32
    %shift_left3A_908 = arith.constant 7 : i32
    %shift_left3A_909 = arith.shli %shift_right_arithmetic3A_907, %shift_left3A_908 : i32
    %multiple_of3A_910 = tpu.assume_multiple %shift_left3A_909, 128 : i32
    %dma_start3A_911 = arith.constant 56 : i32
    %dma_start3A_912 = arith.constant 56 : i32
    %dma_start3A_913 = arith.constant 0 : i32
    %dma_start3A_914 = tpu.memref_slice %arg5[%dma_start3A_912, %dma_start3A_913, %multiple_of3A_910] : memref<128x64x8192xf32, #tpu.memory_space<hbm>> -> memref<1x64x128xf32, #tpu.memory_space<hbm>>
    %dma_start3A_915 = tpu.memref_squeeze %dma_start3A_914 : memref<1x64x128xf32, #tpu.memory_space<hbm>> -> memref<64x128xf32, #tpu.memory_space<hbm>>
    %dma_start3A_916 = arith.constant 0 : i32
    %dma_start3A_917 = arith.constant 0 : i32
    %dma_start3A_918 = tpu.memref_slice %arg6[%dma_start3A_911, %dma_start3A_916, %dma_start3A_917] : memref<128x64x128xf32, #tpu.memory_space<vmem>> -> memref<1x64x128xf32, #tpu.memory_space<vmem>>
    %dma_start3A_919 = tpu.memref_squeeze %dma_start3A_918 : memref<1x64x128xf32, #tpu.memory_space<vmem>> -> memref<64x128xf32, #tpu.memory_space<vmem>>
    tpu.enqueue_dma source(%dma_start3A_919 : memref<64x128xf32, #tpu.memory_space<vmem>>) target(%dma_start3A_915 : memref<64x128xf32, #tpu.memory_space<hbm>>) target_semaphore(%arg7 : memref<!tpu.dma_semaphore, #tpu.memory_space<semaphore_mem>>)
    %get3A_920 = arith.constant 57 : index
    %get3A_921 = memref.load %arg1[%get3A_920] : memref<128xi32, #tpu.memory_space<smem>>
    %shift_right_arithmetic3A_922 = arith.constant 7 : i32
    %shift_right_arithmetic3A_923 = arith.shrsi %get3A_921, %shift_right_arithmetic3A_922 : i32
    %shift_left3A_924 = arith.constant 7 : i32
    %shift_left3A_925 = arith.shli %shift_right_arithmetic3A_923, %shift_left3A_924 : i32
    %multiple_of3A_926 = tpu.assume_multiple %shift_left3A_925, 128 : i32
    %dma_start3A_927 = arith.constant 57 : i32
    %dma_start3A_928 = arith.constant 57 : i32
    %dma_start3A_929 = arith.constant 0 : i32
    %dma_start3A_930 = tpu.memref_slice %arg5[%dma_start3A_928, %dma_start3A_929, %multiple_of3A_926] : memref<128x64x8192xf32, #tpu.memory_space<hbm>> -> memref<1x64x128xf32, #tpu.memory_space<hbm>>
    %dma_start3A_931 = tpu.memref_squeeze %dma_start3A_930 : memref<1x64x128xf32, #tpu.memory_space<hbm>> -> memref<64x128xf32, #tpu.memory_space<hbm>>
    %dma_start3A_932 = arith.constant 0 : i32
    %dma_start3A_933 = arith.constant 0 : i32
    %dma_start3A_934 = tpu.memref_slice %arg6[%dma_start3A_927, %dma_start3A_932, %dma_start3A_933] : memref<128x64x128xf32, #tpu.memory_space<vmem>> -> memref<1x64x128xf32, #tpu.memory_space<vmem>>
    %dma_start3A_935 = tpu.memref_squeeze %dma_start3A_934 : memref<1x64x128xf32, #tpu.memory_space<vmem>> -> memref<64x128xf32, #tpu.memory_space<vmem>>
    tpu.enqueue_dma source(%dma_start3A_935 : memref<64x128xf32, #tpu.memory_space<vmem>>) target(%dma_start3A_931 : memref<64x128xf32, #tpu.memory_space<hbm>>) target_semaphore(%arg7 : memref<!tpu.dma_semaphore, #tpu.memory_space<semaphore_mem>>)
    %get3A_936 = arith.constant 58 : index
    %get3A_937 = memref.load %arg1[%get3A_936] : memref<128xi32, #tpu.memory_space<smem>>
    %shift_right_arithmetic3A_938 = arith.constant 7 : i32
    %shift_right_arithmetic3A_939 = arith.shrsi %get3A_937, %shift_right_arithmetic3A_938 : i32
    %shift_left3A_940 = arith.constant 7 : i32
    %shift_left3A_941 = arith.shli %shift_right_arithmetic3A_939, %shift_left3A_940 : i32
    %multiple_of3A_942 = tpu.assume_multiple %shift_left3A_941, 128 : i32
    %dma_start3A_943 = arith.constant 58 : i32
    %dma_start3A_944 = arith.constant 58 : i32
    %dma_start3A_945 = arith.constant 0 : i32
    %dma_start3A_946 = tpu.memref_slice %arg5[%dma_start3A_944, %dma_start3A_945, %multiple_of3A_942] : memref<128x64x8192xf32, #tpu.memory_space<hbm>> -> memref<1x64x128xf32, #tpu.memory_space<hbm>>
    %dma_start3A_947 = tpu.memref_squeeze %dma_start3A_946 : memref<1x64x128xf32, #tpu.memory_space<hbm>> -> memref<64x128xf32, #tpu.memory_space<hbm>>
    %dma_start3A_948 = arith.constant 0 : i32
    %dma_start3A_949 = arith.constant 0 : i32
    %dma_start3A_950 = tpu.memref_slice %arg6[%dma_start3A_943, %dma_start3A_948, %dma_start3A_949] : memref<128x64x128xf32, #tpu.memory_space<vmem>> -> memref<1x64x128xf32, #tpu.memory_space<vmem>>
    %dma_start3A_951 = tpu.memref_squeeze %dma_start3A_950 : memref<1x64x128xf32, #tpu.memory_space<vmem>> -> memref<64x128xf32, #tpu.memory_space<vmem>>
    tpu.enqueue_dma source(%dma_start3A_951 : memref<64x128xf32, #tpu.memory_space<vmem>>) target(%dma_start3A_947 : memref<64x128xf32, #tpu.memory_space<hbm>>) target_semaphore(%arg7 : memref<!tpu.dma_semaphore, #tpu.memory_space<semaphore_mem>>)
    %get3A_952 = arith.constant 59 : index
    %get3A_953 = memref.load %arg1[%get3A_952] : memref<128xi32, #tpu.memory_space<smem>>
    %shift_right_arithmetic3A_954 = arith.constant 7 : i32
    %shift_right_arithmetic3A_955 = arith.shrsi %get3A_953, %shift_right_arithmetic3A_954 : i32
    %shift_left3A_956 = arith.constant 7 : i32
    %shift_left3A_957 = arith.shli %shift_right_arithmetic3A_955, %shift_left3A_956 : i32
    %multiple_of3A_958 = tpu.assume_multiple %shift_left3A_957, 128 : i32
    %dma_start3A_959 = arith.constant 59 : i32
    %dma_start3A_960 = arith.constant 59 : i32
    %dma_start3A_961 = arith.constant 0 : i32
    %dma_start3A_962 = tpu.memref_slice %arg5[%dma_start3A_960, %dma_start3A_961, %multiple_of3A_958] : memref<128x64x8192xf32, #tpu.memory_space<hbm>> -> memref<1x64x128xf32, #tpu.memory_space<hbm>>
    %dma_start3A_963 = tpu.memref_squeeze %dma_start3A_962 : memref<1x64x128xf32, #tpu.memory_space<hbm>> -> memref<64x128xf32, #tpu.memory_space<hbm>>
    %dma_start3A_964 = arith.constant 0 : i32
    %dma_start3A_965 = arith.constant 0 : i32
    %dma_start3A_966 = tpu.memref_slice %arg6[%dma_start3A_959, %dma_start3A_964, %dma_start3A_965] : memref<128x64x128xf32, #tpu.memory_space<vmem>> -> memref<1x64x128xf32, #tpu.memory_space<vmem>>
    %dma_start3A_967 = tpu.memref_squeeze %dma_start3A_966 : memref<1x64x128xf32, #tpu.memory_space<vmem>> -> memref<64x128xf32, #tpu.memory_space<vmem>>
    tpu.enqueue_dma source(%dma_start3A_967 : memref<64x128xf32, #tpu.memory_space<vmem>>) target(%dma_start3A_963 : memref<64x128xf32, #tpu.memory_space<hbm>>) target_semaphore(%arg7 : memref<!tpu.dma_semaphore, #tpu.memory_space<semaphore_mem>>)
    %get3A_968 = arith.constant 60 : index
    %get3A_969 = memref.load %arg1[%get3A_968] : memref<128xi32, #tpu.memory_space<smem>>
    %shift_right_arithmetic3A_970 = arith.constant 7 : i32
    %shift_right_arithmetic3A_971 = arith.shrsi %get3A_969, %shift_right_arithmetic3A_970 : i32
    %shift_left3A_972 = arith.constant 7 : i32
    %shift_left3A_973 = arith.shli %shift_right_arithmetic3A_971, %shift_left3A_972 : i32
    %multiple_of3A_974 = tpu.assume_multiple %shift_left3A_973, 128 : i32
    %dma_start3A_975 = arith.constant 60 : i32
    %dma_start3A_976 = arith.constant 60 : i32
    %dma_start3A_977 = arith.constant 0 : i32
    %dma_start3A_978 = tpu.memref_slice %arg5[%dma_start3A_976, %dma_start3A_977, %multiple_of3A_974] : memref<128x64x8192xf32, #tpu.memory_space<hbm>> -> memref<1x64x128xf32, #tpu.memory_space<hbm>>
    %dma_start3A_979 = tpu.memref_squeeze %dma_start3A_978 : memref<1x64x128xf32, #tpu.memory_space<hbm>> -> memref<64x128xf32, #tpu.memory_space<hbm>>
    %dma_start3A_980 = arith.constant 0 : i32
    %dma_start3A_981 = arith.constant 0 : i32
    %dma_start3A_982 = tpu.memref_slice %arg6[%dma_start3A_975, %dma_start3A_980, %dma_start3A_981] : memref<128x64x128xf32, #tpu.memory_space<vmem>> -> memref<1x64x128xf32, #tpu.memory_space<vmem>>
    %dma_start3A_983 = tpu.memref_squeeze %dma_start3A_982 : memref<1x64x128xf32, #tpu.memory_space<vmem>> -> memref<64x128xf32, #tpu.memory_space<vmem>>
    tpu.enqueue_dma source(%dma_start3A_983 : memref<64x128xf32, #tpu.memory_space<vmem>>) target(%dma_start3A_979 : memref<64x128xf32, #tpu.memory_space<hbm>>) target_semaphore(%arg7 : memref<!tpu.dma_semaphore, #tpu.memory_space<semaphore_mem>>)
    %get3A_984 = arith.constant 61 : index
    %get3A_985 = memref.load %arg1[%get3A_984] : memref<128xi32, #tpu.memory_space<smem>>
    %shift_right_arithmetic3A_986 = arith.constant 7 : i32
    %shift_right_arithmetic3A_987 = arith.shrsi %get3A_985, %shift_right_arithmetic3A_986 : i32
    %shift_left3A_988 = arith.constant 7 : i32
    %shift_left3A_989 = arith.shli %shift_right_arithmetic3A_987, %shift_left3A_988 : i32
    %multiple_of3A_990 = tpu.assume_multiple %shift_left3A_989, 128 : i32
    %dma_start3A_991 = arith.constant 61 : i32
    %dma_start3A_992 = arith.constant 61 : i32
    %dma_start3A_993 = arith.constant 0 : i32
    %dma_start3A_994 = tpu.memref_slice %arg5[%dma_start3A_992, %dma_start3A_993, %multiple_of3A_990] : memref<128x64x8192xf32, #tpu.memory_space<hbm>> -> memref<1x64x128xf32, #tpu.memory_space<hbm>>
    %dma_start3A_995 = tpu.memref_squeeze %dma_start3A_994 : memref<1x64x128xf32, #tpu.memory_space<hbm>> -> memref<64x128xf32, #tpu.memory_space<hbm>>
    %dma_start3A_996 = arith.constant 0 : i32
    %dma_start3A_997 = arith.constant 0 : i32
    %dma_start3A_998 = tpu.memref_slice %arg6[%dma_start3A_991, %dma_start3A_996, %dma_start3A_997] : memref<128x64x128xf32, #tpu.memory_space<vmem>> -> memref<1x64x128xf32, #tpu.memory_space<vmem>>
    %dma_start3A_999 = tpu.memref_squeeze %dma_start3A_998 : memref<1x64x128xf32, #tpu.memory_space<vmem>> -> memref<64x128xf32, #tpu.memory_space<vmem>>
    tpu.enqueue_dma source(%dma_start3A_999 : memref<64x128xf32, #tpu.memory_space<vmem>>) target(%dma_start3A_995 : memref<64x128xf32, #tpu.memory_space<hbm>>) target_semaphore(%arg7 : memref<!tpu.dma_semaphore, #tpu.memory_space<semaphore_mem>>)
    %get3A_1000 = arith.constant 62 : index
    %get3A_1001 = memref.load %arg1[%get3A_1000] : memref<128xi32, #tpu.memory_space<smem>>
    %shift_right_arithmetic3A_1002 = arith.constant 7 : i32
    %shift_right_arithmetic3A_1003 = arith.shrsi %get3A_1001, %shift_right_arithmetic3A_1002 : i32
    %shift_left3A_1004 = arith.constant 7 : i32
    %shift_left3A_1005 = arith.shli %shift_right_arithmetic3A_1003, %shift_left3A_1004 : i32
    %multiple_of3A_1006 = tpu.assume_multiple %shift_left3A_1005, 128 : i32
    %dma_start3A_1007 = arith.constant 62 : i32
    %dma_start3A_1008 = arith.constant 62 : i32
    %dma_start3A_1009 = arith.constant 0 : i32
    %dma_start3A_1010 = tpu.memref_slice %arg5[%dma_start3A_1008, %dma_start3A_1009, %multiple_of3A_1006] : memref<128x64x8192xf32, #tpu.memory_space<hbm>> -> memref<1x64x128xf32, #tpu.memory_space<hbm>>
    %dma_start3A_1011 = tpu.memref_squeeze %dma_start3A_1010 : memref<1x64x128xf32, #tpu.memory_space<hbm>> -> memref<64x128xf32, #tpu.memory_space<hbm>>
    %dma_start3A_1012 = arith.constant 0 : i32
    %dma_start3A_1013 = arith.constant 0 : i32
    %dma_start3A_1014 = tpu.memref_slice %arg6[%dma_start3A_1007, %dma_start3A_1012, %dma_start3A_1013] : memref<128x64x128xf32, #tpu.memory_space<vmem>> -> memref<1x64x128xf32, #tpu.memory_space<vmem>>
    %dma_start3A_1015 = tpu.memref_squeeze %dma_start3A_1014 : memref<1x64x128xf32, #tpu.memory_space<vmem>> -> memref<64x128xf32, #tpu.memory_space<vmem>>
    tpu.enqueue_dma source(%dma_start3A_1015 : memref<64x128xf32, #tpu.memory_space<vmem>>) target(%dma_start3A_1011 : memref<64x128xf32, #tpu.memory_space<hbm>>) target_semaphore(%arg7 : memref<!tpu.dma_semaphore, #tpu.memory_space<semaphore_mem>>)
    %get3A_1016 = arith.constant 63 : index
    %get3A_1017 = memref.load %arg1[%get3A_1016] : memref<128xi32, #tpu.memory_space<smem>>
    %shift_right_arithmetic3A_1018 = arith.constant 7 : i32
    %shift_right_arithmetic3A_1019 = arith.shrsi %get3A_1017, %shift_right_arithmetic3A_1018 : i32
    %shift_left3A_1020 = arith.constant 7 : i32
    %shift_left3A_1021 = arith.shli %shift_right_arithmetic3A_1019, %shift_left3A_1020 : i32
    %multiple_of3A_1022 = tpu.assume_multiple %shift_left3A_1021, 128 : i32
    %dma_start3A_1023 = arith.constant 63 : i32
    %dma_start3A_1024 = arith.constant 63 : i32
    %dma_start3A_1025 = arith.constant 0 : i32
    %dma_start3A_1026 = tpu.memref_slice %arg5[%dma_start3A_1024, %dma_start3A_1025, %multiple_of3A_1022] : memref<128x64x8192xf32, #tpu.memory_space<hbm>> -> memref<1x64x128xf32, #tpu.memory_space<hbm>>
    %dma_start3A_1027 = tpu.memref_squeeze %dma_start3A_1026 : memref<1x64x128xf32, #tpu.memory_space<hbm>> -> memref<64x128xf32, #tpu.memory_space<hbm>>
    %dma_start3A_1028 = arith.constant 0 : i32
    %dma_start3A_1029 = arith.constant 0 : i32
    %dma_start3A_1030 = tpu.memref_slice %arg6[%dma_start3A_1023, %dma_start3A_1028, %dma_start3A_1029] : memref<128x64x128xf32, #tpu.memory_space<vmem>> -> memref<1x64x128xf32, #tpu.memory_space<vmem>>
    %dma_start3A_1031 = tpu.memref_squeeze %dma_start3A_1030 : memref<1x64x128xf32, #tpu.memory_space<vmem>> -> memref<64x128xf32, #tpu.memory_space<vmem>>
    tpu.enqueue_dma source(%dma_start3A_1031 : memref<64x128xf32, #tpu.memory_space<vmem>>) target(%dma_start3A_1027 : memref<64x128xf32, #tpu.memory_space<hbm>>) target_semaphore(%arg7 : memref<!tpu.dma_semaphore, #tpu.memory_space<semaphore_mem>>)
    %get3A_1032 = arith.constant 64 : index
    %get3A_1033 = memref.load %arg1[%get3A_1032] : memref<128xi32, #tpu.memory_space<smem>>
    %shift_right_arithmetic3A_1034 = arith.constant 7 : i32
    %shift_right_arithmetic3A_1035 = arith.shrsi %get3A_1033, %shift_right_arithmetic3A_1034 : i32
    %shift_left3A_1036 = arith.constant 7 : i32
    %shift_left3A_1037 = arith.shli %shift_right_arithmetic3A_1035, %shift_left3A_1036 : i32
    %multiple_of3A_1038 = tpu.assume_multiple %shift_left3A_1037, 128 : i32
    %dma_start3A_1039 = arith.constant 64 : i32
    %dma_start3A_1040 = arith.constant 64 : i32
    %dma_start3A_1041 = arith.constant 0 : i32
    %dma_start3A_1042 = tpu.memref_slice %arg5[%dma_start3A_1040, %dma_start3A_1041, %multiple_of3A_1038] : memref<128x64x8192xf32, #tpu.memory_space<hbm>> -> memref<1x64x128xf32, #tpu.memory_space<hbm>>
    %dma_start3A_1043 = tpu.memref_squeeze %dma_start3A_1042 : memref<1x64x128xf32, #tpu.memory_space<hbm>> -> memref<64x128xf32, #tpu.memory_space<hbm>>
    %dma_start3A_1044 = arith.constant 0 : i32
    %dma_start3A_1045 = arith.constant 0 : i32
    %dma_start3A_1046 = tpu.memref_slice %arg6[%dma_start3A_1039, %dma_start3A_1044, %dma_start3A_1045] : memref<128x64x128xf32, #tpu.memory_space<vmem>> -> memref<1x64x128xf32, #tpu.memory_space<vmem>>
    %dma_start3A_1047 = tpu.memref_squeeze %dma_start3A_1046 : memref<1x64x128xf32, #tpu.memory_space<vmem>> -> memref<64x128xf32, #tpu.memory_space<vmem>>
    tpu.enqueue_dma source(%dma_start3A_1047 : memref<64x128xf32, #tpu.memory_space<vmem>>) target(%dma_start3A_1043 : memref<64x128xf32, #tpu.memory_space<hbm>>) target_semaphore(%arg7 : memref<!tpu.dma_semaphore, #tpu.memory_space<semaphore_mem>>)
    %get3A_1048 = arith.constant 65 : index
    %get3A_1049 = memref.load %arg1[%get3A_1048] : memref<128xi32, #tpu.memory_space<smem>>
    %shift_right_arithmetic3A_1050 = arith.constant 7 : i32
    %shift_right_arithmetic3A_1051 = arith.shrsi %get3A_1049, %shift_right_arithmetic3A_1050 : i32
    %shift_left3A_1052 = arith.constant 7 : i32
    %shift_left3A_1053 = arith.shli %shift_right_arithmetic3A_1051, %shift_left3A_1052 : i32
    %multiple_of3A_1054 = tpu.assume_multiple %shift_left3A_1053, 128 : i32
    %dma_start3A_1055 = arith.constant 65 : i32
    %dma_start3A_1056 = arith.constant 65 : i32
    %dma_start3A_1057 = arith.constant 0 : i32
    %dma_start3A_1058 = tpu.memref_slice %arg5[%dma_start3A_1056, %dma_start3A_1057, %multiple_of3A_1054] : memref<128x64x8192xf32, #tpu.memory_space<hbm>> -> memref<1x64x128xf32, #tpu.memory_space<hbm>>
    %dma_start3A_1059 = tpu.memref_squeeze %dma_start3A_1058 : memref<1x64x128xf32, #tpu.memory_space<hbm>> -> memref<64x128xf32, #tpu.memory_space<hbm>>
    %dma_start3A_1060 = arith.constant 0 : i32
    %dma_start3A_1061 = arith.constant 0 : i32
    %dma_start3A_1062 = tpu.memref_slice %arg6[%dma_start3A_1055, %dma_start3A_1060, %dma_start3A_1061] : memref<128x64x128xf32, #tpu.memory_space<vmem>> -> memref<1x64x128xf32, #tpu.memory_space<vmem>>
    %dma_start3A_1063 = tpu.memref_squeeze %dma_start3A_1062 : memref<1x64x128xf32, #tpu.memory_space<vmem>> -> memref<64x128xf32, #tpu.memory_space<vmem>>
    tpu.enqueue_dma source(%dma_start3A_1063 : memref<64x128xf32, #tpu.memory_space<vmem>>) target(%dma_start3A_1059 : memref<64x128xf32, #tpu.memory_space<hbm>>) target_semaphore(%arg7 : memref<!tpu.dma_semaphore, #tpu.memory_space<semaphore_mem>>)
    %get3A_1064 = arith.constant 66 : index
    %get3A_1065 = memref.load %arg1[%get3A_1064] : memref<128xi32, #tpu.memory_space<smem>>
    %shift_right_arithmetic3A_1066 = arith.constant 7 : i32
    %shift_right_arithmetic3A_1067 = arith.shrsi %get3A_1065, %shift_right_arithmetic3A_1066 : i32
    %shift_left3A_1068 = arith.constant 7 : i32
    %shift_left3A_1069 = arith.shli %shift_right_arithmetic3A_1067, %shift_left3A_1068 : i32
    %multiple_of3A_1070 = tpu.assume_multiple %shift_left3A_1069, 128 : i32
    %dma_start3A_1071 = arith.constant 66 : i32
    %dma_start3A_1072 = arith.constant 66 : i32
    %dma_start3A_1073 = arith.constant 0 : i32
    %dma_start3A_1074 = tpu.memref_slice %arg5[%dma_start3A_1072, %dma_start3A_1073, %multiple_of3A_1070] : memref<128x64x8192xf32, #tpu.memory_space<hbm>> -> memref<1x64x128xf32, #tpu.memory_space<hbm>>
    %dma_start3A_1075 = tpu.memref_squeeze %dma_start3A_1074 : memref<1x64x128xf32, #tpu.memory_space<hbm>> -> memref<64x128xf32, #tpu.memory_space<hbm>>
    %dma_start3A_1076 = arith.constant 0 : i32
    %dma_start3A_1077 = arith.constant 0 : i32
    %dma_start3A_1078 = tpu.memref_slice %arg6[%dma_start3A_1071, %dma_start3A_1076, %dma_start3A_1077] : memref<128x64x128xf32, #tpu.memory_space<vmem>> -> memref<1x64x128xf32, #tpu.memory_space<vmem>>
    %dma_start3A_1079 = tpu.memref_squeeze %dma_start3A_1078 : memref<1x64x128xf32, #tpu.memory_space<vmem>> -> memref<64x128xf32, #tpu.memory_space<vmem>>
    tpu.enqueue_dma source(%dma_start3A_1079 : memref<64x128xf32, #tpu.memory_space<vmem>>) target(%dma_start3A_1075 : memref<64x128xf32, #tpu.memory_space<hbm>>) target_semaphore(%arg7 : memref<!tpu.dma_semaphore, #tpu.memory_space<semaphore_mem>>)
    %get3A_1080 = arith.constant 67 : index
    %get3A_1081 = memref.load %arg1[%get3A_1080] : memref<128xi32, #tpu.memory_space<smem>>
    %shift_right_arithmetic3A_1082 = arith.constant 7 : i32
    %shift_right_arithmetic3A_1083 = arith.shrsi %get3A_1081, %shift_right_arithmetic3A_1082 : i32
    %shift_left3A_1084 = arith.constant 7 : i32
    %shift_left3A_1085 = arith.shli %shift_right_arithmetic3A_1083, %shift_left3A_1084 : i32
    %multiple_of3A_1086 = tpu.assume_multiple %shift_left3A_1085, 128 : i32
    %dma_start3A_1087 = arith.constant 67 : i32
    %dma_start3A_1088 = arith.constant 67 : i32
    %dma_start3A_1089 = arith.constant 0 : i32
    %dma_start3A_1090 = tpu.memref_slice %arg5[%dma_start3A_1088, %dma_start3A_1089, %multiple_of3A_1086] : memref<128x64x8192xf32, #tpu.memory_space<hbm>> -> memref<1x64x128xf32, #tpu.memory_space<hbm>>
    %dma_start3A_1091 = tpu.memref_squeeze %dma_start3A_1090 : memref<1x64x128xf32, #tpu.memory_space<hbm>> -> memref<64x128xf32, #tpu.memory_space<hbm>>
    %dma_start3A_1092 = arith.constant 0 : i32
    %dma_start3A_1093 = arith.constant 0 : i32
    %dma_start3A_1094 = tpu.memref_slice %arg6[%dma_start3A_1087, %dma_start3A_1092, %dma_start3A_1093] : memref<128x64x128xf32, #tpu.memory_space<vmem>> -> memref<1x64x128xf32, #tpu.memory_space<vmem>>
    %dma_start3A_1095 = tpu.memref_squeeze %dma_start3A_1094 : memref<1x64x128xf32, #tpu.memory_space<vmem>> -> memref<64x128xf32, #tpu.memory_space<vmem>>
    tpu.enqueue_dma source(%dma_start3A_1095 : memref<64x128xf32, #tpu.memory_space<vmem>>) target(%dma_start3A_1091 : memref<64x128xf32, #tpu.memory_space<hbm>>) target_semaphore(%arg7 : memref<!tpu.dma_semaphore, #tpu.memory_space<semaphore_mem>>)
    %get3A_1096 = arith.constant 68 : index
    %get3A_1097 = memref.load %arg1[%get3A_1096] : memref<128xi32, #tpu.memory_space<smem>>
    %shift_right_arithmetic3A_1098 = arith.constant 7 : i32
    %shift_right_arithmetic3A_1099 = arith.shrsi %get3A_1097, %shift_right_arithmetic3A_1098 : i32
    %shift_left3A_1100 = arith.constant 7 : i32
    %shift_left3A_1101 = arith.shli %shift_right_arithmetic3A_1099, %shift_left3A_1100 : i32
    %multiple_of3A_1102 = tpu.assume_multiple %shift_left3A_1101, 128 : i32
    %dma_start3A_1103 = arith.constant 68 : i32
    %dma_start3A_1104 = arith.constant 68 : i32
    %dma_start3A_1105 = arith.constant 0 : i32
    %dma_start3A_1106 = tpu.memref_slice %arg5[%dma_start3A_1104, %dma_start3A_1105, %multiple_of3A_1102] : memref<128x64x8192xf32, #tpu.memory_space<hbm>> -> memref<1x64x128xf32, #tpu.memory_space<hbm>>
    %dma_start3A_1107 = tpu.memref_squeeze %dma_start3A_1106 : memref<1x64x128xf32, #tpu.memory_space<hbm>> -> memref<64x128xf32, #tpu.memory_space<hbm>>
    %dma_start3A_1108 = arith.constant 0 : i32
    %dma_start3A_1109 = arith.constant 0 : i32
    %dma_start3A_1110 = tpu.memref_slice %arg6[%dma_start3A_1103, %dma_start3A_1108, %dma_start3A_1109] : memref<128x64x128xf32, #tpu.memory_space<vmem>> -> memref<1x64x128xf32, #tpu.memory_space<vmem>>
    %dma_start3A_1111 = tpu.memref_squeeze %dma_start3A_1110 : memref<1x64x128xf32, #tpu.memory_space<vmem>> -> memref<64x128xf32, #tpu.memory_space<vmem>>
    tpu.enqueue_dma source(%dma_start3A_1111 : memref<64x128xf32, #tpu.memory_space<vmem>>) target(%dma_start3A_1107 : memref<64x128xf32, #tpu.memory_space<hbm>>) target_semaphore(%arg7 : memref<!tpu.dma_semaphore, #tpu.memory_space<semaphore_mem>>)
    %get3A_1112 = arith.constant 69 : index
    %get3A_1113 = memref.load %arg1[%get3A_1112] : memref<128xi32, #tpu.memory_space<smem>>
    %shift_right_arithmetic3A_1114 = arith.constant 7 : i32
    %shift_right_arithmetic3A_1115 = arith.shrsi %get3A_1113, %shift_right_arithmetic3A_1114 : i32
    %shift_left3A_1116 = arith.constant 7 : i32
    %shift_left3A_1117 = arith.shli %shift_right_arithmetic3A_1115, %shift_left3A_1116 : i32
    %multiple_of3A_1118 = tpu.assume_multiple %shift_left3A_1117, 128 : i32
    %dma_start3A_1119 = arith.constant 69 : i32
    %dma_start3A_1120 = arith.constant 69 : i32
    %dma_start3A_1121 = arith.constant 0 : i32
    %dma_start3A_1122 = tpu.memref_slice %arg5[%dma_start3A_1120, %dma_start3A_1121, %multiple_of3A_1118] : memref<128x64x8192xf32, #tpu.memory_space<hbm>> -> memref<1x64x128xf32, #tpu.memory_space<hbm>>
    %dma_start3A_1123 = tpu.memref_squeeze %dma_start3A_1122 : memref<1x64x128xf32, #tpu.memory_space<hbm>> -> memref<64x128xf32, #tpu.memory_space<hbm>>
    %dma_start3A_1124 = arith.constant 0 : i32
    %dma_start3A_1125 = arith.constant 0 : i32
    %dma_start3A_1126 = tpu.memref_slice %arg6[%dma_start3A_1119, %dma_start3A_1124, %dma_start3A_1125] : memref<128x64x128xf32, #tpu.memory_space<vmem>> -> memref<1x64x128xf32, #tpu.memory_space<vmem>>
    %dma_start3A_1127 = tpu.memref_squeeze %dma_start3A_1126 : memref<1x64x128xf32, #tpu.memory_space<vmem>> -> memref<64x128xf32, #tpu.memory_space<vmem>>
    tpu.enqueue_dma source(%dma_start3A_1127 : memref<64x128xf32, #tpu.memory_space<vmem>>) target(%dma_start3A_1123 : memref<64x128xf32, #tpu.memory_space<hbm>>) target_semaphore(%arg7 : memref<!tpu.dma_semaphore, #tpu.memory_space<semaphore_mem>>)
    %get3A_1128 = arith.constant 70 : index
    %get3A_1129 = memref.load %arg1[%get3A_1128] : memref<128xi32, #tpu.memory_space<smem>>
    %shift_right_arithmetic3A_1130 = arith.constant 7 : i32
    %shift_right_arithmetic3A_1131 = arith.shrsi %get3A_1129, %shift_right_arithmetic3A_1130 : i32
    %shift_left3A_1132 = arith.constant 7 : i32
    %shift_left3A_1133 = arith.shli %shift_right_arithmetic3A_1131, %shift_left3A_1132 : i32
    %multiple_of3A_1134 = tpu.assume_multiple %shift_left3A_1133, 128 : i32
    %dma_start3A_1135 = arith.constant 70 : i32
    %dma_start3A_1136 = arith.constant 70 : i32
    %dma_start3A_1137 = arith.constant 0 : i32
    %dma_start3A_1138 = tpu.memref_slice %arg5[%dma_start3A_1136, %dma_start3A_1137, %multiple_of3A_1134] : memref<128x64x8192xf32, #tpu.memory_space<hbm>> -> memref<1x64x128xf32, #tpu.memory_space<hbm>>
    %dma_start3A_1139 = tpu.memref_squeeze %dma_start3A_1138 : memref<1x64x128xf32, #tpu.memory_space<hbm>> -> memref<64x128xf32, #tpu.memory_space<hbm>>
    %dma_start3A_1140 = arith.constant 0 : i32
    %dma_start3A_1141 = arith.constant 0 : i32
    %dma_start3A_1142 = tpu.memref_slice %arg6[%dma_start3A_1135, %dma_start3A_1140, %dma_start3A_1141] : memref<128x64x128xf32, #tpu.memory_space<vmem>> -> memref<1x64x128xf32, #tpu.memory_space<vmem>>
    %dma_start3A_1143 = tpu.memref_squeeze %dma_start3A_1142 : memref<1x64x128xf32, #tpu.memory_space<vmem>> -> memref<64x128xf32, #tpu.memory_space<vmem>>
    tpu.enqueue_dma source(%dma_start3A_1143 : memref<64x128xf32, #tpu.memory_space<vmem>>) target(%dma_start3A_1139 : memref<64x128xf32, #tpu.memory_space<hbm>>) target_semaphore(%arg7 : memref<!tpu.dma_semaphore, #tpu.memory_space<semaphore_mem>>)
    %get3A_1144 = arith.constant 71 : index
    %get3A_1145 = memref.load %arg1[%get3A_1144] : memref<128xi32, #tpu.memory_space<smem>>
    %shift_right_arithmetic3A_1146 = arith.constant 7 : i32
    %shift_right_arithmetic3A_1147 = arith.shrsi %get3A_1145, %shift_right_arithmetic3A_1146 : i32
    %shift_left3A_1148 = arith.constant 7 : i32
    %shift_left3A_1149 = arith.shli %shift_right_arithmetic3A_1147, %shift_left3A_1148 : i32
    %multiple_of3A_1150 = tpu.assume_multiple %shift_left3A_1149, 128 : i32
    %dma_start3A_1151 = arith.constant 71 : i32
    %dma_start3A_1152 = arith.constant 71 : i32
    %dma_start3A_1153 = arith.constant 0 : i32
    %dma_start3A_1154 = tpu.memref_slice %arg5[%dma_start3A_1152, %dma_start3A_1153, %multiple_of3A_1150] : memref<128x64x8192xf32, #tpu.memory_space<hbm>> -> memref<1x64x128xf32, #tpu.memory_space<hbm>>
    %dma_start3A_1155 = tpu.memref_squeeze %dma_start3A_1154 : memref<1x64x128xf32, #tpu.memory_space<hbm>> -> memref<64x128xf32, #tpu.memory_space<hbm>>
    %dma_start3A_1156 = arith.constant 0 : i32
    %dma_start3A_1157 = arith.constant 0 : i32
    %dma_start3A_1158 = tpu.memref_slice %arg6[%dma_start3A_1151, %dma_start3A_1156, %dma_start3A_1157] : memref<128x64x128xf32, #tpu.memory_space<vmem>> -> memref<1x64x128xf32, #tpu.memory_space<vmem>>
    %dma_start3A_1159 = tpu.memref_squeeze %dma_start3A_1158 : memref<1x64x128xf32, #tpu.memory_space<vmem>> -> memref<64x128xf32, #tpu.memory_space<vmem>>
    tpu.enqueue_dma source(%dma_start3A_1159 : memref<64x128xf32, #tpu.memory_space<vmem>>) target(%dma_start3A_1155 : memref<64x128xf32, #tpu.memory_space<hbm>>) target_semaphore(%arg7 : memref<!tpu.dma_semaphore, #tpu.memory_space<semaphore_mem>>)
    %get3A_1160 = arith.constant 72 : index
    %get3A_1161 = memref.load %arg1[%get3A_1160] : memref<128xi32, #tpu.memory_space<smem>>
    %shift_right_arithmetic3A_1162 = arith.constant 7 : i32
    %shift_right_arithmetic3A_1163 = arith.shrsi %get3A_1161, %shift_right_arithmetic3A_1162 : i32
    %shift_left3A_1164 = arith.constant 7 : i32
    %shift_left3A_1165 = arith.shli %shift_right_arithmetic3A_1163, %shift_left3A_1164 : i32
    %multiple_of3A_1166 = tpu.assume_multiple %shift_left3A_1165, 128 : i32
    %dma_start3A_1167 = arith.constant 72 : i32
    %dma_start3A_1168 = arith.constant 72 : i32
    %dma_start3A_1169 = arith.constant 0 : i32
    %dma_start3A_1170 = tpu.memref_slice %arg5[%dma_start3A_1168, %dma_start3A_1169, %multiple_of3A_1166] : memref<128x64x8192xf32, #tpu.memory_space<hbm>> -> memref<1x64x128xf32, #tpu.memory_space<hbm>>
    %dma_start3A_1171 = tpu.memref_squeeze %dma_start3A_1170 : memref<1x64x128xf32, #tpu.memory_space<hbm>> -> memref<64x128xf32, #tpu.memory_space<hbm>>
    %dma_start3A_1172 = arith.constant 0 : i32
    %dma_start3A_1173 = arith.constant 0 : i32
    %dma_start3A_1174 = tpu.memref_slice %arg6[%dma_start3A_1167, %dma_start3A_1172, %dma_start3A_1173] : memref<128x64x128xf32, #tpu.memory_space<vmem>> -> memref<1x64x128xf32, #tpu.memory_space<vmem>>
    %dma_start3A_1175 = tpu.memref_squeeze %dma_start3A_1174 : memref<1x64x128xf32, #tpu.memory_space<vmem>> -> memref<64x128xf32, #tpu.memory_space<vmem>>
    tpu.enqueue_dma source(%dma_start3A_1175 : memref<64x128xf32, #tpu.memory_space<vmem>>) target(%dma_start3A_1171 : memref<64x128xf32, #tpu.memory_space<hbm>>) target_semaphore(%arg7 : memref<!tpu.dma_semaphore, #tpu.memory_space<semaphore_mem>>)
    %get3A_1176 = arith.constant 73 : index
    %get3A_1177 = memref.load %arg1[%get3A_1176] : memref<128xi32, #tpu.memory_space<smem>>
    %shift_right_arithmetic3A_1178 = arith.constant 7 : i32
    %shift_right_arithmetic3A_1179 = arith.shrsi %get3A_1177, %shift_right_arithmetic3A_1178 : i32
    %shift_left3A_1180 = arith.constant 7 : i32
    %shift_left3A_1181 = arith.shli %shift_right_arithmetic3A_1179, %shift_left3A_1180 : i32
    %multiple_of3A_1182 = tpu.assume_multiple %shift_left3A_1181, 128 : i32
    %dma_start3A_1183 = arith.constant 73 : i32
    %dma_start3A_1184 = arith.constant 73 : i32
    %dma_start3A_1185 = arith.constant 0 : i32
    %dma_start3A_1186 = tpu.memref_slice %arg5[%dma_start3A_1184, %dma_start3A_1185, %multiple_of3A_1182] : memref<128x64x8192xf32, #tpu.memory_space<hbm>> -> memref<1x64x128xf32, #tpu.memory_space<hbm>>
    %dma_start3A_1187 = tpu.memref_squeeze %dma_start3A_1186 : memref<1x64x128xf32, #tpu.memory_space<hbm>> -> memref<64x128xf32, #tpu.memory_space<hbm>>
    %dma_start3A_1188 = arith.constant 0 : i32
    %dma_start3A_1189 = arith.constant 0 : i32
    %dma_start3A_1190 = tpu.memref_slice %arg6[%dma_start3A_1183, %dma_start3A_1188, %dma_start3A_1189] : memref<128x64x128xf32, #tpu.memory_space<vmem>> -> memref<1x64x128xf32, #tpu.memory_space<vmem>>
    %dma_start3A_1191 = tpu.memref_squeeze %dma_start3A_1190 : memref<1x64x128xf32, #tpu.memory_space<vmem>> -> memref<64x128xf32, #tpu.memory_space<vmem>>
    tpu.enqueue_dma source(%dma_start3A_1191 : memref<64x128xf32, #tpu.memory_space<vmem>>) target(%dma_start3A_1187 : memref<64x128xf32, #tpu.memory_space<hbm>>) target_semaphore(%arg7 : memref<!tpu.dma_semaphore, #tpu.memory_space<semaphore_mem>>)
    %get3A_1192 = arith.constant 74 : index
    %get3A_1193 = memref.load %arg1[%get3A_1192] : memref<128xi32, #tpu.memory_space<smem>>
    %shift_right_arithmetic3A_1194 = arith.constant 7 : i32
    %shift_right_arithmetic3A_1195 = arith.shrsi %get3A_1193, %shift_right_arithmetic3A_1194 : i32
    %shift_left3A_1196 = arith.constant 7 : i32
    %shift_left3A_1197 = arith.shli %shift_right_arithmetic3A_1195, %shift_left3A_1196 : i32
    %multiple_of3A_1198 = tpu.assume_multiple %shift_left3A_1197, 128 : i32
    %dma_start3A_1199 = arith.constant 74 : i32
    %dma_start3A_1200 = arith.constant 74 : i32
    %dma_start3A_1201 = arith.constant 0 : i32
    %dma_start3A_1202 = tpu.memref_slice %arg5[%dma_start3A_1200, %dma_start3A_1201, %multiple_of3A_1198] : memref<128x64x8192xf32, #tpu.memory_space<hbm>> -> memref<1x64x128xf32, #tpu.memory_space<hbm>>
    %dma_start3A_1203 = tpu.memref_squeeze %dma_start3A_1202 : memref<1x64x128xf32, #tpu.memory_space<hbm>> -> memref<64x128xf32, #tpu.memory_space<hbm>>
    %dma_start3A_1204 = arith.constant 0 : i32
    %dma_start3A_1205 = arith.constant 0 : i32
    %dma_start3A_1206 = tpu.memref_slice %arg6[%dma_start3A_1199, %dma_start3A_1204, %dma_start3A_1205] : memref<128x64x128xf32, #tpu.memory_space<vmem>> -> memref<1x64x128xf32, #tpu.memory_space<vmem>>
    %dma_start3A_1207 = tpu.memref_squeeze %dma_start3A_1206 : memref<1x64x128xf32, #tpu.memory_space<vmem>> -> memref<64x128xf32, #tpu.memory_space<vmem>>
    tpu.enqueue_dma source(%dma_start3A_1207 : memref<64x128xf32, #tpu.memory_space<vmem>>) target(%dma_start3A_1203 : memref<64x128xf32, #tpu.memory_space<hbm>>) target_semaphore(%arg7 : memref<!tpu.dma_semaphore, #tpu.memory_space<semaphore_mem>>)
    %get3A_1208 = arith.constant 75 : index
    %get3A_1209 = memref.load %arg1[%get3A_1208] : memref<128xi32, #tpu.memory_space<smem>>
    %shift_right_arithmetic3A_1210 = arith.constant 7 : i32
    %shift_right_arithmetic3A_1211 = arith.shrsi %get3A_1209, %shift_right_arithmetic3A_1210 : i32
    %shift_left3A_1212 = arith.constant 7 : i32
    %shift_left3A_1213 = arith.shli %shift_right_arithmetic3A_1211, %shift_left3A_1212 : i32
    %multiple_of3A_1214 = tpu.assume_multiple %shift_left3A_1213, 128 : i32
    %dma_start3A_1215 = arith.constant 75 : i32
    %dma_start3A_1216 = arith.constant 75 : i32
    %dma_start3A_1217 = arith.constant 0 : i32
    %dma_start3A_1218 = tpu.memref_slice %arg5[%dma_start3A_1216, %dma_start3A_1217, %multiple_of3A_1214] : memref<128x64x8192xf32, #tpu.memory_space<hbm>> -> memref<1x64x128xf32, #tpu.memory_space<hbm>>
    %dma_start3A_1219 = tpu.memref_squeeze %dma_start3A_1218 : memref<1x64x128xf32, #tpu.memory_space<hbm>> -> memref<64x128xf32, #tpu.memory_space<hbm>>
    %dma_start3A_1220 = arith.constant 0 : i32
    %dma_start3A_1221 = arith.constant 0 : i32
    %dma_start3A_1222 = tpu.memref_slice %arg6[%dma_start3A_1215, %dma_start3A_1220, %dma_start3A_1221] : memref<128x64x128xf32, #tpu.memory_space<vmem>> -> memref<1x64x128xf32, #tpu.memory_space<vmem>>
    %dma_start3A_1223 = tpu.memref_squeeze %dma_start3A_1222 : memref<1x64x128xf32, #tpu.memory_space<vmem>> -> memref<64x128xf32, #tpu.memory_space<vmem>>
    tpu.enqueue_dma source(%dma_start3A_1223 : memref<64x128xf32, #tpu.memory_space<vmem>>) target(%dma_start3A_1219 : memref<64x128xf32, #tpu.memory_space<hbm>>) target_semaphore(%arg7 : memref<!tpu.dma_semaphore, #tpu.memory_space<semaphore_mem>>)
    %get3A_1224 = arith.constant 76 : index
    %get3A_1225 = memref.load %arg1[%get3A_1224] : memref<128xi32, #tpu.memory_space<smem>>
    %shift_right_arithmetic3A_1226 = arith.constant 7 : i32
    %shift_right_arithmetic3A_1227 = arith.shrsi %get3A_1225, %shift_right_arithmetic3A_1226 : i32
    %shift_left3A_1228 = arith.constant 7 : i32
    %shift_left3A_1229 = arith.shli %shift_right_arithmetic3A_1227, %shift_left3A_1228 : i32
    %multiple_of3A_1230 = tpu.assume_multiple %shift_left3A_1229, 128 : i32
    %dma_start3A_1231 = arith.constant 76 : i32
    %dma_start3A_1232 = arith.constant 76 : i32
    %dma_start3A_1233 = arith.constant 0 : i32
    %dma_start3A_1234 = tpu.memref_slice %arg5[%dma_start3A_1232, %dma_start3A_1233, %multiple_of3A_1230] : memref<128x64x8192xf32, #tpu.memory_space<hbm>> -> memref<1x64x128xf32, #tpu.memory_space<hbm>>
    %dma_start3A_1235 = tpu.memref_squeeze %dma_start3A_1234 : memref<1x64x128xf32, #tpu.memory_space<hbm>> -> memref<64x128xf32, #tpu.memory_space<hbm>>
    %dma_start3A_1236 = arith.constant 0 : i32
    %dma_start3A_1237 = arith.constant 0 : i32
    %dma_start3A_1238 = tpu.memref_slice %arg6[%dma_start3A_1231, %dma_start3A_1236, %dma_start3A_1237] : memref<128x64x128xf32, #tpu.memory_space<vmem>> -> memref<1x64x128xf32, #tpu.memory_space<vmem>>
    %dma_start3A_1239 = tpu.memref_squeeze %dma_start3A_1238 : memref<1x64x128xf32, #tpu.memory_space<vmem>> -> memref<64x128xf32, #tpu.memory_space<vmem>>
    tpu.enqueue_dma source(%dma_start3A_1239 : memref<64x128xf32, #tpu.memory_space<vmem>>) target(%dma_start3A_1235 : memref<64x128xf32, #tpu.memory_space<hbm>>) target_semaphore(%arg7 : memref<!tpu.dma_semaphore, #tpu.memory_space<semaphore_mem>>)
    %get3A_1240 = arith.constant 77 : index
    %get3A_1241 = memref.load %arg1[%get3A_1240] : memref<128xi32, #tpu.memory_space<smem>>
    %shift_right_arithmetic3A_1242 = arith.constant 7 : i32
    %shift_right_arithmetic3A_1243 = arith.shrsi %get3A_1241, %shift_right_arithmetic3A_1242 : i32
    %shift_left3A_1244 = arith.constant 7 : i32
    %shift_left3A_1245 = arith.shli %shift_right_arithmetic3A_1243, %shift_left3A_1244 : i32
    %multiple_of3A_1246 = tpu.assume_multiple %shift_left3A_1245, 128 : i32
    %dma_start3A_1247 = arith.constant 77 : i32
    %dma_start3A_1248 = arith.constant 77 : i32
    %dma_start3A_1249 = arith.constant 0 : i32
    %dma_start3A_1250 = tpu.memref_slice %arg5[%dma_start3A_1248, %dma_start3A_1249, %multiple_of3A_1246] : memref<128x64x8192xf32, #tpu.memory_space<hbm>> -> memref<1x64x128xf32, #tpu.memory_space<hbm>>
    %dma_start3A_1251 = tpu.memref_squeeze %dma_start3A_1250 : memref<1x64x128xf32, #tpu.memory_space<hbm>> -> memref<64x128xf32, #tpu.memory_space<hbm>>
    %dma_start3A_1252 = arith.constant 0 : i32
    %dma_start3A_1253 = arith.constant 0 : i32
    %dma_start3A_1254 = tpu.memref_slice %arg6[%dma_start3A_1247, %dma_start3A_1252, %dma_start3A_1253] : memref<128x64x128xf32, #tpu.memory_space<vmem>> -> memref<1x64x128xf32, #tpu.memory_space<vmem>>
    %dma_start3A_1255 = tpu.memref_squeeze %dma_start3A_1254 : memref<1x64x128xf32, #tpu.memory_space<vmem>> -> memref<64x128xf32, #tpu.memory_space<vmem>>
    tpu.enqueue_dma source(%dma_start3A_1255 : memref<64x128xf32, #tpu.memory_space<vmem>>) target(%dma_start3A_1251 : memref<64x128xf32, #tpu.memory_space<hbm>>) target_semaphore(%arg7 : memref<!tpu.dma_semaphore, #tpu.memory_space<semaphore_mem>>)
    %get3A_1256 = arith.constant 78 : index
    %get3A_1257 = memref.load %arg1[%get3A_1256] : memref<128xi32, #tpu.memory_space<smem>>
    %shift_right_arithmetic3A_1258 = arith.constant 7 : i32
    %shift_right_arithmetic3A_1259 = arith.shrsi %get3A_1257, %shift_right_arithmetic3A_1258 : i32
    %shift_left3A_1260 = arith.constant 7 : i32
    %shift_left3A_1261 = arith.shli %shift_right_arithmetic3A_1259, %shift_left3A_1260 : i32
    %multiple_of3A_1262 = tpu.assume_multiple %shift_left3A_1261, 128 : i32
    %dma_start3A_1263 = arith.constant 78 : i32
    %dma_start3A_1264 = arith.constant 78 : i32
    %dma_start3A_1265 = arith.constant 0 : i32
    %dma_start3A_1266 = tpu.memref_slice %arg5[%dma_start3A_1264, %dma_start3A_1265, %multiple_of3A_1262] : memref<128x64x8192xf32, #tpu.memory_space<hbm>> -> memref<1x64x128xf32, #tpu.memory_space<hbm>>
    %dma_start3A_1267 = tpu.memref_squeeze %dma_start3A_1266 : memref<1x64x128xf32, #tpu.memory_space<hbm>> -> memref<64x128xf32, #tpu.memory_space<hbm>>
    %dma_start3A_1268 = arith.constant 0 : i32
    %dma_start3A_1269 = arith.constant 0 : i32
    %dma_start3A_1270 = tpu.memref_slice %arg6[%dma_start3A_1263, %dma_start3A_1268, %dma_start3A_1269] : memref<128x64x128xf32, #tpu.memory_space<vmem>> -> memref<1x64x128xf32, #tpu.memory_space<vmem>>
    %dma_start3A_1271 = tpu.memref_squeeze %dma_start3A_1270 : memref<1x64x128xf32, #tpu.memory_space<vmem>> -> memref<64x128xf32, #tpu.memory_space<vmem>>
    tpu.enqueue_dma source(%dma_start3A_1271 : memref<64x128xf32, #tpu.memory_space<vmem>>) target(%dma_start3A_1267 : memref<64x128xf32, #tpu.memory_space<hbm>>) target_semaphore(%arg7 : memref<!tpu.dma_semaphore, #tpu.memory_space<semaphore_mem>>)
    %get3A_1272 = arith.constant 79 : index
    %get3A_1273 = memref.load %arg1[%get3A_1272] : memref<128xi32, #tpu.memory_space<smem>>
    %shift_right_arithmetic3A_1274 = arith.constant 7 : i32
    %shift_right_arithmetic3A_1275 = arith.shrsi %get3A_1273, %shift_right_arithmetic3A_1274 : i32
    %shift_left3A_1276 = arith.constant 7 : i32
    %shift_left3A_1277 = arith.shli %shift_right_arithmetic3A_1275, %shift_left3A_1276 : i32
    %multiple_of3A_1278 = tpu.assume_multiple %shift_left3A_1277, 128 : i32
    %dma_start3A_1279 = arith.constant 79 : i32
    %dma_start3A_1280 = arith.constant 79 : i32
    %dma_start3A_1281 = arith.constant 0 : i32
    %dma_start3A_1282 = tpu.memref_slice %arg5[%dma_start3A_1280, %dma_start3A_1281, %multiple_of3A_1278] : memref<128x64x8192xf32, #tpu.memory_space<hbm>> -> memref<1x64x128xf32, #tpu.memory_space<hbm>>
    %dma_start3A_1283 = tpu.memref_squeeze %dma_start3A_1282 : memref<1x64x128xf32, #tpu.memory_space<hbm>> -> memref<64x128xf32, #tpu.memory_space<hbm>>
    %dma_start3A_1284 = arith.constant 0 : i32
    %dma_start3A_1285 = arith.constant 0 : i32
    %dma_start3A_1286 = tpu.memref_slice %arg6[%dma_start3A_1279, %dma_start3A_1284, %dma_start3A_1285] : memref<128x64x128xf32, #tpu.memory_space<vmem>> -> memref<1x64x128xf32, #tpu.memory_space<vmem>>
    %dma_start3A_1287 = tpu.memref_squeeze %dma_start3A_1286 : memref<1x64x128xf32, #tpu.memory_space<vmem>> -> memref<64x128xf32, #tpu.memory_space<vmem>>
    tpu.enqueue_dma source(%dma_start3A_1287 : memref<64x128xf32, #tpu.memory_space<vmem>>) target(%dma_start3A_1283 : memref<64x128xf32, #tpu.memory_space<hbm>>) target_semaphore(%arg7 : memref<!tpu.dma_semaphore, #tpu.memory_space<semaphore_mem>>)
    %get3A_1288 = arith.constant 80 : index
    %get3A_1289 = memref.load %arg1[%get3A_1288] : memref<128xi32, #tpu.memory_space<smem>>
    %shift_right_arithmetic3A_1290 = arith.constant 7 : i32
    %shift_right_arithmetic3A_1291 = arith.shrsi %get3A_1289, %shift_right_arithmetic3A_1290 : i32
    %shift_left3A_1292 = arith.constant 7 : i32
    %shift_left3A_1293 = arith.shli %shift_right_arithmetic3A_1291, %shift_left3A_1292 : i32
    %multiple_of3A_1294 = tpu.assume_multiple %shift_left3A_1293, 128 : i32
    %dma_start3A_1295 = arith.constant 80 : i32
    %dma_start3A_1296 = arith.constant 80 : i32
    %dma_start3A_1297 = arith.constant 0 : i32
    %dma_start3A_1298 = tpu.memref_slice %arg5[%dma_start3A_1296, %dma_start3A_1297, %multiple_of3A_1294] : memref<128x64x8192xf32, #tpu.memory_space<hbm>> -> memref<1x64x128xf32, #tpu.memory_space<hbm>>
    %dma_start3A_1299 = tpu.memref_squeeze %dma_start3A_1298 : memref<1x64x128xf32, #tpu.memory_space<hbm>> -> memref<64x128xf32, #tpu.memory_space<hbm>>
    %dma_start3A_1300 = arith.constant 0 : i32
    %dma_start3A_1301 = arith.constant 0 : i32
    %dma_start3A_1302 = tpu.memref_slice %arg6[%dma_start3A_1295, %dma_start3A_1300, %dma_start3A_1301] : memref<128x64x128xf32, #tpu.memory_space<vmem>> -> memref<1x64x128xf32, #tpu.memory_space<vmem>>
    %dma_start3A_1303 = tpu.memref_squeeze %dma_start3A_1302 : memref<1x64x128xf32, #tpu.memory_space<vmem>> -> memref<64x128xf32, #tpu.memory_space<vmem>>
    tpu.enqueue_dma source(%dma_start3A_1303 : memref<64x128xf32, #tpu.memory_space<vmem>>) target(%dma_start3A_1299 : memref<64x128xf32, #tpu.memory_space<hbm>>) target_semaphore(%arg7 : memref<!tpu.dma_semaphore, #tpu.memory_space<semaphore_mem>>)
    %get3A_1304 = arith.constant 81 : index
    %get3A_1305 = memref.load %arg1[%get3A_1304] : memref<128xi32, #tpu.memory_space<smem>>
    %shift_right_arithmetic3A_1306 = arith.constant 7 : i32
    %shift_right_arithmetic3A_1307 = arith.shrsi %get3A_1305, %shift_right_arithmetic3A_1306 : i32
    %shift_left3A_1308 = arith.constant 7 : i32
    %shift_left3A_1309 = arith.shli %shift_right_arithmetic3A_1307, %shift_left3A_1308 : i32
    %multiple_of3A_1310 = tpu.assume_multiple %shift_left3A_1309, 128 : i32
    %dma_start3A_1311 = arith.constant 81 : i32
    %dma_start3A_1312 = arith.constant 81 : i32
    %dma_start3A_1313 = arith.constant 0 : i32
    %dma_start3A_1314 = tpu.memref_slice %arg5[%dma_start3A_1312, %dma_start3A_1313, %multiple_of3A_1310] : memref<128x64x8192xf32, #tpu.memory_space<hbm>> -> memref<1x64x128xf32, #tpu.memory_space<hbm>>
    %dma_start3A_1315 = tpu.memref_squeeze %dma_start3A_1314 : memref<1x64x128xf32, #tpu.memory_space<hbm>> -> memref<64x128xf32, #tpu.memory_space<hbm>>
    %dma_start3A_1316 = arith.constant 0 : i32
    %dma_start3A_1317 = arith.constant 0 : i32
    %dma_start3A_1318 = tpu.memref_slice %arg6[%dma_start3A_1311, %dma_start3A_1316, %dma_start3A_1317] : memref<128x64x128xf32, #tpu.memory_space<vmem>> -> memref<1x64x128xf32, #tpu.memory_space<vmem>>
    %dma_start3A_1319 = tpu.memref_squeeze %dma_start3A_1318 : memref<1x64x128xf32, #tpu.memory_space<vmem>> -> memref<64x128xf32, #tpu.memory_space<vmem>>
    tpu.enqueue_dma source(%dma_start3A_1319 : memref<64x128xf32, #tpu.memory_space<vmem>>) target(%dma_start3A_1315 : memref<64x128xf32, #tpu.memory_space<hbm>>) target_semaphore(%arg7 : memref<!tpu.dma_semaphore, #tpu.memory_space<semaphore_mem>>)
    %get3A_1320 = arith.constant 82 : index
    %get3A_1321 = memref.load %arg1[%get3A_1320] : memref<128xi32, #tpu.memory_space<smem>>
    %shift_right_arithmetic3A_1322 = arith.constant 7 : i32
    %shift_right_arithmetic3A_1323 = arith.shrsi %get3A_1321, %shift_right_arithmetic3A_1322 : i32
    %shift_left3A_1324 = arith.constant 7 : i32
    %shift_left3A_1325 = arith.shli %shift_right_arithmetic3A_1323, %shift_left3A_1324 : i32
    %multiple_of3A_1326 = tpu.assume_multiple %shift_left3A_1325, 128 : i32
    %dma_start3A_1327 = arith.constant 82 : i32
    %dma_start3A_1328 = arith.constant 82 : i32
    %dma_start3A_1329 = arith.constant 0 : i32
    %dma_start3A_1330 = tpu.memref_slice %arg5[%dma_start3A_1328, %dma_start3A_1329, %multiple_of3A_1326] : memref<128x64x8192xf32, #tpu.memory_space<hbm>> -> memref<1x64x128xf32, #tpu.memory_space<hbm>>
    %dma_start3A_1331 = tpu.memref_squeeze %dma_start3A_1330 : memref<1x64x128xf32, #tpu.memory_space<hbm>> -> memref<64x128xf32, #tpu.memory_space<hbm>>
    %dma_start3A_1332 = arith.constant 0 : i32
    %dma_start3A_1333 = arith.constant 0 : i32
    %dma_start3A_1334 = tpu.memref_slice %arg6[%dma_start3A_1327, %dma_start3A_1332, %dma_start3A_1333] : memref<128x64x128xf32, #tpu.memory_space<vmem>> -> memref<1x64x128xf32, #tpu.memory_space<vmem>>
    %dma_start3A_1335 = tpu.memref_squeeze %dma_start3A_1334 : memref<1x64x128xf32, #tpu.memory_space<vmem>> -> memref<64x128xf32, #tpu.memory_space<vmem>>
    tpu.enqueue_dma source(%dma_start3A_1335 : memref<64x128xf32, #tpu.memory_space<vmem>>) target(%dma_start3A_1331 : memref<64x128xf32, #tpu.memory_space<hbm>>) target_semaphore(%arg7 : memref<!tpu.dma_semaphore, #tpu.memory_space<semaphore_mem>>)
    %get3A_1336 = arith.constant 83 : index
    %get3A_1337 = memref.load %arg1[%get3A_1336] : memref<128xi32, #tpu.memory_space<smem>>
    %shift_right_arithmetic3A_1338 = arith.constant 7 : i32
    %shift_right_arithmetic3A_1339 = arith.shrsi %get3A_1337, %shift_right_arithmetic3A_1338 : i32
    %shift_left3A_1340 = arith.constant 7 : i32
    %shift_left3A_1341 = arith.shli %shift_right_arithmetic3A_1339, %shift_left3A_1340 : i32
    %multiple_of3A_1342 = tpu.assume_multiple %shift_left3A_1341, 128 : i32
    %dma_start3A_1343 = arith.constant 83 : i32
    %dma_start3A_1344 = arith.constant 83 : i32
    %dma_start3A_1345 = arith.constant 0 : i32
    %dma_start3A_1346 = tpu.memref_slice %arg5[%dma_start3A_1344, %dma_start3A_1345, %multiple_of3A_1342] : memref<128x64x8192xf32, #tpu.memory_space<hbm>> -> memref<1x64x128xf32, #tpu.memory_space<hbm>>
    %dma_start3A_1347 = tpu.memref_squeeze %dma_start3A_1346 : memref<1x64x128xf32, #tpu.memory_space<hbm>> -> memref<64x128xf32, #tpu.memory_space<hbm>>
    %dma_start3A_1348 = arith.constant 0 : i32
    %dma_start3A_1349 = arith.constant 0 : i32
    %dma_start3A_1350 = tpu.memref_slice %arg6[%dma_start3A_1343, %dma_start3A_1348, %dma_start3A_1349] : memref<128x64x128xf32, #tpu.memory_space<vmem>> -> memref<1x64x128xf32, #tpu.memory_space<vmem>>
    %dma_start3A_1351 = tpu.memref_squeeze %dma_start3A_1350 : memref<1x64x128xf32, #tpu.memory_space<vmem>> -> memref<64x128xf32, #tpu.memory_space<vmem>>
    tpu.enqueue_dma source(%dma_start3A_1351 : memref<64x128xf32, #tpu.memory_space<vmem>>) target(%dma_start3A_1347 : memref<64x128xf32, #tpu.memory_space<hbm>>) target_semaphore(%arg7 : memref<!tpu.dma_semaphore, #tpu.memory_space<semaphore_mem>>)
    %get3A_1352 = arith.constant 84 : index
    %get3A_1353 = memref.load %arg1[%get3A_1352] : memref<128xi32, #tpu.memory_space<smem>>
    %shift_right_arithmetic3A_1354 = arith.constant 7 : i32
    %shift_right_arithmetic3A_1355 = arith.shrsi %get3A_1353, %shift_right_arithmetic3A_1354 : i32
    %shift_left3A_1356 = arith.constant 7 : i32
    %shift_left3A_1357 = arith.shli %shift_right_arithmetic3A_1355, %shift_left3A_1356 : i32
    %multiple_of3A_1358 = tpu.assume_multiple %shift_left3A_1357, 128 : i32
    %dma_start3A_1359 = arith.constant 84 : i32
    %dma_start3A_1360 = arith.constant 84 : i32
    %dma_start3A_1361 = arith.constant 0 : i32
    %dma_start3A_1362 = tpu.memref_slice %arg5[%dma_start3A_1360, %dma_start3A_1361, %multiple_of3A_1358] : memref<128x64x8192xf32, #tpu.memory_space<hbm>> -> memref<1x64x128xf32, #tpu.memory_space<hbm>>
    %dma_start3A_1363 = tpu.memref_squeeze %dma_start3A_1362 : memref<1x64x128xf32, #tpu.memory_space<hbm>> -> memref<64x128xf32, #tpu.memory_space<hbm>>
    %dma_start3A_1364 = arith.constant 0 : i32
    %dma_start3A_1365 = arith.constant 0 : i32
    %dma_start3A_1366 = tpu.memref_slice %arg6[%dma_start3A_1359, %dma_start3A_1364, %dma_start3A_1365] : memref<128x64x128xf32, #tpu.memory_space<vmem>> -> memref<1x64x128xf32, #tpu.memory_space<vmem>>
    %dma_start3A_1367 = tpu.memref_squeeze %dma_start3A_1366 : memref<1x64x128xf32, #tpu.memory_space<vmem>> -> memref<64x128xf32, #tpu.memory_space<vmem>>
    tpu.enqueue_dma source(%dma_start3A_1367 : memref<64x128xf32, #tpu.memory_space<vmem>>) target(%dma_start3A_1363 : memref<64x128xf32, #tpu.memory_space<hbm>>) target_semaphore(%arg7 : memref<!tpu.dma_semaphore, #tpu.memory_space<semaphore_mem>>)
    %get3A_1368 = arith.constant 85 : index
    %get3A_1369 = memref.load %arg1[%get3A_1368] : memref<128xi32, #tpu.memory_space<smem>>
    %shift_right_arithmetic3A_1370 = arith.constant 7 : i32
    %shift_right_arithmetic3A_1371 = arith.shrsi %get3A_1369, %shift_right_arithmetic3A_1370 : i32
    %shift_left3A_1372 = arith.constant 7 : i32
    %shift_left3A_1373 = arith.shli %shift_right_arithmetic3A_1371, %shift_left3A_1372 : i32
    %multiple_of3A_1374 = tpu.assume_multiple %shift_left3A_1373, 128 : i32
    %dma_start3A_1375 = arith.constant 85 : i32
    %dma_start3A_1376 = arith.constant 85 : i32
    %dma_start3A_1377 = arith.constant 0 : i32
    %dma_start3A_1378 = tpu.memref_slice %arg5[%dma_start3A_1376, %dma_start3A_1377, %multiple_of3A_1374] : memref<128x64x8192xf32, #tpu.memory_space<hbm>> -> memref<1x64x128xf32, #tpu.memory_space<hbm>>
    %dma_start3A_1379 = tpu.memref_squeeze %dma_start3A_1378 : memref<1x64x128xf32, #tpu.memory_space<hbm>> -> memref<64x128xf32, #tpu.memory_space<hbm>>
    %dma_start3A_1380 = arith.constant 0 : i32
    %dma_start3A_1381 = arith.constant 0 : i32
    %dma_start3A_1382 = tpu.memref_slice %arg6[%dma_start3A_1375, %dma_start3A_1380, %dma_start3A_1381] : memref<128x64x128xf32, #tpu.memory_space<vmem>> -> memref<1x64x128xf32, #tpu.memory_space<vmem>>
    %dma_start3A_1383 = tpu.memref_squeeze %dma_start3A_1382 : memref<1x64x128xf32, #tpu.memory_space<vmem>> -> memref<64x128xf32, #tpu.memory_space<vmem>>
    tpu.enqueue_dma source(%dma_start3A_1383 : memref<64x128xf32, #tpu.memory_space<vmem>>) target(%dma_start3A_1379 : memref<64x128xf32, #tpu.memory_space<hbm>>) target_semaphore(%arg7 : memref<!tpu.dma_semaphore, #tpu.memory_space<semaphore_mem>>)
    %get3A_1384 = arith.constant 86 : index
    %get3A_1385 = memref.load %arg1[%get3A_1384] : memref<128xi32, #tpu.memory_space<smem>>
    %shift_right_arithmetic3A_1386 = arith.constant 7 : i32
    %shift_right_arithmetic3A_1387 = arith.shrsi %get3A_1385, %shift_right_arithmetic3A_1386 : i32
    %shift_left3A_1388 = arith.constant 7 : i32
    %shift_left3A_1389 = arith.shli %shift_right_arithmetic3A_1387, %shift_left3A_1388 : i32
    %multiple_of3A_1390 = tpu.assume_multiple %shift_left3A_1389, 128 : i32
    %dma_start3A_1391 = arith.constant 86 : i32
    %dma_start3A_1392 = arith.constant 86 : i32
    %dma_start3A_1393 = arith.constant 0 : i32
    %dma_start3A_1394 = tpu.memref_slice %arg5[%dma_start3A_1392, %dma_start3A_1393, %multiple_of3A_1390] : memref<128x64x8192xf32, #tpu.memory_space<hbm>> -> memref<1x64x128xf32, #tpu.memory_space<hbm>>
    %dma_start3A_1395 = tpu.memref_squeeze %dma_start3A_1394 : memref<1x64x128xf32, #tpu.memory_space<hbm>> -> memref<64x128xf32, #tpu.memory_space<hbm>>
    %dma_start3A_1396 = arith.constant 0 : i32
    %dma_start3A_1397 = arith.constant 0 : i32
    %dma_start3A_1398 = tpu.memref_slice %arg6[%dma_start3A_1391, %dma_start3A_1396, %dma_start3A_1397] : memref<128x64x128xf32, #tpu.memory_space<vmem>> -> memref<1x64x128xf32, #tpu.memory_space<vmem>>
    %dma_start3A_1399 = tpu.memref_squeeze %dma_start3A_1398 : memref<1x64x128xf32, #tpu.memory_space<vmem>> -> memref<64x128xf32, #tpu.memory_space<vmem>>
    tpu.enqueue_dma source(%dma_start3A_1399 : memref<64x128xf32, #tpu.memory_space<vmem>>) target(%dma_start3A_1395 : memref<64x128xf32, #tpu.memory_space<hbm>>) target_semaphore(%arg7 : memref<!tpu.dma_semaphore, #tpu.memory_space<semaphore_mem>>)
    %get3A_1400 = arith.constant 87 : index
    %get3A_1401 = memref.load %arg1[%get3A_1400] : memref<128xi32, #tpu.memory_space<smem>>
    %shift_right_arithmetic3A_1402 = arith.constant 7 : i32
    %shift_right_arithmetic3A_1403 = arith.shrsi %get3A_1401, %shift_right_arithmetic3A_1402 : i32
    %shift_left3A_1404 = arith.constant 7 : i32
    %shift_left3A_1405 = arith.shli %shift_right_arithmetic3A_1403, %shift_left3A_1404 : i32
    %multiple_of3A_1406 = tpu.assume_multiple %shift_left3A_1405, 128 : i32
    %dma_start3A_1407 = arith.constant 87 : i32
    %dma_start3A_1408 = arith.constant 87 : i32
    %dma_start3A_1409 = arith.constant 0 : i32
    %dma_start3A_1410 = tpu.memref_slice %arg5[%dma_start3A_1408, %dma_start3A_1409, %multiple_of3A_1406] : memref<128x64x8192xf32, #tpu.memory_space<hbm>> -> memref<1x64x128xf32, #tpu.memory_space<hbm>>
    %dma_start3A_1411 = tpu.memref_squeeze %dma_start3A_1410 : memref<1x64x128xf32, #tpu.memory_space<hbm>> -> memref<64x128xf32, #tpu.memory_space<hbm>>
    %dma_start3A_1412 = arith.constant 0 : i32
    %dma_start3A_1413 = arith.constant 0 : i32
    %dma_start3A_1414 = tpu.memref_slice %arg6[%dma_start3A_1407, %dma_start3A_1412, %dma_start3A_1413] : memref<128x64x128xf32, #tpu.memory_space<vmem>> -> memref<1x64x128xf32, #tpu.memory_space<vmem>>
    %dma_start3A_1415 = tpu.memref_squeeze %dma_start3A_1414 : memref<1x64x128xf32, #tpu.memory_space<vmem>> -> memref<64x128xf32, #tpu.memory_space<vmem>>
    tpu.enqueue_dma source(%dma_start3A_1415 : memref<64x128xf32, #tpu.memory_space<vmem>>) target(%dma_start3A_1411 : memref<64x128xf32, #tpu.memory_space<hbm>>) target_semaphore(%arg7 : memref<!tpu.dma_semaphore, #tpu.memory_space<semaphore_mem>>)
    %get3A_1416 = arith.constant 88 : index
    %get3A_1417 = memref.load %arg1[%get3A_1416] : memref<128xi32, #tpu.memory_space<smem>>
    %shift_right_arithmetic3A_1418 = arith.constant 7 : i32
    %shift_right_arithmetic3A_1419 = arith.shrsi %get3A_1417, %shift_right_arithmetic3A_1418 : i32
    %shift_left3A_1420 = arith.constant 7 : i32
    %shift_left3A_1421 = arith.shli %shift_right_arithmetic3A_1419, %shift_left3A_1420 : i32
    %multiple_of3A_1422 = tpu.assume_multiple %shift_left3A_1421, 128 : i32
    %dma_start3A_1423 = arith.constant 88 : i32
    %dma_start3A_1424 = arith.constant 88 : i32
    %dma_start3A_1425 = arith.constant 0 : i32
    %dma_start3A_1426 = tpu.memref_slice %arg5[%dma_start3A_1424, %dma_start3A_1425, %multiple_of3A_1422] : memref<128x64x8192xf32, #tpu.memory_space<hbm>> -> memref<1x64x128xf32, #tpu.memory_space<hbm>>
    %dma_start3A_1427 = tpu.memref_squeeze %dma_start3A_1426 : memref<1x64x128xf32, #tpu.memory_space<hbm>> -> memref<64x128xf32, #tpu.memory_space<hbm>>
    %dma_start3A_1428 = arith.constant 0 : i32
    %dma_start3A_1429 = arith.constant 0 : i32
    %dma_start3A_1430 = tpu.memref_slice %arg6[%dma_start3A_1423, %dma_start3A_1428, %dma_start3A_1429] : memref<128x64x128xf32, #tpu.memory_space<vmem>> -> memref<1x64x128xf32, #tpu.memory_space<vmem>>
    %dma_start3A_1431 = tpu.memref_squeeze %dma_start3A_1430 : memref<1x64x128xf32, #tpu.memory_space<vmem>> -> memref<64x128xf32, #tpu.memory_space<vmem>>
    tpu.enqueue_dma source(%dma_start3A_1431 : memref<64x128xf32, #tpu.memory_space<vmem>>) target(%dma_start3A_1427 : memref<64x128xf32, #tpu.memory_space<hbm>>) target_semaphore(%arg7 : memref<!tpu.dma_semaphore, #tpu.memory_space<semaphore_mem>>)
    %get3A_1432 = arith.constant 89 : index
    %get3A_1433 = memref.load %arg1[%get3A_1432] : memref<128xi32, #tpu.memory_space<smem>>
    %shift_right_arithmetic3A_1434 = arith.constant 7 : i32
    %shift_right_arithmetic3A_1435 = arith.shrsi %get3A_1433, %shift_right_arithmetic3A_1434 : i32
    %shift_left3A_1436 = arith.constant 7 : i32
    %shift_left3A_1437 = arith.shli %shift_right_arithmetic3A_1435, %shift_left3A_1436 : i32
    %multiple_of3A_1438 = tpu.assume_multiple %shift_left3A_1437, 128 : i32
    %dma_start3A_1439 = arith.constant 89 : i32
    %dma_start3A_1440 = arith.constant 89 : i32
    %dma_start3A_1441 = arith.constant 0 : i32
    %dma_start3A_1442 = tpu.memref_slice %arg5[%dma_start3A_1440, %dma_start3A_1441, %multiple_of3A_1438] : memref<128x64x8192xf32, #tpu.memory_space<hbm>> -> memref<1x64x128xf32, #tpu.memory_space<hbm>>
    %dma_start3A_1443 = tpu.memref_squeeze %dma_start3A_1442 : memref<1x64x128xf32, #tpu.memory_space<hbm>> -> memref<64x128xf32, #tpu.memory_space<hbm>>
    %dma_start3A_1444 = arith.constant 0 : i32
    %dma_start3A_1445 = arith.constant 0 : i32
    %dma_start3A_1446 = tpu.memref_slice %arg6[%dma_start3A_1439, %dma_start3A_1444, %dma_start3A_1445] : memref<128x64x128xf32, #tpu.memory_space<vmem>> -> memref<1x64x128xf32, #tpu.memory_space<vmem>>
    %dma_start3A_1447 = tpu.memref_squeeze %dma_start3A_1446 : memref<1x64x128xf32, #tpu.memory_space<vmem>> -> memref<64x128xf32, #tpu.memory_space<vmem>>
    tpu.enqueue_dma source(%dma_start3A_1447 : memref<64x128xf32, #tpu.memory_space<vmem>>) target(%dma_start3A_1443 : memref<64x128xf32, #tpu.memory_space<hbm>>) target_semaphore(%arg7 : memref<!tpu.dma_semaphore, #tpu.memory_space<semaphore_mem>>)
    %get3A_1448 = arith.constant 90 : index
    %get3A_1449 = memref.load %arg1[%get3A_1448] : memref<128xi32, #tpu.memory_space<smem>>
    %shift_right_arithmetic3A_1450 = arith.constant 7 : i32
    %shift_right_arithmetic3A_1451 = arith.shrsi %get3A_1449, %shift_right_arithmetic3A_1450 : i32
    %shift_left3A_1452 = arith.constant 7 : i32
    %shift_left3A_1453 = arith.shli %shift_right_arithmetic3A_1451, %shift_left3A_1452 : i32
    %multiple_of3A_1454 = tpu.assume_multiple %shift_left3A_1453, 128 : i32
    %dma_start3A_1455 = arith.constant 90 : i32
    %dma_start3A_1456 = arith.constant 90 : i32
    %dma_start3A_1457 = arith.constant 0 : i32
    %dma_start3A_1458 = tpu.memref_slice %arg5[%dma_start3A_1456, %dma_start3A_1457, %multiple_of3A_1454] : memref<128x64x8192xf32, #tpu.memory_space<hbm>> -> memref<1x64x128xf32, #tpu.memory_space<hbm>>
    %dma_start3A_1459 = tpu.memref_squeeze %dma_start3A_1458 : memref<1x64x128xf32, #tpu.memory_space<hbm>> -> memref<64x128xf32, #tpu.memory_space<hbm>>
    %dma_start3A_1460 = arith.constant 0 : i32
    %dma_start3A_1461 = arith.constant 0 : i32
    %dma_start3A_1462 = tpu.memref_slice %arg6[%dma_start3A_1455, %dma_start3A_1460, %dma_start3A_1461] : memref<128x64x128xf32, #tpu.memory_space<vmem>> -> memref<1x64x128xf32, #tpu.memory_space<vmem>>
    %dma_start3A_1463 = tpu.memref_squeeze %dma_start3A_1462 : memref<1x64x128xf32, #tpu.memory_space<vmem>> -> memref<64x128xf32, #tpu.memory_space<vmem>>
    tpu.enqueue_dma source(%dma_start3A_1463 : memref<64x128xf32, #tpu.memory_space<vmem>>) target(%dma_start3A_1459 : memref<64x128xf32, #tpu.memory_space<hbm>>) target_semaphore(%arg7 : memref<!tpu.dma_semaphore, #tpu.memory_space<semaphore_mem>>)
    %get3A_1464 = arith.constant 91 : index
    %get3A_1465 = memref.load %arg1[%get3A_1464] : memref<128xi32, #tpu.memory_space<smem>>
    %shift_right_arithmetic3A_1466 = arith.constant 7 : i32
    %shift_right_arithmetic3A_1467 = arith.shrsi %get3A_1465, %shift_right_arithmetic3A_1466 : i32
    %shift_left3A_1468 = arith.constant 7 : i32
    %shift_left3A_1469 = arith.shli %shift_right_arithmetic3A_1467, %shift_left3A_1468 : i32
    %multiple_of3A_1470 = tpu.assume_multiple %shift_left3A_1469, 128 : i32
    %dma_start3A_1471 = arith.constant 91 : i32
    %dma_start3A_1472 = arith.constant 91 : i32
    %dma_start3A_1473 = arith.constant 0 : i32
    %dma_start3A_1474 = tpu.memref_slice %arg5[%dma_start3A_1472, %dma_start3A_1473, %multiple_of3A_1470] : memref<128x64x8192xf32, #tpu.memory_space<hbm>> -> memref<1x64x128xf32, #tpu.memory_space<hbm>>
    %dma_start3A_1475 = tpu.memref_squeeze %dma_start3A_1474 : memref<1x64x128xf32, #tpu.memory_space<hbm>> -> memref<64x128xf32, #tpu.memory_space<hbm>>
    %dma_start3A_1476 = arith.constant 0 : i32
    %dma_start3A_1477 = arith.constant 0 : i32
    %dma_start3A_1478 = tpu.memref_slice %arg6[%dma_start3A_1471, %dma_start3A_1476, %dma_start3A_1477] : memref<128x64x128xf32, #tpu.memory_space<vmem>> -> memref<1x64x128xf32, #tpu.memory_space<vmem>>
    %dma_start3A_1479 = tpu.memref_squeeze %dma_start3A_1478 : memref<1x64x128xf32, #tpu.memory_space<vmem>> -> memref<64x128xf32, #tpu.memory_space<vmem>>
    tpu.enqueue_dma source(%dma_start3A_1479 : memref<64x128xf32, #tpu.memory_space<vmem>>) target(%dma_start3A_1475 : memref<64x128xf32, #tpu.memory_space<hbm>>) target_semaphore(%arg7 : memref<!tpu.dma_semaphore, #tpu.memory_space<semaphore_mem>>)
    %get3A_1480 = arith.constant 92 : index
    %get3A_1481 = memref.load %arg1[%get3A_1480] : memref<128xi32, #tpu.memory_space<smem>>
    %shift_right_arithmetic3A_1482 = arith.constant 7 : i32
    %shift_right_arithmetic3A_1483 = arith.shrsi %get3A_1481, %shift_right_arithmetic3A_1482 : i32
    %shift_left3A_1484 = arith.constant 7 : i32
    %shift_left3A_1485 = arith.shli %shift_right_arithmetic3A_1483, %shift_left3A_1484 : i32
    %multiple_of3A_1486 = tpu.assume_multiple %shift_left3A_1485, 128 : i32
    %dma_start3A_1487 = arith.constant 92 : i32
    %dma_start3A_1488 = arith.constant 92 : i32
    %dma_start3A_1489 = arith.constant 0 : i32
    %dma_start3A_1490 = tpu.memref_slice %arg5[%dma_start3A_1488, %dma_start3A_1489, %multiple_of3A_1486] : memref<128x64x8192xf32, #tpu.memory_space<hbm>> -> memref<1x64x128xf32, #tpu.memory_space<hbm>>
    %dma_start3A_1491 = tpu.memref_squeeze %dma_start3A_1490 : memref<1x64x128xf32, #tpu.memory_space<hbm>> -> memref<64x128xf32, #tpu.memory_space<hbm>>
    %dma_start3A_1492 = arith.constant 0 : i32
    %dma_start3A_1493 = arith.constant 0 : i32
    %dma_start3A_1494 = tpu.memref_slice %arg6[%dma_start3A_1487, %dma_start3A_1492, %dma_start3A_1493] : memref<128x64x128xf32, #tpu.memory_space<vmem>> -> memref<1x64x128xf32, #tpu.memory_space<vmem>>
    %dma_start3A_1495 = tpu.memref_squeeze %dma_start3A_1494 : memref<1x64x128xf32, #tpu.memory_space<vmem>> -> memref<64x128xf32, #tpu.memory_space<vmem>>
    tpu.enqueue_dma source(%dma_start3A_1495 : memref<64x128xf32, #tpu.memory_space<vmem>>) target(%dma_start3A_1491 : memref<64x128xf32, #tpu.memory_space<hbm>>) target_semaphore(%arg7 : memref<!tpu.dma_semaphore, #tpu.memory_space<semaphore_mem>>)
    %get3A_1496 = arith.constant 93 : index
    %get3A_1497 = memref.load %arg1[%get3A_1496] : memref<128xi32, #tpu.memory_space<smem>>
    %shift_right_arithmetic3A_1498 = arith.constant 7 : i32
    %shift_right_arithmetic3A_1499 = arith.shrsi %get3A_1497, %shift_right_arithmetic3A_1498 : i32
    %shift_left3A_1500 = arith.constant 7 : i32
    %shift_left3A_1501 = arith.shli %shift_right_arithmetic3A_1499, %shift_left3A_1500 : i32
    %multiple_of3A_1502 = tpu.assume_multiple %shift_left3A_1501, 128 : i32
    %dma_start3A_1503 = arith.constant 93 : i32
    %dma_start3A_1504 = arith.constant 93 : i32
    %dma_start3A_1505 = arith.constant 0 : i32
    %dma_start3A_1506 = tpu.memref_slice %arg5[%dma_start3A_1504, %dma_start3A_1505, %multiple_of3A_1502] : memref<128x64x8192xf32, #tpu.memory_space<hbm>> -> memref<1x64x128xf32, #tpu.memory_space<hbm>>
    %dma_start3A_1507 = tpu.memref_squeeze %dma_start3A_1506 : memref<1x64x128xf32, #tpu.memory_space<hbm>> -> memref<64x128xf32, #tpu.memory_space<hbm>>
    %dma_start3A_1508 = arith.constant 0 : i32
    %dma_start3A_1509 = arith.constant 0 : i32
    %dma_start3A_1510 = tpu.memref_slice %arg6[%dma_start3A_1503, %dma_start3A_1508, %dma_start3A_1509] : memref<128x64x128xf32, #tpu.memory_space<vmem>> -> memref<1x64x128xf32, #tpu.memory_space<vmem>>
    %dma_start3A_1511 = tpu.memref_squeeze %dma_start3A_1510 : memref<1x64x128xf32, #tpu.memory_space<vmem>> -> memref<64x128xf32, #tpu.memory_space<vmem>>
    tpu.enqueue_dma source(%dma_start3A_1511 : memref<64x128xf32, #tpu.memory_space<vmem>>) target(%dma_start3A_1507 : memref<64x128xf32, #tpu.memory_space<hbm>>) target_semaphore(%arg7 : memref<!tpu.dma_semaphore, #tpu.memory_space<semaphore_mem>>)
    %get3A_1512 = arith.constant 94 : index
    %get3A_1513 = memref.load %arg1[%get3A_1512] : memref<128xi32, #tpu.memory_space<smem>>
    %shift_right_arithmetic3A_1514 = arith.constant 7 : i32
    %shift_right_arithmetic3A_1515 = arith.shrsi %get3A_1513, %shift_right_arithmetic3A_1514 : i32
    %shift_left3A_1516 = arith.constant 7 : i32
    %shift_left3A_1517 = arith.shli %shift_right_arithmetic3A_1515, %shift_left3A_1516 : i32
    %multiple_of3A_1518 = tpu.assume_multiple %shift_left3A_1517, 128 : i32
    %dma_start3A_1519 = arith.constant 94 : i32
    %dma_start3A_1520 = arith.constant 94 : i32
    %dma_start3A_1521 = arith.constant 0 : i32
    %dma_start3A_1522 = tpu.memref_slice %arg5[%dma_start3A_1520, %dma_start3A_1521, %multiple_of3A_1518] : memref<128x64x8192xf32, #tpu.memory_space<hbm>> -> memref<1x64x128xf32, #tpu.memory_space<hbm>>
    %dma_start3A_1523 = tpu.memref_squeeze %dma_start3A_1522 : memref<1x64x128xf32, #tpu.memory_space<hbm>> -> memref<64x128xf32, #tpu.memory_space<hbm>>
    %dma_start3A_1524 = arith.constant 0 : i32
    %dma_start3A_1525 = arith.constant 0 : i32
    %dma_start3A_1526 = tpu.memref_slice %arg6[%dma_start3A_1519, %dma_start3A_1524, %dma_start3A_1525] : memref<128x64x128xf32, #tpu.memory_space<vmem>> -> memref<1x64x128xf32, #tpu.memory_space<vmem>>
    %dma_start3A_1527 = tpu.memref_squeeze %dma_start3A_1526 : memref<1x64x128xf32, #tpu.memory_space<vmem>> -> memref<64x128xf32, #tpu.memory_space<vmem>>
    tpu.enqueue_dma source(%dma_start3A_1527 : memref<64x128xf32, #tpu.memory_space<vmem>>) target(%dma_start3A_1523 : memref<64x128xf32, #tpu.memory_space<hbm>>) target_semaphore(%arg7 : memref<!tpu.dma_semaphore, #tpu.memory_space<semaphore_mem>>)
    %get3A_1528 = arith.constant 95 : index
    %get3A_1529 = memref.load %arg1[%get3A_1528] : memref<128xi32, #tpu.memory_space<smem>>
    %shift_right_arithmetic3A_1530 = arith.constant 7 : i32
    %shift_right_arithmetic3A_1531 = arith.shrsi %get3A_1529, %shift_right_arithmetic3A_1530 : i32
    %shift_left3A_1532 = arith.constant 7 : i32
    %shift_left3A_1533 = arith.shli %shift_right_arithmetic3A_1531, %shift_left3A_1532 : i32
    %multiple_of3A_1534 = tpu.assume_multiple %shift_left3A_1533, 128 : i32
    %dma_start3A_1535 = arith.constant 95 : i32
    %dma_start3A_1536 = arith.constant 95 : i32
    %dma_start3A_1537 = arith.constant 0 : i32
    %dma_start3A_1538 = tpu.memref_slice %arg5[%dma_start3A_1536, %dma_start3A_1537, %multiple_of3A_1534] : memref<128x64x8192xf32, #tpu.memory_space<hbm>> -> memref<1x64x128xf32, #tpu.memory_space<hbm>>
    %dma_start3A_1539 = tpu.memref_squeeze %dma_start3A_1538 : memref<1x64x128xf32, #tpu.memory_space<hbm>> -> memref<64x128xf32, #tpu.memory_space<hbm>>
    %dma_start3A_1540 = arith.constant 0 : i32
    %dma_start3A_1541 = arith.constant 0 : i32
    %dma_start3A_1542 = tpu.memref_slice %arg6[%dma_start3A_1535, %dma_start3A_1540, %dma_start3A_1541] : memref<128x64x128xf32, #tpu.memory_space<vmem>> -> memref<1x64x128xf32, #tpu.memory_space<vmem>>
    %dma_start3A_1543 = tpu.memref_squeeze %dma_start3A_1542 : memref<1x64x128xf32, #tpu.memory_space<vmem>> -> memref<64x128xf32, #tpu.memory_space<vmem>>
    tpu.enqueue_dma source(%dma_start3A_1543 : memref<64x128xf32, #tpu.memory_space<vmem>>) target(%dma_start3A_1539 : memref<64x128xf32, #tpu.memory_space<hbm>>) target_semaphore(%arg7 : memref<!tpu.dma_semaphore, #tpu.memory_space<semaphore_mem>>)
    %get3A_1544 = arith.constant 96 : index
    %get3A_1545 = memref.load %arg1[%get3A_1544] : memref<128xi32, #tpu.memory_space<smem>>
    %shift_right_arithmetic3A_1546 = arith.constant 7 : i32
    %shift_right_arithmetic3A_1547 = arith.shrsi %get3A_1545, %shift_right_arithmetic3A_1546 : i32
    %shift_left3A_1548 = arith.constant 7 : i32
    %shift_left3A_1549 = arith.shli %shift_right_arithmetic3A_1547, %shift_left3A_1548 : i32
    %multiple_of3A_1550 = tpu.assume_multiple %shift_left3A_1549, 128 : i32
    %dma_start3A_1551 = arith.constant 96 : i32
    %dma_start3A_1552 = arith.constant 96 : i32
    %dma_start3A_1553 = arith.constant 0 : i32
    %dma_start3A_1554 = tpu.memref_slice %arg5[%dma_start3A_1552, %dma_start3A_1553, %multiple_of3A_1550] : memref<128x64x8192xf32, #tpu.memory_space<hbm>> -> memref<1x64x128xf32, #tpu.memory_space<hbm>>
    %dma_start3A_1555 = tpu.memref_squeeze %dma_start3A_1554 : memref<1x64x128xf32, #tpu.memory_space<hbm>> -> memref<64x128xf32, #tpu.memory_space<hbm>>
    %dma_start3A_1556 = arith.constant 0 : i32
    %dma_start3A_1557 = arith.constant 0 : i32
    %dma_start3A_1558 = tpu.memref_slice %arg6[%dma_start3A_1551, %dma_start3A_1556, %dma_start3A_1557] : memref<128x64x128xf32, #tpu.memory_space<vmem>> -> memref<1x64x128xf32, #tpu.memory_space<vmem>>
    %dma_start3A_1559 = tpu.memref_squeeze %dma_start3A_1558 : memref<1x64x128xf32, #tpu.memory_space<vmem>> -> memref<64x128xf32, #tpu.memory_space<vmem>>
    tpu.enqueue_dma source(%dma_start3A_1559 : memref<64x128xf32, #tpu.memory_space<vmem>>) target(%dma_start3A_1555 : memref<64x128xf32, #tpu.memory_space<hbm>>) target_semaphore(%arg7 : memref<!tpu.dma_semaphore, #tpu.memory_space<semaphore_mem>>)
    %get3A_1560 = arith.constant 97 : index
    %get3A_1561 = memref.load %arg1[%get3A_1560] : memref<128xi32, #tpu.memory_space<smem>>
    %shift_right_arithmetic3A_1562 = arith.constant 7 : i32
    %shift_right_arithmetic3A_1563 = arith.shrsi %get3A_1561, %shift_right_arithmetic3A_1562 : i32
    %shift_left3A_1564 = arith.constant 7 : i32
    %shift_left3A_1565 = arith.shli %shift_right_arithmetic3A_1563, %shift_left3A_1564 : i32
    %multiple_of3A_1566 = tpu.assume_multiple %shift_left3A_1565, 128 : i32
    %dma_start3A_1567 = arith.constant 97 : i32
    %dma_start3A_1568 = arith.constant 97 : i32
    %dma_start3A_1569 = arith.constant 0 : i32
    %dma_start3A_1570 = tpu.memref_slice %arg5[%dma_start3A_1568, %dma_start3A_1569, %multiple_of3A_1566] : memref<128x64x8192xf32, #tpu.memory_space<hbm>> -> memref<1x64x128xf32, #tpu.memory_space<hbm>>
    %dma_start3A_1571 = tpu.memref_squeeze %dma_start3A_1570 : memref<1x64x128xf32, #tpu.memory_space<hbm>> -> memref<64x128xf32, #tpu.memory_space<hbm>>
    %dma_start3A_1572 = arith.constant 0 : i32
    %dma_start3A_1573 = arith.constant 0 : i32
    %dma_start3A_1574 = tpu.memref_slice %arg6[%dma_start3A_1567, %dma_start3A_1572, %dma_start3A_1573] : memref<128x64x128xf32, #tpu.memory_space<vmem>> -> memref<1x64x128xf32, #tpu.memory_space<vmem>>
    %dma_start3A_1575 = tpu.memref_squeeze %dma_start3A_1574 : memref<1x64x128xf32, #tpu.memory_space<vmem>> -> memref<64x128xf32, #tpu.memory_space<vmem>>
    tpu.enqueue_dma source(%dma_start3A_1575 : memref<64x128xf32, #tpu.memory_space<vmem>>) target(%dma_start3A_1571 : memref<64x128xf32, #tpu.memory_space<hbm>>) target_semaphore(%arg7 : memref<!tpu.dma_semaphore, #tpu.memory_space<semaphore_mem>>)
    %get3A_1576 = arith.constant 98 : index
    %get3A_1577 = memref.load %arg1[%get3A_1576] : memref<128xi32, #tpu.memory_space<smem>>
    %shift_right_arithmetic3A_1578 = arith.constant 7 : i32
    %shift_right_arithmetic3A_1579 = arith.shrsi %get3A_1577, %shift_right_arithmetic3A_1578 : i32
    %shift_left3A_1580 = arith.constant 7 : i32
    %shift_left3A_1581 = arith.shli %shift_right_arithmetic3A_1579, %shift_left3A_1580 : i32
    %multiple_of3A_1582 = tpu.assume_multiple %shift_left3A_1581, 128 : i32
    %dma_start3A_1583 = arith.constant 98 : i32
    %dma_start3A_1584 = arith.constant 98 : i32
    %dma_start3A_1585 = arith.constant 0 : i32
    %dma_start3A_1586 = tpu.memref_slice %arg5[%dma_start3A_1584, %dma_start3A_1585, %multiple_of3A_1582] : memref<128x64x8192xf32, #tpu.memory_space<hbm>> -> memref<1x64x128xf32, #tpu.memory_space<hbm>>
    %dma_start3A_1587 = tpu.memref_squeeze %dma_start3A_1586 : memref<1x64x128xf32, #tpu.memory_space<hbm>> -> memref<64x128xf32, #tpu.memory_space<hbm>>
    %dma_start3A_1588 = arith.constant 0 : i32
    %dma_start3A_1589 = arith.constant 0 : i32
    %dma_start3A_1590 = tpu.memref_slice %arg6[%dma_start3A_1583, %dma_start3A_1588, %dma_start3A_1589] : memref<128x64x128xf32, #tpu.memory_space<vmem>> -> memref<1x64x128xf32, #tpu.memory_space<vmem>>
    %dma_start3A_1591 = tpu.memref_squeeze %dma_start3A_1590 : memref<1x64x128xf32, #tpu.memory_space<vmem>> -> memref<64x128xf32, #tpu.memory_space<vmem>>
    tpu.enqueue_dma source(%dma_start3A_1591 : memref<64x128xf32, #tpu.memory_space<vmem>>) target(%dma_start3A_1587 : memref<64x128xf32, #tpu.memory_space<hbm>>) target_semaphore(%arg7 : memref<!tpu.dma_semaphore, #tpu.memory_space<semaphore_mem>>)
    %get3A_1592 = arith.constant 99 : index
    %get3A_1593 = memref.load %arg1[%get3A_1592] : memref<128xi32, #tpu.memory_space<smem>>
    %shift_right_arithmetic3A_1594 = arith.constant 7 : i32
    %shift_right_arithmetic3A_1595 = arith.shrsi %get3A_1593, %shift_right_arithmetic3A_1594 : i32
    %shift_left3A_1596 = arith.constant 7 : i32
    %shift_left3A_1597 = arith.shli %shift_right_arithmetic3A_1595, %shift_left3A_1596 : i32
    %multiple_of3A_1598 = tpu.assume_multiple %shift_left3A_1597, 128 : i32
    %dma_start3A_1599 = arith.constant 99 : i32
    %dma_start3A_1600 = arith.constant 99 : i32
    %dma_start3A_1601 = arith.constant 0 : i32
    %dma_start3A_1602 = tpu.memref_slice %arg5[%dma_start3A_1600, %dma_start3A_1601, %multiple_of3A_1598] : memref<128x64x8192xf32, #tpu.memory_space<hbm>> -> memref<1x64x128xf32, #tpu.memory_space<hbm>>
    %dma_start3A_1603 = tpu.memref_squeeze %dma_start3A_1602 : memref<1x64x128xf32, #tpu.memory_space<hbm>> -> memref<64x128xf32, #tpu.memory_space<hbm>>
    %dma_start3A_1604 = arith.constant 0 : i32
    %dma_start3A_1605 = arith.constant 0 : i32
    %dma_start3A_1606 = tpu.memref_slice %arg6[%dma_start3A_1599, %dma_start3A_1604, %dma_start3A_1605] : memref<128x64x128xf32, #tpu.memory_space<vmem>> -> memref<1x64x128xf32, #tpu.memory_space<vmem>>
    %dma_start3A_1607 = tpu.memref_squeeze %dma_start3A_1606 : memref<1x64x128xf32, #tpu.memory_space<vmem>> -> memref<64x128xf32, #tpu.memory_space<vmem>>
    tpu.enqueue_dma source(%dma_start3A_1607 : memref<64x128xf32, #tpu.memory_space<vmem>>) target(%dma_start3A_1603 : memref<64x128xf32, #tpu.memory_space<hbm>>) target_semaphore(%arg7 : memref<!tpu.dma_semaphore, #tpu.memory_space<semaphore_mem>>)
    %get3A_1608 = arith.constant 100 : index
    %get3A_1609 = memref.load %arg1[%get3A_1608] : memref<128xi32, #tpu.memory_space<smem>>
    %shift_right_arithmetic3A_1610 = arith.constant 7 : i32
    %shift_right_arithmetic3A_1611 = arith.shrsi %get3A_1609, %shift_right_arithmetic3A_1610 : i32
    %shift_left3A_1612 = arith.constant 7 : i32
    %shift_left3A_1613 = arith.shli %shift_right_arithmetic3A_1611, %shift_left3A_1612 : i32
    %multiple_of3A_1614 = tpu.assume_multiple %shift_left3A_1613, 128 : i32
    %dma_start3A_1615 = arith.constant 100 : i32
    %dma_start3A_1616 = arith.constant 100 : i32
    %dma_start3A_1617 = arith.constant 0 : i32
    %dma_start3A_1618 = tpu.memref_slice %arg5[%dma_start3A_1616, %dma_start3A_1617, %multiple_of3A_1614] : memref<128x64x8192xf32, #tpu.memory_space<hbm>> -> memref<1x64x128xf32, #tpu.memory_space<hbm>>
    %dma_start3A_1619 = tpu.memref_squeeze %dma_start3A_1618 : memref<1x64x128xf32, #tpu.memory_space<hbm>> -> memref<64x128xf32, #tpu.memory_space<hbm>>
    %dma_start3A_1620 = arith.constant 0 : i32
    %dma_start3A_1621 = arith.constant 0 : i32
    %dma_start3A_1622 = tpu.memref_slice %arg6[%dma_start3A_1615, %dma_start3A_1620, %dma_start3A_1621] : memref<128x64x128xf32, #tpu.memory_space<vmem>> -> memref<1x64x128xf32, #tpu.memory_space<vmem>>
    %dma_start3A_1623 = tpu.memref_squeeze %dma_start3A_1622 : memref<1x64x128xf32, #tpu.memory_space<vmem>> -> memref<64x128xf32, #tpu.memory_space<vmem>>
    tpu.enqueue_dma source(%dma_start3A_1623 : memref<64x128xf32, #tpu.memory_space<vmem>>) target(%dma_start3A_1619 : memref<64x128xf32, #tpu.memory_space<hbm>>) target_semaphore(%arg7 : memref<!tpu.dma_semaphore, #tpu.memory_space<semaphore_mem>>)
    %get3A_1624 = arith.constant 101 : index
    %get3A_1625 = memref.load %arg1[%get3A_1624] : memref<128xi32, #tpu.memory_space<smem>>
    %shift_right_arithmetic3A_1626 = arith.constant 7 : i32
    %shift_right_arithmetic3A_1627 = arith.shrsi %get3A_1625, %shift_right_arithmetic3A_1626 : i32
    %shift_left3A_1628 = arith.constant 7 : i32
    %shift_left3A_1629 = arith.shli %shift_right_arithmetic3A_1627, %shift_left3A_1628 : i32
    %multiple_of3A_1630 = tpu.assume_multiple %shift_left3A_1629, 128 : i32
    %dma_start3A_1631 = arith.constant 101 : i32
    %dma_start3A_1632 = arith.constant 101 : i32
    %dma_start3A_1633 = arith.constant 0 : i32
    %dma_start3A_1634 = tpu.memref_slice %arg5[%dma_start3A_1632, %dma_start3A_1633, %multiple_of3A_1630] : memref<128x64x8192xf32, #tpu.memory_space<hbm>> -> memref<1x64x128xf32, #tpu.memory_space<hbm>>
    %dma_start3A_1635 = tpu.memref_squeeze %dma_start3A_1634 : memref<1x64x128xf32, #tpu.memory_space<hbm>> -> memref<64x128xf32, #tpu.memory_space<hbm>>
    %dma_start3A_1636 = arith.constant 0 : i32
    %dma_start3A_1637 = arith.constant 0 : i32
    %dma_start3A_1638 = tpu.memref_slice %arg6[%dma_start3A_1631, %dma_start3A_1636, %dma_start3A_1637] : memref<128x64x128xf32, #tpu.memory_space<vmem>> -> memref<1x64x128xf32, #tpu.memory_space<vmem>>
    %dma_start3A_1639 = tpu.memref_squeeze %dma_start3A_1638 : memref<1x64x128xf32, #tpu.memory_space<vmem>> -> memref<64x128xf32, #tpu.memory_space<vmem>>
    tpu.enqueue_dma source(%dma_start3A_1639 : memref<64x128xf32, #tpu.memory_space<vmem>>) target(%dma_start3A_1635 : memref<64x128xf32, #tpu.memory_space<hbm>>) target_semaphore(%arg7 : memref<!tpu.dma_semaphore, #tpu.memory_space<semaphore_mem>>)
    %get3A_1640 = arith.constant 102 : index
    %get3A_1641 = memref.load %arg1[%get3A_1640] : memref<128xi32, #tpu.memory_space<smem>>
    %shift_right_arithmetic3A_1642 = arith.constant 7 : i32
    %shift_right_arithmetic3A_1643 = arith.shrsi %get3A_1641, %shift_right_arithmetic3A_1642 : i32
    %shift_left3A_1644 = arith.constant 7 : i32
    %shift_left3A_1645 = arith.shli %shift_right_arithmetic3A_1643, %shift_left3A_1644 : i32
    %multiple_of3A_1646 = tpu.assume_multiple %shift_left3A_1645, 128 : i32
    %dma_start3A_1647 = arith.constant 102 : i32
    %dma_start3A_1648 = arith.constant 102 : i32
    %dma_start3A_1649 = arith.constant 0 : i32
    %dma_start3A_1650 = tpu.memref_slice %arg5[%dma_start3A_1648, %dma_start3A_1649, %multiple_of3A_1646] : memref<128x64x8192xf32, #tpu.memory_space<hbm>> -> memref<1x64x128xf32, #tpu.memory_space<hbm>>
    %dma_start3A_1651 = tpu.memref_squeeze %dma_start3A_1650 : memref<1x64x128xf32, #tpu.memory_space<hbm>> -> memref<64x128xf32, #tpu.memory_space<hbm>>
    %dma_start3A_1652 = arith.constant 0 : i32
    %dma_start3A_1653 = arith.constant 0 : i32
    %dma_start3A_1654 = tpu.memref_slice %arg6[%dma_start3A_1647, %dma_start3A_1652, %dma_start3A_1653] : memref<128x64x128xf32, #tpu.memory_space<vmem>> -> memref<1x64x128xf32, #tpu.memory_space<vmem>>
    %dma_start3A_1655 = tpu.memref_squeeze %dma_start3A_1654 : memref<1x64x128xf32, #tpu.memory_space<vmem>> -> memref<64x128xf32, #tpu.memory_space<vmem>>
    tpu.enqueue_dma source(%dma_start3A_1655 : memref<64x128xf32, #tpu.memory_space<vmem>>) target(%dma_start3A_1651 : memref<64x128xf32, #tpu.memory_space<hbm>>) target_semaphore(%arg7 : memref<!tpu.dma_semaphore, #tpu.memory_space<semaphore_mem>>)
    %get3A_1656 = arith.constant 103 : index
    %get3A_1657 = memref.load %arg1[%get3A_1656] : memref<128xi32, #tpu.memory_space<smem>>
    %shift_right_arithmetic3A_1658 = arith.constant 7 : i32
    %shift_right_arithmetic3A_1659 = arith.shrsi %get3A_1657, %shift_right_arithmetic3A_1658 : i32
    %shift_left3A_1660 = arith.constant 7 : i32
    %shift_left3A_1661 = arith.shli %shift_right_arithmetic3A_1659, %shift_left3A_1660 : i32
    %multiple_of3A_1662 = tpu.assume_multiple %shift_left3A_1661, 128 : i32
    %dma_start3A_1663 = arith.constant 103 : i32
    %dma_start3A_1664 = arith.constant 103 : i32
    %dma_start3A_1665 = arith.constant 0 : i32
    %dma_start3A_1666 = tpu.memref_slice %arg5[%dma_start3A_1664, %dma_start3A_1665, %multiple_of3A_1662] : memref<128x64x8192xf32, #tpu.memory_space<hbm>> -> memref<1x64x128xf32, #tpu.memory_space<hbm>>
    %dma_start3A_1667 = tpu.memref_squeeze %dma_start3A_1666 : memref<1x64x128xf32, #tpu.memory_space<hbm>> -> memref<64x128xf32, #tpu.memory_space<hbm>>
    %dma_start3A_1668 = arith.constant 0 : i32
    %dma_start3A_1669 = arith.constant 0 : i32
    %dma_start3A_1670 = tpu.memref_slice %arg6[%dma_start3A_1663, %dma_start3A_1668, %dma_start3A_1669] : memref<128x64x128xf32, #tpu.memory_space<vmem>> -> memref<1x64x128xf32, #tpu.memory_space<vmem>>
    %dma_start3A_1671 = tpu.memref_squeeze %dma_start3A_1670 : memref<1x64x128xf32, #tpu.memory_space<vmem>> -> memref<64x128xf32, #tpu.memory_space<vmem>>
    tpu.enqueue_dma source(%dma_start3A_1671 : memref<64x128xf32, #tpu.memory_space<vmem>>) target(%dma_start3A_1667 : memref<64x128xf32, #tpu.memory_space<hbm>>) target_semaphore(%arg7 : memref<!tpu.dma_semaphore, #tpu.memory_space<semaphore_mem>>)
    %get3A_1672 = arith.constant 104 : index
    %get3A_1673 = memref.load %arg1[%get3A_1672] : memref<128xi32, #tpu.memory_space<smem>>
    %shift_right_arithmetic3A_1674 = arith.constant 7 : i32
    %shift_right_arithmetic3A_1675 = arith.shrsi %get3A_1673, %shift_right_arithmetic3A_1674 : i32
    %shift_left3A_1676 = arith.constant 7 : i32
    %shift_left3A_1677 = arith.shli %shift_right_arithmetic3A_1675, %shift_left3A_1676 : i32
    %multiple_of3A_1678 = tpu.assume_multiple %shift_left3A_1677, 128 : i32
    %dma_start3A_1679 = arith.constant 104 : i32
    %dma_start3A_1680 = arith.constant 104 : i32
    %dma_start3A_1681 = arith.constant 0 : i32
    %dma_start3A_1682 = tpu.memref_slice %arg5[%dma_start3A_1680, %dma_start3A_1681, %multiple_of3A_1678] : memref<128x64x8192xf32, #tpu.memory_space<hbm>> -> memref<1x64x128xf32, #tpu.memory_space<hbm>>
    %dma_start3A_1683 = tpu.memref_squeeze %dma_start3A_1682 : memref<1x64x128xf32, #tpu.memory_space<hbm>> -> memref<64x128xf32, #tpu.memory_space<hbm>>
    %dma_start3A_1684 = arith.constant 0 : i32
    %dma_start3A_1685 = arith.constant 0 : i32
    %dma_start3A_1686 = tpu.memref_slice %arg6[%dma_start3A_1679, %dma_start3A_1684, %dma_start3A_1685] : memref<128x64x128xf32, #tpu.memory_space<vmem>> -> memref<1x64x128xf32, #tpu.memory_space<vmem>>
    %dma_start3A_1687 = tpu.memref_squeeze %dma_start3A_1686 : memref<1x64x128xf32, #tpu.memory_space<vmem>> -> memref<64x128xf32, #tpu.memory_space<vmem>>
    tpu.enqueue_dma source(%dma_start3A_1687 : memref<64x128xf32, #tpu.memory_space<vmem>>) target(%dma_start3A_1683 : memref<64x128xf32, #tpu.memory_space<hbm>>) target_semaphore(%arg7 : memref<!tpu.dma_semaphore, #tpu.memory_space<semaphore_mem>>)
    %get3A_1688 = arith.constant 105 : index
    %get3A_1689 = memref.load %arg1[%get3A_1688] : memref<128xi32, #tpu.memory_space<smem>>
    %shift_right_arithmetic3A_1690 = arith.constant 7 : i32
    %shift_right_arithmetic3A_1691 = arith.shrsi %get3A_1689, %shift_right_arithmetic3A_1690 : i32
    %shift_left3A_1692 = arith.constant 7 : i32
    %shift_left3A_1693 = arith.shli %shift_right_arithmetic3A_1691, %shift_left3A_1692 : i32
    %multiple_of3A_1694 = tpu.assume_multiple %shift_left3A_1693, 128 : i32
    %dma_start3A_1695 = arith.constant 105 : i32
    %dma_start3A_1696 = arith.constant 105 : i32
    %dma_start3A_1697 = arith.constant 0 : i32
    %dma_start3A_1698 = tpu.memref_slice %arg5[%dma_start3A_1696, %dma_start3A_1697, %multiple_of3A_1694] : memref<128x64x8192xf32, #tpu.memory_space<hbm>> -> memref<1x64x128xf32, #tpu.memory_space<hbm>>
    %dma_start3A_1699 = tpu.memref_squeeze %dma_start3A_1698 : memref<1x64x128xf32, #tpu.memory_space<hbm>> -> memref<64x128xf32, #tpu.memory_space<hbm>>
    %dma_start3A_1700 = arith.constant 0 : i32
    %dma_start3A_1701 = arith.constant 0 : i32
    %dma_start3A_1702 = tpu.memref_slice %arg6[%dma_start3A_1695, %dma_start3A_1700, %dma_start3A_1701] : memref<128x64x128xf32, #tpu.memory_space<vmem>> -> memref<1x64x128xf32, #tpu.memory_space<vmem>>
    %dma_start3A_1703 = tpu.memref_squeeze %dma_start3A_1702 : memref<1x64x128xf32, #tpu.memory_space<vmem>> -> memref<64x128xf32, #tpu.memory_space<vmem>>
    tpu.enqueue_dma source(%dma_start3A_1703 : memref<64x128xf32, #tpu.memory_space<vmem>>) target(%dma_start3A_1699 : memref<64x128xf32, #tpu.memory_space<hbm>>) target_semaphore(%arg7 : memref<!tpu.dma_semaphore, #tpu.memory_space<semaphore_mem>>)
    %get3A_1704 = arith.constant 106 : index
    %get3A_1705 = memref.load %arg1[%get3A_1704] : memref<128xi32, #tpu.memory_space<smem>>
    %shift_right_arithmetic3A_1706 = arith.constant 7 : i32
    %shift_right_arithmetic3A_1707 = arith.shrsi %get3A_1705, %shift_right_arithmetic3A_1706 : i32
    %shift_left3A_1708 = arith.constant 7 : i32
    %shift_left3A_1709 = arith.shli %shift_right_arithmetic3A_1707, %shift_left3A_1708 : i32
    %multiple_of3A_1710 = tpu.assume_multiple %shift_left3A_1709, 128 : i32
    %dma_start3A_1711 = arith.constant 106 : i32
    %dma_start3A_1712 = arith.constant 106 : i32
    %dma_start3A_1713 = arith.constant 0 : i32
    %dma_start3A_1714 = tpu.memref_slice %arg5[%dma_start3A_1712, %dma_start3A_1713, %multiple_of3A_1710] : memref<128x64x8192xf32, #tpu.memory_space<hbm>> -> memref<1x64x128xf32, #tpu.memory_space<hbm>>
    %dma_start3A_1715 = tpu.memref_squeeze %dma_start3A_1714 : memref<1x64x128xf32, #tpu.memory_space<hbm>> -> memref<64x128xf32, #tpu.memory_space<hbm>>
    %dma_start3A_1716 = arith.constant 0 : i32
    %dma_start3A_1717 = arith.constant 0 : i32
    %dma_start3A_1718 = tpu.memref_slice %arg6[%dma_start3A_1711, %dma_start3A_1716, %dma_start3A_1717] : memref<128x64x128xf32, #tpu.memory_space<vmem>> -> memref<1x64x128xf32, #tpu.memory_space<vmem>>
    %dma_start3A_1719 = tpu.memref_squeeze %dma_start3A_1718 : memref<1x64x128xf32, #tpu.memory_space<vmem>> -> memref<64x128xf32, #tpu.memory_space<vmem>>
    tpu.enqueue_dma source(%dma_start3A_1719 : memref<64x128xf32, #tpu.memory_space<vmem>>) target(%dma_start3A_1715 : memref<64x128xf32, #tpu.memory_space<hbm>>) target_semaphore(%arg7 : memref<!tpu.dma_semaphore, #tpu.memory_space<semaphore_mem>>)
    %get3A_1720 = arith.constant 107 : index
    %get3A_1721 = memref.load %arg1[%get3A_1720] : memref<128xi32, #tpu.memory_space<smem>>
    %shift_right_arithmetic3A_1722 = arith.constant 7 : i32
    %shift_right_arithmetic3A_1723 = arith.shrsi %get3A_1721, %shift_right_arithmetic3A_1722 : i32
    %shift_left3A_1724 = arith.constant 7 : i32
    %shift_left3A_1725 = arith.shli %shift_right_arithmetic3A_1723, %shift_left3A_1724 : i32
    %multiple_of3A_1726 = tpu.assume_multiple %shift_left3A_1725, 128 : i32
    %dma_start3A_1727 = arith.constant 107 : i32
    %dma_start3A_1728 = arith.constant 107 : i32
    %dma_start3A_1729 = arith.constant 0 : i32
    %dma_start3A_1730 = tpu.memref_slice %arg5[%dma_start3A_1728, %dma_start3A_1729, %multiple_of3A_1726] : memref<128x64x8192xf32, #tpu.memory_space<hbm>> -> memref<1x64x128xf32, #tpu.memory_space<hbm>>
    %dma_start3A_1731 = tpu.memref_squeeze %dma_start3A_1730 : memref<1x64x128xf32, #tpu.memory_space<hbm>> -> memref<64x128xf32, #tpu.memory_space<hbm>>
    %dma_start3A_1732 = arith.constant 0 : i32
    %dma_start3A_1733 = arith.constant 0 : i32
    %dma_start3A_1734 = tpu.memref_slice %arg6[%dma_start3A_1727, %dma_start3A_1732, %dma_start3A_1733] : memref<128x64x128xf32, #tpu.memory_space<vmem>> -> memref<1x64x128xf32, #tpu.memory_space<vmem>>
    %dma_start3A_1735 = tpu.memref_squeeze %dma_start3A_1734 : memref<1x64x128xf32, #tpu.memory_space<vmem>> -> memref<64x128xf32, #tpu.memory_space<vmem>>
    tpu.enqueue_dma source(%dma_start3A_1735 : memref<64x128xf32, #tpu.memory_space<vmem>>) target(%dma_start3A_1731 : memref<64x128xf32, #tpu.memory_space<hbm>>) target_semaphore(%arg7 : memref<!tpu.dma_semaphore, #tpu.memory_space<semaphore_mem>>)
    %get3A_1736 = arith.constant 108 : index
    %get3A_1737 = memref.load %arg1[%get3A_1736] : memref<128xi32, #tpu.memory_space<smem>>
    %shift_right_arithmetic3A_1738 = arith.constant 7 : i32
    %shift_right_arithmetic3A_1739 = arith.shrsi %get3A_1737, %shift_right_arithmetic3A_1738 : i32
    %shift_left3A_1740 = arith.constant 7 : i32
    %shift_left3A_1741 = arith.shli %shift_right_arithmetic3A_1739, %shift_left3A_1740 : i32
    %multiple_of3A_1742 = tpu.assume_multiple %shift_left3A_1741, 128 : i32
    %dma_start3A_1743 = arith.constant 108 : i32
    %dma_start3A_1744 = arith.constant 108 : i32
    %dma_start3A_1745 = arith.constant 0 : i32
    %dma_start3A_1746 = tpu.memref_slice %arg5[%dma_start3A_1744, %dma_start3A_1745, %multiple_of3A_1742] : memref<128x64x8192xf32, #tpu.memory_space<hbm>> -> memref<1x64x128xf32, #tpu.memory_space<hbm>>
    %dma_start3A_1747 = tpu.memref_squeeze %dma_start3A_1746 : memref<1x64x128xf32, #tpu.memory_space<hbm>> -> memref<64x128xf32, #tpu.memory_space<hbm>>
    %dma_start3A_1748 = arith.constant 0 : i32
    %dma_start3A_1749 = arith.constant 0 : i32
    %dma_start3A_1750 = tpu.memref_slice %arg6[%dma_start3A_1743, %dma_start3A_1748, %dma_start3A_1749] : memref<128x64x128xf32, #tpu.memory_space<vmem>> -> memref<1x64x128xf32, #tpu.memory_space<vmem>>
    %dma_start3A_1751 = tpu.memref_squeeze %dma_start3A_1750 : memref<1x64x128xf32, #tpu.memory_space<vmem>> -> memref<64x128xf32, #tpu.memory_space<vmem>>
    tpu.enqueue_dma source(%dma_start3A_1751 : memref<64x128xf32, #tpu.memory_space<vmem>>) target(%dma_start3A_1747 : memref<64x128xf32, #tpu.memory_space<hbm>>) target_semaphore(%arg7 : memref<!tpu.dma_semaphore, #tpu.memory_space<semaphore_mem>>)
    %get3A_1752 = arith.constant 109 : index
    %get3A_1753 = memref.load %arg1[%get3A_1752] : memref<128xi32, #tpu.memory_space<smem>>
    %shift_right_arithmetic3A_1754 = arith.constant 7 : i32
    %shift_right_arithmetic3A_1755 = arith.shrsi %get3A_1753, %shift_right_arithmetic3A_1754 : i32
    %shift_left3A_1756 = arith.constant 7 : i32
    %shift_left3A_1757 = arith.shli %shift_right_arithmetic3A_1755, %shift_left3A_1756 : i32
    %multiple_of3A_1758 = tpu.assume_multiple %shift_left3A_1757, 128 : i32
    %dma_start3A_1759 = arith.constant 109 : i32
    %dma_start3A_1760 = arith.constant 109 : i32
    %dma_start3A_1761 = arith.constant 0 : i32
    %dma_start3A_1762 = tpu.memref_slice %arg5[%dma_start3A_1760, %dma_start3A_1761, %multiple_of3A_1758] : memref<128x64x8192xf32, #tpu.memory_space<hbm>> -> memref<1x64x128xf32, #tpu.memory_space<hbm>>
    %dma_start3A_1763 = tpu.memref_squeeze %dma_start3A_1762 : memref<1x64x128xf32, #tpu.memory_space<hbm>> -> memref<64x128xf32, #tpu.memory_space<hbm>>
    %dma_start3A_1764 = arith.constant 0 : i32
    %dma_start3A_1765 = arith.constant 0 : i32
    %dma_start3A_1766 = tpu.memref_slice %arg6[%dma_start3A_1759, %dma_start3A_1764, %dma_start3A_1765] : memref<128x64x128xf32, #tpu.memory_space<vmem>> -> memref<1x64x128xf32, #tpu.memory_space<vmem>>
    %dma_start3A_1767 = tpu.memref_squeeze %dma_start3A_1766 : memref<1x64x128xf32, #tpu.memory_space<vmem>> -> memref<64x128xf32, #tpu.memory_space<vmem>>
    tpu.enqueue_dma source(%dma_start3A_1767 : memref<64x128xf32, #tpu.memory_space<vmem>>) target(%dma_start3A_1763 : memref<64x128xf32, #tpu.memory_space<hbm>>) target_semaphore(%arg7 : memref<!tpu.dma_semaphore, #tpu.memory_space<semaphore_mem>>)
    %get3A_1768 = arith.constant 110 : index
    %get3A_1769 = memref.load %arg1[%get3A_1768] : memref<128xi32, #tpu.memory_space<smem>>
    %shift_right_arithmetic3A_1770 = arith.constant 7 : i32
    %shift_right_arithmetic3A_1771 = arith.shrsi %get3A_1769, %shift_right_arithmetic3A_1770 : i32
    %shift_left3A_1772 = arith.constant 7 : i32
    %shift_left3A_1773 = arith.shli %shift_right_arithmetic3A_1771, %shift_left3A_1772 : i32
    %multiple_of3A_1774 = tpu.assume_multiple %shift_left3A_1773, 128 : i32
    %dma_start3A_1775 = arith.constant 110 : i32
    %dma_start3A_1776 = arith.constant 110 : i32
    %dma_start3A_1777 = arith.constant 0 : i32
    %dma_start3A_1778 = tpu.memref_slice %arg5[%dma_start3A_1776, %dma_start3A_1777, %multiple_of3A_1774] : memref<128x64x8192xf32, #tpu.memory_space<hbm>> -> memref<1x64x128xf32, #tpu.memory_space<hbm>>
    %dma_start3A_1779 = tpu.memref_squeeze %dma_start3A_1778 : memref<1x64x128xf32, #tpu.memory_space<hbm>> -> memref<64x128xf32, #tpu.memory_space<hbm>>
    %dma_start3A_1780 = arith.constant 0 : i32
    %dma_start3A_1781 = arith.constant 0 : i32
    %dma_start3A_1782 = tpu.memref_slice %arg6[%dma_start3A_1775, %dma_start3A_1780, %dma_start3A_1781] : memref<128x64x128xf32, #tpu.memory_space<vmem>> -> memref<1x64x128xf32, #tpu.memory_space<vmem>>
    %dma_start3A_1783 = tpu.memref_squeeze %dma_start3A_1782 : memref<1x64x128xf32, #tpu.memory_space<vmem>> -> memref<64x128xf32, #tpu.memory_space<vmem>>
    tpu.enqueue_dma source(%dma_start3A_1783 : memref<64x128xf32, #tpu.memory_space<vmem>>) target(%dma_start3A_1779 : memref<64x128xf32, #tpu.memory_space<hbm>>) target_semaphore(%arg7 : memref<!tpu.dma_semaphore, #tpu.memory_space<semaphore_mem>>)
    %get3A_1784 = arith.constant 111 : index
    %get3A_1785 = memref.load %arg1[%get3A_1784] : memref<128xi32, #tpu.memory_space<smem>>
    %shift_right_arithmetic3A_1786 = arith.constant 7 : i32
    %shift_right_arithmetic3A_1787 = arith.shrsi %get3A_1785, %shift_right_arithmetic3A_1786 : i32
    %shift_left3A_1788 = arith.constant 7 : i32
    %shift_left3A_1789 = arith.shli %shift_right_arithmetic3A_1787, %shift_left3A_1788 : i32
    %multiple_of3A_1790 = tpu.assume_multiple %shift_left3A_1789, 128 : i32
    %dma_start3A_1791 = arith.constant 111 : i32
    %dma_start3A_1792 = arith.constant 111 : i32
    %dma_start3A_1793 = arith.constant 0 : i32
    %dma_start3A_1794 = tpu.memref_slice %arg5[%dma_start3A_1792, %dma_start3A_1793, %multiple_of3A_1790] : memref<128x64x8192xf32, #tpu.memory_space<hbm>> -> memref<1x64x128xf32, #tpu.memory_space<hbm>>
    %dma_start3A_1795 = tpu.memref_squeeze %dma_start3A_1794 : memref<1x64x128xf32, #tpu.memory_space<hbm>> -> memref<64x128xf32, #tpu.memory_space<hbm>>
    %dma_start3A_1796 = arith.constant 0 : i32
    %dma_start3A_1797 = arith.constant 0 : i32
    %dma_start3A_1798 = tpu.memref_slice %arg6[%dma_start3A_1791, %dma_start3A_1796, %dma_start3A_1797] : memref<128x64x128xf32, #tpu.memory_space<vmem>> -> memref<1x64x128xf32, #tpu.memory_space<vmem>>
    %dma_start3A_1799 = tpu.memref_squeeze %dma_start3A_1798 : memref<1x64x128xf32, #tpu.memory_space<vmem>> -> memref<64x128xf32, #tpu.memory_space<vmem>>
    tpu.enqueue_dma source(%dma_start3A_1799 : memref<64x128xf32, #tpu.memory_space<vmem>>) target(%dma_start3A_1795 : memref<64x128xf32, #tpu.memory_space<hbm>>) target_semaphore(%arg7 : memref<!tpu.dma_semaphore, #tpu.memory_space<semaphore_mem>>)
    %get3A_1800 = arith.constant 112 : index
    %get3A_1801 = memref.load %arg1[%get3A_1800] : memref<128xi32, #tpu.memory_space<smem>>
    %shift_right_arithmetic3A_1802 = arith.constant 7 : i32
    %shift_right_arithmetic3A_1803 = arith.shrsi %get3A_1801, %shift_right_arithmetic3A_1802 : i32
    %shift_left3A_1804 = arith.constant 7 : i32
    %shift_left3A_1805 = arith.shli %shift_right_arithmetic3A_1803, %shift_left3A_1804 : i32
    %multiple_of3A_1806 = tpu.assume_multiple %shift_left3A_1805, 128 : i32
    %dma_start3A_1807 = arith.constant 112 : i32
    %dma_start3A_1808 = arith.constant 112 : i32
    %dma_start3A_1809 = arith.constant 0 : i32
    %dma_start3A_1810 = tpu.memref_slice %arg5[%dma_start3A_1808, %dma_start3A_1809, %multiple_of3A_1806] : memref<128x64x8192xf32, #tpu.memory_space<hbm>> -> memref<1x64x128xf32, #tpu.memory_space<hbm>>
    %dma_start3A_1811 = tpu.memref_squeeze %dma_start3A_1810 : memref<1x64x128xf32, #tpu.memory_space<hbm>> -> memref<64x128xf32, #tpu.memory_space<hbm>>
    %dma_start3A_1812 = arith.constant 0 : i32
    %dma_start3A_1813 = arith.constant 0 : i32
    %dma_start3A_1814 = tpu.memref_slice %arg6[%dma_start3A_1807, %dma_start3A_1812, %dma_start3A_1813] : memref<128x64x128xf32, #tpu.memory_space<vmem>> -> memref<1x64x128xf32, #tpu.memory_space<vmem>>
    %dma_start3A_1815 = tpu.memref_squeeze %dma_start3A_1814 : memref<1x64x128xf32, #tpu.memory_space<vmem>> -> memref<64x128xf32, #tpu.memory_space<vmem>>
    tpu.enqueue_dma source(%dma_start3A_1815 : memref<64x128xf32, #tpu.memory_space<vmem>>) target(%dma_start3A_1811 : memref<64x128xf32, #tpu.memory_space<hbm>>) target_semaphore(%arg7 : memref<!tpu.dma_semaphore, #tpu.memory_space<semaphore_mem>>)
    %get3A_1816 = arith.constant 113 : index
    %get3A_1817 = memref.load %arg1[%get3A_1816] : memref<128xi32, #tpu.memory_space<smem>>
    %shift_right_arithmetic3A_1818 = arith.constant 7 : i32
    %shift_right_arithmetic3A_1819 = arith.shrsi %get3A_1817, %shift_right_arithmetic3A_1818 : i32
    %shift_left3A_1820 = arith.constant 7 : i32
    %shift_left3A_1821 = arith.shli %shift_right_arithmetic3A_1819, %shift_left3A_1820 : i32
    %multiple_of3A_1822 = tpu.assume_multiple %shift_left3A_1821, 128 : i32
    %dma_start3A_1823 = arith.constant 113 : i32
    %dma_start3A_1824 = arith.constant 113 : i32
    %dma_start3A_1825 = arith.constant 0 : i32
    %dma_start3A_1826 = tpu.memref_slice %arg5[%dma_start3A_1824, %dma_start3A_1825, %multiple_of3A_1822] : memref<128x64x8192xf32, #tpu.memory_space<hbm>> -> memref<1x64x128xf32, #tpu.memory_space<hbm>>
    %dma_start3A_1827 = tpu.memref_squeeze %dma_start3A_1826 : memref<1x64x128xf32, #tpu.memory_space<hbm>> -> memref<64x128xf32, #tpu.memory_space<hbm>>
    %dma_start3A_1828 = arith.constant 0 : i32
    %dma_start3A_1829 = arith.constant 0 : i32
    %dma_start3A_1830 = tpu.memref_slice %arg6[%dma_start3A_1823, %dma_start3A_1828, %dma_start3A_1829] : memref<128x64x128xf32, #tpu.memory_space<vmem>> -> memref<1x64x128xf32, #tpu.memory_space<vmem>>
    %dma_start3A_1831 = tpu.memref_squeeze %dma_start3A_1830 : memref<1x64x128xf32, #tpu.memory_space<vmem>> -> memref<64x128xf32, #tpu.memory_space<vmem>>
    tpu.enqueue_dma source(%dma_start3A_1831 : memref<64x128xf32, #tpu.memory_space<vmem>>) target(%dma_start3A_1827 : memref<64x128xf32, #tpu.memory_space<hbm>>) target_semaphore(%arg7 : memref<!tpu.dma_semaphore, #tpu.memory_space<semaphore_mem>>)
    %get3A_1832 = arith.constant 114 : index
    %get3A_1833 = memref.load %arg1[%get3A_1832] : memref<128xi32, #tpu.memory_space<smem>>
    %shift_right_arithmetic3A_1834 = arith.constant 7 : i32
    %shift_right_arithmetic3A_1835 = arith.shrsi %get3A_1833, %shift_right_arithmetic3A_1834 : i32
    %shift_left3A_1836 = arith.constant 7 : i32
    %shift_left3A_1837 = arith.shli %shift_right_arithmetic3A_1835, %shift_left3A_1836 : i32
    %multiple_of3A_1838 = tpu.assume_multiple %shift_left3A_1837, 128 : i32
    %dma_start3A_1839 = arith.constant 114 : i32
    %dma_start3A_1840 = arith.constant 114 : i32
    %dma_start3A_1841 = arith.constant 0 : i32
    %dma_start3A_1842 = tpu.memref_slice %arg5[%dma_start3A_1840, %dma_start3A_1841, %multiple_of3A_1838] : memref<128x64x8192xf32, #tpu.memory_space<hbm>> -> memref<1x64x128xf32, #tpu.memory_space<hbm>>
    %dma_start3A_1843 = tpu.memref_squeeze %dma_start3A_1842 : memref<1x64x128xf32, #tpu.memory_space<hbm>> -> memref<64x128xf32, #tpu.memory_space<hbm>>
    %dma_start3A_1844 = arith.constant 0 : i32
    %dma_start3A_1845 = arith.constant 0 : i32
    %dma_start3A_1846 = tpu.memref_slice %arg6[%dma_start3A_1839, %dma_start3A_1844, %dma_start3A_1845] : memref<128x64x128xf32, #tpu.memory_space<vmem>> -> memref<1x64x128xf32, #tpu.memory_space<vmem>>
    %dma_start3A_1847 = tpu.memref_squeeze %dma_start3A_1846 : memref<1x64x128xf32, #tpu.memory_space<vmem>> -> memref<64x128xf32, #tpu.memory_space<vmem>>
    tpu.enqueue_dma source(%dma_start3A_1847 : memref<64x128xf32, #tpu.memory_space<vmem>>) target(%dma_start3A_1843 : memref<64x128xf32, #tpu.memory_space<hbm>>) target_semaphore(%arg7 : memref<!tpu.dma_semaphore, #tpu.memory_space<semaphore_mem>>)
    %get3A_1848 = arith.constant 115 : index
    %get3A_1849 = memref.load %arg1[%get3A_1848] : memref<128xi32, #tpu.memory_space<smem>>
    %shift_right_arithmetic3A_1850 = arith.constant 7 : i32
    %shift_right_arithmetic3A_1851 = arith.shrsi %get3A_1849, %shift_right_arithmetic3A_1850 : i32
    %shift_left3A_1852 = arith.constant 7 : i32
    %shift_left3A_1853 = arith.shli %shift_right_arithmetic3A_1851, %shift_left3A_1852 : i32
    %multiple_of3A_1854 = tpu.assume_multiple %shift_left3A_1853, 128 : i32
    %dma_start3A_1855 = arith.constant 115 : i32
    %dma_start3A_1856 = arith.constant 115 : i32
    %dma_start3A_1857 = arith.constant 0 : i32
    %dma_start3A_1858 = tpu.memref_slice %arg5[%dma_start3A_1856, %dma_start3A_1857, %multiple_of3A_1854] : memref<128x64x8192xf32, #tpu.memory_space<hbm>> -> memref<1x64x128xf32, #tpu.memory_space<hbm>>
    %dma_start3A_1859 = tpu.memref_squeeze %dma_start3A_1858 : memref<1x64x128xf32, #tpu.memory_space<hbm>> -> memref<64x128xf32, #tpu.memory_space<hbm>>
    %dma_start3A_1860 = arith.constant 0 : i32
    %dma_start3A_1861 = arith.constant 0 : i32
    %dma_start3A_1862 = tpu.memref_slice %arg6[%dma_start3A_1855, %dma_start3A_1860, %dma_start3A_1861] : memref<128x64x128xf32, #tpu.memory_space<vmem>> -> memref<1x64x128xf32, #tpu.memory_space<vmem>>
    %dma_start3A_1863 = tpu.memref_squeeze %dma_start3A_1862 : memref<1x64x128xf32, #tpu.memory_space<vmem>> -> memref<64x128xf32, #tpu.memory_space<vmem>>
    tpu.enqueue_dma source(%dma_start3A_1863 : memref<64x128xf32, #tpu.memory_space<vmem>>) target(%dma_start3A_1859 : memref<64x128xf32, #tpu.memory_space<hbm>>) target_semaphore(%arg7 : memref<!tpu.dma_semaphore, #tpu.memory_space<semaphore_mem>>)
    %get3A_1864 = arith.constant 116 : index
    %get3A_1865 = memref.load %arg1[%get3A_1864] : memref<128xi32, #tpu.memory_space<smem>>
    %shift_right_arithmetic3A_1866 = arith.constant 7 : i32
    %shift_right_arithmetic3A_1867 = arith.shrsi %get3A_1865, %shift_right_arithmetic3A_1866 : i32
    %shift_left3A_1868 = arith.constant 7 : i32
    %shift_left3A_1869 = arith.shli %shift_right_arithmetic3A_1867, %shift_left3A_1868 : i32
    %multiple_of3A_1870 = tpu.assume_multiple %shift_left3A_1869, 128 : i32
    %dma_start3A_1871 = arith.constant 116 : i32
    %dma_start3A_1872 = arith.constant 116 : i32
    %dma_start3A_1873 = arith.constant 0 : i32
    %dma_start3A_1874 = tpu.memref_slice %arg5[%dma_start3A_1872, %dma_start3A_1873, %multiple_of3A_1870] : memref<128x64x8192xf32, #tpu.memory_space<hbm>> -> memref<1x64x128xf32, #tpu.memory_space<hbm>>
    %dma_start3A_1875 = tpu.memref_squeeze %dma_start3A_1874 : memref<1x64x128xf32, #tpu.memory_space<hbm>> -> memref<64x128xf32, #tpu.memory_space<hbm>>
    %dma_start3A_1876 = arith.constant 0 : i32
    %dma_start3A_1877 = arith.constant 0 : i32
    %dma_start3A_1878 = tpu.memref_slice %arg6[%dma_start3A_1871, %dma_start3A_1876, %dma_start3A_1877] : memref<128x64x128xf32, #tpu.memory_space<vmem>> -> memref<1x64x128xf32, #tpu.memory_space<vmem>>
    %dma_start3A_1879 = tpu.memref_squeeze %dma_start3A_1878 : memref<1x64x128xf32, #tpu.memory_space<vmem>> -> memref<64x128xf32, #tpu.memory_space<vmem>>
    tpu.enqueue_dma source(%dma_start3A_1879 : memref<64x128xf32, #tpu.memory_space<vmem>>) target(%dma_start3A_1875 : memref<64x128xf32, #tpu.memory_space<hbm>>) target_semaphore(%arg7 : memref<!tpu.dma_semaphore, #tpu.memory_space<semaphore_mem>>)
    %get3A_1880 = arith.constant 117 : index
    %get3A_1881 = memref.load %arg1[%get3A_1880] : memref<128xi32, #tpu.memory_space<smem>>
    %shift_right_arithmetic3A_1882 = arith.constant 7 : i32
    %shift_right_arithmetic3A_1883 = arith.shrsi %get3A_1881, %shift_right_arithmetic3A_1882 : i32
    %shift_left3A_1884 = arith.constant 7 : i32
    %shift_left3A_1885 = arith.shli %shift_right_arithmetic3A_1883, %shift_left3A_1884 : i32
    %multiple_of3A_1886 = tpu.assume_multiple %shift_left3A_1885, 128 : i32
    %dma_start3A_1887 = arith.constant 117 : i32
    %dma_start3A_1888 = arith.constant 117 : i32
    %dma_start3A_1889 = arith.constant 0 : i32
    %dma_start3A_1890 = tpu.memref_slice %arg5[%dma_start3A_1888, %dma_start3A_1889, %multiple_of3A_1886] : memref<128x64x8192xf32, #tpu.memory_space<hbm>> -> memref<1x64x128xf32, #tpu.memory_space<hbm>>
    %dma_start3A_1891 = tpu.memref_squeeze %dma_start3A_1890 : memref<1x64x128xf32, #tpu.memory_space<hbm>> -> memref<64x128xf32, #tpu.memory_space<hbm>>
    %dma_start3A_1892 = arith.constant 0 : i32
    %dma_start3A_1893 = arith.constant 0 : i32
    %dma_start3A_1894 = tpu.memref_slice %arg6[%dma_start3A_1887, %dma_start3A_1892, %dma_start3A_1893] : memref<128x64x128xf32, #tpu.memory_space<vmem>> -> memref<1x64x128xf32, #tpu.memory_space<vmem>>
    %dma_start3A_1895 = tpu.memref_squeeze %dma_start3A_1894 : memref<1x64x128xf32, #tpu.memory_space<vmem>> -> memref<64x128xf32, #tpu.memory_space<vmem>>
    tpu.enqueue_dma source(%dma_start3A_1895 : memref<64x128xf32, #tpu.memory_space<vmem>>) target(%dma_start3A_1891 : memref<64x128xf32, #tpu.memory_space<hbm>>) target_semaphore(%arg7 : memref<!tpu.dma_semaphore, #tpu.memory_space<semaphore_mem>>)
    %get3A_1896 = arith.constant 118 : index
    %get3A_1897 = memref.load %arg1[%get3A_1896] : memref<128xi32, #tpu.memory_space<smem>>
    %shift_right_arithmetic3A_1898 = arith.constant 7 : i32
    %shift_right_arithmetic3A_1899 = arith.shrsi %get3A_1897, %shift_right_arithmetic3A_1898 : i32
    %shift_left3A_1900 = arith.constant 7 : i32
    %shift_left3A_1901 = arith.shli %shift_right_arithmetic3A_1899, %shift_left3A_1900 : i32
    %multiple_of3A_1902 = tpu.assume_multiple %shift_left3A_1901, 128 : i32
    %dma_start3A_1903 = arith.constant 118 : i32
    %dma_start3A_1904 = arith.constant 118 : i32
    %dma_start3A_1905 = arith.constant 0 : i32
    %dma_start3A_1906 = tpu.memref_slice %arg5[%dma_start3A_1904, %dma_start3A_1905, %multiple_of3A_1902] : memref<128x64x8192xf32, #tpu.memory_space<hbm>> -> memref<1x64x128xf32, #tpu.memory_space<hbm>>
    %dma_start3A_1907 = tpu.memref_squeeze %dma_start3A_1906 : memref<1x64x128xf32, #tpu.memory_space<hbm>> -> memref<64x128xf32, #tpu.memory_space<hbm>>
    %dma_start3A_1908 = arith.constant 0 : i32
    %dma_start3A_1909 = arith.constant 0 : i32
    %dma_start3A_1910 = tpu.memref_slice %arg6[%dma_start3A_1903, %dma_start3A_1908, %dma_start3A_1909] : memref<128x64x128xf32, #tpu.memory_space<vmem>> -> memref<1x64x128xf32, #tpu.memory_space<vmem>>
    %dma_start3A_1911 = tpu.memref_squeeze %dma_start3A_1910 : memref<1x64x128xf32, #tpu.memory_space<vmem>> -> memref<64x128xf32, #tpu.memory_space<vmem>>
    tpu.enqueue_dma source(%dma_start3A_1911 : memref<64x128xf32, #tpu.memory_space<vmem>>) target(%dma_start3A_1907 : memref<64x128xf32, #tpu.memory_space<hbm>>) target_semaphore(%arg7 : memref<!tpu.dma_semaphore, #tpu.memory_space<semaphore_mem>>)
    %get3A_1912 = arith.constant 119 : index
    %get3A_1913 = memref.load %arg1[%get3A_1912] : memref<128xi32, #tpu.memory_space<smem>>
    %shift_right_arithmetic3A_1914 = arith.constant 7 : i32
    %shift_right_arithmetic3A_1915 = arith.shrsi %get3A_1913, %shift_right_arithmetic3A_1914 : i32
    %shift_left3A_1916 = arith.constant 7 : i32
    %shift_left3A_1917 = arith.shli %shift_right_arithmetic3A_1915, %shift_left3A_1916 : i32
    %multiple_of3A_1918 = tpu.assume_multiple %shift_left3A_1917, 128 : i32
    %dma_start3A_1919 = arith.constant 119 : i32
    %dma_start3A_1920 = arith.constant 119 : i32
    %dma_start3A_1921 = arith.constant 0 : i32
    %dma_start3A_1922 = tpu.memref_slice %arg5[%dma_start3A_1920, %dma_start3A_1921, %multiple_of3A_1918] : memref<128x64x8192xf32, #tpu.memory_space<hbm>> -> memref<1x64x128xf32, #tpu.memory_space<hbm>>
    %dma_start3A_1923 = tpu.memref_squeeze %dma_start3A_1922 : memref<1x64x128xf32, #tpu.memory_space<hbm>> -> memref<64x128xf32, #tpu.memory_space<hbm>>
    %dma_start3A_1924 = arith.constant 0 : i32
    %dma_start3A_1925 = arith.constant 0 : i32
    %dma_start3A_1926 = tpu.memref_slice %arg6[%dma_start3A_1919, %dma_start3A_1924, %dma_start3A_1925] : memref<128x64x128xf32, #tpu.memory_space<vmem>> -> memref<1x64x128xf32, #tpu.memory_space<vmem>>
    %dma_start3A_1927 = tpu.memref_squeeze %dma_start3A_1926 : memref<1x64x128xf32, #tpu.memory_space<vmem>> -> memref<64x128xf32, #tpu.memory_space<vmem>>
    tpu.enqueue_dma source(%dma_start3A_1927 : memref<64x128xf32, #tpu.memory_space<vmem>>) target(%dma_start3A_1923 : memref<64x128xf32, #tpu.memory_space<hbm>>) target_semaphore(%arg7 : memref<!tpu.dma_semaphore, #tpu.memory_space<semaphore_mem>>)
    %get3A_1928 = arith.constant 120 : index
    %get3A_1929 = memref.load %arg1[%get3A_1928] : memref<128xi32, #tpu.memory_space<smem>>
    %shift_right_arithmetic3A_1930 = arith.constant 7 : i32
    %shift_right_arithmetic3A_1931 = arith.shrsi %get3A_1929, %shift_right_arithmetic3A_1930 : i32
    %shift_left3A_1932 = arith.constant 7 : i32
    %shift_left3A_1933 = arith.shli %shift_right_arithmetic3A_1931, %shift_left3A_1932 : i32
    %multiple_of3A_1934 = tpu.assume_multiple %shift_left3A_1933, 128 : i32
    %dma_start3A_1935 = arith.constant 120 : i32
    %dma_start3A_1936 = arith.constant 120 : i32
    %dma_start3A_1937 = arith.constant 0 : i32
    %dma_start3A_1938 = tpu.memref_slice %arg5[%dma_start3A_1936, %dma_start3A_1937, %multiple_of3A_1934] : memref<128x64x8192xf32, #tpu.memory_space<hbm>> -> memref<1x64x128xf32, #tpu.memory_space<hbm>>
    %dma_start3A_1939 = tpu.memref_squeeze %dma_start3A_1938 : memref<1x64x128xf32, #tpu.memory_space<hbm>> -> memref<64x128xf32, #tpu.memory_space<hbm>>
    %dma_start3A_1940 = arith.constant 0 : i32
    %dma_start3A_1941 = arith.constant 0 : i32
    %dma_start3A_1942 = tpu.memref_slice %arg6[%dma_start3A_1935, %dma_start3A_1940, %dma_start3A_1941] : memref<128x64x128xf32, #tpu.memory_space<vmem>> -> memref<1x64x128xf32, #tpu.memory_space<vmem>>
    %dma_start3A_1943 = tpu.memref_squeeze %dma_start3A_1942 : memref<1x64x128xf32, #tpu.memory_space<vmem>> -> memref<64x128xf32, #tpu.memory_space<vmem>>
    tpu.enqueue_dma source(%dma_start3A_1943 : memref<64x128xf32, #tpu.memory_space<vmem>>) target(%dma_start3A_1939 : memref<64x128xf32, #tpu.memory_space<hbm>>) target_semaphore(%arg7 : memref<!tpu.dma_semaphore, #tpu.memory_space<semaphore_mem>>)
    %get3A_1944 = arith.constant 121 : index
    %get3A_1945 = memref.load %arg1[%get3A_1944] : memref<128xi32, #tpu.memory_space<smem>>
    %shift_right_arithmetic3A_1946 = arith.constant 7 : i32
    %shift_right_arithmetic3A_1947 = arith.shrsi %get3A_1945, %shift_right_arithmetic3A_1946 : i32
    %shift_left3A_1948 = arith.constant 7 : i32
    %shift_left3A_1949 = arith.shli %shift_right_arithmetic3A_1947, %shift_left3A_1948 : i32
    %multiple_of3A_1950 = tpu.assume_multiple %shift_left3A_1949, 128 : i32
    %dma_start3A_1951 = arith.constant 121 : i32
    %dma_start3A_1952 = arith.constant 121 : i32
    %dma_start3A_1953 = arith.constant 0 : i32
    %dma_start3A_1954 = tpu.memref_slice %arg5[%dma_start3A_1952, %dma_start3A_1953, %multiple_of3A_1950] : memref<128x64x8192xf32, #tpu.memory_space<hbm>> -> memref<1x64x128xf32, #tpu.memory_space<hbm>>
    %dma_start3A_1955 = tpu.memref_squeeze %dma_start3A_1954 : memref<1x64x128xf32, #tpu.memory_space<hbm>> -> memref<64x128xf32, #tpu.memory_space<hbm>>
    %dma_start3A_1956 = arith.constant 0 : i32
    %dma_start3A_1957 = arith.constant 0 : i32
    %dma_start3A_1958 = tpu.memref_slice %arg6[%dma_start3A_1951, %dma_start3A_1956, %dma_start3A_1957] : memref<128x64x128xf32, #tpu.memory_space<vmem>> -> memref<1x64x128xf32, #tpu.memory_space<vmem>>
    %dma_start3A_1959 = tpu.memref_squeeze %dma_start3A_1958 : memref<1x64x128xf32, #tpu.memory_space<vmem>> -> memref<64x128xf32, #tpu.memory_space<vmem>>
    tpu.enqueue_dma source(%dma_start3A_1959 : memref<64x128xf32, #tpu.memory_space<vmem>>) target(%dma_start3A_1955 : memref<64x128xf32, #tpu.memory_space<hbm>>) target_semaphore(%arg7 : memref<!tpu.dma_semaphore, #tpu.memory_space<semaphore_mem>>)
    %get3A_1960 = arith.constant 122 : index
    %get3A_1961 = memref.load %arg1[%get3A_1960] : memref<128xi32, #tpu.memory_space<smem>>
    %shift_right_arithmetic3A_1962 = arith.constant 7 : i32
    %shift_right_arithmetic3A_1963 = arith.shrsi %get3A_1961, %shift_right_arithmetic3A_1962 : i32
    %shift_left3A_1964 = arith.constant 7 : i32
    %shift_left3A_1965 = arith.shli %shift_right_arithmetic3A_1963, %shift_left3A_1964 : i32
    %multiple_of3A_1966 = tpu.assume_multiple %shift_left3A_1965, 128 : i32
    %dma_start3A_1967 = arith.constant 122 : i32
    %dma_start3A_1968 = arith.constant 122 : i32
    %dma_start3A_1969 = arith.constant 0 : i32
    %dma_start3A_1970 = tpu.memref_slice %arg5[%dma_start3A_1968, %dma_start3A_1969, %multiple_of3A_1966] : memref<128x64x8192xf32, #tpu.memory_space<hbm>> -> memref<1x64x128xf32, #tpu.memory_space<hbm>>
    %dma_start3A_1971 = tpu.memref_squeeze %dma_start3A_1970 : memref<1x64x128xf32, #tpu.memory_space<hbm>> -> memref<64x128xf32, #tpu.memory_space<hbm>>
    %dma_start3A_1972 = arith.constant 0 : i32
    %dma_start3A_1973 = arith.constant 0 : i32
    %dma_start3A_1974 = tpu.memref_slice %arg6[%dma_start3A_1967, %dma_start3A_1972, %dma_start3A_1973] : memref<128x64x128xf32, #tpu.memory_space<vmem>> -> memref<1x64x128xf32, #tpu.memory_space<vmem>>
    %dma_start3A_1975 = tpu.memref_squeeze %dma_start3A_1974 : memref<1x64x128xf32, #tpu.memory_space<vmem>> -> memref<64x128xf32, #tpu.memory_space<vmem>>
    tpu.enqueue_dma source(%dma_start3A_1975 : memref<64x128xf32, #tpu.memory_space<vmem>>) target(%dma_start3A_1971 : memref<64x128xf32, #tpu.memory_space<hbm>>) target_semaphore(%arg7 : memref<!tpu.dma_semaphore, #tpu.memory_space<semaphore_mem>>)
    %get3A_1976 = arith.constant 123 : index
    %get3A_1977 = memref.load %arg1[%get3A_1976] : memref<128xi32, #tpu.memory_space<smem>>
    %shift_right_arithmetic3A_1978 = arith.constant 7 : i32
    %shift_right_arithmetic3A_1979 = arith.shrsi %get3A_1977, %shift_right_arithmetic3A_1978 : i32
    %shift_left3A_1980 = arith.constant 7 : i32
    %shift_left3A_1981 = arith.shli %shift_right_arithmetic3A_1979, %shift_left3A_1980 : i32
    %multiple_of3A_1982 = tpu.assume_multiple %shift_left3A_1981, 128 : i32
    %dma_start3A_1983 = arith.constant 123 : i32
    %dma_start3A_1984 = arith.constant 123 : i32
    %dma_start3A_1985 = arith.constant 0 : i32
    %dma_start3A_1986 = tpu.memref_slice %arg5[%dma_start3A_1984, %dma_start3A_1985, %multiple_of3A_1982] : memref<128x64x8192xf32, #tpu.memory_space<hbm>> -> memref<1x64x128xf32, #tpu.memory_space<hbm>>
    %dma_start3A_1987 = tpu.memref_squeeze %dma_start3A_1986 : memref<1x64x128xf32, #tpu.memory_space<hbm>> -> memref<64x128xf32, #tpu.memory_space<hbm>>
    %dma_start3A_1988 = arith.constant 0 : i32
    %dma_start3A_1989 = arith.constant 0 : i32
    %dma_start3A_1990 = tpu.memref_slice %arg6[%dma_start3A_1983, %dma_start3A_1988, %dma_start3A_1989] : memref<128x64x128xf32, #tpu.memory_space<vmem>> -> memref<1x64x128xf32, #tpu.memory_space<vmem>>
    %dma_start3A_1991 = tpu.memref_squeeze %dma_start3A_1990 : memref<1x64x128xf32, #tpu.memory_space<vmem>> -> memref<64x128xf32, #tpu.memory_space<vmem>>
    tpu.enqueue_dma source(%dma_start3A_1991 : memref<64x128xf32, #tpu.memory_space<vmem>>) target(%dma_start3A_1987 : memref<64x128xf32, #tpu.memory_space<hbm>>) target_semaphore(%arg7 : memref<!tpu.dma_semaphore, #tpu.memory_space<semaphore_mem>>)
    %get3A_1992 = arith.constant 124 : index
    %get3A_1993 = memref.load %arg1[%get3A_1992] : memref<128xi32, #tpu.memory_space<smem>>
    %shift_right_arithmetic3A_1994 = arith.constant 7 : i32
    %shift_right_arithmetic3A_1995 = arith.shrsi %get3A_1993, %shift_right_arithmetic3A_1994 : i32
    %shift_left3A_1996 = arith.constant 7 : i32
    %shift_left3A_1997 = arith.shli %shift_right_arithmetic3A_1995, %shift_left3A_1996 : i32
    %multiple_of3A_1998 = tpu.assume_multiple %shift_left3A_1997, 128 : i32
    %dma_start3A_1999 = arith.constant 124 : i32
    %dma_start3A_2000 = arith.constant 124 : i32
    %dma_start3A_2001 = arith.constant 0 : i32
    %dma_start3A_2002 = tpu.memref_slice %arg5[%dma_start3A_2000, %dma_start3A_2001, %multiple_of3A_1998] : memref<128x64x8192xf32, #tpu.memory_space<hbm>> -> memref<1x64x128xf32, #tpu.memory_space<hbm>>
    %dma_start3A_2003 = tpu.memref_squeeze %dma_start3A_2002 : memref<1x64x128xf32, #tpu.memory_space<hbm>> -> memref<64x128xf32, #tpu.memory_space<hbm>>
    %dma_start3A_2004 = arith.constant 0 : i32
    %dma_start3A_2005 = arith.constant 0 : i32
    %dma_start3A_2006 = tpu.memref_slice %arg6[%dma_start3A_1999, %dma_start3A_2004, %dma_start3A_2005] : memref<128x64x128xf32, #tpu.memory_space<vmem>> -> memref<1x64x128xf32, #tpu.memory_space<vmem>>
    %dma_start3A_2007 = tpu.memref_squeeze %dma_start3A_2006 : memref<1x64x128xf32, #tpu.memory_space<vmem>> -> memref<64x128xf32, #tpu.memory_space<vmem>>
    tpu.enqueue_dma source(%dma_start3A_2007 : memref<64x128xf32, #tpu.memory_space<vmem>>) target(%dma_start3A_2003 : memref<64x128xf32, #tpu.memory_space<hbm>>) target_semaphore(%arg7 : memref<!tpu.dma_semaphore, #tpu.memory_space<semaphore_mem>>)
    %get3A_2008 = arith.constant 125 : index
    %get3A_2009 = memref.load %arg1[%get3A_2008] : memref<128xi32, #tpu.memory_space<smem>>
    %shift_right_arithmetic3A_2010 = arith.constant 7 : i32
    %shift_right_arithmetic3A_2011 = arith.shrsi %get3A_2009, %shift_right_arithmetic3A_2010 : i32
    %shift_left3A_2012 = arith.constant 7 : i32
    %shift_left3A_2013 = arith.shli %shift_right_arithmetic3A_2011, %shift_left3A_2012 : i32
    %multiple_of3A_2014 = tpu.assume_multiple %shift_left3A_2013, 128 : i32
    %dma_start3A_2015 = arith.constant 125 : i32
    %dma_start3A_2016 = arith.constant 125 : i32
    %dma_start3A_2017 = arith.constant 0 : i32
    %dma_start3A_2018 = tpu.memref_slice %arg5[%dma_start3A_2016, %dma_start3A_2017, %multiple_of3A_2014] : memref<128x64x8192xf32, #tpu.memory_space<hbm>> -> memref<1x64x128xf32, #tpu.memory_space<hbm>>
    %dma_start3A_2019 = tpu.memref_squeeze %dma_start3A_2018 : memref<1x64x128xf32, #tpu.memory_space<hbm>> -> memref<64x128xf32, #tpu.memory_space<hbm>>
    %dma_start3A_2020 = arith.constant 0 : i32
    %dma_start3A_2021 = arith.constant 0 : i32
    %dma_start3A_2022 = tpu.memref_slice %arg6[%dma_start3A_2015, %dma_start3A_2020, %dma_start3A_2021] : memref<128x64x128xf32, #tpu.memory_space<vmem>> -> memref<1x64x128xf32, #tpu.memory_space<vmem>>
    %dma_start3A_2023 = tpu.memref_squeeze %dma_start3A_2022 : memref<1x64x128xf32, #tpu.memory_space<vmem>> -> memref<64x128xf32, #tpu.memory_space<vmem>>
    tpu.enqueue_dma source(%dma_start3A_2023 : memref<64x128xf32, #tpu.memory_space<vmem>>) target(%dma_start3A_2019 : memref<64x128xf32, #tpu.memory_space<hbm>>) target_semaphore(%arg7 : memref<!tpu.dma_semaphore, #tpu.memory_space<semaphore_mem>>)
    %get3A_2024 = arith.constant 126 : index
    %get3A_2025 = memref.load %arg1[%get3A_2024] : memref<128xi32, #tpu.memory_space<smem>>
    %shift_right_arithmetic3A_2026 = arith.constant 7 : i32
    %shift_right_arithmetic3A_2027 = arith.shrsi %get3A_2025, %shift_right_arithmetic3A_2026 : i32
    %shift_left3A_2028 = arith.constant 7 : i32
    %shift_left3A_2029 = arith.shli %shift_right_arithmetic3A_2027, %shift_left3A_2028 : i32
    %multiple_of3A_2030 = tpu.assume_multiple %shift_left3A_2029, 128 : i32
    %dma_start3A_2031 = arith.constant 126 : i32
    %dma_start3A_2032 = arith.constant 126 : i32
    %dma_start3A_2033 = arith.constant 0 : i32
    %dma_start3A_2034 = tpu.memref_slice %arg5[%dma_start3A_2032, %dma_start3A_2033, %multiple_of3A_2030] : memref<128x64x8192xf32, #tpu.memory_space<hbm>> -> memref<1x64x128xf32, #tpu.memory_space<hbm>>
    %dma_start3A_2035 = tpu.memref_squeeze %dma_start3A_2034 : memref<1x64x128xf32, #tpu.memory_space<hbm>> -> memref<64x128xf32, #tpu.memory_space<hbm>>
    %dma_start3A_2036 = arith.constant 0 : i32
    %dma_start3A_2037 = arith.constant 0 : i32
    %dma_start3A_2038 = tpu.memref_slice %arg6[%dma_start3A_2031, %dma_start3A_2036, %dma_start3A_2037] : memref<128x64x128xf32, #tpu.memory_space<vmem>> -> memref<1x64x128xf32, #tpu.memory_space<vmem>>
    %dma_start3A_2039 = tpu.memref_squeeze %dma_start3A_2038 : memref<1x64x128xf32, #tpu.memory_space<vmem>> -> memref<64x128xf32, #tpu.memory_space<vmem>>
    tpu.enqueue_dma source(%dma_start3A_2039 : memref<64x128xf32, #tpu.memory_space<vmem>>) target(%dma_start3A_2035 : memref<64x128xf32, #tpu.memory_space<hbm>>) target_semaphore(%arg7 : memref<!tpu.dma_semaphore, #tpu.memory_space<semaphore_mem>>)
    %get3A_2040 = arith.constant 127 : index
    %get3A_2041 = memref.load %arg1[%get3A_2040] : memref<128xi32, #tpu.memory_space<smem>>
    %shift_right_arithmetic3A_2042 = arith.constant 7 : i32
    %shift_right_arithmetic3A_2043 = arith.shrsi %get3A_2041, %shift_right_arithmetic3A_2042 : i32
    %shift_left3A_2044 = arith.constant 7 : i32
    %shift_left3A_2045 = arith.shli %shift_right_arithmetic3A_2043, %shift_left3A_2044 : i32
    %multiple_of3A_2046 = tpu.assume_multiple %shift_left3A_2045, 128 : i32
    %dma_start3A_2047 = arith.constant 127 : i32
    %dma_start3A_2048 = arith.constant 127 : i32
    %dma_start3A_2049 = arith.constant 0 : i32
    %dma_start3A_2050 = tpu.memref_slice %arg5[%dma_start3A_2048, %dma_start3A_2049, %multiple_of3A_2046] : memref<128x64x8192xf32, #tpu.memory_space<hbm>> -> memref<1x64x128xf32, #tpu.memory_space<hbm>>
    %dma_start3A_2051 = tpu.memref_squeeze %dma_start3A_2050 : memref<1x64x128xf32, #tpu.memory_space<hbm>> -> memref<64x128xf32, #tpu.memory_space<hbm>>
    %dma_start3A_2052 = arith.constant 0 : i32
    %dma_start3A_2053 = arith.constant 0 : i32
    %dma_start3A_2054 = tpu.memref_slice %arg6[%dma_start3A_2047, %dma_start3A_2052, %dma_start3A_2053] : memref<128x64x128xf32, #tpu.memory_space<vmem>> -> memref<1x64x128xf32, #tpu.memory_space<vmem>>
    %dma_start3A_2055 = tpu.memref_squeeze %dma_start3A_2054 : memref<1x64x128xf32, #tpu.memory_space<vmem>> -> memref<64x128xf32, #tpu.memory_space<vmem>>
    tpu.enqueue_dma source(%dma_start3A_2055 : memref<64x128xf32, #tpu.memory_space<vmem>>) target(%dma_start3A_2051 : memref<64x128xf32, #tpu.memory_space<hbm>>) target_semaphore(%arg7 : memref<!tpu.dma_semaphore, #tpu.memory_space<semaphore_mem>>)
    %dma_wait3A = arith.constant 0 : i32
    %dma_wait3A_2056 = arith.constant 0 : i32
    %dma_wait3A_2057 = arith.constant 0 : i32
    %dma_wait3A_2058 = tpu.memref_slice %arg5[%dma_wait3A_2056, %dma_wait3A_2057, %multiple_of3A] : memref<128x64x8192xf32, #tpu.memory_space<hbm>> -> memref<1x64x128xf32, #tpu.memory_space<hbm>>
    %dma_wait3A_2059 = tpu.memref_squeeze %dma_wait3A_2058 : memref<1x64x128xf32, #tpu.memory_space<hbm>> -> memref<64x128xf32, #tpu.memory_space<hbm>>
    %dma_wait3A_2060 = arith.constant 0 : i32
    %dma_wait3A_2061 = arith.constant 0 : i32
    %dma_wait3A_2062 = tpu.memref_slice %arg6[%dma_wait3A, %dma_wait3A_2060, %dma_wait3A_2061] : memref<128x64x128xf32, #tpu.memory_space<vmem>> -> memref<1x64x128xf32, #tpu.memory_space<vmem>>
    %dma_wait3A_2063 = tpu.memref_squeeze %dma_wait3A_2062 : memref<1x64x128xf32, #tpu.memory_space<vmem>> -> memref<64x128xf32, #tpu.memory_space<vmem>>
    tpu.wait_dma2 semaphore(%arg7 : memref<!tpu.dma_semaphore, #tpu.memory_space<semaphore_mem>>) src(%dma_wait3A_2063 : memref<64x128xf32, #tpu.memory_space<vmem>>) dst(%dma_wait3A_2059 : memref<64x128xf32, #tpu.memory_space<hbm>>)
    %dma_wait3A_2064 = arith.constant 1 : i32
    %dma_wait3A_2065 = arith.constant 1 : i32
    %dma_wait3A_2066 = arith.constant 0 : i32
    %dma_wait3A_2067 = tpu.memref_slice %arg5[%dma_wait3A_2065, %dma_wait3A_2066, %multiple_of3A_30] : memref<128x64x8192xf32, #tpu.memory_space<hbm>> -> memref<1x64x128xf32, #tpu.memory_space<hbm>>
    %dma_wait3A_2068 = tpu.memref_squeeze %dma_wait3A_2067 : memref<1x64x128xf32, #tpu.memory_space<hbm>> -> memref<64x128xf32, #tpu.memory_space<hbm>>
    %dma_wait3A_2069 = arith.constant 0 : i32
    %dma_wait3A_2070 = arith.constant 0 : i32
    %dma_wait3A_2071 = tpu.memref_slice %arg6[%dma_wait3A_2064, %dma_wait3A_2069, %dma_wait3A_2070] : memref<128x64x128xf32, #tpu.memory_space<vmem>> -> memref<1x64x128xf32, #tpu.memory_space<vmem>>
    %dma_wait3A_2072 = tpu.memref_squeeze %dma_wait3A_2071 : memref<1x64x128xf32, #tpu.memory_space<vmem>> -> memref<64x128xf32, #tpu.memory_space<vmem>>
    tpu.wait_dma2 semaphore(%arg7 : memref<!tpu.dma_semaphore, #tpu.memory_space<semaphore_mem>>) src(%dma_wait3A_2072 : memref<64x128xf32, #tpu.memory_space<vmem>>) dst(%dma_wait3A_2068 : memref<64x128xf32, #tpu.memory_space<hbm>>)
    %dma_wait3A_2073 = arith.constant 2 : i32
    %dma_wait3A_2074 = arith.constant 2 : i32
    %dma_wait3A_2075 = arith.constant 0 : i32
    %dma_wait3A_2076 = tpu.memref_slice %arg5[%dma_wait3A_2074, %dma_wait3A_2075, %multiple_of3A_46] : memref<128x64x8192xf32, #tpu.memory_space<hbm>> -> memref<1x64x128xf32, #tpu.memory_space<hbm>>
    %dma_wait3A_2077 = tpu.memref_squeeze %dma_wait3A_2076 : memref<1x64x128xf32, #tpu.memory_space<hbm>> -> memref<64x128xf32, #tpu.memory_space<hbm>>
    %dma_wait3A_2078 = arith.constant 0 : i32
    %dma_wait3A_2079 = arith.constant 0 : i32
    %dma_wait3A_2080 = tpu.memref_slice %arg6[%dma_wait3A_2073, %dma_wait3A_2078, %dma_wait3A_2079] : memref<128x64x128xf32, #tpu.memory_space<vmem>> -> memref<1x64x128xf32, #tpu.memory_space<vmem>>
    %dma_wait3A_2081 = tpu.memref_squeeze %dma_wait3A_2080 : memref<1x64x128xf32, #tpu.memory_space<vmem>> -> memref<64x128xf32, #tpu.memory_space<vmem>>
    tpu.wait_dma2 semaphore(%arg7 : memref<!tpu.dma_semaphore, #tpu.memory_space<semaphore_mem>>) src(%dma_wait3A_2081 : memref<64x128xf32, #tpu.memory_space<vmem>>) dst(%dma_wait3A_2077 : memref<64x128xf32, #tpu.memory_space<hbm>>)
    %dma_wait3A_2082 = arith.constant 3 : i32
    %dma_wait3A_2083 = arith.constant 3 : i32
    %dma_wait3A_2084 = arith.constant 0 : i32
    %dma_wait3A_2085 = tpu.memref_slice %arg5[%dma_wait3A_2083, %dma_wait3A_2084, %multiple_of3A_62] : memref<128x64x8192xf32, #tpu.memory_space<hbm>> -> memref<1x64x128xf32, #tpu.memory_space<hbm>>
    %dma_wait3A_2086 = tpu.memref_squeeze %dma_wait3A_2085 : memref<1x64x128xf32, #tpu.memory_space<hbm>> -> memref<64x128xf32, #tpu.memory_space<hbm>>
    %dma_wait3A_2087 = arith.constant 0 : i32
    %dma_wait3A_2088 = arith.constant 0 : i32
    %dma_wait3A_2089 = tpu.memref_slice %arg6[%dma_wait3A_2082, %dma_wait3A_2087, %dma_wait3A_2088] : memref<128x64x128xf32, #tpu.memory_space<vmem>> -> memref<1x64x128xf32, #tpu.memory_space<vmem>>
    %dma_wait3A_2090 = tpu.memref_squeeze %dma_wait3A_2089 : memref<1x64x128xf32, #tpu.memory_space<vmem>> -> memref<64x128xf32, #tpu.memory_space<vmem>>
    tpu.wait_dma2 semaphore(%arg7 : memref<!tpu.dma_semaphore, #tpu.memory_space<semaphore_mem>>) src(%dma_wait3A_2090 : memref<64x128xf32, #tpu.memory_space<vmem>>) dst(%dma_wait3A_2086 : memref<64x128xf32, #tpu.memory_space<hbm>>)
    %dma_wait3A_2091 = arith.constant 4 : i32
    %dma_wait3A_2092 = arith.constant 4 : i32
    %dma_wait3A_2093 = arith.constant 0 : i32
    %dma_wait3A_2094 = tpu.memref_slice %arg5[%dma_wait3A_2092, %dma_wait3A_2093, %multiple_of3A_78] : memref<128x64x8192xf32, #tpu.memory_space<hbm>> -> memref<1x64x128xf32, #tpu.memory_space<hbm>>
    %dma_wait3A_2095 = tpu.memref_squeeze %dma_wait3A_2094 : memref<1x64x128xf32, #tpu.memory_space<hbm>> -> memref<64x128xf32, #tpu.memory_space<hbm>>
    %dma_wait3A_2096 = arith.constant 0 : i32
    %dma_wait3A_2097 = arith.constant 0 : i32
    %dma_wait3A_2098 = tpu.memref_slice %arg6[%dma_wait3A_2091, %dma_wait3A_2096, %dma_wait3A_2097] : memref<128x64x128xf32, #tpu.memory_space<vmem>> -> memref<1x64x128xf32, #tpu.memory_space<vmem>>
    %dma_wait3A_2099 = tpu.memref_squeeze %dma_wait3A_2098 : memref<1x64x128xf32, #tpu.memory_space<vmem>> -> memref<64x128xf32, #tpu.memory_space<vmem>>
    tpu.wait_dma2 semaphore(%arg7 : memref<!tpu.dma_semaphore, #tpu.memory_space<semaphore_mem>>) src(%dma_wait3A_2099 : memref<64x128xf32, #tpu.memory_space<vmem>>) dst(%dma_wait3A_2095 : memref<64x128xf32, #tpu.memory_space<hbm>>)
    %dma_wait3A_2100 = arith.constant 5 : i32
    %dma_wait3A_2101 = arith.constant 5 : i32
    %dma_wait3A_2102 = arith.constant 0 : i32
    %dma_wait3A_2103 = tpu.memref_slice %arg5[%dma_wait3A_2101, %dma_wait3A_2102, %multiple_of3A_94] : memref<128x64x8192xf32, #tpu.memory_space<hbm>> -> memref<1x64x128xf32, #tpu.memory_space<hbm>>
    %dma_wait3A_2104 = tpu.memref_squeeze %dma_wait3A_2103 : memref<1x64x128xf32, #tpu.memory_space<hbm>> -> memref<64x128xf32, #tpu.memory_space<hbm>>
    %dma_wait3A_2105 = arith.constant 0 : i32
    %dma_wait3A_2106 = arith.constant 0 : i32
    %dma_wait3A_2107 = tpu.memref_slice %arg6[%dma_wait3A_2100, %dma_wait3A_2105, %dma_wait3A_2106] : memref<128x64x128xf32, #tpu.memory_space<vmem>> -> memref<1x64x128xf32, #tpu.memory_space<vmem>>
    %dma_wait3A_2108 = tpu.memref_squeeze %dma_wait3A_2107 : memref<1x64x128xf32, #tpu.memory_space<vmem>> -> memref<64x128xf32, #tpu.memory_space<vmem>>
    tpu.wait_dma2 semaphore(%arg7 : memref<!tpu.dma_semaphore, #tpu.memory_space<semaphore_mem>>) src(%dma_wait3A_2108 : memref<64x128xf32, #tpu.memory_space<vmem>>) dst(%dma_wait3A_2104 : memref<64x128xf32, #tpu.memory_space<hbm>>)
    %dma_wait3A_2109 = arith.constant 6 : i32
    %dma_wait3A_2110 = arith.constant 6 : i32
    %dma_wait3A_2111 = arith.constant 0 : i32
    %dma_wait3A_2112 = tpu.memref_slice %arg5[%dma_wait3A_2110, %dma_wait3A_2111, %multiple_of3A_110] : memref<128x64x8192xf32, #tpu.memory_space<hbm>> -> memref<1x64x128xf32, #tpu.memory_space<hbm>>
    %dma_wait3A_2113 = tpu.memref_squeeze %dma_wait3A_2112 : memref<1x64x128xf32, #tpu.memory_space<hbm>> -> memref<64x128xf32, #tpu.memory_space<hbm>>
    %dma_wait3A_2114 = arith.constant 0 : i32
    %dma_wait3A_2115 = arith.constant 0 : i32
    %dma_wait3A_2116 = tpu.memref_slice %arg6[%dma_wait3A_2109, %dma_wait3A_2114, %dma_wait3A_2115] : memref<128x64x128xf32, #tpu.memory_space<vmem>> -> memref<1x64x128xf32, #tpu.memory_space<vmem>>
    %dma_wait3A_2117 = tpu.memref_squeeze %dma_wait3A_2116 : memref<1x64x128xf32, #tpu.memory_space<vmem>> -> memref<64x128xf32, #tpu.memory_space<vmem>>
    tpu.wait_dma2 semaphore(%arg7 : memref<!tpu.dma_semaphore, #tpu.memory_space<semaphore_mem>>) src(%dma_wait3A_2117 : memref<64x128xf32, #tpu.memory_space<vmem>>) dst(%dma_wait3A_2113 : memref<64x128xf32, #tpu.memory_space<hbm>>)
    %dma_wait3A_2118 = arith.constant 7 : i32
    %dma_wait3A_2119 = arith.constant 7 : i32
    %dma_wait3A_2120 = arith.constant 0 : i32
    %dma_wait3A_2121 = tpu.memref_slice %arg5[%dma_wait3A_2119, %dma_wait3A_2120, %multiple_of3A_126] : memref<128x64x8192xf32, #tpu.memory_space<hbm>> -> memref<1x64x128xf32, #tpu.memory_space<hbm>>
    %dma_wait3A_2122 = tpu.memref_squeeze %dma_wait3A_2121 : memref<1x64x128xf32, #tpu.memory_space<hbm>> -> memref<64x128xf32, #tpu.memory_space<hbm>>
    %dma_wait3A_2123 = arith.constant 0 : i32
    %dma_wait3A_2124 = arith.constant 0 : i32
    %dma_wait3A_2125 = tpu.memref_slice %arg6[%dma_wait3A_2118, %dma_wait3A_2123, %dma_wait3A_2124] : memref<128x64x128xf32, #tpu.memory_space<vmem>> -> memref<1x64x128xf32, #tpu.memory_space<vmem>>
    %dma_wait3A_2126 = tpu.memref_squeeze %dma_wait3A_2125 : memref<1x64x128xf32, #tpu.memory_space<vmem>> -> memref<64x128xf32, #tpu.memory_space<vmem>>
    tpu.wait_dma2 semaphore(%arg7 : memref<!tpu.dma_semaphore, #tpu.memory_space<semaphore_mem>>) src(%dma_wait3A_2126 : memref<64x128xf32, #tpu.memory_space<vmem>>) dst(%dma_wait3A_2122 : memref<64x128xf32, #tpu.memory_space<hbm>>)
    %dma_wait3A_2127 = arith.constant 8 : i32
    %dma_wait3A_2128 = arith.constant 8 : i32
    %dma_wait3A_2129 = arith.constant 0 : i32
    %dma_wait3A_2130 = tpu.memref_slice %arg5[%dma_wait3A_2128, %dma_wait3A_2129, %multiple_of3A_142] : memref<128x64x8192xf32, #tpu.memory_space<hbm>> -> memref<1x64x128xf32, #tpu.memory_space<hbm>>
    %dma_wait3A_2131 = tpu.memref_squeeze %dma_wait3A_2130 : memref<1x64x128xf32, #tpu.memory_space<hbm>> -> memref<64x128xf32, #tpu.memory_space<hbm>>
    %dma_wait3A_2132 = arith.constant 0 : i32
    %dma_wait3A_2133 = arith.constant 0 : i32
    %dma_wait3A_2134 = tpu.memref_slice %arg6[%dma_wait3A_2127, %dma_wait3A_2132, %dma_wait3A_2133] : memref<128x64x128xf32, #tpu.memory_space<vmem>> -> memref<1x64x128xf32, #tpu.memory_space<vmem>>
    %dma_wait3A_2135 = tpu.memref_squeeze %dma_wait3A_2134 : memref<1x64x128xf32, #tpu.memory_space<vmem>> -> memref<64x128xf32, #tpu.memory_space<vmem>>
    tpu.wait_dma2 semaphore(%arg7 : memref<!tpu.dma_semaphore, #tpu.memory_space<semaphore_mem>>) src(%dma_wait3A_2135 : memref<64x128xf32, #tpu.memory_space<vmem>>) dst(%dma_wait3A_2131 : memref<64x128xf32, #tpu.memory_space<hbm>>)
    %dma_wait3A_2136 = arith.constant 9 : i32
    %dma_wait3A_2137 = arith.constant 9 : i32
    %dma_wait3A_2138 = arith.constant 0 : i32
    %dma_wait3A_2139 = tpu.memref_slice %arg5[%dma_wait3A_2137, %dma_wait3A_2138, %multiple_of3A_158] : memref<128x64x8192xf32, #tpu.memory_space<hbm>> -> memref<1x64x128xf32, #tpu.memory_space<hbm>>
    %dma_wait3A_2140 = tpu.memref_squeeze %dma_wait3A_2139 : memref<1x64x128xf32, #tpu.memory_space<hbm>> -> memref<64x128xf32, #tpu.memory_space<hbm>>
    %dma_wait3A_2141 = arith.constant 0 : i32
    %dma_wait3A_2142 = arith.constant 0 : i32
    %dma_wait3A_2143 = tpu.memref_slice %arg6[%dma_wait3A_2136, %dma_wait3A_2141, %dma_wait3A_2142] : memref<128x64x128xf32, #tpu.memory_space<vmem>> -> memref<1x64x128xf32, #tpu.memory_space<vmem>>
    %dma_wait3A_2144 = tpu.memref_squeeze %dma_wait3A_2143 : memref<1x64x128xf32, #tpu.memory_space<vmem>> -> memref<64x128xf32, #tpu.memory_space<vmem>>
    tpu.wait_dma2 semaphore(%arg7 : memref<!tpu.dma_semaphore, #tpu.memory_space<semaphore_mem>>) src(%dma_wait3A_2144 : memref<64x128xf32, #tpu.memory_space<vmem>>) dst(%dma_wait3A_2140 : memref<64x128xf32, #tpu.memory_space<hbm>>)
    %dma_wait3A_2145 = arith.constant 10 : i32
    %dma_wait3A_2146 = arith.constant 10 : i32
    %dma_wait3A_2147 = arith.constant 0 : i32
    %dma_wait3A_2148 = tpu.memref_slice %arg5[%dma_wait3A_2146, %dma_wait3A_2147, %multiple_of3A_174] : memref<128x64x8192xf32, #tpu.memory_space<hbm>> -> memref<1x64x128xf32, #tpu.memory_space<hbm>>
    %dma_wait3A_2149 = tpu.memref_squeeze %dma_wait3A_2148 : memref<1x64x128xf32, #tpu.memory_space<hbm>> -> memref<64x128xf32, #tpu.memory_space<hbm>>
    %dma_wait3A_2150 = arith.constant 0 : i32
    %dma_wait3A_2151 = arith.constant 0 : i32
    %dma_wait3A_2152 = tpu.memref_slice %arg6[%dma_wait3A_2145, %dma_wait3A_2150, %dma_wait3A_2151] : memref<128x64x128xf32, #tpu.memory_space<vmem>> -> memref<1x64x128xf32, #tpu.memory_space<vmem>>
    %dma_wait3A_2153 = tpu.memref_squeeze %dma_wait3A_2152 : memref<1x64x128xf32, #tpu.memory_space<vmem>> -> memref<64x128xf32, #tpu.memory_space<vmem>>
    tpu.wait_dma2 semaphore(%arg7 : memref<!tpu.dma_semaphore, #tpu.memory_space<semaphore_mem>>) src(%dma_wait3A_2153 : memref<64x128xf32, #tpu.memory_space<vmem>>) dst(%dma_wait3A_2149 : memref<64x128xf32, #tpu.memory_space<hbm>>)
    %dma_wait3A_2154 = arith.constant 11 : i32
    %dma_wait3A_2155 = arith.constant 11 : i32
    %dma_wait3A_2156 = arith.constant 0 : i32
    %dma_wait3A_2157 = tpu.memref_slice %arg5[%dma_wait3A_2155, %dma_wait3A_2156, %multiple_of3A_190] : memref<128x64x8192xf32, #tpu.memory_space<hbm>> -> memref<1x64x128xf32, #tpu.memory_space<hbm>>
    %dma_wait3A_2158 = tpu.memref_squeeze %dma_wait3A_2157 : memref<1x64x128xf32, #tpu.memory_space<hbm>> -> memref<64x128xf32, #tpu.memory_space<hbm>>
    %dma_wait3A_2159 = arith.constant 0 : i32
    %dma_wait3A_2160 = arith.constant 0 : i32
    %dma_wait3A_2161 = tpu.memref_slice %arg6[%dma_wait3A_2154, %dma_wait3A_2159, %dma_wait3A_2160] : memref<128x64x128xf32, #tpu.memory_space<vmem>> -> memref<1x64x128xf32, #tpu.memory_space<vmem>>
    %dma_wait3A_2162 = tpu.memref_squeeze %dma_wait3A_2161 : memref<1x64x128xf32, #tpu.memory_space<vmem>> -> memref<64x128xf32, #tpu.memory_space<vmem>>
    tpu.wait_dma2 semaphore(%arg7 : memref<!tpu.dma_semaphore, #tpu.memory_space<semaphore_mem>>) src(%dma_wait3A_2162 : memref<64x128xf32, #tpu.memory_space<vmem>>) dst(%dma_wait3A_2158 : memref<64x128xf32, #tpu.memory_space<hbm>>)
    %dma_wait3A_2163 = arith.constant 12 : i32
    %dma_wait3A_2164 = arith.constant 12 : i32
    %dma_wait3A_2165 = arith.constant 0 : i32
    %dma_wait3A_2166 = tpu.memref_slice %arg5[%dma_wait3A_2164, %dma_wait3A_2165, %multiple_of3A_206] : memref<128x64x8192xf32, #tpu.memory_space<hbm>> -> memref<1x64x128xf32, #tpu.memory_space<hbm>>
    %dma_wait3A_2167 = tpu.memref_squeeze %dma_wait3A_2166 : memref<1x64x128xf32, #tpu.memory_space<hbm>> -> memref<64x128xf32, #tpu.memory_space<hbm>>
    %dma_wait3A_2168 = arith.constant 0 : i32
    %dma_wait3A_2169 = arith.constant 0 : i32
    %dma_wait3A_2170 = tpu.memref_slice %arg6[%dma_wait3A_2163, %dma_wait3A_2168, %dma_wait3A_2169] : memref<128x64x128xf32, #tpu.memory_space<vmem>> -> memref<1x64x128xf32, #tpu.memory_space<vmem>>
    %dma_wait3A_2171 = tpu.memref_squeeze %dma_wait3A_2170 : memref<1x64x128xf32, #tpu.memory_space<vmem>> -> memref<64x128xf32, #tpu.memory_space<vmem>>
    tpu.wait_dma2 semaphore(%arg7 : memref<!tpu.dma_semaphore, #tpu.memory_space<semaphore_mem>>) src(%dma_wait3A_2171 : memref<64x128xf32, #tpu.memory_space<vmem>>) dst(%dma_wait3A_2167 : memref<64x128xf32, #tpu.memory_space<hbm>>)
    %dma_wait3A_2172 = arith.constant 13 : i32
    %dma_wait3A_2173 = arith.constant 13 : i32
    %dma_wait3A_2174 = arith.constant 0 : i32
    %dma_wait3A_2175 = tpu.memref_slice %arg5[%dma_wait3A_2173, %dma_wait3A_2174, %multiple_of3A_222] : memref<128x64x8192xf32, #tpu.memory_space<hbm>> -> memref<1x64x128xf32, #tpu.memory_space<hbm>>
    %dma_wait3A_2176 = tpu.memref_squeeze %dma_wait3A_2175 : memref<1x64x128xf32, #tpu.memory_space<hbm>> -> memref<64x128xf32, #tpu.memory_space<hbm>>
    %dma_wait3A_2177 = arith.constant 0 : i32
    %dma_wait3A_2178 = arith.constant 0 : i32
    %dma_wait3A_2179 = tpu.memref_slice %arg6[%dma_wait3A_2172, %dma_wait3A_2177, %dma_wait3A_2178] : memref<128x64x128xf32, #tpu.memory_space<vmem>> -> memref<1x64x128xf32, #tpu.memory_space<vmem>>
    %dma_wait3A_2180 = tpu.memref_squeeze %dma_wait3A_2179 : memref<1x64x128xf32, #tpu.memory_space<vmem>> -> memref<64x128xf32, #tpu.memory_space<vmem>>
    tpu.wait_dma2 semaphore(%arg7 : memref<!tpu.dma_semaphore, #tpu.memory_space<semaphore_mem>>) src(%dma_wait3A_2180 : memref<64x128xf32, #tpu.memory_space<vmem>>) dst(%dma_wait3A_2176 : memref<64x128xf32, #tpu.memory_space<hbm>>)
    %dma_wait3A_2181 = arith.constant 14 : i32
    %dma_wait3A_2182 = arith.constant 14 : i32
    %dma_wait3A_2183 = arith.constant 0 : i32
    %dma_wait3A_2184 = tpu.memref_slice %arg5[%dma_wait3A_2182, %dma_wait3A_2183, %multiple_of3A_238] : memref<128x64x8192xf32, #tpu.memory_space<hbm>> -> memref<1x64x128xf32, #tpu.memory_space<hbm>>
    %dma_wait3A_2185 = tpu.memref_squeeze %dma_wait3A_2184 : memref<1x64x128xf32, #tpu.memory_space<hbm>> -> memref<64x128xf32, #tpu.memory_space<hbm>>
    %dma_wait3A_2186 = arith.constant 0 : i32
    %dma_wait3A_2187 = arith.constant 0 : i32
    %dma_wait3A_2188 = tpu.memref_slice %arg6[%dma_wait3A_2181, %dma_wait3A_2186, %dma_wait3A_2187] : memref<128x64x128xf32, #tpu.memory_space<vmem>> -> memref<1x64x128xf32, #tpu.memory_space<vmem>>
    %dma_wait3A_2189 = tpu.memref_squeeze %dma_wait3A_2188 : memref<1x64x128xf32, #tpu.memory_space<vmem>> -> memref<64x128xf32, #tpu.memory_space<vmem>>
    tpu.wait_dma2 semaphore(%arg7 : memref<!tpu.dma_semaphore, #tpu.memory_space<semaphore_mem>>) src(%dma_wait3A_2189 : memref<64x128xf32, #tpu.memory_space<vmem>>) dst(%dma_wait3A_2185 : memref<64x128xf32, #tpu.memory_space<hbm>>)
    %dma_wait3A_2190 = arith.constant 15 : i32
    %dma_wait3A_2191 = arith.constant 15 : i32
    %dma_wait3A_2192 = arith.constant 0 : i32
    %dma_wait3A_2193 = tpu.memref_slice %arg5[%dma_wait3A_2191, %dma_wait3A_2192, %multiple_of3A_254] : memref<128x64x8192xf32, #tpu.memory_space<hbm>> -> memref<1x64x128xf32, #tpu.memory_space<hbm>>
    %dma_wait3A_2194 = tpu.memref_squeeze %dma_wait3A_2193 : memref<1x64x128xf32, #tpu.memory_space<hbm>> -> memref<64x128xf32, #tpu.memory_space<hbm>>
    %dma_wait3A_2195 = arith.constant 0 : i32
    %dma_wait3A_2196 = arith.constant 0 : i32
    %dma_wait3A_2197 = tpu.memref_slice %arg6[%dma_wait3A_2190, %dma_wait3A_2195, %dma_wait3A_2196] : memref<128x64x128xf32, #tpu.memory_space<vmem>> -> memref<1x64x128xf32, #tpu.memory_space<vmem>>
    %dma_wait3A_2198 = tpu.memref_squeeze %dma_wait3A_2197 : memref<1x64x128xf32, #tpu.memory_space<vmem>> -> memref<64x128xf32, #tpu.memory_space<vmem>>
    tpu.wait_dma2 semaphore(%arg7 : memref<!tpu.dma_semaphore, #tpu.memory_space<semaphore_mem>>) src(%dma_wait3A_2198 : memref<64x128xf32, #tpu.memory_space<vmem>>) dst(%dma_wait3A_2194 : memref<64x128xf32, #tpu.memory_space<hbm>>)
    %dma_wait3A_2199 = arith.constant 16 : i32
    %dma_wait3A_2200 = arith.constant 16 : i32
    %dma_wait3A_2201 = arith.constant 0 : i32
    %dma_wait3A_2202 = tpu.memref_slice %arg5[%dma_wait3A_2200, %dma_wait3A_2201, %multiple_of3A_270] : memref<128x64x8192xf32, #tpu.memory_space<hbm>> -> memref<1x64x128xf32, #tpu.memory_space<hbm>>
    %dma_wait3A_2203 = tpu.memref_squeeze %dma_wait3A_2202 : memref<1x64x128xf32, #tpu.memory_space<hbm>> -> memref<64x128xf32, #tpu.memory_space<hbm>>
    %dma_wait3A_2204 = arith.constant 0 : i32
    %dma_wait3A_2205 = arith.constant 0 : i32
    %dma_wait3A_2206 = tpu.memref_slice %arg6[%dma_wait3A_2199, %dma_wait3A_2204, %dma_wait3A_2205] : memref<128x64x128xf32, #tpu.memory_space<vmem>> -> memref<1x64x128xf32, #tpu.memory_space<vmem>>
    %dma_wait3A_2207 = tpu.memref_squeeze %dma_wait3A_2206 : memref<1x64x128xf32, #tpu.memory_space<vmem>> -> memref<64x128xf32, #tpu.memory_space<vmem>>
    tpu.wait_dma2 semaphore(%arg7 : memref<!tpu.dma_semaphore, #tpu.memory_space<semaphore_mem>>) src(%dma_wait3A_2207 : memref<64x128xf32, #tpu.memory_space<vmem>>) dst(%dma_wait3A_2203 : memref<64x128xf32, #tpu.memory_space<hbm>>)
    %dma_wait3A_2208 = arith.constant 17 : i32
    %dma_wait3A_2209 = arith.constant 17 : i32
    %dma_wait3A_2210 = arith.constant 0 : i32
    %dma_wait3A_2211 = tpu.memref_slice %arg5[%dma_wait3A_2209, %dma_wait3A_2210, %multiple_of3A_286] : memref<128x64x8192xf32, #tpu.memory_space<hbm>> -> memref<1x64x128xf32, #tpu.memory_space<hbm>>
    %dma_wait3A_2212 = tpu.memref_squeeze %dma_wait3A_2211 : memref<1x64x128xf32, #tpu.memory_space<hbm>> -> memref<64x128xf32, #tpu.memory_space<hbm>>
    %dma_wait3A_2213 = arith.constant 0 : i32
    %dma_wait3A_2214 = arith.constant 0 : i32
    %dma_wait3A_2215 = tpu.memref_slice %arg6[%dma_wait3A_2208, %dma_wait3A_2213, %dma_wait3A_2214] : memref<128x64x128xf32, #tpu.memory_space<vmem>> -> memref<1x64x128xf32, #tpu.memory_space<vmem>>
    %dma_wait3A_2216 = tpu.memref_squeeze %dma_wait3A_2215 : memref<1x64x128xf32, #tpu.memory_space<vmem>> -> memref<64x128xf32, #tpu.memory_space<vmem>>
    tpu.wait_dma2 semaphore(%arg7 : memref<!tpu.dma_semaphore, #tpu.memory_space<semaphore_mem>>) src(%dma_wait3A_2216 : memref<64x128xf32, #tpu.memory_space<vmem>>) dst(%dma_wait3A_2212 : memref<64x128xf32, #tpu.memory_space<hbm>>)
    %dma_wait3A_2217 = arith.constant 18 : i32
    %dma_wait3A_2218 = arith.constant 18 : i32
    %dma_wait3A_2219 = arith.constant 0 : i32
    %dma_wait3A_2220 = tpu.memref_slice %arg5[%dma_wait3A_2218, %dma_wait3A_2219, %multiple_of3A_302] : memref<128x64x8192xf32, #tpu.memory_space<hbm>> -> memref<1x64x128xf32, #tpu.memory_space<hbm>>
    %dma_wait3A_2221 = tpu.memref_squeeze %dma_wait3A_2220 : memref<1x64x128xf32, #tpu.memory_space<hbm>> -> memref<64x128xf32, #tpu.memory_space<hbm>>
    %dma_wait3A_2222 = arith.constant 0 : i32
    %dma_wait3A_2223 = arith.constant 0 : i32
    %dma_wait3A_2224 = tpu.memref_slice %arg6[%dma_wait3A_2217, %dma_wait3A_2222, %dma_wait3A_2223] : memref<128x64x128xf32, #tpu.memory_space<vmem>> -> memref<1x64x128xf32, #tpu.memory_space<vmem>>
    %dma_wait3A_2225 = tpu.memref_squeeze %dma_wait3A_2224 : memref<1x64x128xf32, #tpu.memory_space<vmem>> -> memref<64x128xf32, #tpu.memory_space<vmem>>
    tpu.wait_dma2 semaphore(%arg7 : memref<!tpu.dma_semaphore, #tpu.memory_space<semaphore_mem>>) src(%dma_wait3A_2225 : memref<64x128xf32, #tpu.memory_space<vmem>>) dst(%dma_wait3A_2221 : memref<64x128xf32, #tpu.memory_space<hbm>>)
    %dma_wait3A_2226 = arith.constant 19 : i32
    %dma_wait3A_2227 = arith.constant 19 : i32
    %dma_wait3A_2228 = arith.constant 0 : i32
    %dma_wait3A_2229 = tpu.memref_slice %arg5[%dma_wait3A_2227, %dma_wait3A_2228, %multiple_of3A_318] : memref<128x64x8192xf32, #tpu.memory_space<hbm>> -> memref<1x64x128xf32, #tpu.memory_space<hbm>>
    %dma_wait3A_2230 = tpu.memref_squeeze %dma_wait3A_2229 : memref<1x64x128xf32, #tpu.memory_space<hbm>> -> memref<64x128xf32, #tpu.memory_space<hbm>>
    %dma_wait3A_2231 = arith.constant 0 : i32
    %dma_wait3A_2232 = arith.constant 0 : i32
    %dma_wait3A_2233 = tpu.memref_slice %arg6[%dma_wait3A_2226, %dma_wait3A_2231, %dma_wait3A_2232] : memref<128x64x128xf32, #tpu.memory_space<vmem>> -> memref<1x64x128xf32, #tpu.memory_space<vmem>>
    %dma_wait3A_2234 = tpu.memref_squeeze %dma_wait3A_2233 : memref<1x64x128xf32, #tpu.memory_space<vmem>> -> memref<64x128xf32, #tpu.memory_space<vmem>>
    tpu.wait_dma2 semaphore(%arg7 : memref<!tpu.dma_semaphore, #tpu.memory_space<semaphore_mem>>) src(%dma_wait3A_2234 : memref<64x128xf32, #tpu.memory_space<vmem>>) dst(%dma_wait3A_2230 : memref<64x128xf32, #tpu.memory_space<hbm>>)
    %dma_wait3A_2235 = arith.constant 20 : i32
    %dma_wait3A_2236 = arith.constant 20 : i32
    %dma_wait3A_2237 = arith.constant 0 : i32
    %dma_wait3A_2238 = tpu.memref_slice %arg5[%dma_wait3A_2236, %dma_wait3A_2237, %multiple_of3A_334] : memref<128x64x8192xf32, #tpu.memory_space<hbm>> -> memref<1x64x128xf32, #tpu.memory_space<hbm>>
    %dma_wait3A_2239 = tpu.memref_squeeze %dma_wait3A_2238 : memref<1x64x128xf32, #tpu.memory_space<hbm>> -> memref<64x128xf32, #tpu.memory_space<hbm>>
    %dma_wait3A_2240 = arith.constant 0 : i32
    %dma_wait3A_2241 = arith.constant 0 : i32
    %dma_wait3A_2242 = tpu.memref_slice %arg6[%dma_wait3A_2235, %dma_wait3A_2240, %dma_wait3A_2241] : memref<128x64x128xf32, #tpu.memory_space<vmem>> -> memref<1x64x128xf32, #tpu.memory_space<vmem>>
    %dma_wait3A_2243 = tpu.memref_squeeze %dma_wait3A_2242 : memref<1x64x128xf32, #tpu.memory_space<vmem>> -> memref<64x128xf32, #tpu.memory_space<vmem>>
    tpu.wait_dma2 semaphore(%arg7 : memref<!tpu.dma_semaphore, #tpu.memory_space<semaphore_mem>>) src(%dma_wait3A_2243 : memref<64x128xf32, #tpu.memory_space<vmem>>) dst(%dma_wait3A_2239 : memref<64x128xf32, #tpu.memory_space<hbm>>)
    %dma_wait3A_2244 = arith.constant 21 : i32
    %dma_wait3A_2245 = arith.constant 21 : i32
    %dma_wait3A_2246 = arith.constant 0 : i32
    %dma_wait3A_2247 = tpu.memref_slice %arg5[%dma_wait3A_2245, %dma_wait3A_2246, %multiple_of3A_350] : memref<128x64x8192xf32, #tpu.memory_space<hbm>> -> memref<1x64x128xf32, #tpu.memory_space<hbm>>
    %dma_wait3A_2248 = tpu.memref_squeeze %dma_wait3A_2247 : memref<1x64x128xf32, #tpu.memory_space<hbm>> -> memref<64x128xf32, #tpu.memory_space<hbm>>
    %dma_wait3A_2249 = arith.constant 0 : i32
    %dma_wait3A_2250 = arith.constant 0 : i32
    %dma_wait3A_2251 = tpu.memref_slice %arg6[%dma_wait3A_2244, %dma_wait3A_2249, %dma_wait3A_2250] : memref<128x64x128xf32, #tpu.memory_space<vmem>> -> memref<1x64x128xf32, #tpu.memory_space<vmem>>
    %dma_wait3A_2252 = tpu.memref_squeeze %dma_wait3A_2251 : memref<1x64x128xf32, #tpu.memory_space<vmem>> -> memref<64x128xf32, #tpu.memory_space<vmem>>
    tpu.wait_dma2 semaphore(%arg7 : memref<!tpu.dma_semaphore, #tpu.memory_space<semaphore_mem>>) src(%dma_wait3A_2252 : memref<64x128xf32, #tpu.memory_space<vmem>>) dst(%dma_wait3A_2248 : memref<64x128xf32, #tpu.memory_space<hbm>>)
    %dma_wait3A_2253 = arith.constant 22 : i32
    %dma_wait3A_2254 = arith.constant 22 : i32
    %dma_wait3A_2255 = arith.constant 0 : i32
    %dma_wait3A_2256 = tpu.memref_slice %arg5[%dma_wait3A_2254, %dma_wait3A_2255, %multiple_of3A_366] : memref<128x64x8192xf32, #tpu.memory_space<hbm>> -> memref<1x64x128xf32, #tpu.memory_space<hbm>>
    %dma_wait3A_2257 = tpu.memref_squeeze %dma_wait3A_2256 : memref<1x64x128xf32, #tpu.memory_space<hbm>> -> memref<64x128xf32, #tpu.memory_space<hbm>>
    %dma_wait3A_2258 = arith.constant 0 : i32
    %dma_wait3A_2259 = arith.constant 0 : i32
    %dma_wait3A_2260 = tpu.memref_slice %arg6[%dma_wait3A_2253, %dma_wait3A_2258, %dma_wait3A_2259] : memref<128x64x128xf32, #tpu.memory_space<vmem>> -> memref<1x64x128xf32, #tpu.memory_space<vmem>>
    %dma_wait3A_2261 = tpu.memref_squeeze %dma_wait3A_2260 : memref<1x64x128xf32, #tpu.memory_space<vmem>> -> memref<64x128xf32, #tpu.memory_space<vmem>>
    tpu.wait_dma2 semaphore(%arg7 : memref<!tpu.dma_semaphore, #tpu.memory_space<semaphore_mem>>) src(%dma_wait3A_2261 : memref<64x128xf32, #tpu.memory_space<vmem>>) dst(%dma_wait3A_2257 : memref<64x128xf32, #tpu.memory_space<hbm>>)
    %dma_wait3A_2262 = arith.constant 23 : i32
    %dma_wait3A_2263 = arith.constant 23 : i32
    %dma_wait3A_2264 = arith.constant 0 : i32
    %dma_wait3A_2265 = tpu.memref_slice %arg5[%dma_wait3A_2263, %dma_wait3A_2264, %multiple_of3A_382] : memref<128x64x8192xf32, #tpu.memory_space<hbm>> -> memref<1x64x128xf32, #tpu.memory_space<hbm>>
    %dma_wait3A_2266 = tpu.memref_squeeze %dma_wait3A_2265 : memref<1x64x128xf32, #tpu.memory_space<hbm>> -> memref<64x128xf32, #tpu.memory_space<hbm>>
    %dma_wait3A_2267 = arith.constant 0 : i32
    %dma_wait3A_2268 = arith.constant 0 : i32
    %dma_wait3A_2269 = tpu.memref_slice %arg6[%dma_wait3A_2262, %dma_wait3A_2267, %dma_wait3A_2268] : memref<128x64x128xf32, #tpu.memory_space<vmem>> -> memref<1x64x128xf32, #tpu.memory_space<vmem>>
    %dma_wait3A_2270 = tpu.memref_squeeze %dma_wait3A_2269 : memref<1x64x128xf32, #tpu.memory_space<vmem>> -> memref<64x128xf32, #tpu.memory_space<vmem>>
    tpu.wait_dma2 semaphore(%arg7 : memref<!tpu.dma_semaphore, #tpu.memory_space<semaphore_mem>>) src(%dma_wait3A_2270 : memref<64x128xf32, #tpu.memory_space<vmem>>) dst(%dma_wait3A_2266 : memref<64x128xf32, #tpu.memory_space<hbm>>)
    %dma_wait3A_2271 = arith.constant 24 : i32
    %dma_wait3A_2272 = arith.constant 24 : i32
    %dma_wait3A_2273 = arith.constant 0 : i32
    %dma_wait3A_2274 = tpu.memref_slice %arg5[%dma_wait3A_2272, %dma_wait3A_2273, %multiple_of3A_398] : memref<128x64x8192xf32, #tpu.memory_space<hbm>> -> memref<1x64x128xf32, #tpu.memory_space<hbm>>
    %dma_wait3A_2275 = tpu.memref_squeeze %dma_wait3A_2274 : memref<1x64x128xf32, #tpu.memory_space<hbm>> -> memref<64x128xf32, #tpu.memory_space<hbm>>
    %dma_wait3A_2276 = arith.constant 0 : i32
    %dma_wait3A_2277 = arith.constant 0 : i32
    %dma_wait3A_2278 = tpu.memref_slice %arg6[%dma_wait3A_2271, %dma_wait3A_2276, %dma_wait3A_2277] : memref<128x64x128xf32, #tpu.memory_space<vmem>> -> memref<1x64x128xf32, #tpu.memory_space<vmem>>
    %dma_wait3A_2279 = tpu.memref_squeeze %dma_wait3A_2278 : memref<1x64x128xf32, #tpu.memory_space<vmem>> -> memref<64x128xf32, #tpu.memory_space<vmem>>
    tpu.wait_dma2 semaphore(%arg7 : memref<!tpu.dma_semaphore, #tpu.memory_space<semaphore_mem>>) src(%dma_wait3A_2279 : memref<64x128xf32, #tpu.memory_space<vmem>>) dst(%dma_wait3A_2275 : memref<64x128xf32, #tpu.memory_space<hbm>>)
    %dma_wait3A_2280 = arith.constant 25 : i32
    %dma_wait3A_2281 = arith.constant 25 : i32
    %dma_wait3A_2282 = arith.constant 0 : i32
    %dma_wait3A_2283 = tpu.memref_slice %arg5[%dma_wait3A_2281, %dma_wait3A_2282, %multiple_of3A_414] : memref<128x64x8192xf32, #tpu.memory_space<hbm>> -> memref<1x64x128xf32, #tpu.memory_space<hbm>>
    %dma_wait3A_2284 = tpu.memref_squeeze %dma_wait3A_2283 : memref<1x64x128xf32, #tpu.memory_space<hbm>> -> memref<64x128xf32, #tpu.memory_space<hbm>>
    %dma_wait3A_2285 = arith.constant 0 : i32
    %dma_wait3A_2286 = arith.constant 0 : i32
    %dma_wait3A_2287 = tpu.memref_slice %arg6[%dma_wait3A_2280, %dma_wait3A_2285, %dma_wait3A_2286] : memref<128x64x128xf32, #tpu.memory_space<vmem>> -> memref<1x64x128xf32, #tpu.memory_space<vmem>>
    %dma_wait3A_2288 = tpu.memref_squeeze %dma_wait3A_2287 : memref<1x64x128xf32, #tpu.memory_space<vmem>> -> memref<64x128xf32, #tpu.memory_space<vmem>>
    tpu.wait_dma2 semaphore(%arg7 : memref<!tpu.dma_semaphore, #tpu.memory_space<semaphore_mem>>) src(%dma_wait3A_2288 : memref<64x128xf32, #tpu.memory_space<vmem>>) dst(%dma_wait3A_2284 : memref<64x128xf32, #tpu.memory_space<hbm>>)
    %dma_wait3A_2289 = arith.constant 26 : i32
    %dma_wait3A_2290 = arith.constant 26 : i32
    %dma_wait3A_2291 = arith.constant 0 : i32
    %dma_wait3A_2292 = tpu.memref_slice %arg5[%dma_wait3A_2290, %dma_wait3A_2291, %multiple_of3A_430] : memref<128x64x8192xf32, #tpu.memory_space<hbm>> -> memref<1x64x128xf32, #tpu.memory_space<hbm>>
    %dma_wait3A_2293 = tpu.memref_squeeze %dma_wait3A_2292 : memref<1x64x128xf32, #tpu.memory_space<hbm>> -> memref<64x128xf32, #tpu.memory_space<hbm>>
    %dma_wait3A_2294 = arith.constant 0 : i32
    %dma_wait3A_2295 = arith.constant 0 : i32
    %dma_wait3A_2296 = tpu.memref_slice %arg6[%dma_wait3A_2289, %dma_wait3A_2294, %dma_wait3A_2295] : memref<128x64x128xf32, #tpu.memory_space<vmem>> -> memref<1x64x128xf32, #tpu.memory_space<vmem>>
    %dma_wait3A_2297 = tpu.memref_squeeze %dma_wait3A_2296 : memref<1x64x128xf32, #tpu.memory_space<vmem>> -> memref<64x128xf32, #tpu.memory_space<vmem>>
    tpu.wait_dma2 semaphore(%arg7 : memref<!tpu.dma_semaphore, #tpu.memory_space<semaphore_mem>>) src(%dma_wait3A_2297 : memref<64x128xf32, #tpu.memory_space<vmem>>) dst(%dma_wait3A_2293 : memref<64x128xf32, #tpu.memory_space<hbm>>)
    %dma_wait3A_2298 = arith.constant 27 : i32
    %dma_wait3A_2299 = arith.constant 27 : i32
    %dma_wait3A_2300 = arith.constant 0 : i32
    %dma_wait3A_2301 = tpu.memref_slice %arg5[%dma_wait3A_2299, %dma_wait3A_2300, %multiple_of3A_446] : memref<128x64x8192xf32, #tpu.memory_space<hbm>> -> memref<1x64x128xf32, #tpu.memory_space<hbm>>
    %dma_wait3A_2302 = tpu.memref_squeeze %dma_wait3A_2301 : memref<1x64x128xf32, #tpu.memory_space<hbm>> -> memref<64x128xf32, #tpu.memory_space<hbm>>
    %dma_wait3A_2303 = arith.constant 0 : i32
    %dma_wait3A_2304 = arith.constant 0 : i32
    %dma_wait3A_2305 = tpu.memref_slice %arg6[%dma_wait3A_2298, %dma_wait3A_2303, %dma_wait3A_2304] : memref<128x64x128xf32, #tpu.memory_space<vmem>> -> memref<1x64x128xf32, #tpu.memory_space<vmem>>
    %dma_wait3A_2306 = tpu.memref_squeeze %dma_wait3A_2305 : memref<1x64x128xf32, #tpu.memory_space<vmem>> -> memref<64x128xf32, #tpu.memory_space<vmem>>
    tpu.wait_dma2 semaphore(%arg7 : memref<!tpu.dma_semaphore, #tpu.memory_space<semaphore_mem>>) src(%dma_wait3A_2306 : memref<64x128xf32, #tpu.memory_space<vmem>>) dst(%dma_wait3A_2302 : memref<64x128xf32, #tpu.memory_space<hbm>>)
    %dma_wait3A_2307 = arith.constant 28 : i32
    %dma_wait3A_2308 = arith.constant 28 : i32
    %dma_wait3A_2309 = arith.constant 0 : i32
    %dma_wait3A_2310 = tpu.memref_slice %arg5[%dma_wait3A_2308, %dma_wait3A_2309, %multiple_of3A_462] : memref<128x64x8192xf32, #tpu.memory_space<hbm>> -> memref<1x64x128xf32, #tpu.memory_space<hbm>>
    %dma_wait3A_2311 = tpu.memref_squeeze %dma_wait3A_2310 : memref<1x64x128xf32, #tpu.memory_space<hbm>> -> memref<64x128xf32, #tpu.memory_space<hbm>>
    %dma_wait3A_2312 = arith.constant 0 : i32
    %dma_wait3A_2313 = arith.constant 0 : i32
    %dma_wait3A_2314 = tpu.memref_slice %arg6[%dma_wait3A_2307, %dma_wait3A_2312, %dma_wait3A_2313] : memref<128x64x128xf32, #tpu.memory_space<vmem>> -> memref<1x64x128xf32, #tpu.memory_space<vmem>>
    %dma_wait3A_2315 = tpu.memref_squeeze %dma_wait3A_2314 : memref<1x64x128xf32, #tpu.memory_space<vmem>> -> memref<64x128xf32, #tpu.memory_space<vmem>>
    tpu.wait_dma2 semaphore(%arg7 : memref<!tpu.dma_semaphore, #tpu.memory_space<semaphore_mem>>) src(%dma_wait3A_2315 : memref<64x128xf32, #tpu.memory_space<vmem>>) dst(%dma_wait3A_2311 : memref<64x128xf32, #tpu.memory_space<hbm>>)
    %dma_wait3A_2316 = arith.constant 29 : i32
    %dma_wait3A_2317 = arith.constant 29 : i32
    %dma_wait3A_2318 = arith.constant 0 : i32
    %dma_wait3A_2319 = tpu.memref_slice %arg5[%dma_wait3A_2317, %dma_wait3A_2318, %multiple_of3A_478] : memref<128x64x8192xf32, #tpu.memory_space<hbm>> -> memref<1x64x128xf32, #tpu.memory_space<hbm>>
    %dma_wait3A_2320 = tpu.memref_squeeze %dma_wait3A_2319 : memref<1x64x128xf32, #tpu.memory_space<hbm>> -> memref<64x128xf32, #tpu.memory_space<hbm>>
    %dma_wait3A_2321 = arith.constant 0 : i32
    %dma_wait3A_2322 = arith.constant 0 : i32
    %dma_wait3A_2323 = tpu.memref_slice %arg6[%dma_wait3A_2316, %dma_wait3A_2321, %dma_wait3A_2322] : memref<128x64x128xf32, #tpu.memory_space<vmem>> -> memref<1x64x128xf32, #tpu.memory_space<vmem>>
    %dma_wait3A_2324 = tpu.memref_squeeze %dma_wait3A_2323 : memref<1x64x128xf32, #tpu.memory_space<vmem>> -> memref<64x128xf32, #tpu.memory_space<vmem>>
    tpu.wait_dma2 semaphore(%arg7 : memref<!tpu.dma_semaphore, #tpu.memory_space<semaphore_mem>>) src(%dma_wait3A_2324 : memref<64x128xf32, #tpu.memory_space<vmem>>) dst(%dma_wait3A_2320 : memref<64x128xf32, #tpu.memory_space<hbm>>)
    %dma_wait3A_2325 = arith.constant 30 : i32
    %dma_wait3A_2326 = arith.constant 30 : i32
    %dma_wait3A_2327 = arith.constant 0 : i32
    %dma_wait3A_2328 = tpu.memref_slice %arg5[%dma_wait3A_2326, %dma_wait3A_2327, %multiple_of3A_494] : memref<128x64x8192xf32, #tpu.memory_space<hbm>> -> memref<1x64x128xf32, #tpu.memory_space<hbm>>
    %dma_wait3A_2329 = tpu.memref_squeeze %dma_wait3A_2328 : memref<1x64x128xf32, #tpu.memory_space<hbm>> -> memref<64x128xf32, #tpu.memory_space<hbm>>
    %dma_wait3A_2330 = arith.constant 0 : i32
    %dma_wait3A_2331 = arith.constant 0 : i32
    %dma_wait3A_2332 = tpu.memref_slice %arg6[%dma_wait3A_2325, %dma_wait3A_2330, %dma_wait3A_2331] : memref<128x64x128xf32, #tpu.memory_space<vmem>> -> memref<1x64x128xf32, #tpu.memory_space<vmem>>
    %dma_wait3A_2333 = tpu.memref_squeeze %dma_wait3A_2332 : memref<1x64x128xf32, #tpu.memory_space<vmem>> -> memref<64x128xf32, #tpu.memory_space<vmem>>
    tpu.wait_dma2 semaphore(%arg7 : memref<!tpu.dma_semaphore, #tpu.memory_space<semaphore_mem>>) src(%dma_wait3A_2333 : memref<64x128xf32, #tpu.memory_space<vmem>>) dst(%dma_wait3A_2329 : memref<64x128xf32, #tpu.memory_space<hbm>>)
    %dma_wait3A_2334 = arith.constant 31 : i32
    %dma_wait3A_2335 = arith.constant 31 : i32
    %dma_wait3A_2336 = arith.constant 0 : i32
    %dma_wait3A_2337 = tpu.memref_slice %arg5[%dma_wait3A_2335, %dma_wait3A_2336, %multiple_of3A_510] : memref<128x64x8192xf32, #tpu.memory_space<hbm>> -> memref<1x64x128xf32, #tpu.memory_space<hbm>>
    %dma_wait3A_2338 = tpu.memref_squeeze %dma_wait3A_2337 : memref<1x64x128xf32, #tpu.memory_space<hbm>> -> memref<64x128xf32, #tpu.memory_space<hbm>>
    %dma_wait3A_2339 = arith.constant 0 : i32
    %dma_wait3A_2340 = arith.constant 0 : i32
    %dma_wait3A_2341 = tpu.memref_slice %arg6[%dma_wait3A_2334, %dma_wait3A_2339, %dma_wait3A_2340] : memref<128x64x128xf32, #tpu.memory_space<vmem>> -> memref<1x64x128xf32, #tpu.memory_space<vmem>>
    %dma_wait3A_2342 = tpu.memref_squeeze %dma_wait3A_2341 : memref<1x64x128xf32, #tpu.memory_space<vmem>> -> memref<64x128xf32, #tpu.memory_space<vmem>>
    tpu.wait_dma2 semaphore(%arg7 : memref<!tpu.dma_semaphore, #tpu.memory_space<semaphore_mem>>) src(%dma_wait3A_2342 : memref<64x128xf32, #tpu.memory_space<vmem>>) dst(%dma_wait3A_2338 : memref<64x128xf32, #tpu.memory_space<hbm>>)
    %dma_wait3A_2343 = arith.constant 32 : i32
    %dma_wait3A_2344 = arith.constant 32 : i32
    %dma_wait3A_2345 = arith.constant 0 : i32
    %dma_wait3A_2346 = tpu.memref_slice %arg5[%dma_wait3A_2344, %dma_wait3A_2345, %multiple_of3A_526] : memref<128x64x8192xf32, #tpu.memory_space<hbm>> -> memref<1x64x128xf32, #tpu.memory_space<hbm>>
    %dma_wait3A_2347 = tpu.memref_squeeze %dma_wait3A_2346 : memref<1x64x128xf32, #tpu.memory_space<hbm>> -> memref<64x128xf32, #tpu.memory_space<hbm>>
    %dma_wait3A_2348 = arith.constant 0 : i32
    %dma_wait3A_2349 = arith.constant 0 : i32
    %dma_wait3A_2350 = tpu.memref_slice %arg6[%dma_wait3A_2343, %dma_wait3A_2348, %dma_wait3A_2349] : memref<128x64x128xf32, #tpu.memory_space<vmem>> -> memref<1x64x128xf32, #tpu.memory_space<vmem>>
    %dma_wait3A_2351 = tpu.memref_squeeze %dma_wait3A_2350 : memref<1x64x128xf32, #tpu.memory_space<vmem>> -> memref<64x128xf32, #tpu.memory_space<vmem>>
    tpu.wait_dma2 semaphore(%arg7 : memref<!tpu.dma_semaphore, #tpu.memory_space<semaphore_mem>>) src(%dma_wait3A_2351 : memref<64x128xf32, #tpu.memory_space<vmem>>) dst(%dma_wait3A_2347 : memref<64x128xf32, #tpu.memory_space<hbm>>)
    %dma_wait3A_2352 = arith.constant 33 : i32
    %dma_wait3A_2353 = arith.constant 33 : i32
    %dma_wait3A_2354 = arith.constant 0 : i32
    %dma_wait3A_2355 = tpu.memref_slice %arg5[%dma_wait3A_2353, %dma_wait3A_2354, %multiple_of3A_542] : memref<128x64x8192xf32, #tpu.memory_space<hbm>> -> memref<1x64x128xf32, #tpu.memory_space<hbm>>
    %dma_wait3A_2356 = tpu.memref_squeeze %dma_wait3A_2355 : memref<1x64x128xf32, #tpu.memory_space<hbm>> -> memref<64x128xf32, #tpu.memory_space<hbm>>
    %dma_wait3A_2357 = arith.constant 0 : i32
    %dma_wait3A_2358 = arith.constant 0 : i32
    %dma_wait3A_2359 = tpu.memref_slice %arg6[%dma_wait3A_2352, %dma_wait3A_2357, %dma_wait3A_2358] : memref<128x64x128xf32, #tpu.memory_space<vmem>> -> memref<1x64x128xf32, #tpu.memory_space<vmem>>
    %dma_wait3A_2360 = tpu.memref_squeeze %dma_wait3A_2359 : memref<1x64x128xf32, #tpu.memory_space<vmem>> -> memref<64x128xf32, #tpu.memory_space<vmem>>
    tpu.wait_dma2 semaphore(%arg7 : memref<!tpu.dma_semaphore, #tpu.memory_space<semaphore_mem>>) src(%dma_wait3A_2360 : memref<64x128xf32, #tpu.memory_space<vmem>>) dst(%dma_wait3A_2356 : memref<64x128xf32, #tpu.memory_space<hbm>>)
    %dma_wait3A_2361 = arith.constant 34 : i32
    %dma_wait3A_2362 = arith.constant 34 : i32
    %dma_wait3A_2363 = arith.constant 0 : i32
    %dma_wait3A_2364 = tpu.memref_slice %arg5[%dma_wait3A_2362, %dma_wait3A_2363, %multiple_of3A_558] : memref<128x64x8192xf32, #tpu.memory_space<hbm>> -> memref<1x64x128xf32, #tpu.memory_space<hbm>>
    %dma_wait3A_2365 = tpu.memref_squeeze %dma_wait3A_2364 : memref<1x64x128xf32, #tpu.memory_space<hbm>> -> memref<64x128xf32, #tpu.memory_space<hbm>>
    %dma_wait3A_2366 = arith.constant 0 : i32
    %dma_wait3A_2367 = arith.constant 0 : i32
    %dma_wait3A_2368 = tpu.memref_slice %arg6[%dma_wait3A_2361, %dma_wait3A_2366, %dma_wait3A_2367] : memref<128x64x128xf32, #tpu.memory_space<vmem>> -> memref<1x64x128xf32, #tpu.memory_space<vmem>>
    %dma_wait3A_2369 = tpu.memref_squeeze %dma_wait3A_2368 : memref<1x64x128xf32, #tpu.memory_space<vmem>> -> memref<64x128xf32, #tpu.memory_space<vmem>>
    tpu.wait_dma2 semaphore(%arg7 : memref<!tpu.dma_semaphore, #tpu.memory_space<semaphore_mem>>) src(%dma_wait3A_2369 : memref<64x128xf32, #tpu.memory_space<vmem>>) dst(%dma_wait3A_2365 : memref<64x128xf32, #tpu.memory_space<hbm>>)
    %dma_wait3A_2370 = arith.constant 35 : i32
    %dma_wait3A_2371 = arith.constant 35 : i32
    %dma_wait3A_2372 = arith.constant 0 : i32
    %dma_wait3A_2373 = tpu.memref_slice %arg5[%dma_wait3A_2371, %dma_wait3A_2372, %multiple_of3A_574] : memref<128x64x8192xf32, #tpu.memory_space<hbm>> -> memref<1x64x128xf32, #tpu.memory_space<hbm>>
    %dma_wait3A_2374 = tpu.memref_squeeze %dma_wait3A_2373 : memref<1x64x128xf32, #tpu.memory_space<hbm>> -> memref<64x128xf32, #tpu.memory_space<hbm>>
    %dma_wait3A_2375 = arith.constant 0 : i32
    %dma_wait3A_2376 = arith.constant 0 : i32
    %dma_wait3A_2377 = tpu.memref_slice %arg6[%dma_wait3A_2370, %dma_wait3A_2375, %dma_wait3A_2376] : memref<128x64x128xf32, #tpu.memory_space<vmem>> -> memref<1x64x128xf32, #tpu.memory_space<vmem>>
    %dma_wait3A_2378 = tpu.memref_squeeze %dma_wait3A_2377 : memref<1x64x128xf32, #tpu.memory_space<vmem>> -> memref<64x128xf32, #tpu.memory_space<vmem>>
    tpu.wait_dma2 semaphore(%arg7 : memref<!tpu.dma_semaphore, #tpu.memory_space<semaphore_mem>>) src(%dma_wait3A_2378 : memref<64x128xf32, #tpu.memory_space<vmem>>) dst(%dma_wait3A_2374 : memref<64x128xf32, #tpu.memory_space<hbm>>)
    %dma_wait3A_2379 = arith.constant 36 : i32
    %dma_wait3A_2380 = arith.constant 36 : i32
    %dma_wait3A_2381 = arith.constant 0 : i32
    %dma_wait3A_2382 = tpu.memref_slice %arg5[%dma_wait3A_2380, %dma_wait3A_2381, %multiple_of3A_590] : memref<128x64x8192xf32, #tpu.memory_space<hbm>> -> memref<1x64x128xf32, #tpu.memory_space<hbm>>
    %dma_wait3A_2383 = tpu.memref_squeeze %dma_wait3A_2382 : memref<1x64x128xf32, #tpu.memory_space<hbm>> -> memref<64x128xf32, #tpu.memory_space<hbm>>
    %dma_wait3A_2384 = arith.constant 0 : i32
    %dma_wait3A_2385 = arith.constant 0 : i32
    %dma_wait3A_2386 = tpu.memref_slice %arg6[%dma_wait3A_2379, %dma_wait3A_2384, %dma_wait3A_2385] : memref<128x64x128xf32, #tpu.memory_space<vmem>> -> memref<1x64x128xf32, #tpu.memory_space<vmem>>
    %dma_wait3A_2387 = tpu.memref_squeeze %dma_wait3A_2386 : memref<1x64x128xf32, #tpu.memory_space<vmem>> -> memref<64x128xf32, #tpu.memory_space<vmem>>
    tpu.wait_dma2 semaphore(%arg7 : memref<!tpu.dma_semaphore, #tpu.memory_space<semaphore_mem>>) src(%dma_wait3A_2387 : memref<64x128xf32, #tpu.memory_space<vmem>>) dst(%dma_wait3A_2383 : memref<64x128xf32, #tpu.memory_space<hbm>>)
    %dma_wait3A_2388 = arith.constant 37 : i32
    %dma_wait3A_2389 = arith.constant 37 : i32
    %dma_wait3A_2390 = arith.constant 0 : i32
    %dma_wait3A_2391 = tpu.memref_slice %arg5[%dma_wait3A_2389, %dma_wait3A_2390, %multiple_of3A_606] : memref<128x64x8192xf32, #tpu.memory_space<hbm>> -> memref<1x64x128xf32, #tpu.memory_space<hbm>>
    %dma_wait3A_2392 = tpu.memref_squeeze %dma_wait3A_2391 : memref<1x64x128xf32, #tpu.memory_space<hbm>> -> memref<64x128xf32, #tpu.memory_space<hbm>>
    %dma_wait3A_2393 = arith.constant 0 : i32
    %dma_wait3A_2394 = arith.constant 0 : i32
    %dma_wait3A_2395 = tpu.memref_slice %arg6[%dma_wait3A_2388, %dma_wait3A_2393, %dma_wait3A_2394] : memref<128x64x128xf32, #tpu.memory_space<vmem>> -> memref<1x64x128xf32, #tpu.memory_space<vmem>>
    %dma_wait3A_2396 = tpu.memref_squeeze %dma_wait3A_2395 : memref<1x64x128xf32, #tpu.memory_space<vmem>> -> memref<64x128xf32, #tpu.memory_space<vmem>>
    tpu.wait_dma2 semaphore(%arg7 : memref<!tpu.dma_semaphore, #tpu.memory_space<semaphore_mem>>) src(%dma_wait3A_2396 : memref<64x128xf32, #tpu.memory_space<vmem>>) dst(%dma_wait3A_2392 : memref<64x128xf32, #tpu.memory_space<hbm>>)
    %dma_wait3A_2397 = arith.constant 38 : i32
    %dma_wait3A_2398 = arith.constant 38 : i32
    %dma_wait3A_2399 = arith.constant 0 : i32
    %dma_wait3A_2400 = tpu.memref_slice %arg5[%dma_wait3A_2398, %dma_wait3A_2399, %multiple_of3A_622] : memref<128x64x8192xf32, #tpu.memory_space<hbm>> -> memref<1x64x128xf32, #tpu.memory_space<hbm>>
    %dma_wait3A_2401 = tpu.memref_squeeze %dma_wait3A_2400 : memref<1x64x128xf32, #tpu.memory_space<hbm>> -> memref<64x128xf32, #tpu.memory_space<hbm>>
    %dma_wait3A_2402 = arith.constant 0 : i32
    %dma_wait3A_2403 = arith.constant 0 : i32
    %dma_wait3A_2404 = tpu.memref_slice %arg6[%dma_wait3A_2397, %dma_wait3A_2402, %dma_wait3A_2403] : memref<128x64x128xf32, #tpu.memory_space<vmem>> -> memref<1x64x128xf32, #tpu.memory_space<vmem>>
    %dma_wait3A_2405 = tpu.memref_squeeze %dma_wait3A_2404 : memref<1x64x128xf32, #tpu.memory_space<vmem>> -> memref<64x128xf32, #tpu.memory_space<vmem>>
    tpu.wait_dma2 semaphore(%arg7 : memref<!tpu.dma_semaphore, #tpu.memory_space<semaphore_mem>>) src(%dma_wait3A_2405 : memref<64x128xf32, #tpu.memory_space<vmem>>) dst(%dma_wait3A_2401 : memref<64x128xf32, #tpu.memory_space<hbm>>)
    %dma_wait3A_2406 = arith.constant 39 : i32
    %dma_wait3A_2407 = arith.constant 39 : i32
    %dma_wait3A_2408 = arith.constant 0 : i32
    %dma_wait3A_2409 = tpu.memref_slice %arg5[%dma_wait3A_2407, %dma_wait3A_2408, %multiple_of3A_638] : memref<128x64x8192xf32, #tpu.memory_space<hbm>> -> memref<1x64x128xf32, #tpu.memory_space<hbm>>
    %dma_wait3A_2410 = tpu.memref_squeeze %dma_wait3A_2409 : memref<1x64x128xf32, #tpu.memory_space<hbm>> -> memref<64x128xf32, #tpu.memory_space<hbm>>
    %dma_wait3A_2411 = arith.constant 0 : i32
    %dma_wait3A_2412 = arith.constant 0 : i32
    %dma_wait3A_2413 = tpu.memref_slice %arg6[%dma_wait3A_2406, %dma_wait3A_2411, %dma_wait3A_2412] : memref<128x64x128xf32, #tpu.memory_space<vmem>> -> memref<1x64x128xf32, #tpu.memory_space<vmem>>
    %dma_wait3A_2414 = tpu.memref_squeeze %dma_wait3A_2413 : memref<1x64x128xf32, #tpu.memory_space<vmem>> -> memref<64x128xf32, #tpu.memory_space<vmem>>
    tpu.wait_dma2 semaphore(%arg7 : memref<!tpu.dma_semaphore, #tpu.memory_space<semaphore_mem>>) src(%dma_wait3A_2414 : memref<64x128xf32, #tpu.memory_space<vmem>>) dst(%dma_wait3A_2410 : memref<64x128xf32, #tpu.memory_space<hbm>>)
    %dma_wait3A_2415 = arith.constant 40 : i32
    %dma_wait3A_2416 = arith.constant 40 : i32
    %dma_wait3A_2417 = arith.constant 0 : i32
    %dma_wait3A_2418 = tpu.memref_slice %arg5[%dma_wait3A_2416, %dma_wait3A_2417, %multiple_of3A_654] : memref<128x64x8192xf32, #tpu.memory_space<hbm>> -> memref<1x64x128xf32, #tpu.memory_space<hbm>>
    %dma_wait3A_2419 = tpu.memref_squeeze %dma_wait3A_2418 : memref<1x64x128xf32, #tpu.memory_space<hbm>> -> memref<64x128xf32, #tpu.memory_space<hbm>>
    %dma_wait3A_2420 = arith.constant 0 : i32
    %dma_wait3A_2421 = arith.constant 0 : i32
    %dma_wait3A_2422 = tpu.memref_slice %arg6[%dma_wait3A_2415, %dma_wait3A_2420, %dma_wait3A_2421] : memref<128x64x128xf32, #tpu.memory_space<vmem>> -> memref<1x64x128xf32, #tpu.memory_space<vmem>>
    %dma_wait3A_2423 = tpu.memref_squeeze %dma_wait3A_2422 : memref<1x64x128xf32, #tpu.memory_space<vmem>> -> memref<64x128xf32, #tpu.memory_space<vmem>>
    tpu.wait_dma2 semaphore(%arg7 : memref<!tpu.dma_semaphore, #tpu.memory_space<semaphore_mem>>) src(%dma_wait3A_2423 : memref<64x128xf32, #tpu.memory_space<vmem>>) dst(%dma_wait3A_2419 : memref<64x128xf32, #tpu.memory_space<hbm>>)
    %dma_wait3A_2424 = arith.constant 41 : i32
    %dma_wait3A_2425 = arith.constant 41 : i32
    %dma_wait3A_2426 = arith.constant 0 : i32
    %dma_wait3A_2427 = tpu.memref_slice %arg5[%dma_wait3A_2425, %dma_wait3A_2426, %multiple_of3A_670] : memref<128x64x8192xf32, #tpu.memory_space<hbm>> -> memref<1x64x128xf32, #tpu.memory_space<hbm>>
    %dma_wait3A_2428 = tpu.memref_squeeze %dma_wait3A_2427 : memref<1x64x128xf32, #tpu.memory_space<hbm>> -> memref<64x128xf32, #tpu.memory_space<hbm>>
    %dma_wait3A_2429 = arith.constant 0 : i32
    %dma_wait3A_2430 = arith.constant 0 : i32
    %dma_wait3A_2431 = tpu.memref_slice %arg6[%dma_wait3A_2424, %dma_wait3A_2429, %dma_wait3A_2430] : memref<128x64x128xf32, #tpu.memory_space<vmem>> -> memref<1x64x128xf32, #tpu.memory_space<vmem>>
    %dma_wait3A_2432 = tpu.memref_squeeze %dma_wait3A_2431 : memref<1x64x128xf32, #tpu.memory_space<vmem>> -> memref<64x128xf32, #tpu.memory_space<vmem>>
    tpu.wait_dma2 semaphore(%arg7 : memref<!tpu.dma_semaphore, #tpu.memory_space<semaphore_mem>>) src(%dma_wait3A_2432 : memref<64x128xf32, #tpu.memory_space<vmem>>) dst(%dma_wait3A_2428 : memref<64x128xf32, #tpu.memory_space<hbm>>)
    %dma_wait3A_2433 = arith.constant 42 : i32
    %dma_wait3A_2434 = arith.constant 42 : i32
    %dma_wait3A_2435 = arith.constant 0 : i32
    %dma_wait3A_2436 = tpu.memref_slice %arg5[%dma_wait3A_2434, %dma_wait3A_2435, %multiple_of3A_686] : memref<128x64x8192xf32, #tpu.memory_space<hbm>> -> memref<1x64x128xf32, #tpu.memory_space<hbm>>
    %dma_wait3A_2437 = tpu.memref_squeeze %dma_wait3A_2436 : memref<1x64x128xf32, #tpu.memory_space<hbm>> -> memref<64x128xf32, #tpu.memory_space<hbm>>
    %dma_wait3A_2438 = arith.constant 0 : i32
    %dma_wait3A_2439 = arith.constant 0 : i32
    %dma_wait3A_2440 = tpu.memref_slice %arg6[%dma_wait3A_2433, %dma_wait3A_2438, %dma_wait3A_2439] : memref<128x64x128xf32, #tpu.memory_space<vmem>> -> memref<1x64x128xf32, #tpu.memory_space<vmem>>
    %dma_wait3A_2441 = tpu.memref_squeeze %dma_wait3A_2440 : memref<1x64x128xf32, #tpu.memory_space<vmem>> -> memref<64x128xf32, #tpu.memory_space<vmem>>
    tpu.wait_dma2 semaphore(%arg7 : memref<!tpu.dma_semaphore, #tpu.memory_space<semaphore_mem>>) src(%dma_wait3A_2441 : memref<64x128xf32, #tpu.memory_space<vmem>>) dst(%dma_wait3A_2437 : memref<64x128xf32, #tpu.memory_space<hbm>>)
    %dma_wait3A_2442 = arith.constant 43 : i32
    %dma_wait3A_2443 = arith.constant 43 : i32
    %dma_wait3A_2444 = arith.constant 0 : i32
    %dma_wait3A_2445 = tpu.memref_slice %arg5[%dma_wait3A_2443, %dma_wait3A_2444, %multiple_of3A_702] : memref<128x64x8192xf32, #tpu.memory_space<hbm>> -> memref<1x64x128xf32, #tpu.memory_space<hbm>>
    %dma_wait3A_2446 = tpu.memref_squeeze %dma_wait3A_2445 : memref<1x64x128xf32, #tpu.memory_space<hbm>> -> memref<64x128xf32, #tpu.memory_space<hbm>>
    %dma_wait3A_2447 = arith.constant 0 : i32
    %dma_wait3A_2448 = arith.constant 0 : i32
    %dma_wait3A_2449 = tpu.memref_slice %arg6[%dma_wait3A_2442, %dma_wait3A_2447, %dma_wait3A_2448] : memref<128x64x128xf32, #tpu.memory_space<vmem>> -> memref<1x64x128xf32, #tpu.memory_space<vmem>>
    %dma_wait3A_2450 = tpu.memref_squeeze %dma_wait3A_2449 : memref<1x64x128xf32, #tpu.memory_space<vmem>> -> memref<64x128xf32, #tpu.memory_space<vmem>>
    tpu.wait_dma2 semaphore(%arg7 : memref<!tpu.dma_semaphore, #tpu.memory_space<semaphore_mem>>) src(%dma_wait3A_2450 : memref<64x128xf32, #tpu.memory_space<vmem>>) dst(%dma_wait3A_2446 : memref<64x128xf32, #tpu.memory_space<hbm>>)
    %dma_wait3A_2451 = arith.constant 44 : i32
    %dma_wait3A_2452 = arith.constant 44 : i32
    %dma_wait3A_2453 = arith.constant 0 : i32
    %dma_wait3A_2454 = tpu.memref_slice %arg5[%dma_wait3A_2452, %dma_wait3A_2453, %multiple_of3A_718] : memref<128x64x8192xf32, #tpu.memory_space<hbm>> -> memref<1x64x128xf32, #tpu.memory_space<hbm>>
    %dma_wait3A_2455 = tpu.memref_squeeze %dma_wait3A_2454 : memref<1x64x128xf32, #tpu.memory_space<hbm>> -> memref<64x128xf32, #tpu.memory_space<hbm>>
    %dma_wait3A_2456 = arith.constant 0 : i32
    %dma_wait3A_2457 = arith.constant 0 : i32
    %dma_wait3A_2458 = tpu.memref_slice %arg6[%dma_wait3A_2451, %dma_wait3A_2456, %dma_wait3A_2457] : memref<128x64x128xf32, #tpu.memory_space<vmem>> -> memref<1x64x128xf32, #tpu.memory_space<vmem>>
    %dma_wait3A_2459 = tpu.memref_squeeze %dma_wait3A_2458 : memref<1x64x128xf32, #tpu.memory_space<vmem>> -> memref<64x128xf32, #tpu.memory_space<vmem>>
    tpu.wait_dma2 semaphore(%arg7 : memref<!tpu.dma_semaphore, #tpu.memory_space<semaphore_mem>>) src(%dma_wait3A_2459 : memref<64x128xf32, #tpu.memory_space<vmem>>) dst(%dma_wait3A_2455 : memref<64x128xf32, #tpu.memory_space<hbm>>)
    %dma_wait3A_2460 = arith.constant 45 : i32
    %dma_wait3A_2461 = arith.constant 45 : i32
    %dma_wait3A_2462 = arith.constant 0 : i32
    %dma_wait3A_2463 = tpu.memref_slice %arg5[%dma_wait3A_2461, %dma_wait3A_2462, %multiple_of3A_734] : memref<128x64x8192xf32, #tpu.memory_space<hbm>> -> memref<1x64x128xf32, #tpu.memory_space<hbm>>
    %dma_wait3A_2464 = tpu.memref_squeeze %dma_wait3A_2463 : memref<1x64x128xf32, #tpu.memory_space<hbm>> -> memref<64x128xf32, #tpu.memory_space<hbm>>
    %dma_wait3A_2465 = arith.constant 0 : i32
    %dma_wait3A_2466 = arith.constant 0 : i32
    %dma_wait3A_2467 = tpu.memref_slice %arg6[%dma_wait3A_2460, %dma_wait3A_2465, %dma_wait3A_2466] : memref<128x64x128xf32, #tpu.memory_space<vmem>> -> memref<1x64x128xf32, #tpu.memory_space<vmem>>
    %dma_wait3A_2468 = tpu.memref_squeeze %dma_wait3A_2467 : memref<1x64x128xf32, #tpu.memory_space<vmem>> -> memref<64x128xf32, #tpu.memory_space<vmem>>
    tpu.wait_dma2 semaphore(%arg7 : memref<!tpu.dma_semaphore, #tpu.memory_space<semaphore_mem>>) src(%dma_wait3A_2468 : memref<64x128xf32, #tpu.memory_space<vmem>>) dst(%dma_wait3A_2464 : memref<64x128xf32, #tpu.memory_space<hbm>>)
    %dma_wait3A_2469 = arith.constant 46 : i32
    %dma_wait3A_2470 = arith.constant 46 : i32
    %dma_wait3A_2471 = arith.constant 0 : i32
    %dma_wait3A_2472 = tpu.memref_slice %arg5[%dma_wait3A_2470, %dma_wait3A_2471, %multiple_of3A_750] : memref<128x64x8192xf32, #tpu.memory_space<hbm>> -> memref<1x64x128xf32, #tpu.memory_space<hbm>>
    %dma_wait3A_2473 = tpu.memref_squeeze %dma_wait3A_2472 : memref<1x64x128xf32, #tpu.memory_space<hbm>> -> memref<64x128xf32, #tpu.memory_space<hbm>>
    %dma_wait3A_2474 = arith.constant 0 : i32
    %dma_wait3A_2475 = arith.constant 0 : i32
    %dma_wait3A_2476 = tpu.memref_slice %arg6[%dma_wait3A_2469, %dma_wait3A_2474, %dma_wait3A_2475] : memref<128x64x128xf32, #tpu.memory_space<vmem>> -> memref<1x64x128xf32, #tpu.memory_space<vmem>>
    %dma_wait3A_2477 = tpu.memref_squeeze %dma_wait3A_2476 : memref<1x64x128xf32, #tpu.memory_space<vmem>> -> memref<64x128xf32, #tpu.memory_space<vmem>>
    tpu.wait_dma2 semaphore(%arg7 : memref<!tpu.dma_semaphore, #tpu.memory_space<semaphore_mem>>) src(%dma_wait3A_2477 : memref<64x128xf32, #tpu.memory_space<vmem>>) dst(%dma_wait3A_2473 : memref<64x128xf32, #tpu.memory_space<hbm>>)
    %dma_wait3A_2478 = arith.constant 47 : i32
    %dma_wait3A_2479 = arith.constant 47 : i32
    %dma_wait3A_2480 = arith.constant 0 : i32
    %dma_wait3A_2481 = tpu.memref_slice %arg5[%dma_wait3A_2479, %dma_wait3A_2480, %multiple_of3A_766] : memref<128x64x8192xf32, #tpu.memory_space<hbm>> -> memref<1x64x128xf32, #tpu.memory_space<hbm>>
    %dma_wait3A_2482 = tpu.memref_squeeze %dma_wait3A_2481 : memref<1x64x128xf32, #tpu.memory_space<hbm>> -> memref<64x128xf32, #tpu.memory_space<hbm>>
    %dma_wait3A_2483 = arith.constant 0 : i32
    %dma_wait3A_2484 = arith.constant 0 : i32
    %dma_wait3A_2485 = tpu.memref_slice %arg6[%dma_wait3A_2478, %dma_wait3A_2483, %dma_wait3A_2484] : memref<128x64x128xf32, #tpu.memory_space<vmem>> -> memref<1x64x128xf32, #tpu.memory_space<vmem>>
    %dma_wait3A_2486 = tpu.memref_squeeze %dma_wait3A_2485 : memref<1x64x128xf32, #tpu.memory_space<vmem>> -> memref<64x128xf32, #tpu.memory_space<vmem>>
    tpu.wait_dma2 semaphore(%arg7 : memref<!tpu.dma_semaphore, #tpu.memory_space<semaphore_mem>>) src(%dma_wait3A_2486 : memref<64x128xf32, #tpu.memory_space<vmem>>) dst(%dma_wait3A_2482 : memref<64x128xf32, #tpu.memory_space<hbm>>)
    %dma_wait3A_2487 = arith.constant 48 : i32
    %dma_wait3A_2488 = arith.constant 48 : i32
    %dma_wait3A_2489 = arith.constant 0 : i32
    %dma_wait3A_2490 = tpu.memref_slice %arg5[%dma_wait3A_2488, %dma_wait3A_2489, %multiple_of3A_782] : memref<128x64x8192xf32, #tpu.memory_space<hbm>> -> memref<1x64x128xf32, #tpu.memory_space<hbm>>
    %dma_wait3A_2491 = tpu.memref_squeeze %dma_wait3A_2490 : memref<1x64x128xf32, #tpu.memory_space<hbm>> -> memref<64x128xf32, #tpu.memory_space<hbm>>
    %dma_wait3A_2492 = arith.constant 0 : i32
    %dma_wait3A_2493 = arith.constant 0 : i32
    %dma_wait3A_2494 = tpu.memref_slice %arg6[%dma_wait3A_2487, %dma_wait3A_2492, %dma_wait3A_2493] : memref<128x64x128xf32, #tpu.memory_space<vmem>> -> memref<1x64x128xf32, #tpu.memory_space<vmem>>
    %dma_wait3A_2495 = tpu.memref_squeeze %dma_wait3A_2494 : memref<1x64x128xf32, #tpu.memory_space<vmem>> -> memref<64x128xf32, #tpu.memory_space<vmem>>
    tpu.wait_dma2 semaphore(%arg7 : memref<!tpu.dma_semaphore, #tpu.memory_space<semaphore_mem>>) src(%dma_wait3A_2495 : memref<64x128xf32, #tpu.memory_space<vmem>>) dst(%dma_wait3A_2491 : memref<64x128xf32, #tpu.memory_space<hbm>>)
    %dma_wait3A_2496 = arith.constant 49 : i32
    %dma_wait3A_2497 = arith.constant 49 : i32
    %dma_wait3A_2498 = arith.constant 0 : i32
    %dma_wait3A_2499 = tpu.memref_slice %arg5[%dma_wait3A_2497, %dma_wait3A_2498, %multiple_of3A_798] : memref<128x64x8192xf32, #tpu.memory_space<hbm>> -> memref<1x64x128xf32, #tpu.memory_space<hbm>>
    %dma_wait3A_2500 = tpu.memref_squeeze %dma_wait3A_2499 : memref<1x64x128xf32, #tpu.memory_space<hbm>> -> memref<64x128xf32, #tpu.memory_space<hbm>>
    %dma_wait3A_2501 = arith.constant 0 : i32
    %dma_wait3A_2502 = arith.constant 0 : i32
    %dma_wait3A_2503 = tpu.memref_slice %arg6[%dma_wait3A_2496, %dma_wait3A_2501, %dma_wait3A_2502] : memref<128x64x128xf32, #tpu.memory_space<vmem>> -> memref<1x64x128xf32, #tpu.memory_space<vmem>>
    %dma_wait3A_2504 = tpu.memref_squeeze %dma_wait3A_2503 : memref<1x64x128xf32, #tpu.memory_space<vmem>> -> memref<64x128xf32, #tpu.memory_space<vmem>>
    tpu.wait_dma2 semaphore(%arg7 : memref<!tpu.dma_semaphore, #tpu.memory_space<semaphore_mem>>) src(%dma_wait3A_2504 : memref<64x128xf32, #tpu.memory_space<vmem>>) dst(%dma_wait3A_2500 : memref<64x128xf32, #tpu.memory_space<hbm>>)
    %dma_wait3A_2505 = arith.constant 50 : i32
    %dma_wait3A_2506 = arith.constant 50 : i32
    %dma_wait3A_2507 = arith.constant 0 : i32
    %dma_wait3A_2508 = tpu.memref_slice %arg5[%dma_wait3A_2506, %dma_wait3A_2507, %multiple_of3A_814] : memref<128x64x8192xf32, #tpu.memory_space<hbm>> -> memref<1x64x128xf32, #tpu.memory_space<hbm>>
    %dma_wait3A_2509 = tpu.memref_squeeze %dma_wait3A_2508 : memref<1x64x128xf32, #tpu.memory_space<hbm>> -> memref<64x128xf32, #tpu.memory_space<hbm>>
    %dma_wait3A_2510 = arith.constant 0 : i32
    %dma_wait3A_2511 = arith.constant 0 : i32
    %dma_wait3A_2512 = tpu.memref_slice %arg6[%dma_wait3A_2505, %dma_wait3A_2510, %dma_wait3A_2511] : memref<128x64x128xf32, #tpu.memory_space<vmem>> -> memref<1x64x128xf32, #tpu.memory_space<vmem>>
    %dma_wait3A_2513 = tpu.memref_squeeze %dma_wait3A_2512 : memref<1x64x128xf32, #tpu.memory_space<vmem>> -> memref<64x128xf32, #tpu.memory_space<vmem>>
    tpu.wait_dma2 semaphore(%arg7 : memref<!tpu.dma_semaphore, #tpu.memory_space<semaphore_mem>>) src(%dma_wait3A_2513 : memref<64x128xf32, #tpu.memory_space<vmem>>) dst(%dma_wait3A_2509 : memref<64x128xf32, #tpu.memory_space<hbm>>)
    %dma_wait3A_2514 = arith.constant 51 : i32
    %dma_wait3A_2515 = arith.constant 51 : i32
    %dma_wait3A_2516 = arith.constant 0 : i32
    %dma_wait3A_2517 = tpu.memref_slice %arg5[%dma_wait3A_2515, %dma_wait3A_2516, %multiple_of3A_830] : memref<128x64x8192xf32, #tpu.memory_space<hbm>> -> memref<1x64x128xf32, #tpu.memory_space<hbm>>
    %dma_wait3A_2518 = tpu.memref_squeeze %dma_wait3A_2517 : memref<1x64x128xf32, #tpu.memory_space<hbm>> -> memref<64x128xf32, #tpu.memory_space<hbm>>
    %dma_wait3A_2519 = arith.constant 0 : i32
    %dma_wait3A_2520 = arith.constant 0 : i32
    %dma_wait3A_2521 = tpu.memref_slice %arg6[%dma_wait3A_2514, %dma_wait3A_2519, %dma_wait3A_2520] : memref<128x64x128xf32, #tpu.memory_space<vmem>> -> memref<1x64x128xf32, #tpu.memory_space<vmem>>
    %dma_wait3A_2522 = tpu.memref_squeeze %dma_wait3A_2521 : memref<1x64x128xf32, #tpu.memory_space<vmem>> -> memref<64x128xf32, #tpu.memory_space<vmem>>
    tpu.wait_dma2 semaphore(%arg7 : memref<!tpu.dma_semaphore, #tpu.memory_space<semaphore_mem>>) src(%dma_wait3A_2522 : memref<64x128xf32, #tpu.memory_space<vmem>>) dst(%dma_wait3A_2518 : memref<64x128xf32, #tpu.memory_space<hbm>>)
    %dma_wait3A_2523 = arith.constant 52 : i32
    %dma_wait3A_2524 = arith.constant 52 : i32
    %dma_wait3A_2525 = arith.constant 0 : i32
    %dma_wait3A_2526 = tpu.memref_slice %arg5[%dma_wait3A_2524, %dma_wait3A_2525, %multiple_of3A_846] : memref<128x64x8192xf32, #tpu.memory_space<hbm>> -> memref<1x64x128xf32, #tpu.memory_space<hbm>>
    %dma_wait3A_2527 = tpu.memref_squeeze %dma_wait3A_2526 : memref<1x64x128xf32, #tpu.memory_space<hbm>> -> memref<64x128xf32, #tpu.memory_space<hbm>>
    %dma_wait3A_2528 = arith.constant 0 : i32
    %dma_wait3A_2529 = arith.constant 0 : i32
    %dma_wait3A_2530 = tpu.memref_slice %arg6[%dma_wait3A_2523, %dma_wait3A_2528, %dma_wait3A_2529] : memref<128x64x128xf32, #tpu.memory_space<vmem>> -> memref<1x64x128xf32, #tpu.memory_space<vmem>>
    %dma_wait3A_2531 = tpu.memref_squeeze %dma_wait3A_2530 : memref<1x64x128xf32, #tpu.memory_space<vmem>> -> memref<64x128xf32, #tpu.memory_space<vmem>>
    tpu.wait_dma2 semaphore(%arg7 : memref<!tpu.dma_semaphore, #tpu.memory_space<semaphore_mem>>) src(%dma_wait3A_2531 : memref<64x128xf32, #tpu.memory_space<vmem>>) dst(%dma_wait3A_2527 : memref<64x128xf32, #tpu.memory_space<hbm>>)
    %dma_wait3A_2532 = arith.constant 53 : i32
    %dma_wait3A_2533 = arith.constant 53 : i32
    %dma_wait3A_2534 = arith.constant 0 : i32
    %dma_wait3A_2535 = tpu.memref_slice %arg5[%dma_wait3A_2533, %dma_wait3A_2534, %multiple_of3A_862] : memref<128x64x8192xf32, #tpu.memory_space<hbm>> -> memref<1x64x128xf32, #tpu.memory_space<hbm>>
    %dma_wait3A_2536 = tpu.memref_squeeze %dma_wait3A_2535 : memref<1x64x128xf32, #tpu.memory_space<hbm>> -> memref<64x128xf32, #tpu.memory_space<hbm>>
    %dma_wait3A_2537 = arith.constant 0 : i32
    %dma_wait3A_2538 = arith.constant 0 : i32
    %dma_wait3A_2539 = tpu.memref_slice %arg6[%dma_wait3A_2532, %dma_wait3A_2537, %dma_wait3A_2538] : memref<128x64x128xf32, #tpu.memory_space<vmem>> -> memref<1x64x128xf32, #tpu.memory_space<vmem>>
    %dma_wait3A_2540 = tpu.memref_squeeze %dma_wait3A_2539 : memref<1x64x128xf32, #tpu.memory_space<vmem>> -> memref<64x128xf32, #tpu.memory_space<vmem>>
    tpu.wait_dma2 semaphore(%arg7 : memref<!tpu.dma_semaphore, #tpu.memory_space<semaphore_mem>>) src(%dma_wait3A_2540 : memref<64x128xf32, #tpu.memory_space<vmem>>) dst(%dma_wait3A_2536 : memref<64x128xf32, #tpu.memory_space<hbm>>)
    %dma_wait3A_2541 = arith.constant 54 : i32
    %dma_wait3A_2542 = arith.constant 54 : i32
    %dma_wait3A_2543 = arith.constant 0 : i32
    %dma_wait3A_2544 = tpu.memref_slice %arg5[%dma_wait3A_2542, %dma_wait3A_2543, %multiple_of3A_878] : memref<128x64x8192xf32, #tpu.memory_space<hbm>> -> memref<1x64x128xf32, #tpu.memory_space<hbm>>
    %dma_wait3A_2545 = tpu.memref_squeeze %dma_wait3A_2544 : memref<1x64x128xf32, #tpu.memory_space<hbm>> -> memref<64x128xf32, #tpu.memory_space<hbm>>
    %dma_wait3A_2546 = arith.constant 0 : i32
    %dma_wait3A_2547 = arith.constant 0 : i32
    %dma_wait3A_2548 = tpu.memref_slice %arg6[%dma_wait3A_2541, %dma_wait3A_2546, %dma_wait3A_2547] : memref<128x64x128xf32, #tpu.memory_space<vmem>> -> memref<1x64x128xf32, #tpu.memory_space<vmem>>
    %dma_wait3A_2549 = tpu.memref_squeeze %dma_wait3A_2548 : memref<1x64x128xf32, #tpu.memory_space<vmem>> -> memref<64x128xf32, #tpu.memory_space<vmem>>
    tpu.wait_dma2 semaphore(%arg7 : memref<!tpu.dma_semaphore, #tpu.memory_space<semaphore_mem>>) src(%dma_wait3A_2549 : memref<64x128xf32, #tpu.memory_space<vmem>>) dst(%dma_wait3A_2545 : memref<64x128xf32, #tpu.memory_space<hbm>>)
    %dma_wait3A_2550 = arith.constant 55 : i32
    %dma_wait3A_2551 = arith.constant 55 : i32
    %dma_wait3A_2552 = arith.constant 0 : i32
    %dma_wait3A_2553 = tpu.memref_slice %arg5[%dma_wait3A_2551, %dma_wait3A_2552, %multiple_of3A_894] : memref<128x64x8192xf32, #tpu.memory_space<hbm>> -> memref<1x64x128xf32, #tpu.memory_space<hbm>>
    %dma_wait3A_2554 = tpu.memref_squeeze %dma_wait3A_2553 : memref<1x64x128xf32, #tpu.memory_space<hbm>> -> memref<64x128xf32, #tpu.memory_space<hbm>>
    %dma_wait3A_2555 = arith.constant 0 : i32
    %dma_wait3A_2556 = arith.constant 0 : i32
    %dma_wait3A_2557 = tpu.memref_slice %arg6[%dma_wait3A_2550, %dma_wait3A_2555, %dma_wait3A_2556] : memref<128x64x128xf32, #tpu.memory_space<vmem>> -> memref<1x64x128xf32, #tpu.memory_space<vmem>>
    %dma_wait3A_2558 = tpu.memref_squeeze %dma_wait3A_2557 : memref<1x64x128xf32, #tpu.memory_space<vmem>> -> memref<64x128xf32, #tpu.memory_space<vmem>>
    tpu.wait_dma2 semaphore(%arg7 : memref<!tpu.dma_semaphore, #tpu.memory_space<semaphore_mem>>) src(%dma_wait3A_2558 : memref<64x128xf32, #tpu.memory_space<vmem>>) dst(%dma_wait3A_2554 : memref<64x128xf32, #tpu.memory_space<hbm>>)
    %dma_wait3A_2559 = arith.constant 56 : i32
    %dma_wait3A_2560 = arith.constant 56 : i32
    %dma_wait3A_2561 = arith.constant 0 : i32
    %dma_wait3A_2562 = tpu.memref_slice %arg5[%dma_wait3A_2560, %dma_wait3A_2561, %multiple_of3A_910] : memref<128x64x8192xf32, #tpu.memory_space<hbm>> -> memref<1x64x128xf32, #tpu.memory_space<hbm>>
    %dma_wait3A_2563 = tpu.memref_squeeze %dma_wait3A_2562 : memref<1x64x128xf32, #tpu.memory_space<hbm>> -> memref<64x128xf32, #tpu.memory_space<hbm>>
    %dma_wait3A_2564 = arith.constant 0 : i32
    %dma_wait3A_2565 = arith.constant 0 : i32
    %dma_wait3A_2566 = tpu.memref_slice %arg6[%dma_wait3A_2559, %dma_wait3A_2564, %dma_wait3A_2565] : memref<128x64x128xf32, #tpu.memory_space<vmem>> -> memref<1x64x128xf32, #tpu.memory_space<vmem>>
    %dma_wait3A_2567 = tpu.memref_squeeze %dma_wait3A_2566 : memref<1x64x128xf32, #tpu.memory_space<vmem>> -> memref<64x128xf32, #tpu.memory_space<vmem>>
    tpu.wait_dma2 semaphore(%arg7 : memref<!tpu.dma_semaphore, #tpu.memory_space<semaphore_mem>>) src(%dma_wait3A_2567 : memref<64x128xf32, #tpu.memory_space<vmem>>) dst(%dma_wait3A_2563 : memref<64x128xf32, #tpu.memory_space<hbm>>)
    %dma_wait3A_2568 = arith.constant 57 : i32
    %dma_wait3A_2569 = arith.constant 57 : i32
    %dma_wait3A_2570 = arith.constant 0 : i32
    %dma_wait3A_2571 = tpu.memref_slice %arg5[%dma_wait3A_2569, %dma_wait3A_2570, %multiple_of3A_926] : memref<128x64x8192xf32, #tpu.memory_space<hbm>> -> memref<1x64x128xf32, #tpu.memory_space<hbm>>
    %dma_wait3A_2572 = tpu.memref_squeeze %dma_wait3A_2571 : memref<1x64x128xf32, #tpu.memory_space<hbm>> -> memref<64x128xf32, #tpu.memory_space<hbm>>
    %dma_wait3A_2573 = arith.constant 0 : i32
    %dma_wait3A_2574 = arith.constant 0 : i32
    %dma_wait3A_2575 = tpu.memref_slice %arg6[%dma_wait3A_2568, %dma_wait3A_2573, %dma_wait3A_2574] : memref<128x64x128xf32, #tpu.memory_space<vmem>> -> memref<1x64x128xf32, #tpu.memory_space<vmem>>
    %dma_wait3A_2576 = tpu.memref_squeeze %dma_wait3A_2575 : memref<1x64x128xf32, #tpu.memory_space<vmem>> -> memref<64x128xf32, #tpu.memory_space<vmem>>
    tpu.wait_dma2 semaphore(%arg7 : memref<!tpu.dma_semaphore, #tpu.memory_space<semaphore_mem>>) src(%dma_wait3A_2576 : memref<64x128xf32, #tpu.memory_space<vmem>>) dst(%dma_wait3A_2572 : memref<64x128xf32, #tpu.memory_space<hbm>>)
    %dma_wait3A_2577 = arith.constant 58 : i32
    %dma_wait3A_2578 = arith.constant 58 : i32
    %dma_wait3A_2579 = arith.constant 0 : i32
    %dma_wait3A_2580 = tpu.memref_slice %arg5[%dma_wait3A_2578, %dma_wait3A_2579, %multiple_of3A_942] : memref<128x64x8192xf32, #tpu.memory_space<hbm>> -> memref<1x64x128xf32, #tpu.memory_space<hbm>>
    %dma_wait3A_2581 = tpu.memref_squeeze %dma_wait3A_2580 : memref<1x64x128xf32, #tpu.memory_space<hbm>> -> memref<64x128xf32, #tpu.memory_space<hbm>>
    %dma_wait3A_2582 = arith.constant 0 : i32
    %dma_wait3A_2583 = arith.constant 0 : i32
    %dma_wait3A_2584 = tpu.memref_slice %arg6[%dma_wait3A_2577, %dma_wait3A_2582, %dma_wait3A_2583] : memref<128x64x128xf32, #tpu.memory_space<vmem>> -> memref<1x64x128xf32, #tpu.memory_space<vmem>>
    %dma_wait3A_2585 = tpu.memref_squeeze %dma_wait3A_2584 : memref<1x64x128xf32, #tpu.memory_space<vmem>> -> memref<64x128xf32, #tpu.memory_space<vmem>>
    tpu.wait_dma2 semaphore(%arg7 : memref<!tpu.dma_semaphore, #tpu.memory_space<semaphore_mem>>) src(%dma_wait3A_2585 : memref<64x128xf32, #tpu.memory_space<vmem>>) dst(%dma_wait3A_2581 : memref<64x128xf32, #tpu.memory_space<hbm>>)
    %dma_wait3A_2586 = arith.constant 59 : i32
    %dma_wait3A_2587 = arith.constant 59 : i32
    %dma_wait3A_2588 = arith.constant 0 : i32
    %dma_wait3A_2589 = tpu.memref_slice %arg5[%dma_wait3A_2587, %dma_wait3A_2588, %multiple_of3A_958] : memref<128x64x8192xf32, #tpu.memory_space<hbm>> -> memref<1x64x128xf32, #tpu.memory_space<hbm>>
    %dma_wait3A_2590 = tpu.memref_squeeze %dma_wait3A_2589 : memref<1x64x128xf32, #tpu.memory_space<hbm>> -> memref<64x128xf32, #tpu.memory_space<hbm>>
    %dma_wait3A_2591 = arith.constant 0 : i32
    %dma_wait3A_2592 = arith.constant 0 : i32
    %dma_wait3A_2593 = tpu.memref_slice %arg6[%dma_wait3A_2586, %dma_wait3A_2591, %dma_wait3A_2592] : memref<128x64x128xf32, #tpu.memory_space<vmem>> -> memref<1x64x128xf32, #tpu.memory_space<vmem>>
    %dma_wait3A_2594 = tpu.memref_squeeze %dma_wait3A_2593 : memref<1x64x128xf32, #tpu.memory_space<vmem>> -> memref<64x128xf32, #tpu.memory_space<vmem>>
    tpu.wait_dma2 semaphore(%arg7 : memref<!tpu.dma_semaphore, #tpu.memory_space<semaphore_mem>>) src(%dma_wait3A_2594 : memref<64x128xf32, #tpu.memory_space<vmem>>) dst(%dma_wait3A_2590 : memref<64x128xf32, #tpu.memory_space<hbm>>)
    %dma_wait3A_2595 = arith.constant 60 : i32
    %dma_wait3A_2596 = arith.constant 60 : i32
    %dma_wait3A_2597 = arith.constant 0 : i32
    %dma_wait3A_2598 = tpu.memref_slice %arg5[%dma_wait3A_2596, %dma_wait3A_2597, %multiple_of3A_974] : memref<128x64x8192xf32, #tpu.memory_space<hbm>> -> memref<1x64x128xf32, #tpu.memory_space<hbm>>
    %dma_wait3A_2599 = tpu.memref_squeeze %dma_wait3A_2598 : memref<1x64x128xf32, #tpu.memory_space<hbm>> -> memref<64x128xf32, #tpu.memory_space<hbm>>
    %dma_wait3A_2600 = arith.constant 0 : i32
    %dma_wait3A_2601 = arith.constant 0 : i32
    %dma_wait3A_2602 = tpu.memref_slice %arg6[%dma_wait3A_2595, %dma_wait3A_2600, %dma_wait3A_2601] : memref<128x64x128xf32, #tpu.memory_space<vmem>> -> memref<1x64x128xf32, #tpu.memory_space<vmem>>
    %dma_wait3A_2603 = tpu.memref_squeeze %dma_wait3A_2602 : memref<1x64x128xf32, #tpu.memory_space<vmem>> -> memref<64x128xf32, #tpu.memory_space<vmem>>
    tpu.wait_dma2 semaphore(%arg7 : memref<!tpu.dma_semaphore, #tpu.memory_space<semaphore_mem>>) src(%dma_wait3A_2603 : memref<64x128xf32, #tpu.memory_space<vmem>>) dst(%dma_wait3A_2599 : memref<64x128xf32, #tpu.memory_space<hbm>>)
    %dma_wait3A_2604 = arith.constant 61 : i32
    %dma_wait3A_2605 = arith.constant 61 : i32
    %dma_wait3A_2606 = arith.constant 0 : i32
    %dma_wait3A_2607 = tpu.memref_slice %arg5[%dma_wait3A_2605, %dma_wait3A_2606, %multiple_of3A_990] : memref<128x64x8192xf32, #tpu.memory_space<hbm>> -> memref<1x64x128xf32, #tpu.memory_space<hbm>>
    %dma_wait3A_2608 = tpu.memref_squeeze %dma_wait3A_2607 : memref<1x64x128xf32, #tpu.memory_space<hbm>> -> memref<64x128xf32, #tpu.memory_space<hbm>>
    %dma_wait3A_2609 = arith.constant 0 : i32
    %dma_wait3A_2610 = arith.constant 0 : i32
    %dma_wait3A_2611 = tpu.memref_slice %arg6[%dma_wait3A_2604, %dma_wait3A_2609, %dma_wait3A_2610] : memref<128x64x128xf32, #tpu.memory_space<vmem>> -> memref<1x64x128xf32, #tpu.memory_space<vmem>>
    %dma_wait3A_2612 = tpu.memref_squeeze %dma_wait3A_2611 : memref<1x64x128xf32, #tpu.memory_space<vmem>> -> memref<64x128xf32, #tpu.memory_space<vmem>>
    tpu.wait_dma2 semaphore(%arg7 : memref<!tpu.dma_semaphore, #tpu.memory_space<semaphore_mem>>) src(%dma_wait3A_2612 : memref<64x128xf32, #tpu.memory_space<vmem>>) dst(%dma_wait3A_2608 : memref<64x128xf32, #tpu.memory_space<hbm>>)
    %dma_wait3A_2613 = arith.constant 62 : i32
    %dma_wait3A_2614 = arith.constant 62 : i32
    %dma_wait3A_2615 = arith.constant 0 : i32
    %dma_wait3A_2616 = tpu.memref_slice %arg5[%dma_wait3A_2614, %dma_wait3A_2615, %multiple_of3A_1006] : memref<128x64x8192xf32, #tpu.memory_space<hbm>> -> memref<1x64x128xf32, #tpu.memory_space<hbm>>
    %dma_wait3A_2617 = tpu.memref_squeeze %dma_wait3A_2616 : memref<1x64x128xf32, #tpu.memory_space<hbm>> -> memref<64x128xf32, #tpu.memory_space<hbm>>
    %dma_wait3A_2618 = arith.constant 0 : i32
    %dma_wait3A_2619 = arith.constant 0 : i32
    %dma_wait3A_2620 = tpu.memref_slice %arg6[%dma_wait3A_2613, %dma_wait3A_2618, %dma_wait3A_2619] : memref<128x64x128xf32, #tpu.memory_space<vmem>> -> memref<1x64x128xf32, #tpu.memory_space<vmem>>
    %dma_wait3A_2621 = tpu.memref_squeeze %dma_wait3A_2620 : memref<1x64x128xf32, #tpu.memory_space<vmem>> -> memref<64x128xf32, #tpu.memory_space<vmem>>
    tpu.wait_dma2 semaphore(%arg7 : memref<!tpu.dma_semaphore, #tpu.memory_space<semaphore_mem>>) src(%dma_wait3A_2621 : memref<64x128xf32, #tpu.memory_space<vmem>>) dst(%dma_wait3A_2617 : memref<64x128xf32, #tpu.memory_space<hbm>>)
    %dma_wait3A_2622 = arith.constant 63 : i32
    %dma_wait3A_2623 = arith.constant 63 : i32
    %dma_wait3A_2624 = arith.constant 0 : i32
    %dma_wait3A_2625 = tpu.memref_slice %arg5[%dma_wait3A_2623, %dma_wait3A_2624, %multiple_of3A_1022] : memref<128x64x8192xf32, #tpu.memory_space<hbm>> -> memref<1x64x128xf32, #tpu.memory_space<hbm>>
    %dma_wait3A_2626 = tpu.memref_squeeze %dma_wait3A_2625 : memref<1x64x128xf32, #tpu.memory_space<hbm>> -> memref<64x128xf32, #tpu.memory_space<hbm>>
    %dma_wait3A_2627 = arith.constant 0 : i32
    %dma_wait3A_2628 = arith.constant 0 : i32
    %dma_wait3A_2629 = tpu.memref_slice %arg6[%dma_wait3A_2622, %dma_wait3A_2627, %dma_wait3A_2628] : memref<128x64x128xf32, #tpu.memory_space<vmem>> -> memref<1x64x128xf32, #tpu.memory_space<vmem>>
    %dma_wait3A_2630 = tpu.memref_squeeze %dma_wait3A_2629 : memref<1x64x128xf32, #tpu.memory_space<vmem>> -> memref<64x128xf32, #tpu.memory_space<vmem>>
    tpu.wait_dma2 semaphore(%arg7 : memref<!tpu.dma_semaphore, #tpu.memory_space<semaphore_mem>>) src(%dma_wait3A_2630 : memref<64x128xf32, #tpu.memory_space<vmem>>) dst(%dma_wait3A_2626 : memref<64x128xf32, #tpu.memory_space<hbm>>)
    %dma_wait3A_2631 = arith.constant 64 : i32
    %dma_wait3A_2632 = arith.constant 64 : i32
    %dma_wait3A_2633 = arith.constant 0 : i32
    %dma_wait3A_2634 = tpu.memref_slice %arg5[%dma_wait3A_2632, %dma_wait3A_2633, %multiple_of3A_1038] : memref<128x64x8192xf32, #tpu.memory_space<hbm>> -> memref<1x64x128xf32, #tpu.memory_space<hbm>>
    %dma_wait3A_2635 = tpu.memref_squeeze %dma_wait3A_2634 : memref<1x64x128xf32, #tpu.memory_space<hbm>> -> memref<64x128xf32, #tpu.memory_space<hbm>>
    %dma_wait3A_2636 = arith.constant 0 : i32
    %dma_wait3A_2637 = arith.constant 0 : i32
    %dma_wait3A_2638 = tpu.memref_slice %arg6[%dma_wait3A_2631, %dma_wait3A_2636, %dma_wait3A_2637] : memref<128x64x128xf32, #tpu.memory_space<vmem>> -> memref<1x64x128xf32, #tpu.memory_space<vmem>>
    %dma_wait3A_2639 = tpu.memref_squeeze %dma_wait3A_2638 : memref<1x64x128xf32, #tpu.memory_space<vmem>> -> memref<64x128xf32, #tpu.memory_space<vmem>>
    tpu.wait_dma2 semaphore(%arg7 : memref<!tpu.dma_semaphore, #tpu.memory_space<semaphore_mem>>) src(%dma_wait3A_2639 : memref<64x128xf32, #tpu.memory_space<vmem>>) dst(%dma_wait3A_2635 : memref<64x128xf32, #tpu.memory_space<hbm>>)
    %dma_wait3A_2640 = arith.constant 65 : i32
    %dma_wait3A_2641 = arith.constant 65 : i32
    %dma_wait3A_2642 = arith.constant 0 : i32
    %dma_wait3A_2643 = tpu.memref_slice %arg5[%dma_wait3A_2641, %dma_wait3A_2642, %multiple_of3A_1054] : memref<128x64x8192xf32, #tpu.memory_space<hbm>> -> memref<1x64x128xf32, #tpu.memory_space<hbm>>
    %dma_wait3A_2644 = tpu.memref_squeeze %dma_wait3A_2643 : memref<1x64x128xf32, #tpu.memory_space<hbm>> -> memref<64x128xf32, #tpu.memory_space<hbm>>
    %dma_wait3A_2645 = arith.constant 0 : i32
    %dma_wait3A_2646 = arith.constant 0 : i32
    %dma_wait3A_2647 = tpu.memref_slice %arg6[%dma_wait3A_2640, %dma_wait3A_2645, %dma_wait3A_2646] : memref<128x64x128xf32, #tpu.memory_space<vmem>> -> memref<1x64x128xf32, #tpu.memory_space<vmem>>
    %dma_wait3A_2648 = tpu.memref_squeeze %dma_wait3A_2647 : memref<1x64x128xf32, #tpu.memory_space<vmem>> -> memref<64x128xf32, #tpu.memory_space<vmem>>
    tpu.wait_dma2 semaphore(%arg7 : memref<!tpu.dma_semaphore, #tpu.memory_space<semaphore_mem>>) src(%dma_wait3A_2648 : memref<64x128xf32, #tpu.memory_space<vmem>>) dst(%dma_wait3A_2644 : memref<64x128xf32, #tpu.memory_space<hbm>>)
    %dma_wait3A_2649 = arith.constant 66 : i32
    %dma_wait3A_2650 = arith.constant 66 : i32
    %dma_wait3A_2651 = arith.constant 0 : i32
    %dma_wait3A_2652 = tpu.memref_slice %arg5[%dma_wait3A_2650, %dma_wait3A_2651, %multiple_of3A_1070] : memref<128x64x8192xf32, #tpu.memory_space<hbm>> -> memref<1x64x128xf32, #tpu.memory_space<hbm>>
    %dma_wait3A_2653 = tpu.memref_squeeze %dma_wait3A_2652 : memref<1x64x128xf32, #tpu.memory_space<hbm>> -> memref<64x128xf32, #tpu.memory_space<hbm>>
    %dma_wait3A_2654 = arith.constant 0 : i32
    %dma_wait3A_2655 = arith.constant 0 : i32
    %dma_wait3A_2656 = tpu.memref_slice %arg6[%dma_wait3A_2649, %dma_wait3A_2654, %dma_wait3A_2655] : memref<128x64x128xf32, #tpu.memory_space<vmem>> -> memref<1x64x128xf32, #tpu.memory_space<vmem>>
    %dma_wait3A_2657 = tpu.memref_squeeze %dma_wait3A_2656 : memref<1x64x128xf32, #tpu.memory_space<vmem>> -> memref<64x128xf32, #tpu.memory_space<vmem>>
    tpu.wait_dma2 semaphore(%arg7 : memref<!tpu.dma_semaphore, #tpu.memory_space<semaphore_mem>>) src(%dma_wait3A_2657 : memref<64x128xf32, #tpu.memory_space<vmem>>) dst(%dma_wait3A_2653 : memref<64x128xf32, #tpu.memory_space<hbm>>)
    %dma_wait3A_2658 = arith.constant 67 : i32
    %dma_wait3A_2659 = arith.constant 67 : i32
    %dma_wait3A_2660 = arith.constant 0 : i32
    %dma_wait3A_2661 = tpu.memref_slice %arg5[%dma_wait3A_2659, %dma_wait3A_2660, %multiple_of3A_1086] : memref<128x64x8192xf32, #tpu.memory_space<hbm>> -> memref<1x64x128xf32, #tpu.memory_space<hbm>>
    %dma_wait3A_2662 = tpu.memref_squeeze %dma_wait3A_2661 : memref<1x64x128xf32, #tpu.memory_space<hbm>> -> memref<64x128xf32, #tpu.memory_space<hbm>>
    %dma_wait3A_2663 = arith.constant 0 : i32
    %dma_wait3A_2664 = arith.constant 0 : i32
    %dma_wait3A_2665 = tpu.memref_slice %arg6[%dma_wait3A_2658, %dma_wait3A_2663, %dma_wait3A_2664] : memref<128x64x128xf32, #tpu.memory_space<vmem>> -> memref<1x64x128xf32, #tpu.memory_space<vmem>>
    %dma_wait3A_2666 = tpu.memref_squeeze %dma_wait3A_2665 : memref<1x64x128xf32, #tpu.memory_space<vmem>> -> memref<64x128xf32, #tpu.memory_space<vmem>>
    tpu.wait_dma2 semaphore(%arg7 : memref<!tpu.dma_semaphore, #tpu.memory_space<semaphore_mem>>) src(%dma_wait3A_2666 : memref<64x128xf32, #tpu.memory_space<vmem>>) dst(%dma_wait3A_2662 : memref<64x128xf32, #tpu.memory_space<hbm>>)
    %dma_wait3A_2667 = arith.constant 68 : i32
    %dma_wait3A_2668 = arith.constant 68 : i32
    %dma_wait3A_2669 = arith.constant 0 : i32
    %dma_wait3A_2670 = tpu.memref_slice %arg5[%dma_wait3A_2668, %dma_wait3A_2669, %multiple_of3A_1102] : memref<128x64x8192xf32, #tpu.memory_space<hbm>> -> memref<1x64x128xf32, #tpu.memory_space<hbm>>
    %dma_wait3A_2671 = tpu.memref_squeeze %dma_wait3A_2670 : memref<1x64x128xf32, #tpu.memory_space<hbm>> -> memref<64x128xf32, #tpu.memory_space<hbm>>
    %dma_wait3A_2672 = arith.constant 0 : i32
    %dma_wait3A_2673 = arith.constant 0 : i32
    %dma_wait3A_2674 = tpu.memref_slice %arg6[%dma_wait3A_2667, %dma_wait3A_2672, %dma_wait3A_2673] : memref<128x64x128xf32, #tpu.memory_space<vmem>> -> memref<1x64x128xf32, #tpu.memory_space<vmem>>
    %dma_wait3A_2675 = tpu.memref_squeeze %dma_wait3A_2674 : memref<1x64x128xf32, #tpu.memory_space<vmem>> -> memref<64x128xf32, #tpu.memory_space<vmem>>
    tpu.wait_dma2 semaphore(%arg7 : memref<!tpu.dma_semaphore, #tpu.memory_space<semaphore_mem>>) src(%dma_wait3A_2675 : memref<64x128xf32, #tpu.memory_space<vmem>>) dst(%dma_wait3A_2671 : memref<64x128xf32, #tpu.memory_space<hbm>>)
    %dma_wait3A_2676 = arith.constant 69 : i32
    %dma_wait3A_2677 = arith.constant 69 : i32
    %dma_wait3A_2678 = arith.constant 0 : i32
    %dma_wait3A_2679 = tpu.memref_slice %arg5[%dma_wait3A_2677, %dma_wait3A_2678, %multiple_of3A_1118] : memref<128x64x8192xf32, #tpu.memory_space<hbm>> -> memref<1x64x128xf32, #tpu.memory_space<hbm>>
    %dma_wait3A_2680 = tpu.memref_squeeze %dma_wait3A_2679 : memref<1x64x128xf32, #tpu.memory_space<hbm>> -> memref<64x128xf32, #tpu.memory_space<hbm>>
    %dma_wait3A_2681 = arith.constant 0 : i32
    %dma_wait3A_2682 = arith.constant 0 : i32
    %dma_wait3A_2683 = tpu.memref_slice %arg6[%dma_wait3A_2676, %dma_wait3A_2681, %dma_wait3A_2682] : memref<128x64x128xf32, #tpu.memory_space<vmem>> -> memref<1x64x128xf32, #tpu.memory_space<vmem>>
    %dma_wait3A_2684 = tpu.memref_squeeze %dma_wait3A_2683 : memref<1x64x128xf32, #tpu.memory_space<vmem>> -> memref<64x128xf32, #tpu.memory_space<vmem>>
    tpu.wait_dma2 semaphore(%arg7 : memref<!tpu.dma_semaphore, #tpu.memory_space<semaphore_mem>>) src(%dma_wait3A_2684 : memref<64x128xf32, #tpu.memory_space<vmem>>) dst(%dma_wait3A_2680 : memref<64x128xf32, #tpu.memory_space<hbm>>)
    %dma_wait3A_2685 = arith.constant 70 : i32
    %dma_wait3A_2686 = arith.constant 70 : i32
    %dma_wait3A_2687 = arith.constant 0 : i32
    %dma_wait3A_2688 = tpu.memref_slice %arg5[%dma_wait3A_2686, %dma_wait3A_2687, %multiple_of3A_1134] : memref<128x64x8192xf32, #tpu.memory_space<hbm>> -> memref<1x64x128xf32, #tpu.memory_space<hbm>>
    %dma_wait3A_2689 = tpu.memref_squeeze %dma_wait3A_2688 : memref<1x64x128xf32, #tpu.memory_space<hbm>> -> memref<64x128xf32, #tpu.memory_space<hbm>>
    %dma_wait3A_2690 = arith.constant 0 : i32
    %dma_wait3A_2691 = arith.constant 0 : i32
    %dma_wait3A_2692 = tpu.memref_slice %arg6[%dma_wait3A_2685, %dma_wait3A_2690, %dma_wait3A_2691] : memref<128x64x128xf32, #tpu.memory_space<vmem>> -> memref<1x64x128xf32, #tpu.memory_space<vmem>>
    %dma_wait3A_2693 = tpu.memref_squeeze %dma_wait3A_2692 : memref<1x64x128xf32, #tpu.memory_space<vmem>> -> memref<64x128xf32, #tpu.memory_space<vmem>>
    tpu.wait_dma2 semaphore(%arg7 : memref<!tpu.dma_semaphore, #tpu.memory_space<semaphore_mem>>) src(%dma_wait3A_2693 : memref<64x128xf32, #tpu.memory_space<vmem>>) dst(%dma_wait3A_2689 : memref<64x128xf32, #tpu.memory_space<hbm>>)
    %dma_wait3A_2694 = arith.constant 71 : i32
    %dma_wait3A_2695 = arith.constant 71 : i32
    %dma_wait3A_2696 = arith.constant 0 : i32
    %dma_wait3A_2697 = tpu.memref_slice %arg5[%dma_wait3A_2695, %dma_wait3A_2696, %multiple_of3A_1150] : memref<128x64x8192xf32, #tpu.memory_space<hbm>> -> memref<1x64x128xf32, #tpu.memory_space<hbm>>
    %dma_wait3A_2698 = tpu.memref_squeeze %dma_wait3A_2697 : memref<1x64x128xf32, #tpu.memory_space<hbm>> -> memref<64x128xf32, #tpu.memory_space<hbm>>
    %dma_wait3A_2699 = arith.constant 0 : i32
    %dma_wait3A_2700 = arith.constant 0 : i32
    %dma_wait3A_2701 = tpu.memref_slice %arg6[%dma_wait3A_2694, %dma_wait3A_2699, %dma_wait3A_2700] : memref<128x64x128xf32, #tpu.memory_space<vmem>> -> memref<1x64x128xf32, #tpu.memory_space<vmem>>
    %dma_wait3A_2702 = tpu.memref_squeeze %dma_wait3A_2701 : memref<1x64x128xf32, #tpu.memory_space<vmem>> -> memref<64x128xf32, #tpu.memory_space<vmem>>
    tpu.wait_dma2 semaphore(%arg7 : memref<!tpu.dma_semaphore, #tpu.memory_space<semaphore_mem>>) src(%dma_wait3A_2702 : memref<64x128xf32, #tpu.memory_space<vmem>>) dst(%dma_wait3A_2698 : memref<64x128xf32, #tpu.memory_space<hbm>>)
    %dma_wait3A_2703 = arith.constant 72 : i32
    %dma_wait3A_2704 = arith.constant 72 : i32
    %dma_wait3A_2705 = arith.constant 0 : i32
    %dma_wait3A_2706 = tpu.memref_slice %arg5[%dma_wait3A_2704, %dma_wait3A_2705, %multiple_of3A_1166] : memref<128x64x8192xf32, #tpu.memory_space<hbm>> -> memref<1x64x128xf32, #tpu.memory_space<hbm>>
    %dma_wait3A_2707 = tpu.memref_squeeze %dma_wait3A_2706 : memref<1x64x128xf32, #tpu.memory_space<hbm>> -> memref<64x128xf32, #tpu.memory_space<hbm>>
    %dma_wait3A_2708 = arith.constant 0 : i32
    %dma_wait3A_2709 = arith.constant 0 : i32
    %dma_wait3A_2710 = tpu.memref_slice %arg6[%dma_wait3A_2703, %dma_wait3A_2708, %dma_wait3A_2709] : memref<128x64x128xf32, #tpu.memory_space<vmem>> -> memref<1x64x128xf32, #tpu.memory_space<vmem>>
    %dma_wait3A_2711 = tpu.memref_squeeze %dma_wait3A_2710 : memref<1x64x128xf32, #tpu.memory_space<vmem>> -> memref<64x128xf32, #tpu.memory_space<vmem>>
    tpu.wait_dma2 semaphore(%arg7 : memref<!tpu.dma_semaphore, #tpu.memory_space<semaphore_mem>>) src(%dma_wait3A_2711 : memref<64x128xf32, #tpu.memory_space<vmem>>) dst(%dma_wait3A_2707 : memref<64x128xf32, #tpu.memory_space<hbm>>)
    %dma_wait3A_2712 = arith.constant 73 : i32
    %dma_wait3A_2713 = arith.constant 73 : i32
    %dma_wait3A_2714 = arith.constant 0 : i32
    %dma_wait3A_2715 = tpu.memref_slice %arg5[%dma_wait3A_2713, %dma_wait3A_2714, %multiple_of3A_1182] : memref<128x64x8192xf32, #tpu.memory_space<hbm>> -> memref<1x64x128xf32, #tpu.memory_space<hbm>>
    %dma_wait3A_2716 = tpu.memref_squeeze %dma_wait3A_2715 : memref<1x64x128xf32, #tpu.memory_space<hbm>> -> memref<64x128xf32, #tpu.memory_space<hbm>>
    %dma_wait3A_2717 = arith.constant 0 : i32
    %dma_wait3A_2718 = arith.constant 0 : i32
    %dma_wait3A_2719 = tpu.memref_slice %arg6[%dma_wait3A_2712, %dma_wait3A_2717, %dma_wait3A_2718] : memref<128x64x128xf32, #tpu.memory_space<vmem>> -> memref<1x64x128xf32, #tpu.memory_space<vmem>>
    %dma_wait3A_2720 = tpu.memref_squeeze %dma_wait3A_2719 : memref<1x64x128xf32, #tpu.memory_space<vmem>> -> memref<64x128xf32, #tpu.memory_space<vmem>>
    tpu.wait_dma2 semaphore(%arg7 : memref<!tpu.dma_semaphore, #tpu.memory_space<semaphore_mem>>) src(%dma_wait3A_2720 : memref<64x128xf32, #tpu.memory_space<vmem>>) dst(%dma_wait3A_2716 : memref<64x128xf32, #tpu.memory_space<hbm>>)
    %dma_wait3A_2721 = arith.constant 74 : i32
    %dma_wait3A_2722 = arith.constant 74 : i32
    %dma_wait3A_2723 = arith.constant 0 : i32
    %dma_wait3A_2724 = tpu.memref_slice %arg5[%dma_wait3A_2722, %dma_wait3A_2723, %multiple_of3A_1198] : memref<128x64x8192xf32, #tpu.memory_space<hbm>> -> memref<1x64x128xf32, #tpu.memory_space<hbm>>
    %dma_wait3A_2725 = tpu.memref_squeeze %dma_wait3A_2724 : memref<1x64x128xf32, #tpu.memory_space<hbm>> -> memref<64x128xf32, #tpu.memory_space<hbm>>
    %dma_wait3A_2726 = arith.constant 0 : i32
    %dma_wait3A_2727 = arith.constant 0 : i32
    %dma_wait3A_2728 = tpu.memref_slice %arg6[%dma_wait3A_2721, %dma_wait3A_2726, %dma_wait3A_2727] : memref<128x64x128xf32, #tpu.memory_space<vmem>> -> memref<1x64x128xf32, #tpu.memory_space<vmem>>
    %dma_wait3A_2729 = tpu.memref_squeeze %dma_wait3A_2728 : memref<1x64x128xf32, #tpu.memory_space<vmem>> -> memref<64x128xf32, #tpu.memory_space<vmem>>
    tpu.wait_dma2 semaphore(%arg7 : memref<!tpu.dma_semaphore, #tpu.memory_space<semaphore_mem>>) src(%dma_wait3A_2729 : memref<64x128xf32, #tpu.memory_space<vmem>>) dst(%dma_wait3A_2725 : memref<64x128xf32, #tpu.memory_space<hbm>>)
    %dma_wait3A_2730 = arith.constant 75 : i32
    %dma_wait3A_2731 = arith.constant 75 : i32
    %dma_wait3A_2732 = arith.constant 0 : i32
    %dma_wait3A_2733 = tpu.memref_slice %arg5[%dma_wait3A_2731, %dma_wait3A_2732, %multiple_of3A_1214] : memref<128x64x8192xf32, #tpu.memory_space<hbm>> -> memref<1x64x128xf32, #tpu.memory_space<hbm>>
    %dma_wait3A_2734 = tpu.memref_squeeze %dma_wait3A_2733 : memref<1x64x128xf32, #tpu.memory_space<hbm>> -> memref<64x128xf32, #tpu.memory_space<hbm>>
    %dma_wait3A_2735 = arith.constant 0 : i32
    %dma_wait3A_2736 = arith.constant 0 : i32
    %dma_wait3A_2737 = tpu.memref_slice %arg6[%dma_wait3A_2730, %dma_wait3A_2735, %dma_wait3A_2736] : memref<128x64x128xf32, #tpu.memory_space<vmem>> -> memref<1x64x128xf32, #tpu.memory_space<vmem>>
    %dma_wait3A_2738 = tpu.memref_squeeze %dma_wait3A_2737 : memref<1x64x128xf32, #tpu.memory_space<vmem>> -> memref<64x128xf32, #tpu.memory_space<vmem>>
    tpu.wait_dma2 semaphore(%arg7 : memref<!tpu.dma_semaphore, #tpu.memory_space<semaphore_mem>>) src(%dma_wait3A_2738 : memref<64x128xf32, #tpu.memory_space<vmem>>) dst(%dma_wait3A_2734 : memref<64x128xf32, #tpu.memory_space<hbm>>)
    %dma_wait3A_2739 = arith.constant 76 : i32
    %dma_wait3A_2740 = arith.constant 76 : i32
    %dma_wait3A_2741 = arith.constant 0 : i32
    %dma_wait3A_2742 = tpu.memref_slice %arg5[%dma_wait3A_2740, %dma_wait3A_2741, %multiple_of3A_1230] : memref<128x64x8192xf32, #tpu.memory_space<hbm>> -> memref<1x64x128xf32, #tpu.memory_space<hbm>>
    %dma_wait3A_2743 = tpu.memref_squeeze %dma_wait3A_2742 : memref<1x64x128xf32, #tpu.memory_space<hbm>> -> memref<64x128xf32, #tpu.memory_space<hbm>>
    %dma_wait3A_2744 = arith.constant 0 : i32
    %dma_wait3A_2745 = arith.constant 0 : i32
    %dma_wait3A_2746 = tpu.memref_slice %arg6[%dma_wait3A_2739, %dma_wait3A_2744, %dma_wait3A_2745] : memref<128x64x128xf32, #tpu.memory_space<vmem>> -> memref<1x64x128xf32, #tpu.memory_space<vmem>>
    %dma_wait3A_2747 = tpu.memref_squeeze %dma_wait3A_2746 : memref<1x64x128xf32, #tpu.memory_space<vmem>> -> memref<64x128xf32, #tpu.memory_space<vmem>>
    tpu.wait_dma2 semaphore(%arg7 : memref<!tpu.dma_semaphore, #tpu.memory_space<semaphore_mem>>) src(%dma_wait3A_2747 : memref<64x128xf32, #tpu.memory_space<vmem>>) dst(%dma_wait3A_2743 : memref<64x128xf32, #tpu.memory_space<hbm>>)
    %dma_wait3A_2748 = arith.constant 77 : i32
    %dma_wait3A_2749 = arith.constant 77 : i32
    %dma_wait3A_2750 = arith.constant 0 : i32
    %dma_wait3A_2751 = tpu.memref_slice %arg5[%dma_wait3A_2749, %dma_wait3A_2750, %multiple_of3A_1246] : memref<128x64x8192xf32, #tpu.memory_space<hbm>> -> memref<1x64x128xf32, #tpu.memory_space<hbm>>
    %dma_wait3A_2752 = tpu.memref_squeeze %dma_wait3A_2751 : memref<1x64x128xf32, #tpu.memory_space<hbm>> -> memref<64x128xf32, #tpu.memory_space<hbm>>
    %dma_wait3A_2753 = arith.constant 0 : i32
    %dma_wait3A_2754 = arith.constant 0 : i32
    %dma_wait3A_2755 = tpu.memref_slice %arg6[%dma_wait3A_2748, %dma_wait3A_2753, %dma_wait3A_2754] : memref<128x64x128xf32, #tpu.memory_space<vmem>> -> memref<1x64x128xf32, #tpu.memory_space<vmem>>
    %dma_wait3A_2756 = tpu.memref_squeeze %dma_wait3A_2755 : memref<1x64x128xf32, #tpu.memory_space<vmem>> -> memref<64x128xf32, #tpu.memory_space<vmem>>
    tpu.wait_dma2 semaphore(%arg7 : memref<!tpu.dma_semaphore, #tpu.memory_space<semaphore_mem>>) src(%dma_wait3A_2756 : memref<64x128xf32, #tpu.memory_space<vmem>>) dst(%dma_wait3A_2752 : memref<64x128xf32, #tpu.memory_space<hbm>>)
    %dma_wait3A_2757 = arith.constant 78 : i32
    %dma_wait3A_2758 = arith.constant 78 : i32
    %dma_wait3A_2759 = arith.constant 0 : i32
    %dma_wait3A_2760 = tpu.memref_slice %arg5[%dma_wait3A_2758, %dma_wait3A_2759, %multiple_of3A_1262] : memref<128x64x8192xf32, #tpu.memory_space<hbm>> -> memref<1x64x128xf32, #tpu.memory_space<hbm>>
    %dma_wait3A_2761 = tpu.memref_squeeze %dma_wait3A_2760 : memref<1x64x128xf32, #tpu.memory_space<hbm>> -> memref<64x128xf32, #tpu.memory_space<hbm>>
    %dma_wait3A_2762 = arith.constant 0 : i32
    %dma_wait3A_2763 = arith.constant 0 : i32
    %dma_wait3A_2764 = tpu.memref_slice %arg6[%dma_wait3A_2757, %dma_wait3A_2762, %dma_wait3A_2763] : memref<128x64x128xf32, #tpu.memory_space<vmem>> -> memref<1x64x128xf32, #tpu.memory_space<vmem>>
    %dma_wait3A_2765 = tpu.memref_squeeze %dma_wait3A_2764 : memref<1x64x128xf32, #tpu.memory_space<vmem>> -> memref<64x128xf32, #tpu.memory_space<vmem>>
    tpu.wait_dma2 semaphore(%arg7 : memref<!tpu.dma_semaphore, #tpu.memory_space<semaphore_mem>>) src(%dma_wait3A_2765 : memref<64x128xf32, #tpu.memory_space<vmem>>) dst(%dma_wait3A_2761 : memref<64x128xf32, #tpu.memory_space<hbm>>)
    %dma_wait3A_2766 = arith.constant 79 : i32
    %dma_wait3A_2767 = arith.constant 79 : i32
    %dma_wait3A_2768 = arith.constant 0 : i32
    %dma_wait3A_2769 = tpu.memref_slice %arg5[%dma_wait3A_2767, %dma_wait3A_2768, %multiple_of3A_1278] : memref<128x64x8192xf32, #tpu.memory_space<hbm>> -> memref<1x64x128xf32, #tpu.memory_space<hbm>>
    %dma_wait3A_2770 = tpu.memref_squeeze %dma_wait3A_2769 : memref<1x64x128xf32, #tpu.memory_space<hbm>> -> memref<64x128xf32, #tpu.memory_space<hbm>>
    %dma_wait3A_2771 = arith.constant 0 : i32
    %dma_wait3A_2772 = arith.constant 0 : i32
    %dma_wait3A_2773 = tpu.memref_slice %arg6[%dma_wait3A_2766, %dma_wait3A_2771, %dma_wait3A_2772] : memref<128x64x128xf32, #tpu.memory_space<vmem>> -> memref<1x64x128xf32, #tpu.memory_space<vmem>>
    %dma_wait3A_2774 = tpu.memref_squeeze %dma_wait3A_2773 : memref<1x64x128xf32, #tpu.memory_space<vmem>> -> memref<64x128xf32, #tpu.memory_space<vmem>>
    tpu.wait_dma2 semaphore(%arg7 : memref<!tpu.dma_semaphore, #tpu.memory_space<semaphore_mem>>) src(%dma_wait3A_2774 : memref<64x128xf32, #tpu.memory_space<vmem>>) dst(%dma_wait3A_2770 : memref<64x128xf32, #tpu.memory_space<hbm>>)
    %dma_wait3A_2775 = arith.constant 80 : i32
    %dma_wait3A_2776 = arith.constant 80 : i32
    %dma_wait3A_2777 = arith.constant 0 : i32
    %dma_wait3A_2778 = tpu.memref_slice %arg5[%dma_wait3A_2776, %dma_wait3A_2777, %multiple_of3A_1294] : memref<128x64x8192xf32, #tpu.memory_space<hbm>> -> memref<1x64x128xf32, #tpu.memory_space<hbm>>
    %dma_wait3A_2779 = tpu.memref_squeeze %dma_wait3A_2778 : memref<1x64x128xf32, #tpu.memory_space<hbm>> -> memref<64x128xf32, #tpu.memory_space<hbm>>
    %dma_wait3A_2780 = arith.constant 0 : i32
    %dma_wait3A_2781 = arith.constant 0 : i32
    %dma_wait3A_2782 = tpu.memref_slice %arg6[%dma_wait3A_2775, %dma_wait3A_2780, %dma_wait3A_2781] : memref<128x64x128xf32, #tpu.memory_space<vmem>> -> memref<1x64x128xf32, #tpu.memory_space<vmem>>
    %dma_wait3A_2783 = tpu.memref_squeeze %dma_wait3A_2782 : memref<1x64x128xf32, #tpu.memory_space<vmem>> -> memref<64x128xf32, #tpu.memory_space<vmem>>
    tpu.wait_dma2 semaphore(%arg7 : memref<!tpu.dma_semaphore, #tpu.memory_space<semaphore_mem>>) src(%dma_wait3A_2783 : memref<64x128xf32, #tpu.memory_space<vmem>>) dst(%dma_wait3A_2779 : memref<64x128xf32, #tpu.memory_space<hbm>>)
    %dma_wait3A_2784 = arith.constant 81 : i32
    %dma_wait3A_2785 = arith.constant 81 : i32
    %dma_wait3A_2786 = arith.constant 0 : i32
    %dma_wait3A_2787 = tpu.memref_slice %arg5[%dma_wait3A_2785, %dma_wait3A_2786, %multiple_of3A_1310] : memref<128x64x8192xf32, #tpu.memory_space<hbm>> -> memref<1x64x128xf32, #tpu.memory_space<hbm>>
    %dma_wait3A_2788 = tpu.memref_squeeze %dma_wait3A_2787 : memref<1x64x128xf32, #tpu.memory_space<hbm>> -> memref<64x128xf32, #tpu.memory_space<hbm>>
    %dma_wait3A_2789 = arith.constant 0 : i32
    %dma_wait3A_2790 = arith.constant 0 : i32
    %dma_wait3A_2791 = tpu.memref_slice %arg6[%dma_wait3A_2784, %dma_wait3A_2789, %dma_wait3A_2790] : memref<128x64x128xf32, #tpu.memory_space<vmem>> -> memref<1x64x128xf32, #tpu.memory_space<vmem>>
    %dma_wait3A_2792 = tpu.memref_squeeze %dma_wait3A_2791 : memref<1x64x128xf32, #tpu.memory_space<vmem>> -> memref<64x128xf32, #tpu.memory_space<vmem>>
    tpu.wait_dma2 semaphore(%arg7 : memref<!tpu.dma_semaphore, #tpu.memory_space<semaphore_mem>>) src(%dma_wait3A_2792 : memref<64x128xf32, #tpu.memory_space<vmem>>) dst(%dma_wait3A_2788 : memref<64x128xf32, #tpu.memory_space<hbm>>)
    %dma_wait3A_2793 = arith.constant 82 : i32
    %dma_wait3A_2794 = arith.constant 82 : i32
    %dma_wait3A_2795 = arith.constant 0 : i32
    %dma_wait3A_2796 = tpu.memref_slice %arg5[%dma_wait3A_2794, %dma_wait3A_2795, %multiple_of3A_1326] : memref<128x64x8192xf32, #tpu.memory_space<hbm>> -> memref<1x64x128xf32, #tpu.memory_space<hbm>>
    %dma_wait3A_2797 = tpu.memref_squeeze %dma_wait3A_2796 : memref<1x64x128xf32, #tpu.memory_space<hbm>> -> memref<64x128xf32, #tpu.memory_space<hbm>>
    %dma_wait3A_2798 = arith.constant 0 : i32
    %dma_wait3A_2799 = arith.constant 0 : i32
    %dma_wait3A_2800 = tpu.memref_slice %arg6[%dma_wait3A_2793, %dma_wait3A_2798, %dma_wait3A_2799] : memref<128x64x128xf32, #tpu.memory_space<vmem>> -> memref<1x64x128xf32, #tpu.memory_space<vmem>>
    %dma_wait3A_2801 = tpu.memref_squeeze %dma_wait3A_2800 : memref<1x64x128xf32, #tpu.memory_space<vmem>> -> memref<64x128xf32, #tpu.memory_space<vmem>>
    tpu.wait_dma2 semaphore(%arg7 : memref<!tpu.dma_semaphore, #tpu.memory_space<semaphore_mem>>) src(%dma_wait3A_2801 : memref<64x128xf32, #tpu.memory_space<vmem>>) dst(%dma_wait3A_2797 : memref<64x128xf32, #tpu.memory_space<hbm>>)
    %dma_wait3A_2802 = arith.constant 83 : i32
    %dma_wait3A_2803 = arith.constant 83 : i32
    %dma_wait3A_2804 = arith.constant 0 : i32
    %dma_wait3A_2805 = tpu.memref_slice %arg5[%dma_wait3A_2803, %dma_wait3A_2804, %multiple_of3A_1342] : memref<128x64x8192xf32, #tpu.memory_space<hbm>> -> memref<1x64x128xf32, #tpu.memory_space<hbm>>
    %dma_wait3A_2806 = tpu.memref_squeeze %dma_wait3A_2805 : memref<1x64x128xf32, #tpu.memory_space<hbm>> -> memref<64x128xf32, #tpu.memory_space<hbm>>
    %dma_wait3A_2807 = arith.constant 0 : i32
    %dma_wait3A_2808 = arith.constant 0 : i32
    %dma_wait3A_2809 = tpu.memref_slice %arg6[%dma_wait3A_2802, %dma_wait3A_2807, %dma_wait3A_2808] : memref<128x64x128xf32, #tpu.memory_space<vmem>> -> memref<1x64x128xf32, #tpu.memory_space<vmem>>
    %dma_wait3A_2810 = tpu.memref_squeeze %dma_wait3A_2809 : memref<1x64x128xf32, #tpu.memory_space<vmem>> -> memref<64x128xf32, #tpu.memory_space<vmem>>
    tpu.wait_dma2 semaphore(%arg7 : memref<!tpu.dma_semaphore, #tpu.memory_space<semaphore_mem>>) src(%dma_wait3A_2810 : memref<64x128xf32, #tpu.memory_space<vmem>>) dst(%dma_wait3A_2806 : memref<64x128xf32, #tpu.memory_space<hbm>>)
    %dma_wait3A_2811 = arith.constant 84 : i32
    %dma_wait3A_2812 = arith.constant 84 : i32
    %dma_wait3A_2813 = arith.constant 0 : i32
    %dma_wait3A_2814 = tpu.memref_slice %arg5[%dma_wait3A_2812, %dma_wait3A_2813, %multiple_of3A_1358] : memref<128x64x8192xf32, #tpu.memory_space<hbm>> -> memref<1x64x128xf32, #tpu.memory_space<hbm>>
    %dma_wait3A_2815 = tpu.memref_squeeze %dma_wait3A_2814 : memref<1x64x128xf32, #tpu.memory_space<hbm>> -> memref<64x128xf32, #tpu.memory_space<hbm>>
    %dma_wait3A_2816 = arith.constant 0 : i32
    %dma_wait3A_2817 = arith.constant 0 : i32
    %dma_wait3A_2818 = tpu.memref_slice %arg6[%dma_wait3A_2811, %dma_wait3A_2816, %dma_wait3A_2817] : memref<128x64x128xf32, #tpu.memory_space<vmem>> -> memref<1x64x128xf32, #tpu.memory_space<vmem>>
    %dma_wait3A_2819 = tpu.memref_squeeze %dma_wait3A_2818 : memref<1x64x128xf32, #tpu.memory_space<vmem>> -> memref<64x128xf32, #tpu.memory_space<vmem>>
    tpu.wait_dma2 semaphore(%arg7 : memref<!tpu.dma_semaphore, #tpu.memory_space<semaphore_mem>>) src(%dma_wait3A_2819 : memref<64x128xf32, #tpu.memory_space<vmem>>) dst(%dma_wait3A_2815 : memref<64x128xf32, #tpu.memory_space<hbm>>)
    %dma_wait3A_2820 = arith.constant 85 : i32
    %dma_wait3A_2821 = arith.constant 85 : i32
    %dma_wait3A_2822 = arith.constant 0 : i32
    %dma_wait3A_2823 = tpu.memref_slice %arg5[%dma_wait3A_2821, %dma_wait3A_2822, %multiple_of3A_1374] : memref<128x64x8192xf32, #tpu.memory_space<hbm>> -> memref<1x64x128xf32, #tpu.memory_space<hbm>>
    %dma_wait3A_2824 = tpu.memref_squeeze %dma_wait3A_2823 : memref<1x64x128xf32, #tpu.memory_space<hbm>> -> memref<64x128xf32, #tpu.memory_space<hbm>>
    %dma_wait3A_2825 = arith.constant 0 : i32
    %dma_wait3A_2826 = arith.constant 0 : i32
    %dma_wait3A_2827 = tpu.memref_slice %arg6[%dma_wait3A_2820, %dma_wait3A_2825, %dma_wait3A_2826] : memref<128x64x128xf32, #tpu.memory_space<vmem>> -> memref<1x64x128xf32, #tpu.memory_space<vmem>>
    %dma_wait3A_2828 = tpu.memref_squeeze %dma_wait3A_2827 : memref<1x64x128xf32, #tpu.memory_space<vmem>> -> memref<64x128xf32, #tpu.memory_space<vmem>>
    tpu.wait_dma2 semaphore(%arg7 : memref<!tpu.dma_semaphore, #tpu.memory_space<semaphore_mem>>) src(%dma_wait3A_2828 : memref<64x128xf32, #tpu.memory_space<vmem>>) dst(%dma_wait3A_2824 : memref<64x128xf32, #tpu.memory_space<hbm>>)
    %dma_wait3A_2829 = arith.constant 86 : i32
    %dma_wait3A_2830 = arith.constant 86 : i32
    %dma_wait3A_2831 = arith.constant 0 : i32
    %dma_wait3A_2832 = tpu.memref_slice %arg5[%dma_wait3A_2830, %dma_wait3A_2831, %multiple_of3A_1390] : memref<128x64x8192xf32, #tpu.memory_space<hbm>> -> memref<1x64x128xf32, #tpu.memory_space<hbm>>
    %dma_wait3A_2833 = tpu.memref_squeeze %dma_wait3A_2832 : memref<1x64x128xf32, #tpu.memory_space<hbm>> -> memref<64x128xf32, #tpu.memory_space<hbm>>
    %dma_wait3A_2834 = arith.constant 0 : i32
    %dma_wait3A_2835 = arith.constant 0 : i32
    %dma_wait3A_2836 = tpu.memref_slice %arg6[%dma_wait3A_2829, %dma_wait3A_2834, %dma_wait3A_2835] : memref<128x64x128xf32, #tpu.memory_space<vmem>> -> memref<1x64x128xf32, #tpu.memory_space<vmem>>
    %dma_wait3A_2837 = tpu.memref_squeeze %dma_wait3A_2836 : memref<1x64x128xf32, #tpu.memory_space<vmem>> -> memref<64x128xf32, #tpu.memory_space<vmem>>
    tpu.wait_dma2 semaphore(%arg7 : memref<!tpu.dma_semaphore, #tpu.memory_space<semaphore_mem>>) src(%dma_wait3A_2837 : memref<64x128xf32, #tpu.memory_space<vmem>>) dst(%dma_wait3A_2833 : memref<64x128xf32, #tpu.memory_space<hbm>>)
    %dma_wait3A_2838 = arith.constant 87 : i32
    %dma_wait3A_2839 = arith.constant 87 : i32
    %dma_wait3A_2840 = arith.constant 0 : i32
    %dma_wait3A_2841 = tpu.memref_slice %arg5[%dma_wait3A_2839, %dma_wait3A_2840, %multiple_of3A_1406] : memref<128x64x8192xf32, #tpu.memory_space<hbm>> -> memref<1x64x128xf32, #tpu.memory_space<hbm>>
    %dma_wait3A_2842 = tpu.memref_squeeze %dma_wait3A_2841 : memref<1x64x128xf32, #tpu.memory_space<hbm>> -> memref<64x128xf32, #tpu.memory_space<hbm>>
    %dma_wait3A_2843 = arith.constant 0 : i32
    %dma_wait3A_2844 = arith.constant 0 : i32
    %dma_wait3A_2845 = tpu.memref_slice %arg6[%dma_wait3A_2838, %dma_wait3A_2843, %dma_wait3A_2844] : memref<128x64x128xf32, #tpu.memory_space<vmem>> -> memref<1x64x128xf32, #tpu.memory_space<vmem>>
    %dma_wait3A_2846 = tpu.memref_squeeze %dma_wait3A_2845 : memref<1x64x128xf32, #tpu.memory_space<vmem>> -> memref<64x128xf32, #tpu.memory_space<vmem>>
    tpu.wait_dma2 semaphore(%arg7 : memref<!tpu.dma_semaphore, #tpu.memory_space<semaphore_mem>>) src(%dma_wait3A_2846 : memref<64x128xf32, #tpu.memory_space<vmem>>) dst(%dma_wait3A_2842 : memref<64x128xf32, #tpu.memory_space<hbm>>)
    %dma_wait3A_2847 = arith.constant 88 : i32
    %dma_wait3A_2848 = arith.constant 88 : i32
    %dma_wait3A_2849 = arith.constant 0 : i32
    %dma_wait3A_2850 = tpu.memref_slice %arg5[%dma_wait3A_2848, %dma_wait3A_2849, %multiple_of3A_1422] : memref<128x64x8192xf32, #tpu.memory_space<hbm>> -> memref<1x64x128xf32, #tpu.memory_space<hbm>>
    %dma_wait3A_2851 = tpu.memref_squeeze %dma_wait3A_2850 : memref<1x64x128xf32, #tpu.memory_space<hbm>> -> memref<64x128xf32, #tpu.memory_space<hbm>>
    %dma_wait3A_2852 = arith.constant 0 : i32
    %dma_wait3A_2853 = arith.constant 0 : i32
    %dma_wait3A_2854 = tpu.memref_slice %arg6[%dma_wait3A_2847, %dma_wait3A_2852, %dma_wait3A_2853] : memref<128x64x128xf32, #tpu.memory_space<vmem>> -> memref<1x64x128xf32, #tpu.memory_space<vmem>>
    %dma_wait3A_2855 = tpu.memref_squeeze %dma_wait3A_2854 : memref<1x64x128xf32, #tpu.memory_space<vmem>> -> memref<64x128xf32, #tpu.memory_space<vmem>>
    tpu.wait_dma2 semaphore(%arg7 : memref<!tpu.dma_semaphore, #tpu.memory_space<semaphore_mem>>) src(%dma_wait3A_2855 : memref<64x128xf32, #tpu.memory_space<vmem>>) dst(%dma_wait3A_2851 : memref<64x128xf32, #tpu.memory_space<hbm>>)
    %dma_wait3A_2856 = arith.constant 89 : i32
    %dma_wait3A_2857 = arith.constant 89 : i32
    %dma_wait3A_2858 = arith.constant 0 : i32
    %dma_wait3A_2859 = tpu.memref_slice %arg5[%dma_wait3A_2857, %dma_wait3A_2858, %multiple_of3A_1438] : memref<128x64x8192xf32, #tpu.memory_space<hbm>> -> memref<1x64x128xf32, #tpu.memory_space<hbm>>
    %dma_wait3A_2860 = tpu.memref_squeeze %dma_wait3A_2859 : memref<1x64x128xf32, #tpu.memory_space<hbm>> -> memref<64x128xf32, #tpu.memory_space<hbm>>
    %dma_wait3A_2861 = arith.constant 0 : i32
    %dma_wait3A_2862 = arith.constant 0 : i32
    %dma_wait3A_2863 = tpu.memref_slice %arg6[%dma_wait3A_2856, %dma_wait3A_2861, %dma_wait3A_2862] : memref<128x64x128xf32, #tpu.memory_space<vmem>> -> memref<1x64x128xf32, #tpu.memory_space<vmem>>
    %dma_wait3A_2864 = tpu.memref_squeeze %dma_wait3A_2863 : memref<1x64x128xf32, #tpu.memory_space<vmem>> -> memref<64x128xf32, #tpu.memory_space<vmem>>
    tpu.wait_dma2 semaphore(%arg7 : memref<!tpu.dma_semaphore, #tpu.memory_space<semaphore_mem>>) src(%dma_wait3A_2864 : memref<64x128xf32, #tpu.memory_space<vmem>>) dst(%dma_wait3A_2860 : memref<64x128xf32, #tpu.memory_space<hbm>>)
    %dma_wait3A_2865 = arith.constant 90 : i32
    %dma_wait3A_2866 = arith.constant 90 : i32
    %dma_wait3A_2867 = arith.constant 0 : i32
    %dma_wait3A_2868 = tpu.memref_slice %arg5[%dma_wait3A_2866, %dma_wait3A_2867, %multiple_of3A_1454] : memref<128x64x8192xf32, #tpu.memory_space<hbm>> -> memref<1x64x128xf32, #tpu.memory_space<hbm>>
    %dma_wait3A_2869 = tpu.memref_squeeze %dma_wait3A_2868 : memref<1x64x128xf32, #tpu.memory_space<hbm>> -> memref<64x128xf32, #tpu.memory_space<hbm>>
    %dma_wait3A_2870 = arith.constant 0 : i32
    %dma_wait3A_2871 = arith.constant 0 : i32
    %dma_wait3A_2872 = tpu.memref_slice %arg6[%dma_wait3A_2865, %dma_wait3A_2870, %dma_wait3A_2871] : memref<128x64x128xf32, #tpu.memory_space<vmem>> -> memref<1x64x128xf32, #tpu.memory_space<vmem>>
    %dma_wait3A_2873 = tpu.memref_squeeze %dma_wait3A_2872 : memref<1x64x128xf32, #tpu.memory_space<vmem>> -> memref<64x128xf32, #tpu.memory_space<vmem>>
    tpu.wait_dma2 semaphore(%arg7 : memref<!tpu.dma_semaphore, #tpu.memory_space<semaphore_mem>>) src(%dma_wait3A_2873 : memref<64x128xf32, #tpu.memory_space<vmem>>) dst(%dma_wait3A_2869 : memref<64x128xf32, #tpu.memory_space<hbm>>)
    %dma_wait3A_2874 = arith.constant 91 : i32
    %dma_wait3A_2875 = arith.constant 91 : i32
    %dma_wait3A_2876 = arith.constant 0 : i32
    %dma_wait3A_2877 = tpu.memref_slice %arg5[%dma_wait3A_2875, %dma_wait3A_2876, %multiple_of3A_1470] : memref<128x64x8192xf32, #tpu.memory_space<hbm>> -> memref<1x64x128xf32, #tpu.memory_space<hbm>>
    %dma_wait3A_2878 = tpu.memref_squeeze %dma_wait3A_2877 : memref<1x64x128xf32, #tpu.memory_space<hbm>> -> memref<64x128xf32, #tpu.memory_space<hbm>>
    %dma_wait3A_2879 = arith.constant 0 : i32
    %dma_wait3A_2880 = arith.constant 0 : i32
    %dma_wait3A_2881 = tpu.memref_slice %arg6[%dma_wait3A_2874, %dma_wait3A_2879, %dma_wait3A_2880] : memref<128x64x128xf32, #tpu.memory_space<vmem>> -> memref<1x64x128xf32, #tpu.memory_space<vmem>>
    %dma_wait3A_2882 = tpu.memref_squeeze %dma_wait3A_2881 : memref<1x64x128xf32, #tpu.memory_space<vmem>> -> memref<64x128xf32, #tpu.memory_space<vmem>>
    tpu.wait_dma2 semaphore(%arg7 : memref<!tpu.dma_semaphore, #tpu.memory_space<semaphore_mem>>) src(%dma_wait3A_2882 : memref<64x128xf32, #tpu.memory_space<vmem>>) dst(%dma_wait3A_2878 : memref<64x128xf32, #tpu.memory_space<hbm>>)
    %dma_wait3A_2883 = arith.constant 92 : i32
    %dma_wait3A_2884 = arith.constant 92 : i32
    %dma_wait3A_2885 = arith.constant 0 : i32
    %dma_wait3A_2886 = tpu.memref_slice %arg5[%dma_wait3A_2884, %dma_wait3A_2885, %multiple_of3A_1486] : memref<128x64x8192xf32, #tpu.memory_space<hbm>> -> memref<1x64x128xf32, #tpu.memory_space<hbm>>
    %dma_wait3A_2887 = tpu.memref_squeeze %dma_wait3A_2886 : memref<1x64x128xf32, #tpu.memory_space<hbm>> -> memref<64x128xf32, #tpu.memory_space<hbm>>
    %dma_wait3A_2888 = arith.constant 0 : i32
    %dma_wait3A_2889 = arith.constant 0 : i32
    %dma_wait3A_2890 = tpu.memref_slice %arg6[%dma_wait3A_2883, %dma_wait3A_2888, %dma_wait3A_2889] : memref<128x64x128xf32, #tpu.memory_space<vmem>> -> memref<1x64x128xf32, #tpu.memory_space<vmem>>
    %dma_wait3A_2891 = tpu.memref_squeeze %dma_wait3A_2890 : memref<1x64x128xf32, #tpu.memory_space<vmem>> -> memref<64x128xf32, #tpu.memory_space<vmem>>
    tpu.wait_dma2 semaphore(%arg7 : memref<!tpu.dma_semaphore, #tpu.memory_space<semaphore_mem>>) src(%dma_wait3A_2891 : memref<64x128xf32, #tpu.memory_space<vmem>>) dst(%dma_wait3A_2887 : memref<64x128xf32, #tpu.memory_space<hbm>>)
    %dma_wait3A_2892 = arith.constant 93 : i32
    %dma_wait3A_2893 = arith.constant 93 : i32
    %dma_wait3A_2894 = arith.constant 0 : i32
    %dma_wait3A_2895 = tpu.memref_slice %arg5[%dma_wait3A_2893, %dma_wait3A_2894, %multiple_of3A_1502] : memref<128x64x8192xf32, #tpu.memory_space<hbm>> -> memref<1x64x128xf32, #tpu.memory_space<hbm>>
    %dma_wait3A_2896 = tpu.memref_squeeze %dma_wait3A_2895 : memref<1x64x128xf32, #tpu.memory_space<hbm>> -> memref<64x128xf32, #tpu.memory_space<hbm>>
    %dma_wait3A_2897 = arith.constant 0 : i32
    %dma_wait3A_2898 = arith.constant 0 : i32
    %dma_wait3A_2899 = tpu.memref_slice %arg6[%dma_wait3A_2892, %dma_wait3A_2897, %dma_wait3A_2898] : memref<128x64x128xf32, #tpu.memory_space<vmem>> -> memref<1x64x128xf32, #tpu.memory_space<vmem>>
    %dma_wait3A_2900 = tpu.memref_squeeze %dma_wait3A_2899 : memref<1x64x128xf32, #tpu.memory_space<vmem>> -> memref<64x128xf32, #tpu.memory_space<vmem>>
    tpu.wait_dma2 semaphore(%arg7 : memref<!tpu.dma_semaphore, #tpu.memory_space<semaphore_mem>>) src(%dma_wait3A_2900 : memref<64x128xf32, #tpu.memory_space<vmem>>) dst(%dma_wait3A_2896 : memref<64x128xf32, #tpu.memory_space<hbm>>)
    %dma_wait3A_2901 = arith.constant 94 : i32
    %dma_wait3A_2902 = arith.constant 94 : i32
    %dma_wait3A_2903 = arith.constant 0 : i32
    %dma_wait3A_2904 = tpu.memref_slice %arg5[%dma_wait3A_2902, %dma_wait3A_2903, %multiple_of3A_1518] : memref<128x64x8192xf32, #tpu.memory_space<hbm>> -> memref<1x64x128xf32, #tpu.memory_space<hbm>>
    %dma_wait3A_2905 = tpu.memref_squeeze %dma_wait3A_2904 : memref<1x64x128xf32, #tpu.memory_space<hbm>> -> memref<64x128xf32, #tpu.memory_space<hbm>>
    %dma_wait3A_2906 = arith.constant 0 : i32
    %dma_wait3A_2907 = arith.constant 0 : i32
    %dma_wait3A_2908 = tpu.memref_slice %arg6[%dma_wait3A_2901, %dma_wait3A_2906, %dma_wait3A_2907] : memref<128x64x128xf32, #tpu.memory_space<vmem>> -> memref<1x64x128xf32, #tpu.memory_space<vmem>>
    %dma_wait3A_2909 = tpu.memref_squeeze %dma_wait3A_2908 : memref<1x64x128xf32, #tpu.memory_space<vmem>> -> memref<64x128xf32, #tpu.memory_space<vmem>>
    tpu.wait_dma2 semaphore(%arg7 : memref<!tpu.dma_semaphore, #tpu.memory_space<semaphore_mem>>) src(%dma_wait3A_2909 : memref<64x128xf32, #tpu.memory_space<vmem>>) dst(%dma_wait3A_2905 : memref<64x128xf32, #tpu.memory_space<hbm>>)
    %dma_wait3A_2910 = arith.constant 95 : i32
    %dma_wait3A_2911 = arith.constant 95 : i32
    %dma_wait3A_2912 = arith.constant 0 : i32
    %dma_wait3A_2913 = tpu.memref_slice %arg5[%dma_wait3A_2911, %dma_wait3A_2912, %multiple_of3A_1534] : memref<128x64x8192xf32, #tpu.memory_space<hbm>> -> memref<1x64x128xf32, #tpu.memory_space<hbm>>
    %dma_wait3A_2914 = tpu.memref_squeeze %dma_wait3A_2913 : memref<1x64x128xf32, #tpu.memory_space<hbm>> -> memref<64x128xf32, #tpu.memory_space<hbm>>
    %dma_wait3A_2915 = arith.constant 0 : i32
    %dma_wait3A_2916 = arith.constant 0 : i32
    %dma_wait3A_2917 = tpu.memref_slice %arg6[%dma_wait3A_2910, %dma_wait3A_2915, %dma_wait3A_2916] : memref<128x64x128xf32, #tpu.memory_space<vmem>> -> memref<1x64x128xf32, #tpu.memory_space<vmem>>
    %dma_wait3A_2918 = tpu.memref_squeeze %dma_wait3A_2917 : memref<1x64x128xf32, #tpu.memory_space<vmem>> -> memref<64x128xf32, #tpu.memory_space<vmem>>
    tpu.wait_dma2 semaphore(%arg7 : memref<!tpu.dma_semaphore, #tpu.memory_space<semaphore_mem>>) src(%dma_wait3A_2918 : memref<64x128xf32, #tpu.memory_space<vmem>>) dst(%dma_wait3A_2914 : memref<64x128xf32, #tpu.memory_space<hbm>>)
    %dma_wait3A_2919 = arith.constant 96 : i32
    %dma_wait3A_2920 = arith.constant 96 : i32
    %dma_wait3A_2921 = arith.constant 0 : i32
    %dma_wait3A_2922 = tpu.memref_slice %arg5[%dma_wait3A_2920, %dma_wait3A_2921, %multiple_of3A_1550] : memref<128x64x8192xf32, #tpu.memory_space<hbm>> -> memref<1x64x128xf32, #tpu.memory_space<hbm>>
    %dma_wait3A_2923 = tpu.memref_squeeze %dma_wait3A_2922 : memref<1x64x128xf32, #tpu.memory_space<hbm>> -> memref<64x128xf32, #tpu.memory_space<hbm>>
    %dma_wait3A_2924 = arith.constant 0 : i32
    %dma_wait3A_2925 = arith.constant 0 : i32
    %dma_wait3A_2926 = tpu.memref_slice %arg6[%dma_wait3A_2919, %dma_wait3A_2924, %dma_wait3A_2925] : memref<128x64x128xf32, #tpu.memory_space<vmem>> -> memref<1x64x128xf32, #tpu.memory_space<vmem>>
    %dma_wait3A_2927 = tpu.memref_squeeze %dma_wait3A_2926 : memref<1x64x128xf32, #tpu.memory_space<vmem>> -> memref<64x128xf32, #tpu.memory_space<vmem>>
    tpu.wait_dma2 semaphore(%arg7 : memref<!tpu.dma_semaphore, #tpu.memory_space<semaphore_mem>>) src(%dma_wait3A_2927 : memref<64x128xf32, #tpu.memory_space<vmem>>) dst(%dma_wait3A_2923 : memref<64x128xf32, #tpu.memory_space<hbm>>)
    %dma_wait3A_2928 = arith.constant 97 : i32
    %dma_wait3A_2929 = arith.constant 97 : i32
    %dma_wait3A_2930 = arith.constant 0 : i32
    %dma_wait3A_2931 = tpu.memref_slice %arg5[%dma_wait3A_2929, %dma_wait3A_2930, %multiple_of3A_1566] : memref<128x64x8192xf32, #tpu.memory_space<hbm>> -> memref<1x64x128xf32, #tpu.memory_space<hbm>>
    %dma_wait3A_2932 = tpu.memref_squeeze %dma_wait3A_2931 : memref<1x64x128xf32, #tpu.memory_space<hbm>> -> memref<64x128xf32, #tpu.memory_space<hbm>>
    %dma_wait3A_2933 = arith.constant 0 : i32
    %dma_wait3A_2934 = arith.constant 0 : i32
    %dma_wait3A_2935 = tpu.memref_slice %arg6[%dma_wait3A_2928, %dma_wait3A_2933, %dma_wait3A_2934] : memref<128x64x128xf32, #tpu.memory_space<vmem>> -> memref<1x64x128xf32, #tpu.memory_space<vmem>>
    %dma_wait3A_2936 = tpu.memref_squeeze %dma_wait3A_2935 : memref<1x64x128xf32, #tpu.memory_space<vmem>> -> memref<64x128xf32, #tpu.memory_space<vmem>>
    tpu.wait_dma2 semaphore(%arg7 : memref<!tpu.dma_semaphore, #tpu.memory_space<semaphore_mem>>) src(%dma_wait3A_2936 : memref<64x128xf32, #tpu.memory_space<vmem>>) dst(%dma_wait3A_2932 : memref<64x128xf32, #tpu.memory_space<hbm>>)
    %dma_wait3A_2937 = arith.constant 98 : i32
    %dma_wait3A_2938 = arith.constant 98 : i32
    %dma_wait3A_2939 = arith.constant 0 : i32
    %dma_wait3A_2940 = tpu.memref_slice %arg5[%dma_wait3A_2938, %dma_wait3A_2939, %multiple_of3A_1582] : memref<128x64x8192xf32, #tpu.memory_space<hbm>> -> memref<1x64x128xf32, #tpu.memory_space<hbm>>
    %dma_wait3A_2941 = tpu.memref_squeeze %dma_wait3A_2940 : memref<1x64x128xf32, #tpu.memory_space<hbm>> -> memref<64x128xf32, #tpu.memory_space<hbm>>
    %dma_wait3A_2942 = arith.constant 0 : i32
    %dma_wait3A_2943 = arith.constant 0 : i32
    %dma_wait3A_2944 = tpu.memref_slice %arg6[%dma_wait3A_2937, %dma_wait3A_2942, %dma_wait3A_2943] : memref<128x64x128xf32, #tpu.memory_space<vmem>> -> memref<1x64x128xf32, #tpu.memory_space<vmem>>
    %dma_wait3A_2945 = tpu.memref_squeeze %dma_wait3A_2944 : memref<1x64x128xf32, #tpu.memory_space<vmem>> -> memref<64x128xf32, #tpu.memory_space<vmem>>
    tpu.wait_dma2 semaphore(%arg7 : memref<!tpu.dma_semaphore, #tpu.memory_space<semaphore_mem>>) src(%dma_wait3A_2945 : memref<64x128xf32, #tpu.memory_space<vmem>>) dst(%dma_wait3A_2941 : memref<64x128xf32, #tpu.memory_space<hbm>>)
    %dma_wait3A_2946 = arith.constant 99 : i32
    %dma_wait3A_2947 = arith.constant 99 : i32
    %dma_wait3A_2948 = arith.constant 0 : i32
    %dma_wait3A_2949 = tpu.memref_slice %arg5[%dma_wait3A_2947, %dma_wait3A_2948, %multiple_of3A_1598] : memref<128x64x8192xf32, #tpu.memory_space<hbm>> -> memref<1x64x128xf32, #tpu.memory_space<hbm>>
    %dma_wait3A_2950 = tpu.memref_squeeze %dma_wait3A_2949 : memref<1x64x128xf32, #tpu.memory_space<hbm>> -> memref<64x128xf32, #tpu.memory_space<hbm>>
    %dma_wait3A_2951 = arith.constant 0 : i32
    %dma_wait3A_2952 = arith.constant 0 : i32
    %dma_wait3A_2953 = tpu.memref_slice %arg6[%dma_wait3A_2946, %dma_wait3A_2951, %dma_wait3A_2952] : memref<128x64x128xf32, #tpu.memory_space<vmem>> -> memref<1x64x128xf32, #tpu.memory_space<vmem>>
    %dma_wait3A_2954 = tpu.memref_squeeze %dma_wait3A_2953 : memref<1x64x128xf32, #tpu.memory_space<vmem>> -> memref<64x128xf32, #tpu.memory_space<vmem>>
    tpu.wait_dma2 semaphore(%arg7 : memref<!tpu.dma_semaphore, #tpu.memory_space<semaphore_mem>>) src(%dma_wait3A_2954 : memref<64x128xf32, #tpu.memory_space<vmem>>) dst(%dma_wait3A_2950 : memref<64x128xf32, #tpu.memory_space<hbm>>)
    %dma_wait3A_2955 = arith.constant 100 : i32
    %dma_wait3A_2956 = arith.constant 100 : i32
    %dma_wait3A_2957 = arith.constant 0 : i32
    %dma_wait3A_2958 = tpu.memref_slice %arg5[%dma_wait3A_2956, %dma_wait3A_2957, %multiple_of3A_1614] : memref<128x64x8192xf32, #tpu.memory_space<hbm>> -> memref<1x64x128xf32, #tpu.memory_space<hbm>>
    %dma_wait3A_2959 = tpu.memref_squeeze %dma_wait3A_2958 : memref<1x64x128xf32, #tpu.memory_space<hbm>> -> memref<64x128xf32, #tpu.memory_space<hbm>>
    %dma_wait3A_2960 = arith.constant 0 : i32
    %dma_wait3A_2961 = arith.constant 0 : i32
    %dma_wait3A_2962 = tpu.memref_slice %arg6[%dma_wait3A_2955, %dma_wait3A_2960, %dma_wait3A_2961] : memref<128x64x128xf32, #tpu.memory_space<vmem>> -> memref<1x64x128xf32, #tpu.memory_space<vmem>>
    %dma_wait3A_2963 = tpu.memref_squeeze %dma_wait3A_2962 : memref<1x64x128xf32, #tpu.memory_space<vmem>> -> memref<64x128xf32, #tpu.memory_space<vmem>>
    tpu.wait_dma2 semaphore(%arg7 : memref<!tpu.dma_semaphore, #tpu.memory_space<semaphore_mem>>) src(%dma_wait3A_2963 : memref<64x128xf32, #tpu.memory_space<vmem>>) dst(%dma_wait3A_2959 : memref<64x128xf32, #tpu.memory_space<hbm>>)
    %dma_wait3A_2964 = arith.constant 101 : i32
    %dma_wait3A_2965 = arith.constant 101 : i32
    %dma_wait3A_2966 = arith.constant 0 : i32
    %dma_wait3A_2967 = tpu.memref_slice %arg5[%dma_wait3A_2965, %dma_wait3A_2966, %multiple_of3A_1630] : memref<128x64x8192xf32, #tpu.memory_space<hbm>> -> memref<1x64x128xf32, #tpu.memory_space<hbm>>
    %dma_wait3A_2968 = tpu.memref_squeeze %dma_wait3A_2967 : memref<1x64x128xf32, #tpu.memory_space<hbm>> -> memref<64x128xf32, #tpu.memory_space<hbm>>
    %dma_wait3A_2969 = arith.constant 0 : i32
    %dma_wait3A_2970 = arith.constant 0 : i32
    %dma_wait3A_2971 = tpu.memref_slice %arg6[%dma_wait3A_2964, %dma_wait3A_2969, %dma_wait3A_2970] : memref<128x64x128xf32, #tpu.memory_space<vmem>> -> memref<1x64x128xf32, #tpu.memory_space<vmem>>
    %dma_wait3A_2972 = tpu.memref_squeeze %dma_wait3A_2971 : memref<1x64x128xf32, #tpu.memory_space<vmem>> -> memref<64x128xf32, #tpu.memory_space<vmem>>
    tpu.wait_dma2 semaphore(%arg7 : memref<!tpu.dma_semaphore, #tpu.memory_space<semaphore_mem>>) src(%dma_wait3A_2972 : memref<64x128xf32, #tpu.memory_space<vmem>>) dst(%dma_wait3A_2968 : memref<64x128xf32, #tpu.memory_space<hbm>>)
    %dma_wait3A_2973 = arith.constant 102 : i32
    %dma_wait3A_2974 = arith.constant 102 : i32
    %dma_wait3A_2975 = arith.constant 0 : i32
    %dma_wait3A_2976 = tpu.memref_slice %arg5[%dma_wait3A_2974, %dma_wait3A_2975, %multiple_of3A_1646] : memref<128x64x8192xf32, #tpu.memory_space<hbm>> -> memref<1x64x128xf32, #tpu.memory_space<hbm>>
    %dma_wait3A_2977 = tpu.memref_squeeze %dma_wait3A_2976 : memref<1x64x128xf32, #tpu.memory_space<hbm>> -> memref<64x128xf32, #tpu.memory_space<hbm>>
    %dma_wait3A_2978 = arith.constant 0 : i32
    %dma_wait3A_2979 = arith.constant 0 : i32
    %dma_wait3A_2980 = tpu.memref_slice %arg6[%dma_wait3A_2973, %dma_wait3A_2978, %dma_wait3A_2979] : memref<128x64x128xf32, #tpu.memory_space<vmem>> -> memref<1x64x128xf32, #tpu.memory_space<vmem>>
    %dma_wait3A_2981 = tpu.memref_squeeze %dma_wait3A_2980 : memref<1x64x128xf32, #tpu.memory_space<vmem>> -> memref<64x128xf32, #tpu.memory_space<vmem>>
    tpu.wait_dma2 semaphore(%arg7 : memref<!tpu.dma_semaphore, #tpu.memory_space<semaphore_mem>>) src(%dma_wait3A_2981 : memref<64x128xf32, #tpu.memory_space<vmem>>) dst(%dma_wait3A_2977 : memref<64x128xf32, #tpu.memory_space<hbm>>)
    %dma_wait3A_2982 = arith.constant 103 : i32
    %dma_wait3A_2983 = arith.constant 103 : i32
    %dma_wait3A_2984 = arith.constant 0 : i32
    %dma_wait3A_2985 = tpu.memref_slice %arg5[%dma_wait3A_2983, %dma_wait3A_2984, %multiple_of3A_1662] : memref<128x64x8192xf32, #tpu.memory_space<hbm>> -> memref<1x64x128xf32, #tpu.memory_space<hbm>>
    %dma_wait3A_2986 = tpu.memref_squeeze %dma_wait3A_2985 : memref<1x64x128xf32, #tpu.memory_space<hbm>> -> memref<64x128xf32, #tpu.memory_space<hbm>>
    %dma_wait3A_2987 = arith.constant 0 : i32
    %dma_wait3A_2988 = arith.constant 0 : i32
    %dma_wait3A_2989 = tpu.memref_slice %arg6[%dma_wait3A_2982, %dma_wait3A_2987, %dma_wait3A_2988] : memref<128x64x128xf32, #tpu.memory_space<vmem>> -> memref<1x64x128xf32, #tpu.memory_space<vmem>>
    %dma_wait3A_2990 = tpu.memref_squeeze %dma_wait3A_2989 : memref<1x64x128xf32, #tpu.memory_space<vmem>> -> memref<64x128xf32, #tpu.memory_space<vmem>>
    tpu.wait_dma2 semaphore(%arg7 : memref<!tpu.dma_semaphore, #tpu.memory_space<semaphore_mem>>) src(%dma_wait3A_2990 : memref<64x128xf32, #tpu.memory_space<vmem>>) dst(%dma_wait3A_2986 : memref<64x128xf32, #tpu.memory_space<hbm>>)
    %dma_wait3A_2991 = arith.constant 104 : i32
    %dma_wait3A_2992 = arith.constant 104 : i32
    %dma_wait3A_2993 = arith.constant 0 : i32
    %dma_wait3A_2994 = tpu.memref_slice %arg5[%dma_wait3A_2992, %dma_wait3A_2993, %multiple_of3A_1678] : memref<128x64x8192xf32, #tpu.memory_space<hbm>> -> memref<1x64x128xf32, #tpu.memory_space<hbm>>
    %dma_wait3A_2995 = tpu.memref_squeeze %dma_wait3A_2994 : memref<1x64x128xf32, #tpu.memory_space<hbm>> -> memref<64x128xf32, #tpu.memory_space<hbm>>
    %dma_wait3A_2996 = arith.constant 0 : i32
    %dma_wait3A_2997 = arith.constant 0 : i32
    %dma_wait3A_2998 = tpu.memref_slice %arg6[%dma_wait3A_2991, %dma_wait3A_2996, %dma_wait3A_2997] : memref<128x64x128xf32, #tpu.memory_space<vmem>> -> memref<1x64x128xf32, #tpu.memory_space<vmem>>
    %dma_wait3A_2999 = tpu.memref_squeeze %dma_wait3A_2998 : memref<1x64x128xf32, #tpu.memory_space<vmem>> -> memref<64x128xf32, #tpu.memory_space<vmem>>
    tpu.wait_dma2 semaphore(%arg7 : memref<!tpu.dma_semaphore, #tpu.memory_space<semaphore_mem>>) src(%dma_wait3A_2999 : memref<64x128xf32, #tpu.memory_space<vmem>>) dst(%dma_wait3A_2995 : memref<64x128xf32, #tpu.memory_space<hbm>>)
    %dma_wait3A_3000 = arith.constant 105 : i32
    %dma_wait3A_3001 = arith.constant 105 : i32
    %dma_wait3A_3002 = arith.constant 0 : i32
    %dma_wait3A_3003 = tpu.memref_slice %arg5[%dma_wait3A_3001, %dma_wait3A_3002, %multiple_of3A_1694] : memref<128x64x8192xf32, #tpu.memory_space<hbm>> -> memref<1x64x128xf32, #tpu.memory_space<hbm>>
    %dma_wait3A_3004 = tpu.memref_squeeze %dma_wait3A_3003 : memref<1x64x128xf32, #tpu.memory_space<hbm>> -> memref<64x128xf32, #tpu.memory_space<hbm>>
    %dma_wait3A_3005 = arith.constant 0 : i32
    %dma_wait3A_3006 = arith.constant 0 : i32
    %dma_wait3A_3007 = tpu.memref_slice %arg6[%dma_wait3A_3000, %dma_wait3A_3005, %dma_wait3A_3006] : memref<128x64x128xf32, #tpu.memory_space<vmem>> -> memref<1x64x128xf32, #tpu.memory_space<vmem>>
    %dma_wait3A_3008 = tpu.memref_squeeze %dma_wait3A_3007 : memref<1x64x128xf32, #tpu.memory_space<vmem>> -> memref<64x128xf32, #tpu.memory_space<vmem>>
    tpu.wait_dma2 semaphore(%arg7 : memref<!tpu.dma_semaphore, #tpu.memory_space<semaphore_mem>>) src(%dma_wait3A_3008 : memref<64x128xf32, #tpu.memory_space<vmem>>) dst(%dma_wait3A_3004 : memref<64x128xf32, #tpu.memory_space<hbm>>)
    %dma_wait3A_3009 = arith.constant 106 : i32
    %dma_wait3A_3010 = arith.constant 106 : i32
    %dma_wait3A_3011 = arith.constant 0 : i32
    %dma_wait3A_3012 = tpu.memref_slice %arg5[%dma_wait3A_3010, %dma_wait3A_3011, %multiple_of3A_1710] : memref<128x64x8192xf32, #tpu.memory_space<hbm>> -> memref<1x64x128xf32, #tpu.memory_space<hbm>>
    %dma_wait3A_3013 = tpu.memref_squeeze %dma_wait3A_3012 : memref<1x64x128xf32, #tpu.memory_space<hbm>> -> memref<64x128xf32, #tpu.memory_space<hbm>>
    %dma_wait3A_3014 = arith.constant 0 : i32
    %dma_wait3A_3015 = arith.constant 0 : i32
    %dma_wait3A_3016 = tpu.memref_slice %arg6[%dma_wait3A_3009, %dma_wait3A_3014, %dma_wait3A_3015] : memref<128x64x128xf32, #tpu.memory_space<vmem>> -> memref<1x64x128xf32, #tpu.memory_space<vmem>>
    %dma_wait3A_3017 = tpu.memref_squeeze %dma_wait3A_3016 : memref<1x64x128xf32, #tpu.memory_space<vmem>> -> memref<64x128xf32, #tpu.memory_space<vmem>>
    tpu.wait_dma2 semaphore(%arg7 : memref<!tpu.dma_semaphore, #tpu.memory_space<semaphore_mem>>) src(%dma_wait3A_3017 : memref<64x128xf32, #tpu.memory_space<vmem>>) dst(%dma_wait3A_3013 : memref<64x128xf32, #tpu.memory_space<hbm>>)
    %dma_wait3A_3018 = arith.constant 107 : i32
    %dma_wait3A_3019 = arith.constant 107 : i32
    %dma_wait3A_3020 = arith.constant 0 : i32
    %dma_wait3A_3021 = tpu.memref_slice %arg5[%dma_wait3A_3019, %dma_wait3A_3020, %multiple_of3A_1726] : memref<128x64x8192xf32, #tpu.memory_space<hbm>> -> memref<1x64x128xf32, #tpu.memory_space<hbm>>
    %dma_wait3A_3022 = tpu.memref_squeeze %dma_wait3A_3021 : memref<1x64x128xf32, #tpu.memory_space<hbm>> -> memref<64x128xf32, #tpu.memory_space<hbm>>
    %dma_wait3A_3023 = arith.constant 0 : i32
    %dma_wait3A_3024 = arith.constant 0 : i32
    %dma_wait3A_3025 = tpu.memref_slice %arg6[%dma_wait3A_3018, %dma_wait3A_3023, %dma_wait3A_3024] : memref<128x64x128xf32, #tpu.memory_space<vmem>> -> memref<1x64x128xf32, #tpu.memory_space<vmem>>
    %dma_wait3A_3026 = tpu.memref_squeeze %dma_wait3A_3025 : memref<1x64x128xf32, #tpu.memory_space<vmem>> -> memref<64x128xf32, #tpu.memory_space<vmem>>
    tpu.wait_dma2 semaphore(%arg7 : memref<!tpu.dma_semaphore, #tpu.memory_space<semaphore_mem>>) src(%dma_wait3A_3026 : memref<64x128xf32, #tpu.memory_space<vmem>>) dst(%dma_wait3A_3022 : memref<64x128xf32, #tpu.memory_space<hbm>>)
    %dma_wait3A_3027 = arith.constant 108 : i32
    %dma_wait3A_3028 = arith.constant 108 : i32
    %dma_wait3A_3029 = arith.constant 0 : i32
    %dma_wait3A_3030 = tpu.memref_slice %arg5[%dma_wait3A_3028, %dma_wait3A_3029, %multiple_of3A_1742] : memref<128x64x8192xf32, #tpu.memory_space<hbm>> -> memref<1x64x128xf32, #tpu.memory_space<hbm>>
    %dma_wait3A_3031 = tpu.memref_squeeze %dma_wait3A_3030 : memref<1x64x128xf32, #tpu.memory_space<hbm>> -> memref<64x128xf32, #tpu.memory_space<hbm>>
    %dma_wait3A_3032 = arith.constant 0 : i32
    %dma_wait3A_3033 = arith.constant 0 : i32
    %dma_wait3A_3034 = tpu.memref_slice %arg6[%dma_wait3A_3027, %dma_wait3A_3032, %dma_wait3A_3033] : memref<128x64x128xf32, #tpu.memory_space<vmem>> -> memref<1x64x128xf32, #tpu.memory_space<vmem>>
    %dma_wait3A_3035 = tpu.memref_squeeze %dma_wait3A_3034 : memref<1x64x128xf32, #tpu.memory_space<vmem>> -> memref<64x128xf32, #tpu.memory_space<vmem>>
    tpu.wait_dma2 semaphore(%arg7 : memref<!tpu.dma_semaphore, #tpu.memory_space<semaphore_mem>>) src(%dma_wait3A_3035 : memref<64x128xf32, #tpu.memory_space<vmem>>) dst(%dma_wait3A_3031 : memref<64x128xf32, #tpu.memory_space<hbm>>)
    %dma_wait3A_3036 = arith.constant 109 : i32
    %dma_wait3A_3037 = arith.constant 109 : i32
    %dma_wait3A_3038 = arith.constant 0 : i32
    %dma_wait3A_3039 = tpu.memref_slice %arg5[%dma_wait3A_3037, %dma_wait3A_3038, %multiple_of3A_1758] : memref<128x64x8192xf32, #tpu.memory_space<hbm>> -> memref<1x64x128xf32, #tpu.memory_space<hbm>>
    %dma_wait3A_3040 = tpu.memref_squeeze %dma_wait3A_3039 : memref<1x64x128xf32, #tpu.memory_space<hbm>> -> memref<64x128xf32, #tpu.memory_space<hbm>>
    %dma_wait3A_3041 = arith.constant 0 : i32
    %dma_wait3A_3042 = arith.constant 0 : i32
    %dma_wait3A_3043 = tpu.memref_slice %arg6[%dma_wait3A_3036, %dma_wait3A_3041, %dma_wait3A_3042] : memref<128x64x128xf32, #tpu.memory_space<vmem>> -> memref<1x64x128xf32, #tpu.memory_space<vmem>>
    %dma_wait3A_3044 = tpu.memref_squeeze %dma_wait3A_3043 : memref<1x64x128xf32, #tpu.memory_space<vmem>> -> memref<64x128xf32, #tpu.memory_space<vmem>>
    tpu.wait_dma2 semaphore(%arg7 : memref<!tpu.dma_semaphore, #tpu.memory_space<semaphore_mem>>) src(%dma_wait3A_3044 : memref<64x128xf32, #tpu.memory_space<vmem>>) dst(%dma_wait3A_3040 : memref<64x128xf32, #tpu.memory_space<hbm>>)
    %dma_wait3A_3045 = arith.constant 110 : i32
    %dma_wait3A_3046 = arith.constant 110 : i32
    %dma_wait3A_3047 = arith.constant 0 : i32
    %dma_wait3A_3048 = tpu.memref_slice %arg5[%dma_wait3A_3046, %dma_wait3A_3047, %multiple_of3A_1774] : memref<128x64x8192xf32, #tpu.memory_space<hbm>> -> memref<1x64x128xf32, #tpu.memory_space<hbm>>
    %dma_wait3A_3049 = tpu.memref_squeeze %dma_wait3A_3048 : memref<1x64x128xf32, #tpu.memory_space<hbm>> -> memref<64x128xf32, #tpu.memory_space<hbm>>
    %dma_wait3A_3050 = arith.constant 0 : i32
    %dma_wait3A_3051 = arith.constant 0 : i32
    %dma_wait3A_3052 = tpu.memref_slice %arg6[%dma_wait3A_3045, %dma_wait3A_3050, %dma_wait3A_3051] : memref<128x64x128xf32, #tpu.memory_space<vmem>> -> memref<1x64x128xf32, #tpu.memory_space<vmem>>
    %dma_wait3A_3053 = tpu.memref_squeeze %dma_wait3A_3052 : memref<1x64x128xf32, #tpu.memory_space<vmem>> -> memref<64x128xf32, #tpu.memory_space<vmem>>
    tpu.wait_dma2 semaphore(%arg7 : memref<!tpu.dma_semaphore, #tpu.memory_space<semaphore_mem>>) src(%dma_wait3A_3053 : memref<64x128xf32, #tpu.memory_space<vmem>>) dst(%dma_wait3A_3049 : memref<64x128xf32, #tpu.memory_space<hbm>>)
    %dma_wait3A_3054 = arith.constant 111 : i32
    %dma_wait3A_3055 = arith.constant 111 : i32
    %dma_wait3A_3056 = arith.constant 0 : i32
    %dma_wait3A_3057 = tpu.memref_slice %arg5[%dma_wait3A_3055, %dma_wait3A_3056, %multiple_of3A_1790] : memref<128x64x8192xf32, #tpu.memory_space<hbm>> -> memref<1x64x128xf32, #tpu.memory_space<hbm>>
    %dma_wait3A_3058 = tpu.memref_squeeze %dma_wait3A_3057 : memref<1x64x128xf32, #tpu.memory_space<hbm>> -> memref<64x128xf32, #tpu.memory_space<hbm>>
    %dma_wait3A_3059 = arith.constant 0 : i32
    %dma_wait3A_3060 = arith.constant 0 : i32
    %dma_wait3A_3061 = tpu.memref_slice %arg6[%dma_wait3A_3054, %dma_wait3A_3059, %dma_wait3A_3060] : memref<128x64x128xf32, #tpu.memory_space<vmem>> -> memref<1x64x128xf32, #tpu.memory_space<vmem>>
    %dma_wait3A_3062 = tpu.memref_squeeze %dma_wait3A_3061 : memref<1x64x128xf32, #tpu.memory_space<vmem>> -> memref<64x128xf32, #tpu.memory_space<vmem>>
    tpu.wait_dma2 semaphore(%arg7 : memref<!tpu.dma_semaphore, #tpu.memory_space<semaphore_mem>>) src(%dma_wait3A_3062 : memref<64x128xf32, #tpu.memory_space<vmem>>) dst(%dma_wait3A_3058 : memref<64x128xf32, #tpu.memory_space<hbm>>)
    %dma_wait3A_3063 = arith.constant 112 : i32
    %dma_wait3A_3064 = arith.constant 112 : i32
    %dma_wait3A_3065 = arith.constant 0 : i32
    %dma_wait3A_3066 = tpu.memref_slice %arg5[%dma_wait3A_3064, %dma_wait3A_3065, %multiple_of3A_1806] : memref<128x64x8192xf32, #tpu.memory_space<hbm>> -> memref<1x64x128xf32, #tpu.memory_space<hbm>>
    %dma_wait3A_3067 = tpu.memref_squeeze %dma_wait3A_3066 : memref<1x64x128xf32, #tpu.memory_space<hbm>> -> memref<64x128xf32, #tpu.memory_space<hbm>>
    %dma_wait3A_3068 = arith.constant 0 : i32
    %dma_wait3A_3069 = arith.constant 0 : i32
    %dma_wait3A_3070 = tpu.memref_slice %arg6[%dma_wait3A_3063, %dma_wait3A_3068, %dma_wait3A_3069] : memref<128x64x128xf32, #tpu.memory_space<vmem>> -> memref<1x64x128xf32, #tpu.memory_space<vmem>>
    %dma_wait3A_3071 = tpu.memref_squeeze %dma_wait3A_3070 : memref<1x64x128xf32, #tpu.memory_space<vmem>> -> memref<64x128xf32, #tpu.memory_space<vmem>>
    tpu.wait_dma2 semaphore(%arg7 : memref<!tpu.dma_semaphore, #tpu.memory_space<semaphore_mem>>) src(%dma_wait3A_3071 : memref<64x128xf32, #tpu.memory_space<vmem>>) dst(%dma_wait3A_3067 : memref<64x128xf32, #tpu.memory_space<hbm>>)
    %dma_wait3A_3072 = arith.constant 113 : i32
    %dma_wait3A_3073 = arith.constant 113 : i32
    %dma_wait3A_3074 = arith.constant 0 : i32
    %dma_wait3A_3075 = tpu.memref_slice %arg5[%dma_wait3A_3073, %dma_wait3A_3074, %multiple_of3A_1822] : memref<128x64x8192xf32, #tpu.memory_space<hbm>> -> memref<1x64x128xf32, #tpu.memory_space<hbm>>
    %dma_wait3A_3076 = tpu.memref_squeeze %dma_wait3A_3075 : memref<1x64x128xf32, #tpu.memory_space<hbm>> -> memref<64x128xf32, #tpu.memory_space<hbm>>
    %dma_wait3A_3077 = arith.constant 0 : i32
    %dma_wait3A_3078 = arith.constant 0 : i32
    %dma_wait3A_3079 = tpu.memref_slice %arg6[%dma_wait3A_3072, %dma_wait3A_3077, %dma_wait3A_3078] : memref<128x64x128xf32, #tpu.memory_space<vmem>> -> memref<1x64x128xf32, #tpu.memory_space<vmem>>
    %dma_wait3A_3080 = tpu.memref_squeeze %dma_wait3A_3079 : memref<1x64x128xf32, #tpu.memory_space<vmem>> -> memref<64x128xf32, #tpu.memory_space<vmem>>
    tpu.wait_dma2 semaphore(%arg7 : memref<!tpu.dma_semaphore, #tpu.memory_space<semaphore_mem>>) src(%dma_wait3A_3080 : memref<64x128xf32, #tpu.memory_space<vmem>>) dst(%dma_wait3A_3076 : memref<64x128xf32, #tpu.memory_space<hbm>>)
    %dma_wait3A_3081 = arith.constant 114 : i32
    %dma_wait3A_3082 = arith.constant 114 : i32
    %dma_wait3A_3083 = arith.constant 0 : i32
    %dma_wait3A_3084 = tpu.memref_slice %arg5[%dma_wait3A_3082, %dma_wait3A_3083, %multiple_of3A_1838] : memref<128x64x8192xf32, #tpu.memory_space<hbm>> -> memref<1x64x128xf32, #tpu.memory_space<hbm>>
    %dma_wait3A_3085 = tpu.memref_squeeze %dma_wait3A_3084 : memref<1x64x128xf32, #tpu.memory_space<hbm>> -> memref<64x128xf32, #tpu.memory_space<hbm>>
    %dma_wait3A_3086 = arith.constant 0 : i32
    %dma_wait3A_3087 = arith.constant 0 : i32
    %dma_wait3A_3088 = tpu.memref_slice %arg6[%dma_wait3A_3081, %dma_wait3A_3086, %dma_wait3A_3087] : memref<128x64x128xf32, #tpu.memory_space<vmem>> -> memref<1x64x128xf32, #tpu.memory_space<vmem>>
    %dma_wait3A_3089 = tpu.memref_squeeze %dma_wait3A_3088 : memref<1x64x128xf32, #tpu.memory_space<vmem>> -> memref<64x128xf32, #tpu.memory_space<vmem>>
    tpu.wait_dma2 semaphore(%arg7 : memref<!tpu.dma_semaphore, #tpu.memory_space<semaphore_mem>>) src(%dma_wait3A_3089 : memref<64x128xf32, #tpu.memory_space<vmem>>) dst(%dma_wait3A_3085 : memref<64x128xf32, #tpu.memory_space<hbm>>)
    %dma_wait3A_3090 = arith.constant 115 : i32
    %dma_wait3A_3091 = arith.constant 115 : i32
    %dma_wait3A_3092 = arith.constant 0 : i32
    %dma_wait3A_3093 = tpu.memref_slice %arg5[%dma_wait3A_3091, %dma_wait3A_3092, %multiple_of3A_1854] : memref<128x64x8192xf32, #tpu.memory_space<hbm>> -> memref<1x64x128xf32, #tpu.memory_space<hbm>>
    %dma_wait3A_3094 = tpu.memref_squeeze %dma_wait3A_3093 : memref<1x64x128xf32, #tpu.memory_space<hbm>> -> memref<64x128xf32, #tpu.memory_space<hbm>>
    %dma_wait3A_3095 = arith.constant 0 : i32
    %dma_wait3A_3096 = arith.constant 0 : i32
    %dma_wait3A_3097 = tpu.memref_slice %arg6[%dma_wait3A_3090, %dma_wait3A_3095, %dma_wait3A_3096] : memref<128x64x128xf32, #tpu.memory_space<vmem>> -> memref<1x64x128xf32, #tpu.memory_space<vmem>>
    %dma_wait3A_3098 = tpu.memref_squeeze %dma_wait3A_3097 : memref<1x64x128xf32, #tpu.memory_space<vmem>> -> memref<64x128xf32, #tpu.memory_space<vmem>>
    tpu.wait_dma2 semaphore(%arg7 : memref<!tpu.dma_semaphore, #tpu.memory_space<semaphore_mem>>) src(%dma_wait3A_3098 : memref<64x128xf32, #tpu.memory_space<vmem>>) dst(%dma_wait3A_3094 : memref<64x128xf32, #tpu.memory_space<hbm>>)
    %dma_wait3A_3099 = arith.constant 116 : i32
    %dma_wait3A_3100 = arith.constant 116 : i32
    %dma_wait3A_3101 = arith.constant 0 : i32
    %dma_wait3A_3102 = tpu.memref_slice %arg5[%dma_wait3A_3100, %dma_wait3A_3101, %multiple_of3A_1870] : memref<128x64x8192xf32, #tpu.memory_space<hbm>> -> memref<1x64x128xf32, #tpu.memory_space<hbm>>
    %dma_wait3A_3103 = tpu.memref_squeeze %dma_wait3A_3102 : memref<1x64x128xf32, #tpu.memory_space<hbm>> -> memref<64x128xf32, #tpu.memory_space<hbm>>
    %dma_wait3A_3104 = arith.constant 0 : i32
    %dma_wait3A_3105 = arith.constant 0 : i32
    %dma_wait3A_3106 = tpu.memref_slice %arg6[%dma_wait3A_3099, %dma_wait3A_3104, %dma_wait3A_3105] : memref<128x64x128xf32, #tpu.memory_space<vmem>> -> memref<1x64x128xf32, #tpu.memory_space<vmem>>
    %dma_wait3A_3107 = tpu.memref_squeeze %dma_wait3A_3106 : memref<1x64x128xf32, #tpu.memory_space<vmem>> -> memref<64x128xf32, #tpu.memory_space<vmem>>
    tpu.wait_dma2 semaphore(%arg7 : memref<!tpu.dma_semaphore, #tpu.memory_space<semaphore_mem>>) src(%dma_wait3A_3107 : memref<64x128xf32, #tpu.memory_space<vmem>>) dst(%dma_wait3A_3103 : memref<64x128xf32, #tpu.memory_space<hbm>>)
    %dma_wait3A_3108 = arith.constant 117 : i32
    %dma_wait3A_3109 = arith.constant 117 : i32
    %dma_wait3A_3110 = arith.constant 0 : i32
    %dma_wait3A_3111 = tpu.memref_slice %arg5[%dma_wait3A_3109, %dma_wait3A_3110, %multiple_of3A_1886] : memref<128x64x8192xf32, #tpu.memory_space<hbm>> -> memref<1x64x128xf32, #tpu.memory_space<hbm>>
    %dma_wait3A_3112 = tpu.memref_squeeze %dma_wait3A_3111 : memref<1x64x128xf32, #tpu.memory_space<hbm>> -> memref<64x128xf32, #tpu.memory_space<hbm>>
    %dma_wait3A_3113 = arith.constant 0 : i32
    %dma_wait3A_3114 = arith.constant 0 : i32
    %dma_wait3A_3115 = tpu.memref_slice %arg6[%dma_wait3A_3108, %dma_wait3A_3113, %dma_wait3A_3114] : memref<128x64x128xf32, #tpu.memory_space<vmem>> -> memref<1x64x128xf32, #tpu.memory_space<vmem>>
    %dma_wait3A_3116 = tpu.memref_squeeze %dma_wait3A_3115 : memref<1x64x128xf32, #tpu.memory_space<vmem>> -> memref<64x128xf32, #tpu.memory_space<vmem>>
    tpu.wait_dma2 semaphore(%arg7 : memref<!tpu.dma_semaphore, #tpu.memory_space<semaphore_mem>>) src(%dma_wait3A_3116 : memref<64x128xf32, #tpu.memory_space<vmem>>) dst(%dma_wait3A_3112 : memref<64x128xf32, #tpu.memory_space<hbm>>)
    %dma_wait3A_3117 = arith.constant 118 : i32
    %dma_wait3A_3118 = arith.constant 118 : i32
    %dma_wait3A_3119 = arith.constant 0 : i32
    %dma_wait3A_3120 = tpu.memref_slice %arg5[%dma_wait3A_3118, %dma_wait3A_3119, %multiple_of3A_1902] : memref<128x64x8192xf32, #tpu.memory_space<hbm>> -> memref<1x64x128xf32, #tpu.memory_space<hbm>>
    %dma_wait3A_3121 = tpu.memref_squeeze %dma_wait3A_3120 : memref<1x64x128xf32, #tpu.memory_space<hbm>> -> memref<64x128xf32, #tpu.memory_space<hbm>>
    %dma_wait3A_3122 = arith.constant 0 : i32
    %dma_wait3A_3123 = arith.constant 0 : i32
    %dma_wait3A_3124 = tpu.memref_slice %arg6[%dma_wait3A_3117, %dma_wait3A_3122, %dma_wait3A_3123] : memref<128x64x128xf32, #tpu.memory_space<vmem>> -> memref<1x64x128xf32, #tpu.memory_space<vmem>>
    %dma_wait3A_3125 = tpu.memref_squeeze %dma_wait3A_3124 : memref<1x64x128xf32, #tpu.memory_space<vmem>> -> memref<64x128xf32, #tpu.memory_space<vmem>>
    tpu.wait_dma2 semaphore(%arg7 : memref<!tpu.dma_semaphore, #tpu.memory_space<semaphore_mem>>) src(%dma_wait3A_3125 : memref<64x128xf32, #tpu.memory_space<vmem>>) dst(%dma_wait3A_3121 : memref<64x128xf32, #tpu.memory_space<hbm>>)
    %dma_wait3A_3126 = arith.constant 119 : i32
    %dma_wait3A_3127 = arith.constant 119 : i32
    %dma_wait3A_3128 = arith.constant 0 : i32
    %dma_wait3A_3129 = tpu.memref_slice %arg5[%dma_wait3A_3127, %dma_wait3A_3128, %multiple_of3A_1918] : memref<128x64x8192xf32, #tpu.memory_space<hbm>> -> memref<1x64x128xf32, #tpu.memory_space<hbm>>
    %dma_wait3A_3130 = tpu.memref_squeeze %dma_wait3A_3129 : memref<1x64x128xf32, #tpu.memory_space<hbm>> -> memref<64x128xf32, #tpu.memory_space<hbm>>
    %dma_wait3A_3131 = arith.constant 0 : i32
    %dma_wait3A_3132 = arith.constant 0 : i32
    %dma_wait3A_3133 = tpu.memref_slice %arg6[%dma_wait3A_3126, %dma_wait3A_3131, %dma_wait3A_3132] : memref<128x64x128xf32, #tpu.memory_space<vmem>> -> memref<1x64x128xf32, #tpu.memory_space<vmem>>
    %dma_wait3A_3134 = tpu.memref_squeeze %dma_wait3A_3133 : memref<1x64x128xf32, #tpu.memory_space<vmem>> -> memref<64x128xf32, #tpu.memory_space<vmem>>
    tpu.wait_dma2 semaphore(%arg7 : memref<!tpu.dma_semaphore, #tpu.memory_space<semaphore_mem>>) src(%dma_wait3A_3134 : memref<64x128xf32, #tpu.memory_space<vmem>>) dst(%dma_wait3A_3130 : memref<64x128xf32, #tpu.memory_space<hbm>>)
    %dma_wait3A_3135 = arith.constant 120 : i32
    %dma_wait3A_3136 = arith.constant 120 : i32
    %dma_wait3A_3137 = arith.constant 0 : i32
    %dma_wait3A_3138 = tpu.memref_slice %arg5[%dma_wait3A_3136, %dma_wait3A_3137, %multiple_of3A_1934] : memref<128x64x8192xf32, #tpu.memory_space<hbm>> -> memref<1x64x128xf32, #tpu.memory_space<hbm>>
    %dma_wait3A_3139 = tpu.memref_squeeze %dma_wait3A_3138 : memref<1x64x128xf32, #tpu.memory_space<hbm>> -> memref<64x128xf32, #tpu.memory_space<hbm>>
    %dma_wait3A_3140 = arith.constant 0 : i32
    %dma_wait3A_3141 = arith.constant 0 : i32
    %dma_wait3A_3142 = tpu.memref_slice %arg6[%dma_wait3A_3135, %dma_wait3A_3140, %dma_wait3A_3141] : memref<128x64x128xf32, #tpu.memory_space<vmem>> -> memref<1x64x128xf32, #tpu.memory_space<vmem>>
    %dma_wait3A_3143 = tpu.memref_squeeze %dma_wait3A_3142 : memref<1x64x128xf32, #tpu.memory_space<vmem>> -> memref<64x128xf32, #tpu.memory_space<vmem>>
    tpu.wait_dma2 semaphore(%arg7 : memref<!tpu.dma_semaphore, #tpu.memory_space<semaphore_mem>>) src(%dma_wait3A_3143 : memref<64x128xf32, #tpu.memory_space<vmem>>) dst(%dma_wait3A_3139 : memref<64x128xf32, #tpu.memory_space<hbm>>)
    %dma_wait3A_3144 = arith.constant 121 : i32
    %dma_wait3A_3145 = arith.constant 121 : i32
    %dma_wait3A_3146 = arith.constant 0 : i32
    %dma_wait3A_3147 = tpu.memref_slice %arg5[%dma_wait3A_3145, %dma_wait3A_3146, %multiple_of3A_1950] : memref<128x64x8192xf32, #tpu.memory_space<hbm>> -> memref<1x64x128xf32, #tpu.memory_space<hbm>>
    %dma_wait3A_3148 = tpu.memref_squeeze %dma_wait3A_3147 : memref<1x64x128xf32, #tpu.memory_space<hbm>> -> memref<64x128xf32, #tpu.memory_space<hbm>>
    %dma_wait3A_3149 = arith.constant 0 : i32
    %dma_wait3A_3150 = arith.constant 0 : i32
    %dma_wait3A_3151 = tpu.memref_slice %arg6[%dma_wait3A_3144, %dma_wait3A_3149, %dma_wait3A_3150] : memref<128x64x128xf32, #tpu.memory_space<vmem>> -> memref<1x64x128xf32, #tpu.memory_space<vmem>>
    %dma_wait3A_3152 = tpu.memref_squeeze %dma_wait3A_3151 : memref<1x64x128xf32, #tpu.memory_space<vmem>> -> memref<64x128xf32, #tpu.memory_space<vmem>>
    tpu.wait_dma2 semaphore(%arg7 : memref<!tpu.dma_semaphore, #tpu.memory_space<semaphore_mem>>) src(%dma_wait3A_3152 : memref<64x128xf32, #tpu.memory_space<vmem>>) dst(%dma_wait3A_3148 : memref<64x128xf32, #tpu.memory_space<hbm>>)
    %dma_wait3A_3153 = arith.constant 122 : i32
    %dma_wait3A_3154 = arith.constant 122 : i32
    %dma_wait3A_3155 = arith.constant 0 : i32
    %dma_wait3A_3156 = tpu.memref_slice %arg5[%dma_wait3A_3154, %dma_wait3A_3155, %multiple_of3A_1966] : memref<128x64x8192xf32, #tpu.memory_space<hbm>> -> memref<1x64x128xf32, #tpu.memory_space<hbm>>
    %dma_wait3A_3157 = tpu.memref_squeeze %dma_wait3A_3156 : memref<1x64x128xf32, #tpu.memory_space<hbm>> -> memref<64x128xf32, #tpu.memory_space<hbm>>
    %dma_wait3A_3158 = arith.constant 0 : i32
    %dma_wait3A_3159 = arith.constant 0 : i32
    %dma_wait3A_3160 = tpu.memref_slice %arg6[%dma_wait3A_3153, %dma_wait3A_3158, %dma_wait3A_3159] : memref<128x64x128xf32, #tpu.memory_space<vmem>> -> memref<1x64x128xf32, #tpu.memory_space<vmem>>
    %dma_wait3A_3161 = tpu.memref_squeeze %dma_wait3A_3160 : memref<1x64x128xf32, #tpu.memory_space<vmem>> -> memref<64x128xf32, #tpu.memory_space<vmem>>
    tpu.wait_dma2 semaphore(%arg7 : memref<!tpu.dma_semaphore, #tpu.memory_space<semaphore_mem>>) src(%dma_wait3A_3161 : memref<64x128xf32, #tpu.memory_space<vmem>>) dst(%dma_wait3A_3157 : memref<64x128xf32, #tpu.memory_space<hbm>>)
    %dma_wait3A_3162 = arith.constant 123 : i32
    %dma_wait3A_3163 = arith.constant 123 : i32
    %dma_wait3A_3164 = arith.constant 0 : i32
    %dma_wait3A_3165 = tpu.memref_slice %arg5[%dma_wait3A_3163, %dma_wait3A_3164, %multiple_of3A_1982] : memref<128x64x8192xf32, #tpu.memory_space<hbm>> -> memref<1x64x128xf32, #tpu.memory_space<hbm>>
    %dma_wait3A_3166 = tpu.memref_squeeze %dma_wait3A_3165 : memref<1x64x128xf32, #tpu.memory_space<hbm>> -> memref<64x128xf32, #tpu.memory_space<hbm>>
    %dma_wait3A_3167 = arith.constant 0 : i32
    %dma_wait3A_3168 = arith.constant 0 : i32
    %dma_wait3A_3169 = tpu.memref_slice %arg6[%dma_wait3A_3162, %dma_wait3A_3167, %dma_wait3A_3168] : memref<128x64x128xf32, #tpu.memory_space<vmem>> -> memref<1x64x128xf32, #tpu.memory_space<vmem>>
    %dma_wait3A_3170 = tpu.memref_squeeze %dma_wait3A_3169 : memref<1x64x128xf32, #tpu.memory_space<vmem>> -> memref<64x128xf32, #tpu.memory_space<vmem>>
    tpu.wait_dma2 semaphore(%arg7 : memref<!tpu.dma_semaphore, #tpu.memory_space<semaphore_mem>>) src(%dma_wait3A_3170 : memref<64x128xf32, #tpu.memory_space<vmem>>) dst(%dma_wait3A_3166 : memref<64x128xf32, #tpu.memory_space<hbm>>)
    %dma_wait3A_3171 = arith.constant 124 : i32
    %dma_wait3A_3172 = arith.constant 124 : i32
    %dma_wait3A_3173 = arith.constant 0 : i32
    %dma_wait3A_3174 = tpu.memref_slice %arg5[%dma_wait3A_3172, %dma_wait3A_3173, %multiple_of3A_1998] : memref<128x64x8192xf32, #tpu.memory_space<hbm>> -> memref<1x64x128xf32, #tpu.memory_space<hbm>>
    %dma_wait3A_3175 = tpu.memref_squeeze %dma_wait3A_3174 : memref<1x64x128xf32, #tpu.memory_space<hbm>> -> memref<64x128xf32, #tpu.memory_space<hbm>>
    %dma_wait3A_3176 = arith.constant 0 : i32
    %dma_wait3A_3177 = arith.constant 0 : i32
    %dma_wait3A_3178 = tpu.memref_slice %arg6[%dma_wait3A_3171, %dma_wait3A_3176, %dma_wait3A_3177] : memref<128x64x128xf32, #tpu.memory_space<vmem>> -> memref<1x64x128xf32, #tpu.memory_space<vmem>>
    %dma_wait3A_3179 = tpu.memref_squeeze %dma_wait3A_3178 : memref<1x64x128xf32, #tpu.memory_space<vmem>> -> memref<64x128xf32, #tpu.memory_space<vmem>>
    tpu.wait_dma2 semaphore(%arg7 : memref<!tpu.dma_semaphore, #tpu.memory_space<semaphore_mem>>) src(%dma_wait3A_3179 : memref<64x128xf32, #tpu.memory_space<vmem>>) dst(%dma_wait3A_3175 : memref<64x128xf32, #tpu.memory_space<hbm>>)
    %dma_wait3A_3180 = arith.constant 125 : i32
    %dma_wait3A_3181 = arith.constant 125 : i32
    %dma_wait3A_3182 = arith.constant 0 : i32
    %dma_wait3A_3183 = tpu.memref_slice %arg5[%dma_wait3A_3181, %dma_wait3A_3182, %multiple_of3A_2014] : memref<128x64x8192xf32, #tpu.memory_space<hbm>> -> memref<1x64x128xf32, #tpu.memory_space<hbm>>
    %dma_wait3A_3184 = tpu.memref_squeeze %dma_wait3A_3183 : memref<1x64x128xf32, #tpu.memory_space<hbm>> -> memref<64x128xf32, #tpu.memory_space<hbm>>
    %dma_wait3A_3185 = arith.constant 0 : i32
    %dma_wait3A_3186 = arith.constant 0 : i32
    %dma_wait3A_3187 = tpu.memref_slice %arg6[%dma_wait3A_3180, %dma_wait3A_3185, %dma_wait3A_3186] : memref<128x64x128xf32, #tpu.memory_space<vmem>> -> memref<1x64x128xf32, #tpu.memory_space<vmem>>
    %dma_wait3A_3188 = tpu.memref_squeeze %dma_wait3A_3187 : memref<1x64x128xf32, #tpu.memory_space<vmem>> -> memref<64x128xf32, #tpu.memory_space<vmem>>
    tpu.wait_dma2 semaphore(%arg7 : memref<!tpu.dma_semaphore, #tpu.memory_space<semaphore_mem>>) src(%dma_wait3A_3188 : memref<64x128xf32, #tpu.memory_space<vmem>>) dst(%dma_wait3A_3184 : memref<64x128xf32, #tpu.memory_space<hbm>>)
    %dma_wait3A_3189 = arith.constant 126 : i32
    %dma_wait3A_3190 = arith.constant 126 : i32
    %dma_wait3A_3191 = arith.constant 0 : i32
    %dma_wait3A_3192 = tpu.memref_slice %arg5[%dma_wait3A_3190, %dma_wait3A_3191, %multiple_of3A_2030] : memref<128x64x8192xf32, #tpu.memory_space<hbm>> -> memref<1x64x128xf32, #tpu.memory_space<hbm>>
    %dma_wait3A_3193 = tpu.memref_squeeze %dma_wait3A_3192 : memref<1x64x128xf32, #tpu.memory_space<hbm>> -> memref<64x128xf32, #tpu.memory_space<hbm>>
    %dma_wait3A_3194 = arith.constant 0 : i32
    %dma_wait3A_3195 = arith.constant 0 : i32
    %dma_wait3A_3196 = tpu.memref_slice %arg6[%dma_wait3A_3189, %dma_wait3A_3194, %dma_wait3A_3195] : memref<128x64x128xf32, #tpu.memory_space<vmem>> -> memref<1x64x128xf32, #tpu.memory_space<vmem>>
    %dma_wait3A_3197 = tpu.memref_squeeze %dma_wait3A_3196 : memref<1x64x128xf32, #tpu.memory_space<vmem>> -> memref<64x128xf32, #tpu.memory_space<vmem>>
    tpu.wait_dma2 semaphore(%arg7 : memref<!tpu.dma_semaphore, #tpu.memory_space<semaphore_mem>>) src(%dma_wait3A_3197 : memref<64x128xf32, #tpu.memory_space<vmem>>) dst(%dma_wait3A_3193 : memref<64x128xf32, #tpu.memory_space<hbm>>)
    %dma_wait3A_3198 = arith.constant 127 : i32
    %dma_wait3A_3199 = arith.constant 127 : i32
    %dma_wait3A_3200 = arith.constant 0 : i32
    %dma_wait3A_3201 = tpu.memref_slice %arg5[%dma_wait3A_3199, %dma_wait3A_3200, %multiple_of3A_2046] : memref<128x64x8192xf32, #tpu.memory_space<hbm>> -> memref<1x64x128xf32, #tpu.memory_space<hbm>>
    %dma_wait3A_3202 = tpu.memref_squeeze %dma_wait3A_3201 : memref<1x64x128xf32, #tpu.memory_space<hbm>> -> memref<64x128xf32, #tpu.memory_space<hbm>>
    %dma_wait3A_3203 = arith.constant 0 : i32
    %dma_wait3A_3204 = arith.constant 0 : i32
    %dma_wait3A_3205 = tpu.memref_slice %arg6[%dma_wait3A_3198, %dma_wait3A_3203, %dma_wait3A_3204] : memref<128x64x128xf32, #tpu.memory_space<vmem>> -> memref<1x64x128xf32, #tpu.memory_space<vmem>>
    %dma_wait3A_3206 = tpu.memref_squeeze %dma_wait3A_3205 : memref<1x64x128xf32, #tpu.memory_space<vmem>> -> memref<64x128xf32, #tpu.memory_space<vmem>>
    tpu.wait_dma2 semaphore(%arg7 : memref<!tpu.dma_semaphore, #tpu.memory_space<semaphore_mem>>) src(%dma_wait3A_3206 : memref<64x128xf32, #tpu.memory_space<vmem>>) dst(%dma_wait3A_3202 : memref<64x128xf32, #tpu.memory_space<hbm>>)
    return
  }
  func.func @transform_1(%arg0: i32, %arg1: memref<128xi32, #tpu.memory_space<smem>>) -> (i32, i32, i32) {
    %c0_i32 = arith.constant 0 : i32
    %c0_i32_0 = arith.constant 0 : i32
    %c0_i32_1 = arith.constant 0 : i32
    %c0_i32_2 = arith.constant 0 : i32
    return %c0_i32, %c0_i32_0, %c0_i32_1 : i32, i32, i32
  }
  func.func @transform_2(%arg0: i32, %arg1: memref<128xi32, #tpu.memory_space<smem>>) -> (i32, i32) {
    %c0_i32 = arith.constant 0 : i32
    %c0_i32_0 = arith.constant 0 : i32
    %c0_i32_1 = arith.constant 0 : i32
    return %c0_i32, %c0_i32_0 : i32, i32
  }
}

</mosaic_0001>

<sc_bundles>
// kernel: kernel.5.cloned.1.call-start
scs
__scs_entry_jumppad:
0x0: {  	(pc) =	sbr.rel $0x88, $3  }
0x1: {  	(tag) =	ssettag $0x0;
	lr =	simm.s32 $0x1  }
0x2: {  	[smem:$0x3F9F] =	sst lr;
	_ =	strace $0xD0000000  }
0x3: {  	_ = 	snop  }
0x4: {  	_ = 	snop  }
0x5: {  	_ = 	snop  }
0x6: {  	_ = 	snop  }
0x7: {  	_ = 	snop  }
__scs_overlays_trampoline_lowered:
0x8: {  	[smem:$0x3FAE] =	sst s0  }
0x9: {  	[smem:$0x3FAF] =	sst s1  }
0xa: {  	[smem:$0x3FB0] =	sst s2  }
0xb: {  	[smem:$0x3FB1] =	sst s3  }
0xc: {  	[smem:$0x3FB2] =	sst s4  }
0xd: {  	[smem:$0x3FB3] =	sst s5  }
0xe: {  	[smem:$0x3FB4] =	sst s6  }
0xf: {  	[smem:$0x3FB5] =	sst s7  }
0x10: {  	[smem:$0x3FB6] =	sst s8  }
0x11: {  	[smem:$0x3FB7] =	sst s9;
	s0 =	simm.s32 @!p0 $0x0  }
0x12: {  	s1 =	sld [smem:$0x3F9D];
	s0 =	simm.s32 @p0 $0x1  }
0x13: {  	[smem:$0x3FB8] =	sst s0;
	s0 =	simm.s32 @!p1 $0x0  }
0x14: {  	s2 =	sld [smem:$0x3F9C];
	s0 =	simm.s32 @p1 $0x1  }
0x15: {  	[smem:$0x3FB9] =	sst s0;
	s0 =	simm.s32 @!p2 $0x0  }
0x16: {  	s3 =	sld [smem:$0x3FDB];
	s0 =	simm.s32 @p2 $0x1  }
0x17: {  	s4 =	simm.s32 $0x1BF5;
	[smem:$0x3FBB] =	sst s0  }
0x18: {  	s0 =	sld [smem:$0x3F9E];
	_ =	swait.ge [sflag:s4], $0x0  }
0x19: {  	s7 =	sld [smem:$0x3F9F]  }
0x1a: {  	s8 =	sadd.s32 $0xFFFFE003, lr  }
0x1b: {  	s9 =	sadd.s32 $0xFFFFFEF7, lr;
	s5 =	simm.s32 $0xFFFFFFFF;
	p2 =	slt.u32 s8, $0xFFFFF086  }
0x1c: {  	p1 =	slt.u32 s9, $0xF7A;
	s5 =	simm.s32 @!p2 $0x0  }
0x1d: {  	s5 =	simm.s32 @p1 $0x1;
	p0 =	seq.s32 s7, s2  }
0x1e: {  	s7 =	smul.u32 @!p0 $0xF7A, s2;
	p2 =	seq.s32 @!p0 s5, $0x0  }
0x1f: {  	s9 =	smul.u32 $0xF7A, s1;
	s8 =	simm.s32 @!p0 $0x1BF5;
	p2 =	por !p2, p0  }
0x20: {  	[sflag:s8] =	ssyncset.s32 @!p0 $0xFFFFF086;
	s6 =	sadd.s32 @!p0 s3, s7;
	s7 =	simm.s32 @!p0 $0x108  }
0x21: {  	s3 =	sadd.s32 s3, s9;
	s6 =	sadd.s32 @!p0 $0x88, s6;
	s7 =	simm.s32 @p2 $0x1082  }
0x22: {  	[simem:s7], [sflag:s8] =	dma.local @!p0 [hbm:s6], $0xF7A  }
0x23: {  	s9 =	sor.u32 $0xD0000000, s2;
	s6 =	simm.s32 $0x108;
	_ =	swait.ge @!p0 [sflag:s8], $0x0  }
0x24: {  	s3 =	sadd.s32 $0x88, s3;
	s6 =	simm.s32 @!p1 $0x1082;
	[sflag:s4] =	ssyncset.s32 $0xFFFFF086  }
0x25: {  	[simem:s6], [sflag:s4] =	dma.local [hbm:s3], $0xF7A  }
0x26: {  	[smem:$0x3F9F] =	sst s1;
	(tag) =	ssettag s2;
	_ =	strace s9  }
0x27: {  	s1 =	sld [smem:$0x3FAF]  }
0x28: {  	s2 =	sld [smem:$0x3FB0]  }
0x29: {  	s4 =	sld [smem:$0x3FB2]  }
0x2a: {  	p0 =	seq.s32 s5, $0x0;
	s5 =	sld [smem:$0x3FB3]  }
0x2b: {  	s6 =	sld [smem:$0x3FB4]  }
0x2c: {  	s7 =	sld [smem:$0x3FB5]  }
0x2d: {  	s3 =	simm.s32 $0x108;
	s8 =	sld [smem:$0x3FB6]  }
0x2e: {  	s3 =	simm.s32 @!p0 $0x1082;
	s9 =	sld [smem:$0x3FB7]  }
0x2f: {  	lr =	sadd.s32 s0, s3;
	s0 =	sld [smem:$0x3FAE]  }
0x30: {  	s3 =	sld [smem:$0x3FB1]  }
0x31: {  	[smem:$0x3FBA] =	sst s10  }
0x32: {  	s10 =	sld [smem:$0x3FB8];
	_ =	sdelay $0x3  }
0x33: {  	p0 =	seq.s32 s10, $0x1;
	s10 =	sld [smem:$0x3FBA];
	_ =	sdelay $0x3  }
0x34: {  	[smem:$0x3FBA] =	sst s10  }
0x35: {  	s10 =	sld [smem:$0x3FB9];
	_ =	sdelay $0x3  }
0x36: {  	p1 =	seq.s32 s10, $0x1;
	s10 =	sld [smem:$0x3FBA];
	_ =	sdelay $0x3  }
0x37: {  	[smem:$0x3FBA] =	sst s10  }
0x38: {  	s10 =	sld [smem:$0x3FBB]  }
0x39: {  	_ = 	snop;
	(pc) =	sbr.ind lr, $3  }
0x3a: {  	_ = 	snop  }
0x3b: {  	_ = 	snop  }
0x3c: {  	p2 =	seq.s32 s10, $0x1;
	s10 =	sld [smem:$0x3FBA]  }
0x3d: {  	_ =	shalt  }
0x3e: {  	_ =	shalt  }
0x3f: {  	_ =	shalt  }
0x40: {  	_ =	shalt  }
0x41: {  	_ =	shalt  }
0x42: {  	_ =	shalt  }
0x43: {  	_ =	shalt  }
0x44: {  	_ =	shalt  }
0x45: {  	_ =	shalt  }
0x46: {  	_ =	shalt  }
0x47: {  	_ =	shalt  }
0x48: {  	_ =	shalt  }
0x49: {  	_ =	shalt  }
0x4a: {  	_ =	shalt  }
0x4b: {  	_ =	shalt  }
0x4c: {  	_ =	shalt  }
0x4d: {  	_ =	shalt  }
0x4e: {  	_ =	shalt  }
0x4f: {  	_ =	shalt  }
0x50: {  	_ =	shalt  }
0x51: {  	_ =	shalt  }
0x52: {  	_ =	shalt  }
0x53: {  	_ =	shalt  }
0x54: {  	_ =	shalt  }
0x55: {  	_ =	shalt  }
0x56: {  	_ =	shalt  }
0x57: {  	_ =	shalt  }
0x58: {  	_ =	shalt  }
0x59: {  	_ =	shalt  }
0x5a: {  	_ =	shalt  }
0x5b: {  	_ =	shalt  }
0x5c: {  	_ =	shalt  }
0x5d: {  	_ =	shalt  }
0x5e: {  	_ =	shalt  }
0x5f: {  	_ =	shalt  }
0x60: {  	_ =	shalt  }
0x61: {  	_ =	shalt  }
0x62: {  	_ =	shalt  }
0x63: {  	_ =	shalt  }
0x64: {  	_ =	shalt  }
0x65: {  	_ =	shalt  }
0x66: {  	_ =	shalt  }
0x67: {  	_ =	shalt  }
0x68: {  	_ =	shalt  }
0x69: {  	_ =	shalt  }
0x6a: {  	_ =	shalt  }
0x6b: {  	_ =	shalt  }
0x6c: {  	_ =	shalt  }
0x6d: {  	_ =	shalt  }
0x6e: {  	_ =	shalt  }
0x6f: {  	_ =	shalt  }
0x70: {  	_ =	shalt  }
0x71: {  	_ =	shalt  }
0x72: {  	_ =	shalt  }
0x73: {  	_ =	shalt  }
0x74: {  	_ =	shalt  }
0x75: {  	_ =	shalt  }
0x76: {  	_ =	shalt  }
0x77: {  	_ =	shalt  }
0x78: {  	_ =	shalt  }
0x79: {  	_ =	shalt  }
0x7a: {  	_ =	shalt  }
0x7b: {  	_ =	shalt  }
0x7c: {  	_ =	shalt  }
0x7d: {  	_ =	shalt  }
0x7e: {  	_ =	shalt  }
0x7f: {  	_ =	shalt  }
0x80: {  	_ =	shalt  }
0x81: {  	_ =	shalt  }
0x82: {  	_ =	shalt  }
0x83: {  	_ =	shalt  }
0x84: {  	_ =	shalt  }
0x85: {  	_ =	shalt  }
0x86: {  	_ =	shalt  }
0x87: {  	_ =	shalt  }
.Lfunc_end0:
.L_simem_size_0:
called_computation_lowered:
.L_overlay_start_0:
0x88: {  	s2 =	sld [smem:$0x3FD9]  }
0x89: {  	s3 =	sld [smem:$0x3FFE];
	_ =	sdelay $0x1  }
0x8a: {  	s1 =	srdreg.scid  }
0x8b: {  	s0 =	sand.u32 $0x1, s1  }
0x8c: {  	s17 =	sshll.u32 s0, $0xA;
	s2 =	sadd.s32 s3, s2  }
0x8d: {  	s2 =	sadd.s32 s2, s17  }
0x8e: {  	[smem:$0x3FC6] =	sst s2  }
0x8f: {  	_ = 	snop  }
0x90: {  	s2 =	sld [smem:$0x3FC9]  }
0x91: {  	s18 =	sld [smem:$0x3FC8];
	(tm) =	ssettm $0x1  }
0x92: {  	s4 =	sld [smem:$0x3FFB];
	_ =	sdelay $0x3  }
0x93: {  	_ =	strace s4  }
0x94: {  	s4 =	sld [smem:$0x3FFC];
	_ =	sdelay $0x3  }
0x95: {  	_ =	strace s4  }
0x96: {  	s4 =	sld [smem:$0x3FFD];
	_ =	sdelay $0x3  }
0x97: {  	_ =	strace s4  }
0x98: {  	_ =	strace $0x8FFFFFFF  }
0x99: {  	s19 =	sld [smem:$0x3FDB];
	_ =	sdelay $0x1  }
0x9a: {  	s5 =	simm.s32 $_scs_section_size  }
0x9b: {  	s6 =	simm.s32 $_size__tile_overlayer_lowered;
	s7 =	simm.s32 $_tile_overlayer_lowered  }
0x9c: {  	s22 =	simm.s32 $0x1BFF;
	s21 =	sshll.u32 s7, $0x1;
	s4 =	sadd.s32 s5, s19  }
0x9d: {  	s8 =	simm.s32 $0x0;
	s20 =	sshll.u32 s6, $0x1;
	s6 =	sadd.s32 s21, s4  }
0x9e: {  	[timem:s8], [sflag:s22] =	dma.local [hbm:s6], s20  }
0x9f: {  	_ =	swait.ge [sflag:s22], s20  }
0xa0: {  	s5 =	ssub.s32 $0x0, s20;
	[sflag:s22] =	ssyncset.done $0x0  }
0xa1: {  	[sflag:s22] =	ssyncadd.s32 s5;
	_ =	sdelay $0x1  }
0xa2: {  	s23 =	simm.s32 $0x1B8B  }
0xa3: {  	_ =	swait.ge [sflag:s23], $0x1  }
0xa4: {  	[sflag:s23] =	ssyncset.done $0x0  }
0xa5: {  	s25 =	simm.s32 $0x1B8E;
	s24 =	sld [smem:$0x3FFE];
	[sflag:s23] =	ssyncadd.s32 $0xFFFFFFFF  }
0xa6: {  	s26 =	simm.s32 $execute0_lowered;
	[smem:$0x3FD2] =	sst s25  }
0xa7: {  	s6 =	sshll.u32 s26, $0x1;
	_ =	strace $0x80000046;
	[dreg:$0x1] =	wrdreg $0xFFFFFFFF  }
0xa8: {  	s28 =	simm.s32 $_size_execute0_lowered;
	s4 =	sadd.s32 s4, s6;
	[dreg:$0x0] =	wrdreg $0x0  }
0xa9: {  	s6 =	sshll.u32 s28, $0x1;
	[dreg:$0x2] =	wrdreg s4  }
0xaa: {  	[dreg:$0x3] =	wrdreg s6  }
0xab: {  	[dreg:$0x4] =	wrdreg $0xC0  }
0xac: {  	_ =	task [dreg:s8], $0x5FFFF  }
0xad: {  	[dreg:$0x1] =	wrdreg $0xFFFFFFFF  }
0xae: {  	[dreg:$0x0] =	wrdreg $0x60  }
0xaf: {  	[dreg:$0x2] =	wrdreg s2  }
0xb0: {  	[dreg:$0x3] =	wrdreg s18  }
0xb1: {  	[dreg:$0x4] =	wrdreg s24  }
0xb2: {  	[dreg:$0x5] =	wrdreg $0x9  }
0xb3: {  	_ =	task.clear_ibuf [dreg:s8], $0x6FFFF;
	_ =	strace $0x90000046  }
0xb4: {  	s29 =	simm.s32 $0x9;
	_ =	strace $0x80000048  }
0xb5: {  	_ =	swait.ge [sflag:s29], $0x1  }
0xb6: {  	[sflag:s29] =	ssyncadd.s32 $0xFFFFFFFF  }
0xb7: {  	_ =	strace $0x90000048  }
0xb8: {  	_ =	sfence  }
0xb9: {  	s30 =	sld [smem:$0x0];
	_ =	sdelay $0x2  }
0xba: {  	s31 =	sshll.u32 s1, $0xD;
	s1 =	sshrl.u32 s1, $0x2  }
0xbb: {  	s3 =	sand.u32 $0x4000, s31;
	s1 =	sadd.s32 s1, s30  }
0xbc: {  	s0 =	sor.u32 s3, s0;
	s1 =	sshll.u32 s1, $0x11  }
0xbd: {  	s0 =	sor.u32 s1, s0  }
0xbe: {  	s0 =	sadd.s32 $0x8F2B, s0  }
0xbf: {  	[sflag:s0] =	ssyncadd.remote.s32 $0x1  }
0xc0: {  	_ =	sfence.sel $0xFFFF  }
0xc1: {  	[dreg:$0x0] =	wrdreg $0xFFFFFFFF;
	(pc) =	sbr.abs _section_cstart, $3  }
0xc2: {  	[dreg:$0x1] =	wrdreg $0xFFFFFFFF  }
0xc3: {  	_ =	task.clear_ibuf [dreg:s8], $0x2FFFF;
	_ =	strace $0x9FFFFFFF  }
0xc4: {  	(tm) =	ssettm $0x7FFFFFFF  }
0xc5: {  	_ =	shalt  }
tec
execute0_lowered:
.L_overlay_start_1:
0x0: {  	(tag) =	ssettag $0x1  }
0x1: {  	s3 =	rddreg [dreg:$0x0]  }
0x2: {  	s0 =	rddreg [dreg:$0x1]  }
0x3: {  	s4 =	rddreg [dreg:$0x2];
	s1 =	srdreg.scid  }
0x4: {  	s2 =	simm.s32 $0x0;
	s10 =	simm.s32 $0x1;
	[dreg:$0x4] =	wrdreg s0  }
0x5: {  	s30 =	simm.s32 $0x2080;
	s31 =	simm.s32 $0x4080;
	s0 =	rddreg [dreg:$0x3]  }
0x6: {  	s5 =	sand.u32 $0x1, s1;
	s1 =	stileid.u32;
	[smem:$0x7FF] =	sst s2  }
0x7: {  	s6 =	sshll.u32 s5, $0x4;
	_ =	strace $0x80000047;
	[dreg:$0xa] =	wrdreg s30  }
0x8: {  	s8 =	sand.u32 $0x3, s1;
	s5 =	ssub.s32 $0x2, s5;
	[dreg:$0xb] =	wrdreg s31  }
0x9: {  	s6 =	sor.u32 s1, s6;
	p1 =	sne.s32 s8, $0x0;
	s22 =	sshrl.u32 s5, $0x1  }
0xa: {  	s25 =	sshll.u32 s8, $0x2;
	s13 =	sshllo.u32 s8, $0x2;
	s8 =	simm.s32 $0x400  }
0xb: {  	s7 =	sshll.u32 s6, $0xC;
	p0 =	seq.s32 s6, $0x0;
	s5 =	ssub.s32 s5, s22  }
0xc: {  	s11 =	sshrl.u32 s6, $0x2;
	s12 =	sor.u32 $0x1, s25;
	s29 =	sor.u32 $0x2, s25  }
0xd: {  	s9 =	sadd.s32 s7, s4;
	p0 =	por !p1, !p0;
	s7 =	sshll.u32 s6, $0x15  }
0xe: {  	s4 =	simm.s32 $0x1;
	s14 =	smax.u32 s5, $0x1;
	s5 =	simm.s32 $0x2  }
0xf: {  	p0 =	por !p0, !p0;
	s24 =	sor.u32 $0x80000, s7;
	s26 =	sor.u32 $0x100000, s7  }
0x10: {  	s28 =	sor.u32 $0x180000, s7;
	p1 =	sne.s32 s14, $0x1;
	[dreg:$0x5] =	wrdreg s24  }
.Ltmp0:
0x11: {  	s10 =	simm.s32 @!p0 $0x0;
	[dreg:$0x6] =	wrdreg s26;
	(pc) =	sbr.rel @!p1 .LBB2_3-.Ltmp0, $4  }
0x12: {  	s9 =	sadd.s32 $0x800, s9;
	[dreg:$0x7] =	wrdreg s28;
	s23 =	ssub.s32 s11, s10  }
0x13: {  	v2 =	vlaneseq.u32;
	v0 =	vmov s25;
	v1 =	vmov s13;
	[dreg:$0x8] =	wrdreg s9;
	s9 =	simm.s32 $0x10000;
	s6 =	sshll.u32 s23, $0x6  }
0x14: {  	v3 =	vmov s12;
	v4 =	vmov s29;
	vm0 =	veq.s32 v1, v2;
	p0 =	por $0x0, $0x0;
	s10 =	simm.s32 $0x6080;
	s6 =	sshra.s32 s6, $0x2  }
0x15: {  	vm3 =	veq.s32 v0, v2;
	vm1 =	veq.s32 v4, v2;
	vm2 =	veq.s32 v3, v2;
	s11 =	sadd.s32 $0xFFFFFFFF, s14;
	[dreg:$0x9] =	wrdreg s6;
	s6 =	simm.s32 $0x80  }
0x16: {  	s12 =	rddreg [dreg:$0x4]  }
0x17: {  	[tilespmem:s2], [sflag:$0x2] =	stream.linear.gather [hbm4b:s12+s2], $0x80, $0x38;
	[tilespmem:$0x8080] =	vst v63  }
0x18: {  	_ =	swait.ge [sflag:s5], $0x80  }
0x19: {  	[sflag:s5] =	ssyncset.done $0x0  }
0x1a: {  	s25 =	rddreg [dreg:$0x9];
	[sflag:s5] =	ssyncadd.s32 $0xFFFFFF80  }
0x1b: {  	v0 =	vld [tilespmem:s25+$0x0];
	_ =	sdelay $0x4  }
0x1c: {  	v0 =	vand.u32 $0xFFFFFF80, v0  }
0x1d: {  	v1 =	vnsel vm2, $0x0, v0  }
0x1e: {  	v2 =	vnsel vm3, $0x0, v0;
	(xrf0) =	vadd.scan.msk.s32 $0xffff, v1  }
0x1f: {  	v59 =	vnsel vm0, $0x0, v0;
	(xrf0) =	vadd.scan.msk.s32 $0xffff, v2  }
0x20: {  	v0 =	vnsel vm1, $0x0, v0;
	(xrf0) =	vadd.scan.msk.s32 $0xffff, v59  }
0x21: {  	(xrf0) =	vadd.scan.msk.s32 $0xffff, v0;
	_ =	sdelay $0x2  }
0x22: {  	v60, _, _ =	vpop (xrf0)  }
0x23: {  	v61, _, _ =	vpop (xrf0);
	(v2sf) =	vpush v60, $0xF  }
0x24: {  	(v2sf) =	vpush v61, $0xF;
	v62, _, _ =	vpop (xrf0)  }
0x25: {  	v63, _, _ =	vpop (xrf0);
	(v2sf) =	vpush v62, $0xF  }
0x26: {  	(v2sf) =	vpush v63, $0xF;
	_ =	sdelay $0x9  }
0x27: {  	s13 =	rddreg [dreg:$0xa]  }
0x28: {  	s14 =	rddreg [dreg:$0x7]  }
0x29: {  	s15 =	rddreg [dreg:$0x5];
	s16 =	spop (v2sf)  }
0x2a: {  	s17 =	rddreg [dreg:$0x6];
	s16 =	sshll.u32 s16, $0x3;
	s18 =	spop (v2sf)  }
0x2b: {  	s18 =	sshll.u32 s18, $0x3;
	s16 =	sand.u32 $0x7FFFFC00, s16;
	s19 =	spop (v2sf)  }
0x2c: {  	s18 =	sand.u32 $0x7FFFFC00, s18;
	s15 =	sadd.s32 s16, s15;
	s28 =	spop (v2sf)  }
0x2d: {  	s19 =	sshll.u32 s19, $0x3;
	s18 =	sadd.s32 s7, s18;
	s16 =	sshll.u32 s28, $0x3  }
0x2e: {  	s15 =	sshrl.u32 s15, $0x3;
	s18 =	sshrl.u32 s18, $0x3;
	s16 =	sand.u32 $0x7FFFFC00, s16  }
0x2f: {  	s29 =	sand.u32 $0x7FFFFC00, s19;
	s18 =	sadd.s32 s3, s18;
	s16 =	sadd.s32 s16, s17  }
0x30: {  	[tilespmem:s6], [sflag:$0x1] =	stream.strided.gather [hbm4b:s18+s8], $0x2000, s9, s8, $0x38;
	[tilespmem:$0x8080] =	vst v63  }
0x31: {  	s15 =	sadd.s32 s3, s15;
	s14 =	sadd.s32 s29, s14;
	s16 =	sshrl.u32 s16, $0x3  }
0x32: {  	[tilespmem:s13], [sflag:$0x1] =	stream.strided.gather [hbm4b:s15+s8], $0x2000, s9, s8, $0x38;
	[tilespmem:$0x8080] =	vst v63  }
0x33: {  	s26 =	rddreg [dreg:$0xb];
	s14 =	sshrl.u32 s14, $0x3;
	s30 =	sadd.s32 s3, s16  }
0x34: {  	[tilespmem:s26], [sflag:$0x1] =	stream.strided.gather [hbm4b:s30+s8], $0x2000, s9, s8, $0x38;
	[tilespmem:$0x8080] =	vst v63  }
0x35: {  	s31 =	sadd.s32 s3, s14  }
0x36: {  	[tilespmem:s10], [sflag:$0x1] =	stream.strided.gather [hbm4b:s31+s8], $0x2000, s9, s8, $0x38;
	[tilespmem:$0x8080] =	vst v63  }
0x37: {  	_ =	swait.ge [sflag:s4], $0x2000  }
0x38: {  	[sflag:s4] =	ssyncset.done $0x0  }
0x39: {  	[sflag:s4] =	ssyncadd.s32 $0xFFFFE000  }
0x3a: {  	_ =	swait.ge [sflag:s4], $0x2000  }
0x3b: {  	[sflag:s4] =	ssyncset.done $0x0  }
0x3c: {  	[sflag:s4] =	ssyncadd.s32 $0xFFFFE000  }
0x3d: {  	p1 =	sne.s32 s11, $0x1;
	_ =	swait.ge [sflag:s4], $0x2000  }
.Ltmp1:
0x3e: {  	[sflag:s4] =	ssyncset.done $0x0;
	(pc) =	sbr.rel @!p1 .LBB2_3-.Ltmp1, $4  }
0x3f: {  	[sflag:s4] =	ssyncadd.s32 $0xFFFFE000  }
0x40: {  	_ =	swait.ge [sflag:s4], $0x2000  }
0x41: {  	s11 =	sadd.s32 $0xFFFFFFFF, s11;
	[sflag:s4] =	ssyncset.done $0x0  }
0x42: {  	p0 =	por $0x1, $0x1;
	s12 =	rddreg [dreg:$0x8];
	[sflag:s4] =	ssyncadd.s32 $0xFFFFE000  }
.LBB2_2:
0x43: {  	[hbm4b:s12+s2] =	stream.linear.scatter [tilespmem:s6], [sflag:$0x2], $0x8000, $0x38;
	[tilespmem:$0x8080] =	vst v63  }
0x44: {  	_ =	swait.ge [sflag:s5], $0x8000  }
0x45: {  	[sflag:s5] =	ssyncset.done $0x0  }
0x46: {  	s24 =	rddreg [dreg:$0x4];
	[sflag:s5] =	ssyncadd.s32 $0xFFFF8000  }
0x47: {  	[tilespmem:s2], [sflag:$0x2] =	stream.linear.gather [hbm4b:s24+s2], $0x80, $0x38;
	[tilespmem:$0x8080] =	vst v63  }
0x48: {  	_ =	swait.ge [sflag:s5], $0x80  }
0x49: {  	[sflag:s5] =	ssyncset.done $0x0  }
0x4a: {  	s25 =	rddreg [dreg:$0x9];
	[sflag:s5] =	ssyncadd.s32 $0xFFFFFF80  }
0x4b: {  	v0 =	vld [tilespmem:s25+$0x0];
	_ =	sdelay $0x4  }
0x4c: {  	v0 =	vand.u32 $0xFFFFFF80, v0  }
0x4d: {  	v2 =	vnsel vm2, $0x0, v0  }
0x4e: {  	v1 =	vnsel vm3, $0x0, v0;
	(xrf0) =	vadd.scan.msk.s32 $0xffff, v2  }
0x4f: {  	v3 =	vnsel vm1, $0x0, v0;
	v0 =	vnsel vm0, $0x0, v0;
	(xrf0) =	vadd.scan.msk.s32 $0xffff, v1  }
0x50: {  	(xrf0) =	vadd.scan.msk.s32 $0xffff, v0  }
0x51: {  	(xrf0) =	vadd.scan.msk.s32 $0xffff, v3;
	_ =	sdelay $0x2  }
0x52: {  	v61, _, _ =	vpop (xrf0)  }
0x53: {  	v1, _, _ =	vpop (xrf0);
	(v2sf) =	vpush v61, $0xF  }
0x54: {  	(v2sf) =	vpush v1, $0xF;
	v62, _, _ =	vpop (xrf0)  }
0x55: {  	v63, _, _ =	vpop (xrf0);
	(v2sf) =	vpush v62, $0xF  }
0x56: {  	(v2sf) =	vpush v63, $0xF;
	_ =	sdelay $0x9  }
0x57: {  	s13 =	rddreg [dreg:$0xa]  }
0x58: {  	s14 =	rddreg [dreg:$0x7]  }
0x59: {  	s15 =	rddreg [dreg:$0x5];
	s16 =	spop (v2sf)  }
0x5a: {  	s17 =	rddreg [dreg:$0x6];
	s16 =	sshll.u32 s16, $0x3;
	s18 =	spop (v2sf)  }
0x5b: {  	s18 =	sshll.u32 s18, $0x3;
	s16 =	sand.u32 $0x7FFFFC00, s16;
	s19 =	spop (v2sf)  }
0x5c: {  	s18 =	sand.u32 $0x7FFFFC00, s18;
	s15 =	sadd.s32 s16, s15;
	s28 =	spop (v2sf)  }
0x5d: {  	s19 =	sshll.u32 s19, $0x3;
	s18 =	sadd.s32 s7, s18;
	s16 =	sshll.u32 s28, $0x3  }
0x5e: {  	s15 =	sshrl.u32 s15, $0x3;
	s18 =	sshrl.u32 s18, $0x3;
	s16 =	sand.u32 $0x7FFFFC00, s16  }
0x5f: {  	s29 =	sand.u32 $0x7FFFFC00, s19;
	s18 =	sadd.s32 s3, s18;
	s16 =	sadd.s32 s16, s17  }
0x60: {  	[tilespmem:s6], [sflag:$0x1] =	stream.strided.gather [hbm4b:s18+s8], $0x2000, s9, s8, $0x38;
	[tilespmem:$0x8080] =	vst v63  }
0x61: {  	s15 =	sadd.s32 s3, s15;
	s14 =	sadd.s32 s29, s14;
	s16 =	sshrl.u32 s16, $0x3  }
0x62: {  	[tilespmem:s13], [sflag:$0x1] =	stream.strided.gather [hbm4b:s15+s8], $0x2000, s9, s8, $0x38;
	[tilespmem:$0x8080] =	vst v63  }
0x63: {  	s26 =	rddreg [dreg:$0xb];
	s14 =	sshrl.u32 s14, $0x3;
	s30 =	sadd.s32 s3, s16  }
0x64: {  	[tilespmem:s26], [sflag:$0x1] =	stream.strided.gather [hbm4b:s30+s8], $0x2000, s9, s8, $0x38;
	[tilespmem:$0x8080] =	vst v63  }
0x65: {  	s31 =	sadd.s32 s3, s14  }
0x66: {  	[tilespmem:s10], [sflag:$0x1] =	stream.strided.gather [hbm4b:s31+s8], $0x2000, s9, s8, $0x38;
	[tilespmem:$0x8080] =	vst v63  }
0x67: {  	_ =	swait.ge [sflag:s4], $0x2000  }
0x68: {  	[sflag:s4] =	ssyncset.done $0x0  }
0x69: {  	[sflag:s4] =	ssyncadd.s32 $0xFFFFE000  }
0x6a: {  	_ =	swait.ge [sflag:s4], $0x2000  }
0x6b: {  	[sflag:s4] =	ssyncset.done $0x0  }
0x6c: {  	[sflag:s4] =	ssyncadd.s32 $0xFFFFE000  }
0x6d: {  	p1 =	sne.s32 s11, $0x1;
	_ =	swait.ge [sflag:s4], $0x2000  }
.Ltmp2:
0x6e: {  	[sflag:s4] =	ssyncset.done $0x0;
	(pc) =	sbr.rel @p1 .LBB2_2-.Ltmp2, $4  }
0x6f: {  	[sflag:s4] =	ssyncadd.s32 $0xFFFFE000  }
0x70: {  	_ =	swait.ge [sflag:s4], $0x2000  }
0x71: {  	[sflag:s4] =	ssyncset.done $0x0  }
0x72: {  	s11 =	sadd.s32 $0xFFFFFFFF, s11;
	s12 =	rddreg [dreg:$0x8];
	[sflag:s4] =	ssyncadd.s32 $0xFFFFE000  }
.LBB2_3:
0x73: {  	[hbm4b:s12+s2] =	stream.linear.scatter @p0 [tilespmem:s6], [sflag:$0x2], $0x8000, $0x38;
	[tilespmem:$0x8080] =	vst v63  }
0x74: {  	_ =	swait.ge @p0 [sflag:s5], $0x8000  }
0x75: {  	[sflag:s5] =	ssyncset.done @p0 $0x0  }
0x76: {  	s11 =	rddreg [dreg:$0x4];
	[sflag:s5] =	ssyncadd.s32 @p0 $0xFFFF8000  }
0x77: {  	[tilespmem:s2], [sflag:$0x2] =	stream.linear.gather [hbm4b:s11+s2], $0x80, $0x38;
	[tilespmem:$0x8080] =	vst v63  }
0x78: {  	_ =	swait.ge [sflag:s5], $0x80  }
0x79: {  	[sflag:s5] =	ssyncset.done $0x0  }
0x7a: {  	s19 =	rddreg [dreg:$0x9];
	[sflag:s5] =	ssyncadd.s32 $0xFFFFFF80  }
0x7b: {  	v0 =	vld [tilespmem:s19+$0x0];
	_ =	sdelay $0x4  }
0x7c: {  	v0 =	vand.u32 $0xFFFFFF80, v0  }
0x7d: {  	v1 =	vnsel vm2, $0x0, v0  }
0x7e: {  	v2 =	vnsel vm3, $0x0, v0;
	(xrf0) =	vadd.scan.msk.s32 $0xffff, v1  }
0x7f: {  	v59 =	vnsel vm0, $0x0, v0;
	(xrf0) =	vadd.scan.msk.s32 $0xffff, v2  }
0x80: {  	v0 =	vnsel vm1, $0x0, v0;
	(xrf0) =	vadd.scan.msk.s32 $0xffff, v59  }
0x81: {  	(xrf0) =	vadd.scan.msk.s32 $0xffff, v0;
	_ =	sdelay $0x2  }
0x82: {  	v60, _, _ =	vpop (xrf0)  }
0x83: {  	v61, _, _ =	vpop (xrf0);
	(v2sf) =	vpush v60, $0xF  }
0x84: {  	(v2sf) =	vpush v61, $0xF;
	v62, _, _ =	vpop (xrf0)  }
0x85: {  	v63, _, _ =	vpop (xrf0);
	(v2sf) =	vpush v62, $0xF  }
0x86: {  	(v2sf) =	vpush v63, $0xF;
	_ =	sdelay $0x9  }
0x87: {  	s21 =	rddreg [dreg:$0xa]  }
0x88: {  	s13 =	rddreg [dreg:$0x7]  }
0x89: {  	s14 =	rddreg [dreg:$0x5];
	s15 =	spop (v2sf)  }
0x8a: {  	s16 =	rddreg [dreg:$0x6];
	s15 =	sshll.u32 s15, $0x3;
	s17 =	spop (v2sf)  }
0x8b: {  	s17 =	sshll.u32 s17, $0x3;
	s15 =	sand.u32 $0x7FFFFC00, s15;
	s18 =	spop (v2sf)  }
0x8c: {  	s17 =	sand.u32 $0x7FFFFC00, s17;
	s14 =	sadd.s32 s15, s14;
	s22 =	spop (v2sf)  }
0x8d: {  	s23 =	sshll.u32 s18, $0x3;
	s7 =	sadd.s32 s7, s17;
	s15 =	sshll.u32 s22, $0x3  }
0x8e: {  	s14 =	sshrl.u32 s14, $0x3;
	s7 =	sshrl.u32 s7, $0x3;
	s15 =	sand.u32 $0x7FFFFC00, s15  }
0x8f: {  	s24 =	sand.u32 $0x7FFFFC00, s23;
	s7 =	sadd.s32 s3, s7;
	s15 =	sadd.s32 s15, s16  }
0x90: {  	[tilespmem:s6], [sflag:$0x1] =	stream.strided.gather [hbm4b:s7+s8], $0x2000, s9, s8, $0x38;
	[tilespmem:$0x8080] =	vst v63  }
0x91: {  	s25 =	sadd.s32 s3, s14;
	s13 =	sadd.s32 s24, s13;
	s26 =	sshrl.u32 s15, $0x3  }
0x92: {  	[tilespmem:s21], [sflag:$0x1] =	stream.strided.gather [hbm4b:s25+s8], $0x2000, s9, s8, $0x38;
	[tilespmem:$0x8080] =	vst v63  }
0x93: {  	s20 =	rddreg [dreg:$0xb];
	s29 =	sshrl.u32 s13, $0x3;
	s28 =	sadd.s32 s3, s26  }
0x94: {  	[tilespmem:s20], [sflag:$0x1] =	stream.strided.gather [hbm4b:s28+s8], $0x2000, s9, s8, $0x38;
	[tilespmem:$0x8080] =	vst v63  }
0x95: {  	s30 =	sadd.s32 s3, s29  }
0x96: {  	[tilespmem:s10], [sflag:$0x1] =	stream.strided.gather [hbm4b:s30+s8], $0x2000, s9, s8, $0x38;
	[tilespmem:$0x8080] =	vst v63  }
0x97: {  	_ =	swait.ge [sflag:s4], $0x2000  }
0x98: {  	[sflag:s4] =	ssyncset.done $0x0  }
0x99: {  	[sflag:s4] =	ssyncadd.s32 $0xFFFFE000  }
0x9a: {  	_ =	swait.ge [sflag:s4], $0x2000  }
0x9b: {  	[sflag:s4] =	ssyncset.done $0x0  }
0x9c: {  	[sflag:s4] =	ssyncadd.s32 $0xFFFFE000  }
0x9d: {  	_ =	swait.ge [sflag:s4], $0x2000  }
0x9e: {  	[sflag:s4] =	ssyncset.done $0x0  }
0x9f: {  	[sflag:s4] =	ssyncadd.s32 $0xFFFFE000  }
0xa0: {  	_ =	swait.ge [sflag:s4], $0x2000  }
0xa1: {  	[sflag:s4] =	ssyncset.done $0x0  }
0xa2: {  	s31 =	rddreg [dreg:$0x8];
	[sflag:s4] =	ssyncadd.s32 $0xFFFFE000  }
0xa3: {  	[hbm4b:s31+s2] =	stream.linear.scatter [tilespmem:s6], [sflag:$0x2], $0x8000, $0x38;
	[tilespmem:$0x8080] =	vst v63  }
0xa4: {  	_ =	swait.ge [sflag:s5], $0x8000  }
0xa5: {  	[sflag:s5] =	ssyncset.done $0x0  }
0xa6: {  	[sflag:s5] =	ssyncadd.s32 $0xFFFF8000  }
0xa7: {  	_ =	sfence.sel $0x180000  }
0xa8: {  	[bflag:$0x0] =	sbarrier.arrive $0xFFFF  }
0xa9: {  	p0 =	sne.s32 s1, $0x0;
	_ =	strace $0x90000047  }
0xaa: {  	s0 =	sadd.s32 @!p0 $0x100000, s0;
	[bflag:$0x2] =	sbarrier.arrive $0xFFFF  }
0xab: {  	[sflag:s0] =	ssyncadd.tile.s32 @!p0 $0x1;
	_ =	shalt  }
.Lfunc_end2:
_tile_overlayer_lowered:
.L_overlay_start_2:
0xac: {  	(tag) =	ssettag $0x2  }
0xad: {  	s0 =	rddreg [dreg:$0x0];
	s2 =	stileid.u32  }
0xae: {  	s1 =	rddreg [dreg:$0x1];
	p0 =	sne.s32 s2, $0x0  }
0xaf: {  	s3 =	rddreg [dreg:$0x2];
	[bflag:$0x3] =	sbarrier.arrive $0xFFFF;
	s2 =	simm.s32 @!p0 $0x1C02  }
0xb0: {  	[timem:s3], [sflag:s2] =	dma.local @!p0 [hbm:s0], s1  }
0xb1: {  	s0 =	simm.s32 @!p0 $0x2  }
0xb2: {  	_ =	swait.ge @!p0 [sflag:s0], s1  }
0xb3: {  	s1 =	ssub.s32 @!p0 $0x0, s1;
	[sflag:s0] =	ssyncset.done @!p0 $0x0  }
0xb4: {  	[sflag:s0] =	ssyncadd.s32 @!p0 s1  }
0xb5: {  	[bflag:$0x3] =	sbarrier.arrive $0xFFFF  }
0xb6: {  	_ =	shalt  }

</sc_bundles>
